<compile_context>
chip_gen: v7x
topology: tpu7x:2x2x1
jax: 0.10.2.dev20260603
libtpu: 0.0.44.dev20260713+nightly
codegen_flags: <defaults>
</compile_context>

<pallas_src>
import functools

import jax
import jax.numpy as jnp
from jax import lax
from jax.experimental import pallas as pl
from jax.experimental.pallas import tpu as pltpu
from jax.experimental.pallas import tpu_sc as plsc

N = 10000
E = 320000
D = 128
DV = 136
NC = 2
NS = 16
NW = NC * NS
EPT = E // NW
CH = 40
NCHUNK = EPT // CH
_PAIRS = NCHUNK // 2
RPT = N // NS
ZR = 8
INV_SCALE = 1.0 / (128.0 ** 0.5)


BM = 1000


def _qkv_body(x_ref, wq_ref, bq_ref, wk_ref, bk_ref, wv_ref, bv_ref,
              q_ref, k_ref, vx_ref):
    x = x_ref[...]
    q_ref[...] = jnp.dot(x, wq_ref[...],
                         preferred_element_type=jnp.float32) + bq_ref[...]
    k_ref[...] = jnp.dot(x, wk_ref[...],
                         preferred_element_type=jnp.float32) + bk_ref[...]
    v = jnp.dot(x, wv_ref[...], preferred_element_type=jnp.float32) + bv_ref[...]
    m = v.shape[0]
    vx_ref[...] = jnp.concatenate(
        [v, jnp.ones((m, 1), jnp.float32), jnp.zeros((m, DV - D - 1), jnp.float32)],
        axis=1)


def _mid_body(a_ref, wq_ref, bq_ref, wk_ref, bk_ref, wv_ref, bv_ref,
              q_ref, k_ref, vx_ref):
    s = a_ref[0] + a_ref[1]
    h = s[:, :D] / (s[:, D:D + 1] + 1e-16)
    h = jnp.where(h > 0, h, jnp.exp(jnp.minimum(h, 0.0)) - 1.0)
    q_ref[...] = jnp.dot(h, wq_ref[...],
                         preferred_element_type=jnp.float32) + bq_ref[...]
    k_ref[...] = jnp.dot(h, wk_ref[...],
                         preferred_element_type=jnp.float32) + bk_ref[...]
    v = jnp.dot(h, wv_ref[...], preferred_element_type=jnp.float32) + bv_ref[...]
    m = v.shape[0]
    vx_ref[...] = jnp.concatenate(
        [v, jnp.ones((m, 1), jnp.float32), jnp.zeros((m, DV - D - 1), jnp.float32)],
        axis=1)


def _final_body(a_ref, o_ref):
    s = a_ref[0] + a_ref[1]
    o_ref[...] = s[:, :D] / (s[:, D:D + 1] + 1e-16)


_W_SPECS = [
    pl.BlockSpec((D, D), lambda i: (0, 0)),
    pl.BlockSpec((D,), lambda i: (0,)),
] * 3

_QKV_OUT = [
    jax.ShapeDtypeStruct((N, D), jnp.float32),
    jax.ShapeDtypeStruct((N, D), jnp.float32),
    jax.ShapeDtypeStruct((N, DV), jnp.float32),
]

_QKV_OUT_SPECS = [
    pl.BlockSpec((BM, D), lambda i: (i, 0)),
    pl.BlockSpec((BM, D), lambda i: (i, 0)),
    pl.BlockSpec((BM, DV), lambda i: (i, 0)),
]


def _qkv(x, wq, bq, wk, bk, wv, bv):
    return pl.pallas_call(
        _qkv_body,
        grid=(N // BM,),
        in_specs=[pl.BlockSpec((BM, D), lambda i: (i, 0))] + _W_SPECS,
        out_specs=_QKV_OUT_SPECS,
        out_shape=_QKV_OUT,
    )(x, wq, bq, wk, bk, wv, bv)


def _mid(acc, wq, bq, wk, bk, wv, bv):
    return pl.pallas_call(
        _mid_body,
        grid=(N // BM,),
        in_specs=[pl.BlockSpec((NC, BM, DV), lambda i: (0, i, 0))] + _W_SPECS,
        out_specs=_QKV_OUT_SPECS,
        out_shape=_QKV_OUT,
    )(acc, wq, bq, wk, bk, wv, bv)


def _final(acc):
    return pl.pallas_call(
        _final_body,
        grid=(N // BM,),
        in_specs=[pl.BlockSpec((NC, BM, DV), lambda i: (0, i, 0))],
        out_specs=pl.BlockSpec((BM, D), lambda i: (i, 0)),
        out_shape=jax.ShapeDtypeStruct((N, D), jnp.float32),
    )(acc)



_MESH = plsc.VectorSubcoreMesh(core_axis_name="c", subcore_axis_name="s")


@functools.partial(
    pl.kernel,
    out_type=jax.ShapeDtypeStruct((NC, N, DV), jnp.float32),
    mesh=_MESH,
    compiler_params=pltpu.CompilerParams(use_tc_tiling_on_sc=False,
                                         needs_layout_passes=False),
    scratch_types=[
        pltpu.VMEM((CH,), jnp.int32),
        pltpu.VMEM((CH,), jnp.int32),
        pltpu.VMEM((CH,), jnp.int32),
        pltpu.VMEM((CH,), jnp.int32),
        pltpu.VMEM((CH,), jnp.int32),
        pltpu.VMEM((CH,), jnp.int32),
        pltpu.VMEM((CH, D), jnp.float32),
        pltpu.VMEM((CH, D), jnp.float32),
        pltpu.VMEM((CH, D), jnp.float32),
        pltpu.VMEM((CH, D), jnp.float32),
        pltpu.VMEM((CH, DV), jnp.float32),
        pltpu.VMEM((CH, DV), jnp.float32),
        pltpu.VMEM((CH, DV), jnp.float32),
        pltpu.VMEM((CH, DV), jnp.float32),
        pltpu.VMEM((CH,), jnp.float32),
        pltpu.VMEM((CH,), jnp.float32),
        pltpu.VMEM_SHARED((N, DV), jnp.float32),
        pltpu.SemaphoreType.DMA,
        pltpu.SemaphoreType.DMA,
        pltpu.SemaphoreType.DMA,
        pltpu.SemaphoreType.DMA,
        pltpu.SemaphoreType.DMA,
        pltpu.SemaphoreType.DMA,
    ],
)
def _edge_kernel(src_hbm, dst_hbm, z_hbm, q_hbm, k_hbm, vx_hbm, out_hbm,
                 srcv0, srcv1, dstv0, dstv1, dsts0, dsts1,
                 qd0, qd1, ks0, ks1, vx0, vx1, ms0, ms1, eb0, eb1, accum,
                 semg0, semg1, sems0, sems1, semi0, semi1):
    cid = lax.axis_index("c")
    sid = lax.axis_index("s")
    wid = cid * NS + sid

    srcv = (srcv0, srcv1)
    dstv = (dstv0, dstv1)
    dsts = (dsts0, dsts1)
    qd = (qd0, qd1)
    ks = (ks0, ks1)
    vx = (vx0, vx1)
    ms = (ms0, ms1)
    eb = (eb0, eb1)
    semg = (semg0, semg1)
    sems = (sems0, sems1)
    semi = (semi0, semi1)

    zero16 = jnp.zeros((16,), jnp.float32)
    lanes = lax.iota(jnp.int32, 16)
    lane0 = lanes == 0
    lane15 = lanes == 15
    colD = jnp.full((16,), D, jnp.int32)
    ebase = wid * EPT

    def start_idx(i, b):
        pltpu.async_copy(src_hbm.at[pl.ds(ebase + i * CH, CH)], srcv[b], semi[b])
        pltpu.async_copy(dst_hbm.at[pl.ds(ebase + i * CH, CH)], dstv[b], semi[b])

    def wait_idx(b):
        pltpu.make_async_copy(src_hbm.at[pl.ds(0, CH)], srcv[b], semi[b]).wait()
        pltpu.make_async_copy(dst_hbm.at[pl.ds(0, CH)], dstv[b], semi[b]).wait()

    def start_gathers(b):
        pltpu.async_copy(q_hbm.at[dstv[b]], qd[b], semg[b])
        pltpu.async_copy(k_hbm.at[srcv[b]], ks[b], semg[b])
        pltpu.async_copy(vx_hbm.at[srcv[b]], vx[b], semg[b])

    def wait_gathers(b):
        pltpu.make_async_copy(q_hbm.at[dstv[b]], qd[b], semg[b]).wait()
        pltpu.make_async_copy(k_hbm.at[srcv[b]], ks[b], semg[b]).wait()
        pltpu.make_async_copy(vx_hbm.at[srcv[b]], vx[b], semg[b]).wait()

    def start_scatter(b):
        pltpu.async_copy(ms[b], accum.at[dsts[b]], sems[b], add=True)

    def wait_scatter(b):
        pltpu.make_async_copy(ms[b], accum.at[dsts[b]], sems[b]).wait()

    def compute(b):
        qb, kb, vb, mb, ebb = qd[b], ks[b], vx[b], ms[b], eb[b]

        def edge_body(ii, ecarry):
            for k2 in range(4):
                e = 4 * ii + k2
                acc = zero16
                for c in range(D // 16):
                    acc = acc + qb[e, pl.ds(16 * c, 16)] * kb[e, pl.ds(16 * c, 16)]
                cums = plsc.cumsum(acc)
                plsc.store_scatter(ebb, [jnp.full((16,), e, jnp.int32)], cums,
                                   mask=lane15)
            return ecarry

        lax.fori_loop(0, CH // 4, edge_body, 0)

        for g in range(CH // 16):
            evg = jnp.exp(ebb[pl.ds(16 * g, 16)] * INV_SCALE)
            ebb[pl.ds(16 * g, 16)] = evg
            plsc.store_scatter(mb, [16 * g + lanes, colD], evg)
        rem = CH - 16 * (CH // 16)
        if rem:
            rowsr = jnp.minimum(CH - rem + lanes, CH - 1)
            maskr = (CH - rem + lanes) < CH
            evr = jnp.exp(plsc.load_gather(ebb, [rowsr]) * INV_SCALE)
            plsc.store_scatter(ebb, [rowsr], evr, mask=maskr)
            plsc.store_scatter(mb, [rowsr, colD], evr, mask=maskr)

        def sc_body(ii, ecarry):
            for k2 in range(2):
                e = 2 * ii + k2
                evs = plsc.load_gather(ebb, [jnp.full((16,), e, jnp.int32)])
                for c in range(D // 16):
                    mb[e, pl.ds(16 * c, 16)] = vb[e, pl.ds(16 * c, 16)] * evs
            return ecarry

        lax.fori_loop(0, CH // 2, sc_body, 0)

        for c in range(CH // 16):
            dsts[b][pl.ds(16 * c, 16)] = dstv[b][pl.ds(16 * c, 16)]
        if rem:
            tail = dstv[b][pl.ds(CH - 16, 16)]
            plsc.store_scatter(dsts[b], [CH - 16 + lanes], tail,
                               mask=lanes >= 16 - rem)

    pltpu.sync_copy(z_hbm, accum.at[pl.ds(sid * RPT, RPT)])
    pltpu.sync_copy(src_hbm.at[pl.ds(ebase, CH)], srcv0)
    pltpu.sync_copy(dst_hbm.at[pl.ds(ebase, CH)], dstv0)
    pltpu.sync_copy(src_hbm.at[pl.ds(ebase + CH, CH)], srcv1)
    pltpu.sync_copy(dst_hbm.at[pl.ds(ebase + CH, CH)], dstv1)
    plsc.subcore_barrier()
    start_gathers(0)

    def pair_body(t, carry):
        wait_gathers(0)

        @pl.when(t >= 1)
        def _():
            wait_idx(1)

        start_gathers(1)

        @pl.when(t >= 1)
        def _():
            wait_scatter(0)

        compute(0)
        start_scatter(0)

        @pl.when(t < _PAIRS - 1)
        def _():
            start_idx(2 * t + 2, 0)

        wait_gathers(1)

        @pl.when(t < _PAIRS - 1)
        def _():
            wait_idx(0)
            start_gathers(0)

        @pl.when(t >= 1)
        def _():
            wait_scatter(1)

        compute(1)
        start_scatter(1)

        @pl.when(t < _PAIRS - 1)
        def _():
            start_idx(2 * t + 3, 1)

        return carry

    lax.fori_loop(0, _PAIRS, pair_body, 0)
    wait_scatter(0)
    wait_scatter(1)

    plsc.subcore_barrier()
    pltpu.sync_copy(accum.at[pl.ds(sid * RPT, RPT)],
                    out_hbm.at[cid, pl.ds(sid * RPT, RPT)])




def kernel(node_d, edge_d, Wq1, bq1, Wk1, bk1, Wv1, bv1,
           Wq2, bq2, Wk2, bk2, Wv2, bv2):
    src = edge_d[0]
    dst = edge_d[1]
    z = jnp.zeros((RPT, DV), jnp.float32)
    q1, k1, vx1 = _qkv(node_d, Wq1, bq1, Wk1, bk1, Wv1, bv1)
    acc1 = _edge_kernel(src, dst, z, q1, k1, vx1)
    q2, k2, vx2 = _mid(acc1, Wq2, bq2, Wk2, bk2, Wv2, bv2)
    acc2 = _edge_kernel(src, dst, z, q2, k2, vx2)
    return _final(acc2)

# --- scband reference (transcript-rebuilt; emitter-appended) ---
"""Pipeline reference for scband-scene-graph-gat-28200755265596 (READ-ONLY COPY).

The authoritative reference and input builder live on the scoring server;
editing this copy changes nothing except your own understanding.
"""

import jax, jax.numpy as jnp
import numpy as np


def _gat_layer(x, edge_index, Wq, bq, Wk, bk, Wv, bv):
    Q = x @ Wq + bq
    K = x @ Wk + bk
    V = x @ Wv + bv
    src = edge_index[0]
    dst = edge_index[1]
    Qi = jnp.take(Q, dst, axis=0)
    Kj = jnp.take(K, src, axis=0)
    Vj = jnp.take(V, src, axis=0)
    scale = Q.shape[-1] ** 0.5
    scores = (Qi * Kj).sum(axis=-1) / scale
    N = x.shape[0]
    # PyG-style segment softmax over destination index
    seg_max = jax.ops.segment_max(scores, dst, num_segments=N)
    seg_max = jnp.where(jnp.isfinite(seg_max), seg_max, 0.0)
    e = jnp.exp(scores - jnp.take(seg_max, dst, axis=0))
    denom = jax.ops.segment_sum(e, dst, num_segments=N)
    alpha = e / (jnp.take(denom, dst, axis=0) + 1e-16)
    msgs = alpha[:, None] * Vj
    return jax.ops.segment_sum(msgs, dst, num_segments=N)


def setup_inputs(seed: int = 0):
    key = jax.random.key(seed)
    ks = jax.random.split(key, 16)
    N, E, d_in, d_hid, d_out = 10000, 320000, 128, 128, 128
    node_d = jax.random.normal(ks[0], (N, d_in), dtype=jnp.float32)
    edge_d = jax.random.randint(ks[1], (2, E), 0, N, dtype=jnp.int32)
    s = 0.05
    inp = {"node_d": node_d, "edge_d": edge_d}
    inp["Wq1"] = jax.random.normal(ks[2], (d_in, d_hid), dtype=jnp.float32) * s
    inp["bq1"] = jnp.zeros((d_hid,), dtype=jnp.float32)
    inp["Wk1"] = jax.random.normal(ks[3], (d_in, d_hid), dtype=jnp.float32) * s
    inp["bk1"] = jnp.zeros((d_hid,), dtype=jnp.float32)
    inp["Wv1"] = jax.random.normal(ks[4], (d_in, d_hid), dtype=jnp.float32) * s
    inp["bv1"] = jnp.zeros((d_hid,), dtype=jnp.float32)
    inp["Wq2"] = jax.random.normal(ks[5], (d_hid, d_out), dtype=jnp.float32) * s
    inp["bq2"] = jnp.zeros((d_out,), dtype=jnp.float32)
    inp["Wk2"] = jax.random.normal(ks[6], (d_hid, d_out), dtype=jnp.float32) * s
    inp["bk2"] = jnp.zeros((d_out,), dtype=jnp.float32)
    inp["Wv2"] = jax.random.normal(ks[7], (d_hid, d_out), dtype=jnp.float32) * s
    inp["bv2"] = jnp.zeros((d_out,), dtype=jnp.float32)
    return inp


def reference(node_d, edge_d, Wq1, bq1, Wk1, bk1, Wv1, bv1, Wq2, bq2, Wk2, bk2, Wv2, bv2):
    h = _gat_layer(node_d, edge_d, Wq1, bq1, Wk1, bk1, Wv1, bv1)
    h = jax.nn.elu(h)
    out = _gat_layer(h, edge_d, Wq2, bq2, Wk2, bk2, Wv2, bv2)
    return out

if __name__ == "__main__":
    import jax
    _d = setup_inputs()
    print(jax.jit(kernel)(*tuple(_d.values())))

</pallas_src>

<mosaic_0001>
#map = affine_map<(d0, d1) -> (0)>
#map1 = affine_map<(d0, d1) -> (0, 0)>
#map2 = affine_map<(d0, d1) -> (0, 0, 0)>
module attributes {stable_mosaic.version = 14 : i64} {
  func.func @_edge_kernel(%arg0: i32, %arg1: i32, %arg2: memref<320000xi32, #tpu.memory_space<hbm>>, %arg3: memref<320000xi32, #tpu.memory_space<hbm>>, %arg4: memref<625x136xf32, #tpu.memory_space<hbm>>, %arg5: memref<10000x128xf32, #tpu.memory_space<hbm>>, %arg6: memref<10000x128xf32, #tpu.memory_space<hbm>>, %arg7: memref<10000x136xf32, #tpu.memory_space<hbm>>, %arg8: memref<2x10000x136xf32, #tpu.memory_space<hbm>>, %arg9: memref<40xi32, #tpu.memory_space<vmem>>, %arg10: memref<40xi32, #tpu.memory_space<vmem>>, %arg11: memref<40xi32, #tpu.memory_space<vmem>>, %arg12: memref<40xi32, #tpu.memory_space<vmem>>, %arg13: memref<40xi32, #tpu.memory_space<vmem>>, %arg14: memref<40xi32, #tpu.memory_space<vmem>>, %arg15: memref<40x128xf32, #tpu.memory_space<vmem>>, %arg16: memref<40x128xf32, #tpu.memory_space<vmem>>, %arg17: memref<40x128xf32, #tpu.memory_space<vmem>>, %arg18: memref<40x128xf32, #tpu.memory_space<vmem>>, %arg19: memref<40x136xf32, #tpu.memory_space<vmem>>, %arg20: memref<40x136xf32, #tpu.memory_space<vmem>>, %arg21: memref<40x136xf32, #tpu.memory_space<vmem>>, %arg22: memref<40x136xf32, #tpu.memory_space<vmem>>, %arg23: memref<40xf32, #tpu.memory_space<vmem>>, %arg24: memref<40xf32, #tpu.memory_space<vmem>>, %arg25: memref<10000x136xf32, #tpu.memory_space<vmem_shared>>, %arg26: memref<!tpu.dma_semaphore, #tpu.memory_space<semaphore_mem>>, %arg27: memref<!tpu.dma_semaphore, #tpu.memory_space<semaphore_mem>>, %arg28: memref<!tpu.dma_semaphore, #tpu.memory_space<semaphore_mem>>, %arg29: memref<!tpu.dma_semaphore, #tpu.memory_space<semaphore_mem>>, %arg30: memref<!tpu.dma_semaphore, #tpu.memory_space<semaphore_mem>>, %arg31: memref<!tpu.dma_semaphore, #tpu.memory_space<semaphore_mem>>) attributes {dimension_semantics = [#tpu.dimension_semantics<core_parallel>, #tpu.dimension_semantics<subcore_parallel>], iteration_bounds = array<i64: 2, 16>, scalar_prefetch = 0 : i64, scratch_operands = 23 : i64, tpu.core_type = #tpu.core_type<sc_vector_subcore>, window_params = [{transform_indices = #map}, {transform_indices = #map}, {transform_indices = #map1}, {transform_indices = #map1}, {transform_indices = #map1}, {transform_indices = #map1}, {transform_indices = #map2}]} {
    %mul3A = arith.constant 16 : i32
    %mul3A_0 = arith.muli %arg0, %mul3A : i32
    %add3A = arith.addi %mul3A_0, %arg1 : i32
    %broadcast_in_dim3A = arith.constant 0.000000e+00 : f32
    %broadcast_in_dim3A_1 = vector.broadcast %broadcast_in_dim3A : f32 to vector<16xf32>
    %iota3A = tpu.iota {dimensions = array<i32: 0>} : vector<16xi32>
    %eq3A = arith.constant 0 : i32
    %eq3A_2 = vector.broadcast %eq3A : i32 to vector<16xi32>
    %eq3A_3 = arith.cmpi eq, %iota3A, %eq3A_2 : vector<16xi32>
    %eq3A_4 = arith.constant 15 : i32
    %eq3A_5 = vector.broadcast %eq3A_4 : i32 to vector<16xi32>
    %eq3A_6 = arith.cmpi eq, %iota3A, %eq3A_5 : vector<16xi32>
    %broadcast_in_dim3A_7 = arith.constant 128 : i32
    %broadcast_in_dim3A_8 = vector.broadcast %broadcast_in_dim3A_7 : i32 to vector<16xi32>
    %mul3A_9 = arith.constant 10000 : i32
    %mul3A_10 = arith.muli %add3A, %mul3A_9 : i32
    %mul3A_11 = arith.constant 625 : i32
    %mul3A_12 = arith.muli %arg1, %mul3A_11 : i32
    "tpu.region"() ({
      %run_scoped3A = tpu.sem_alloc : memref<!tpu.dma_semaphore, #tpu.memory_space<semaphore_mem>>
      %dma_start3A_40 = arith.constant 0 : i32
      %dma_start3A_41 = tpu.memref_slice %arg25[%mul3A_12, %dma_start3A_40] : memref<10000x136xf32, #tpu.memory_space<vmem_shared>> -> memref<625x136xf32, #tpu.memory_space<vmem_shared>>
      tpu.enqueue_dma source(%arg4 : memref<625x136xf32, #tpu.memory_space<hbm>>) target(%dma_start3A_41 : memref<625x136xf32, #tpu.memory_space<vmem_shared>>) target_semaphore(%run_scoped3A : memref<!tpu.dma_semaphore, #tpu.memory_space<semaphore_mem>>)
      %dma_wait3A_42 = arith.constant 0 : i32
      %dma_wait3A_43 = tpu.memref_slice %arg25[%mul3A_12, %dma_wait3A_42] : memref<10000x136xf32, #tpu.memory_space<vmem_shared>> -> memref<625x136xf32, #tpu.memory_space<vmem_shared>>
      tpu.wait_dma2 semaphore(%run_scoped3A : memref<!tpu.dma_semaphore, #tpu.memory_space<semaphore_mem>>) src(%arg4 : memref<625x136xf32, #tpu.memory_space<hbm>>) dst(%dma_wait3A_43 : memref<625x136xf32, #tpu.memory_space<vmem_shared>>)
      tpu.yield
    }) : () -> ()
    "tpu.region"() ({
      %run_scoped3A = tpu.sem_alloc : memref<!tpu.dma_semaphore, #tpu.memory_space<semaphore_mem>>
      %dma_start3A_40 = tpu.memref_slice %arg2[%mul3A_10] : memref<320000xi32, #tpu.memory_space<hbm>> -> memref<40xi32, #tpu.memory_space<hbm>>
      %dma_start3A_41 = tpu.memref_slice %arg2[%mul3A_10] : memref<320000xi32, #tpu.memory_space<hbm>> -> memref<40xi32, #tpu.memory_space<hbm>>
      tpu.enqueue_dma source(%dma_start3A_41 : memref<40xi32, #tpu.memory_space<hbm>>) target(%arg9 : memref<40xi32, #tpu.memory_space<vmem>>) target_semaphore(%run_scoped3A : memref<!tpu.dma_semaphore, #tpu.memory_space<semaphore_mem>>)
      %dma_wait3A_42 = tpu.memref_slice %arg2[%mul3A_10] : memref<320000xi32, #tpu.memory_space<hbm>> -> memref<40xi32, #tpu.memory_space<hbm>>
      %dma_wait3A_43 = tpu.memref_slice %arg2[%mul3A_10] : memref<320000xi32, #tpu.memory_space<hbm>> -> memref<40xi32, #tpu.memory_space<hbm>>
      tpu.wait_dma2 semaphore(%run_scoped3A : memref<!tpu.dma_semaphore, #tpu.memory_space<semaphore_mem>>) src(%dma_wait3A_43 : memref<40xi32, #tpu.memory_space<hbm>>) dst(%arg9 : memref<40xi32, #tpu.memory_space<vmem>>)
      tpu.yield
    }) : () -> ()
    "tpu.region"() ({
      %run_scoped3A = tpu.sem_alloc : memref<!tpu.dma_semaphore, #tpu.memory_space<semaphore_mem>>
      %dma_start3A_40 = tpu.memref_slice %arg3[%mul3A_10] : memref<320000xi32, #tpu.memory_space<hbm>> -> memref<40xi32, #tpu.memory_space<hbm>>
      %dma_start3A_41 = tpu.memref_slice %arg3[%mul3A_10] : memref<320000xi32, #tpu.memory_space<hbm>> -> memref<40xi32, #tpu.memory_space<hbm>>
      tpu.enqueue_dma source(%dma_start3A_41 : memref<40xi32, #tpu.memory_space<hbm>>) target(%arg11 : memref<40xi32, #tpu.memory_space<vmem>>) target_semaphore(%run_scoped3A : memref<!tpu.dma_semaphore, #tpu.memory_space<semaphore_mem>>)
      %dma_wait3A_42 = tpu.memref_slice %arg3[%mul3A_10] : memref<320000xi32, #tpu.memory_space<hbm>> -> memref<40xi32, #tpu.memory_space<hbm>>
      %dma_wait3A_43 = tpu.memref_slice %arg3[%mul3A_10] : memref<320000xi32, #tpu.memory_space<hbm>> -> memref<40xi32, #tpu.memory_space<hbm>>
      tpu.wait_dma2 semaphore(%run_scoped3A : memref<!tpu.dma_semaphore, #tpu.memory_space<semaphore_mem>>) src(%dma_wait3A_43 : memref<40xi32, #tpu.memory_space<hbm>>) dst(%arg11 : memref<40xi32, #tpu.memory_space<vmem>>)
      tpu.yield
    }) : () -> ()
    %add3A_13 = arith.constant 40 : i32
    %add3A_14 = arith.addi %mul3A_10, %add3A_13 : i32
    "tpu.region"() ({
      %run_scoped3A = tpu.sem_alloc : memref<!tpu.dma_semaphore, #tpu.memory_space<semaphore_mem>>
      %dma_start3A_40 = tpu.memref_slice %arg2[%add3A_14] : memref<320000xi32, #tpu.memory_space<hbm>> -> memref<40xi32, #tpu.memory_space<hbm>>
      %dma_start3A_41 = tpu.memref_slice %arg2[%add3A_14] : memref<320000xi32, #tpu.memory_space<hbm>> -> memref<40xi32, #tpu.memory_space<hbm>>
      tpu.enqueue_dma source(%dma_start3A_41 : memref<40xi32, #tpu.memory_space<hbm>>) target(%arg10 : memref<40xi32, #tpu.memory_space<vmem>>) target_semaphore(%run_scoped3A : memref<!tpu.dma_semaphore, #tpu.memory_space<semaphore_mem>>)
      %dma_wait3A_42 = tpu.memref_slice %arg2[%add3A_14] : memref<320000xi32, #tpu.memory_space<hbm>> -> memref<40xi32, #tpu.memory_space<hbm>>
      %dma_wait3A_43 = tpu.memref_slice %arg2[%add3A_14] : memref<320000xi32, #tpu.memory_space<hbm>> -> memref<40xi32, #tpu.memory_space<hbm>>
      tpu.wait_dma2 semaphore(%run_scoped3A : memref<!tpu.dma_semaphore, #tpu.memory_space<semaphore_mem>>) src(%dma_wait3A_43 : memref<40xi32, #tpu.memory_space<hbm>>) dst(%arg10 : memref<40xi32, #tpu.memory_space<vmem>>)
      tpu.yield
    }) : () -> ()
    %add3A_15 = arith.constant 40 : i32
    %add3A_16 = arith.addi %mul3A_10, %add3A_15 : i32
    "tpu.region"() ({
      %run_scoped3A = tpu.sem_alloc : memref<!tpu.dma_semaphore, #tpu.memory_space<semaphore_mem>>
      %dma_start3A_40 = tpu.memref_slice %arg3[%add3A_16] : memref<320000xi32, #tpu.memory_space<hbm>> -> memref<40xi32, #tpu.memory_space<hbm>>
      %dma_start3A_41 = tpu.memref_slice %arg3[%add3A_16] : memref<320000xi32, #tpu.memory_space<hbm>> -> memref<40xi32, #tpu.memory_space<hbm>>
      tpu.enqueue_dma source(%dma_start3A_41 : memref<40xi32, #tpu.memory_space<hbm>>) target(%arg12 : memref<40xi32, #tpu.memory_space<vmem>>) target_semaphore(%run_scoped3A : memref<!tpu.dma_semaphore, #tpu.memory_space<semaphore_mem>>)
      %dma_wait3A_42 = tpu.memref_slice %arg3[%add3A_16] : memref<320000xi32, #tpu.memory_space<hbm>> -> memref<40xi32, #tpu.memory_space<hbm>>
      %dma_wait3A_43 = tpu.memref_slice %arg3[%add3A_16] : memref<320000xi32, #tpu.memory_space<hbm>> -> memref<40xi32, #tpu.memory_space<hbm>>
      tpu.wait_dma2 semaphore(%run_scoped3A : memref<!tpu.dma_semaphore, #tpu.memory_space<semaphore_mem>>) src(%dma_wait3A_43 : memref<40xi32, #tpu.memory_space<hbm>>) dst(%arg12 : memref<40xi32, #tpu.memory_space<vmem>>)
      tpu.yield
    }) : () -> ()
    %barrier3A = arith.constant 0 : index
    tpu.barrier barrier_id(%barrier3A)
    %dma_start3A = arith.constant 0 : i32
    %dma_start3A_17 = arith.constant 0 : i32
    %dma_start3A_18 = tpu.memref_slice %arg5[%dma_start3A, %dma_start3A_17] : memref<10000x128xf32, #tpu.memory_space<hbm>> -> memref<10000x128xf32, #tpu.memory_space<hbm>>
    tpu.enqueue_indirect_dma source(%dma_start3A_18 : memref<10000x128xf32, #tpu.memory_space<hbm>>) target(%arg15 : memref<40x128xf32, #tpu.memory_space<vmem>>) offsets(%arg11 : memref<40xi32, #tpu.memory_space<vmem>>) semaphore(%arg26 : memref<!tpu.dma_semaphore, #tpu.memory_space<semaphore_mem>>)
    %dma_start3A_19 = arith.constant 0 : i32
    %dma_start3A_20 = arith.constant 0 : i32
    %dma_start3A_21 = tpu.memref_slice %arg6[%dma_start3A_19, %dma_start3A_20] : memref<10000x128xf32, #tpu.memory_space<hbm>> -> memref<10000x128xf32, #tpu.memory_space<hbm>>
    tpu.enqueue_indirect_dma source(%dma_start3A_21 : memref<10000x128xf32, #tpu.memory_space<hbm>>) target(%arg17 : memref<40x128xf32, #tpu.memory_space<vmem>>) offsets(%arg9 : memref<40xi32, #tpu.memory_space<vmem>>) semaphore(%arg26 : memref<!tpu.dma_semaphore, #tpu.memory_space<semaphore_mem>>)
    %dma_start3A_22 = arith.constant 0 : i32
    %dma_start3A_23 = arith.constant 0 : i32
    %dma_start3A_24 = tpu.memref_slice %arg7[%dma_start3A_22, %dma_start3A_23] : memref<10000x136xf32, #tpu.memory_space<hbm>> -> memref<10000x136xf32, #tpu.memory_space<hbm>>
    tpu.enqueue_indirect_dma source(%dma_start3A_24 : memref<10000x136xf32, #tpu.memory_space<hbm>>) target(%arg19 : memref<40x136xf32, #tpu.memory_space<vmem>>) offsets(%arg9 : memref<40xi32, #tpu.memory_space<vmem>>) semaphore(%arg26 : memref<!tpu.dma_semaphore, #tpu.memory_space<semaphore_mem>>)
    %scan3A = arith.constant 0 : i32
    %scan3A_25 = arith.constant 0 : i32
    %scan3A_26 = arith.constant 125 : i32
    %scan3A_27 = arith.addi %scan3A_25, %scan3A_26 : i32
    %scan3A_28 = arith.constant 1 : i32
    scf.for %scan3A_40 = %scan3A_25 to %scan3A_27 step %scan3A_28  : i32 {
      %dma_wait3A_41 = arith.constant 0 : i32
      %dma_wait3A_42 = arith.constant 0 : i32
      %dma_wait3A_43 = tpu.memref_slice %arg5[%dma_wait3A_41, %dma_wait3A_42] : memref<10000x128xf32, #tpu.memory_space<hbm>> -> memref<10000x128xf32, #tpu.memory_space<hbm>>
      tpu.wait_indirect_dma semaphore(%arg26 : memref<!tpu.dma_semaphore, #tpu.memory_space<semaphore_mem>>) src(%dma_wait3A_43 : memref<10000x128xf32, #tpu.memory_space<hbm>>) dst(%arg15 : memref<40x128xf32, #tpu.memory_space<vmem>>)
      %dma_wait3A_44 = arith.constant 0 : i32
      %dma_wait3A_45 = arith.constant 0 : i32
      %dma_wait3A_46 = tpu.memref_slice %arg6[%dma_wait3A_44, %dma_wait3A_45] : memref<10000x128xf32, #tpu.memory_space<hbm>> -> memref<10000x128xf32, #tpu.memory_space<hbm>>
      tpu.wait_indirect_dma semaphore(%arg26 : memref<!tpu.dma_semaphore, #tpu.memory_space<semaphore_mem>>) src(%dma_wait3A_46 : memref<10000x128xf32, #tpu.memory_space<hbm>>) dst(%arg17 : memref<40x128xf32, #tpu.memory_space<vmem>>)
      %dma_wait3A_47 = arith.constant 0 : i32
      %dma_wait3A_48 = arith.constant 0 : i32
      %dma_wait3A_49 = tpu.memref_slice %arg7[%dma_wait3A_47, %dma_wait3A_48] : memref<10000x136xf32, #tpu.memory_space<hbm>> -> memref<10000x136xf32, #tpu.memory_space<hbm>>
      tpu.wait_indirect_dma semaphore(%arg26 : memref<!tpu.dma_semaphore, #tpu.memory_space<semaphore_mem>>) src(%dma_wait3A_49 : memref<10000x136xf32, #tpu.memory_space<hbm>>) dst(%arg19 : memref<40x136xf32, #tpu.memory_space<vmem>>)
      %ge3A = arith.constant 1 : i32
      %ge3A_50 = arith.cmpi sge, %scan3A_40, %ge3A : i32
      %convert_element_type3A = arith.extui %ge3A_50 : i1 to i32
      %cond3A = arith.constant 0 : i32
      %cond3A_51 = arith.cmpi ne, %convert_element_type3A, %cond3A : i32
      scf.if %cond3A_51 {
        %dma_wait3A_229 = arith.constant 0 : i32
        %dma_wait3A_230 = tpu.memref_slice %arg2[%dma_wait3A_229] : memref<320000xi32, #tpu.memory_space<hbm>> -> memref<40xi32, #tpu.memory_space<hbm>>
        %dma_wait3A_231 = arith.constant 0 : i32
        %dma_wait3A_232 = tpu.memref_slice %arg2[%dma_wait3A_231] : memref<320000xi32, #tpu.memory_space<hbm>> -> memref<40xi32, #tpu.memory_space<hbm>>
        tpu.wait_dma2 semaphore(%arg31 : memref<!tpu.dma_semaphore, #tpu.memory_space<semaphore_mem>>) src(%dma_wait3A_232 : memref<40xi32, #tpu.memory_space<hbm>>) dst(%arg10 : memref<40xi32, #tpu.memory_space<vmem>>)
        %dma_wait3A_233 = arith.constant 0 : i32
        %dma_wait3A_234 = tpu.memref_slice %arg3[%dma_wait3A_233] : memref<320000xi32, #tpu.memory_space<hbm>> -> memref<40xi32, #tpu.memory_space<hbm>>
        %dma_wait3A_235 = arith.constant 0 : i32
        %dma_wait3A_236 = tpu.memref_slice %arg3[%dma_wait3A_235] : memref<320000xi32, #tpu.memory_space<hbm>> -> memref<40xi32, #tpu.memory_space<hbm>>
        tpu.wait_dma2 semaphore(%arg31 : memref<!tpu.dma_semaphore, #tpu.memory_space<semaphore_mem>>) src(%dma_wait3A_236 : memref<40xi32, #tpu.memory_space<hbm>>) dst(%arg12 : memref<40xi32, #tpu.memory_space<vmem>>)
      } else {
      }
      %dma_start3A_52 = arith.constant 0 : i32
      %dma_start3A_53 = arith.constant 0 : i32
      %dma_start3A_54 = tpu.memref_slice %arg5[%dma_start3A_52, %dma_start3A_53] : memref<10000x128xf32, #tpu.memory_space<hbm>> -> memref<10000x128xf32, #tpu.memory_space<hbm>>
      tpu.enqueue_indirect_dma source(%dma_start3A_54 : memref<10000x128xf32, #tpu.memory_space<hbm>>) target(%arg16 : memref<40x128xf32, #tpu.memory_space<vmem>>) offsets(%arg12 : memref<40xi32, #tpu.memory_space<vmem>>) semaphore(%arg27 : memref<!tpu.dma_semaphore, #tpu.memory_space<semaphore_mem>>)
      %dma_start3A_55 = arith.constant 0 : i32
      %dma_start3A_56 = arith.constant 0 : i32
      %dma_start3A_57 = tpu.memref_slice %arg6[%dma_start3A_55, %dma_start3A_56] : memref<10000x128xf32, #tpu.memory_space<hbm>> -> memref<10000x128xf32, #tpu.memory_space<hbm>>
      tpu.enqueue_indirect_dma source(%dma_start3A_57 : memref<10000x128xf32, #tpu.memory_space<hbm>>) target(%arg18 : memref<40x128xf32, #tpu.memory_space<vmem>>) offsets(%arg10 : memref<40xi32, #tpu.memory_space<vmem>>) semaphore(%arg27 : memref<!tpu.dma_semaphore, #tpu.memory_space<semaphore_mem>>)
      %dma_start3A_58 = arith.constant 0 : i32
      %dma_start3A_59 = arith.constant 0 : i32
      %dma_start3A_60 = tpu.memref_slice %arg7[%dma_start3A_58, %dma_start3A_59] : memref<10000x136xf32, #tpu.memory_space<hbm>> -> memref<10000x136xf32, #tpu.memory_space<hbm>>
      tpu.enqueue_indirect_dma source(%dma_start3A_60 : memref<10000x136xf32, #tpu.memory_space<hbm>>) target(%arg20 : memref<40x136xf32, #tpu.memory_space<vmem>>) offsets(%arg10 : memref<40xi32, #tpu.memory_space<vmem>>) semaphore(%arg27 : memref<!tpu.dma_semaphore, #tpu.memory_space<semaphore_mem>>)
      %ge3A_61 = arith.constant 1 : i32
      %ge3A_62 = arith.cmpi sge, %scan3A_40, %ge3A_61 : i32
      %convert_element_type3A_63 = arith.extui %ge3A_62 : i1 to i32
      %cond3A_64 = arith.constant 0 : i32
      %cond3A_65 = arith.cmpi ne, %convert_element_type3A_63, %cond3A_64 : i32
      scf.if %cond3A_65 {
        %dma_wait3A_229 = arith.constant 0 : i32
        %dma_wait3A_230 = arith.constant 0 : i32
        %dma_wait3A_231 = tpu.memref_slice %arg25[%dma_wait3A_229, %dma_wait3A_230] : memref<10000x136xf32, #tpu.memory_space<vmem_shared>> -> memref<10000x136xf32, #tpu.memory_space<vmem_shared>>
        tpu.wait_indirect_dma semaphore(%arg28 : memref<!tpu.dma_semaphore, #tpu.memory_space<semaphore_mem>>) src(%arg21 : memref<40x136xf32, #tpu.memory_space<vmem>>) dst(%dma_wait3A_231 : memref<10000x136xf32, #tpu.memory_space<vmem_shared>>)
      } else {
      }
      %scan3A_66 = arith.constant 0 : i32
      %scan3A_67 = arith.constant 0 : i32
      %scan3A_68 = arith.constant 10 : i32
      %scan3A_69 = arith.addi %scan3A_67, %scan3A_68 : i32
      %scan3A_70 = arith.constant 1 : i32
      scf.for %scan3A_229 = %scan3A_67 to %scan3A_69 step %scan3A_70  : i32 {
        %mul3A_230 = arith.constant 4 : i32
        %mul3A_231 = arith.muli %mul3A_230, %scan3A_229 : i32
        %add3A_232 = arith.constant 0 : i32
        %add3A_233 = arith.addi %mul3A_231, %add3A_232 : i32
        %get3A_234 = arith.index_cast %add3A_233 : i32 to index
        %get3A_235 = arith.constant 0 : index
        %get3A_236 = tpu.vector_load %arg15[%get3A_234, %get3A_235] {strides = array<i32>} : memref<40x128xf32, #tpu.memory_space<vmem>>, vector<16xf32>,
        %get3A_237 = arith.index_cast %add3A_233 : i32 to index
        %get3A_238 = arith.constant 0 : index
        %get3A_239 = tpu.vector_load %arg17[%get3A_237, %get3A_238] {strides = array<i32>} : memref<40x128xf32, #tpu.memory_space<vmem>>, vector<16xf32>,
        %mul3A_240 = arith.mulf %get3A_236, %get3A_239 : vector<16xf32>
        %add3A_241 = arith.addf %broadcast_in_dim3A_1, %mul3A_240 : vector<16xf32>
        %get3A_242 = arith.index_cast %add3A_233 : i32 to index
        %get3A_243 = arith.constant 16 : index
        %get3A_244 = tpu.vector_load %arg15[%get3A_242, %get3A_243] {strides = array<i32>} : memref<40x128xf32, #tpu.memory_space<vmem>>, vector<16xf32>,
        %get3A_245 = arith.index_cast %add3A_233 : i32 to index
        %get3A_246 = arith.constant 16 : index
        %get3A_247 = tpu.vector_load %arg17[%get3A_245, %get3A_246] {strides = array<i32>} : memref<40x128xf32, #tpu.memory_space<vmem>>, vector<16xf32>,
        %mul3A_248 = arith.mulf %get3A_244, %get3A_247 : vector<16xf32>
        %add3A_249 = arith.addf %add3A_241, %mul3A_248 : vector<16xf32>
        %get3A_250 = arith.index_cast %add3A_233 : i32 to index
        %get3A_251 = arith.constant 32 : index
        %get3A_252 = tpu.vector_load %arg15[%get3A_250, %get3A_251] {strides = array<i32>} : memref<40x128xf32, #tpu.memory_space<vmem>>, vector<16xf32>,
        %get3A_253 = arith.index_cast %add3A_233 : i32 to index
        %get3A_254 = arith.constant 32 : index
        %get3A_255 = tpu.vector_load %arg17[%get3A_253, %get3A_254] {strides = array<i32>} : memref<40x128xf32, #tpu.memory_space<vmem>>, vector<16xf32>,
        %mul3A_256 = arith.mulf %get3A_252, %get3A_255 : vector<16xf32>
        %add3A_257 = arith.addf %add3A_249, %mul3A_256 : vector<16xf32>
        %get3A_258 = arith.index_cast %add3A_233 : i32 to index
        %get3A_259 = arith.constant 48 : index
        %get3A_260 = tpu.vector_load %arg15[%get3A_258, %get3A_259] {strides = array<i32>} : memref<40x128xf32, #tpu.memory_space<vmem>>, vector<16xf32>,
        %get3A_261 = arith.index_cast %add3A_233 : i32 to index
        %get3A_262 = arith.constant 48 : index
        %get3A_263 = tpu.vector_load %arg17[%get3A_261, %get3A_262] {strides = array<i32>} : memref<40x128xf32, #tpu.memory_space<vmem>>, vector<16xf32>,
        %mul3A_264 = arith.mulf %get3A_260, %get3A_263 : vector<16xf32>
        %add3A_265 = arith.addf %add3A_257, %mul3A_264 : vector<16xf32>
        %get3A_266 = arith.index_cast %add3A_233 : i32 to index
        %get3A_267 = arith.constant 64 : index
        %get3A_268 = tpu.vector_load %arg15[%get3A_266, %get3A_267] {strides = array<i32>} : memref<40x128xf32, #tpu.memory_space<vmem>>, vector<16xf32>,
        %get3A_269 = arith.index_cast %add3A_233 : i32 to index
        %get3A_270 = arith.constant 64 : index
        %get3A_271 = tpu.vector_load %arg17[%get3A_269, %get3A_270] {strides = array<i32>} : memref<40x128xf32, #tpu.memory_space<vmem>>, vector<16xf32>,
        %mul3A_272 = arith.mulf %get3A_268, %get3A_271 : vector<16xf32>
        %add3A_273 = arith.addf %add3A_265, %mul3A_272 : vector<16xf32>
        %get3A_274 = arith.index_cast %add3A_233 : i32 to index
        %get3A_275 = arith.constant 80 : index
        %get3A_276 = tpu.vector_load %arg15[%get3A_274, %get3A_275] {strides = array<i32>} : memref<40x128xf32, #tpu.memory_space<vmem>>, vector<16xf32>,
        %get3A_277 = arith.index_cast %add3A_233 : i32 to index
        %get3A_278 = arith.constant 80 : index
        %get3A_279 = tpu.vector_load %arg17[%get3A_277, %get3A_278] {strides = array<i32>} : memref<40x128xf32, #tpu.memory_space<vmem>>, vector<16xf32>,
        %mul3A_280 = arith.mulf %get3A_276, %get3A_279 : vector<16xf32>
        %add3A_281 = arith.addf %add3A_273, %mul3A_280 : vector<16xf32>
        %get3A_282 = arith.index_cast %add3A_233 : i32 to index
        %get3A_283 = arith.constant 96 : index
        %get3A_284 = tpu.vector_load %arg15[%get3A_282, %get3A_283] {strides = array<i32>} : memref<40x128xf32, #tpu.memory_space<vmem>>, vector<16xf32>,
        %get3A_285 = arith.index_cast %add3A_233 : i32 to index
        %get3A_286 = arith.constant 96 : index
        %get3A_287 = tpu.vector_load %arg17[%get3A_285, %get3A_286] {strides = array<i32>} : memref<40x128xf32, #tpu.memory_space<vmem>>, vector<16xf32>,
        %mul3A_288 = arith.mulf %get3A_284, %get3A_287 : vector<16xf32>
        %add3A_289 = arith.addf %add3A_281, %mul3A_288 : vector<16xf32>
        %get3A_290 = arith.index_cast %add3A_233 : i32 to index
        %get3A_291 = arith.constant 112 : index
        %get3A_292 = tpu.vector_load %arg15[%get3A_290, %get3A_291] {strides = array<i32>} : memref<40x128xf32, #tpu.memory_space<vmem>>, vector<16xf32>,
        %get3A_293 = arith.index_cast %add3A_233 : i32 to index
        %get3A_294 = arith.constant 112 : index
        %get3A_295 = tpu.vector_load %arg17[%get3A_293, %get3A_294] {strides = array<i32>} : memref<40x128xf32, #tpu.memory_space<vmem>>, vector<16xf32>,
        %mul3A_296 = arith.mulf %get3A_292, %get3A_295 : vector<16xf32>
        %add3A_297 = arith.addf %add3A_289, %mul3A_296 : vector<16xf32>
        %broadcast_in_dim3A_298 = arith.constant true
        %broadcast_in_dim3A_299 = vector.broadcast %broadcast_in_dim3A_298 : i1 to vector<16xi1>
        %masked_cumsum3A = tpu.scan <sum>, %add3A_297 masked %broadcast_in_dim3A_299 : vector<16xf32>, vector<16xi1> -> vector<16xf32>
        %broadcast_in_dim3A_300 = vector.broadcast %add3A_233 : i32 to vector<16xi32>
        tpu.vector_store_idx %arg23[%broadcast_in_dim3A_300], %masked_cumsum3A masked %eq3A_6 : memref<40xf32, #tpu.memory_space<vmem>>[vector<16xi32>], vector<16xf32>, vector<16xi1>
        %mul3A_301 = arith.constant 4 : i32
        %mul3A_302 = arith.muli %mul3A_301, %scan3A_229 : i32
        %add3A_303 = arith.constant 1 : i32
        %add3A_304 = arith.addi %mul3A_302, %add3A_303 : i32
        %get3A_305 = arith.index_cast %add3A_304 : i32 to index
        %get3A_306 = arith.constant 0 : index
        %get3A_307 = tpu.vector_load %arg15[%get3A_305, %get3A_306] {strides = array<i32>} : memref<40x128xf32, #tpu.memory_space<vmem>>, vector<16xf32>,
        %get3A_308 = arith.index_cast %add3A_304 : i32 to index
        %get3A_309 = arith.constant 0 : index
        %get3A_310 = tpu.vector_load %arg17[%get3A_308, %get3A_309] {strides = array<i32>} : memref<40x128xf32, #tpu.memory_space<vmem>>, vector<16xf32>,
        %mul3A_311 = arith.mulf %get3A_307, %get3A_310 : vector<16xf32>
        %add3A_312 = arith.addf %broadcast_in_dim3A_1, %mul3A_311 : vector<16xf32>
        %get3A_313 = arith.index_cast %add3A_304 : i32 to index
        %get3A_314 = arith.constant 16 : index
        %get3A_315 = tpu.vector_load %arg15[%get3A_313, %get3A_314] {strides = array<i32>} : memref<40x128xf32, #tpu.memory_space<vmem>>, vector<16xf32>,
        %get3A_316 = arith.index_cast %add3A_304 : i32 to index
        %get3A_317 = arith.constant 16 : index
        %get3A_318 = tpu.vector_load %arg17[%get3A_316, %get3A_317] {strides = array<i32>} : memref<40x128xf32, #tpu.memory_space<vmem>>, vector<16xf32>,
        %mul3A_319 = arith.mulf %get3A_315, %get3A_318 : vector<16xf32>
        %add3A_320 = arith.addf %add3A_312, %mul3A_319 : vector<16xf32>
        %get3A_321 = arith.index_cast %add3A_304 : i32 to index
        %get3A_322 = arith.constant 32 : index
        %get3A_323 = tpu.vector_load %arg15[%get3A_321, %get3A_322] {strides = array<i32>} : memref<40x128xf32, #tpu.memory_space<vmem>>, vector<16xf32>,
        %get3A_324 = arith.index_cast %add3A_304 : i32 to index
        %get3A_325 = arith.constant 32 : index
        %get3A_326 = tpu.vector_load %arg17[%get3A_324, %get3A_325] {strides = array<i32>} : memref<40x128xf32, #tpu.memory_space<vmem>>, vector<16xf32>,
        %mul3A_327 = arith.mulf %get3A_323, %get3A_326 : vector<16xf32>
        %add3A_328 = arith.addf %add3A_320, %mul3A_327 : vector<16xf32>
        %get3A_329 = arith.index_cast %add3A_304 : i32 to index
        %get3A_330 = arith.constant 48 : index
        %get3A_331 = tpu.vector_load %arg15[%get3A_329, %get3A_330] {strides = array<i32>} : memref<40x128xf32, #tpu.memory_space<vmem>>, vector<16xf32>,
        %get3A_332 = arith.index_cast %add3A_304 : i32 to index
        %get3A_333 = arith.constant 48 : index
        %get3A_334 = tpu.vector_load %arg17[%get3A_332, %get3A_333] {strides = array<i32>} : memref<40x128xf32, #tpu.memory_space<vmem>>, vector<16xf32>,
        %mul3A_335 = arith.mulf %get3A_331, %get3A_334 : vector<16xf32>
        %add3A_336 = arith.addf %add3A_328, %mul3A_335 : vector<16xf32>
        %get3A_337 = arith.index_cast %add3A_304 : i32 to index
        %get3A_338 = arith.constant 64 : index
        %get3A_339 = tpu.vector_load %arg15[%get3A_337, %get3A_338] {strides = array<i32>} : memref<40x128xf32, #tpu.memory_space<vmem>>, vector<16xf32>,
        %get3A_340 = arith.index_cast %add3A_304 : i32 to index
        %get3A_341 = arith.constant 64 : index
        %get3A_342 = tpu.vector_load %arg17[%get3A_340, %get3A_341] {strides = array<i32>} : memref<40x128xf32, #tpu.memory_space<vmem>>, vector<16xf32>,
        %mul3A_343 = arith.mulf %get3A_339, %get3A_342 : vector<16xf32>
        %add3A_344 = arith.addf %add3A_336, %mul3A_343 : vector<16xf32>
        %get3A_345 = arith.index_cast %add3A_304 : i32 to index
        %get3A_346 = arith.constant 80 : index
        %get3A_347 = tpu.vector_load %arg15[%get3A_345, %get3A_346] {strides = array<i32>} : memref<40x128xf32, #tpu.memory_space<vmem>>, vector<16xf32>,
        %get3A_348 = arith.index_cast %add3A_304 : i32 to index
        %get3A_349 = arith.constant 80 : index
        %get3A_350 = tpu.vector_load %arg17[%get3A_348, %get3A_349] {strides = array<i32>} : memref<40x128xf32, #tpu.memory_space<vmem>>, vector<16xf32>,
        %mul3A_351 = arith.mulf %get3A_347, %get3A_350 : vector<16xf32>
        %add3A_352 = arith.addf %add3A_344, %mul3A_351 : vector<16xf32>
        %get3A_353 = arith.index_cast %add3A_304 : i32 to index
        %get3A_354 = arith.constant 96 : index
        %get3A_355 = tpu.vector_load %arg15[%get3A_353, %get3A_354] {strides = array<i32>} : memref<40x128xf32, #tpu.memory_space<vmem>>, vector<16xf32>,
        %get3A_356 = arith.index_cast %add3A_304 : i32 to index
        %get3A_357 = arith.constant 96 : index
        %get3A_358 = tpu.vector_load %arg17[%get3A_356, %get3A_357] {strides = array<i32>} : memref<40x128xf32, #tpu.memory_space<vmem>>, vector<16xf32>,
        %mul3A_359 = arith.mulf %get3A_355, %get3A_358 : vector<16xf32>
        %add3A_360 = arith.addf %add3A_352, %mul3A_359 : vector<16xf32>
        %get3A_361 = arith.index_cast %add3A_304 : i32 to index
        %get3A_362 = arith.constant 112 : index
        %get3A_363 = tpu.vector_load %arg15[%get3A_361, %get3A_362] {strides = array<i32>} : memref<40x128xf32, #tpu.memory_space<vmem>>, vector<16xf32>,
        %get3A_364 = arith.index_cast %add3A_304 : i32 to index
        %get3A_365 = arith.constant 112 : index
        %get3A_366 = tpu.vector_load %arg17[%get3A_364, %get3A_365] {strides = array<i32>} : memref<40x128xf32, #tpu.memory_space<vmem>>, vector<16xf32>,
        %mul3A_367 = arith.mulf %get3A_363, %get3A_366 : vector<16xf32>
        %add3A_368 = arith.addf %add3A_360, %mul3A_367 : vector<16xf32>
        %broadcast_in_dim3A_369 = arith.constant true
        %broadcast_in_dim3A_370 = vector.broadcast %broadcast_in_dim3A_369 : i1 to vector<16xi1>
        %masked_cumsum3A_371 = tpu.scan <sum>, %add3A_368 masked %broadcast_in_dim3A_370 : vector<16xf32>, vector<16xi1> -> vector<16xf32>
        %broadcast_in_dim3A_372 = vector.broadcast %add3A_304 : i32 to vector<16xi32>
        tpu.vector_store_idx %arg23[%broadcast_in_dim3A_372], %masked_cumsum3A_371 masked %eq3A_6 : memref<40xf32, #tpu.memory_space<vmem>>[vector<16xi32>], vector<16xf32>, vector<16xi1>
        %mul3A_373 = arith.constant 4 : i32
        %mul3A_374 = arith.muli %mul3A_373, %scan3A_229 : i32
        %add3A_375 = arith.constant 2 : i32
        %add3A_376 = arith.addi %mul3A_374, %add3A_375 : i32
        %get3A_377 = arith.index_cast %add3A_376 : i32 to index
        %get3A_378 = arith.constant 0 : index
        %get3A_379 = tpu.vector_load %arg15[%get3A_377, %get3A_378] {strides = array<i32>} : memref<40x128xf32, #tpu.memory_space<vmem>>, vector<16xf32>,
        %get3A_380 = arith.index_cast %add3A_376 : i32 to index
        %get3A_381 = arith.constant 0 : index
        %get3A_382 = tpu.vector_load %arg17[%get3A_380, %get3A_381] {strides = array<i32>} : memref<40x128xf32, #tpu.memory_space<vmem>>, vector<16xf32>,
        %mul3A_383 = arith.mulf %get3A_379, %get3A_382 : vector<16xf32>
        %add3A_384 = arith.addf %broadcast_in_dim3A_1, %mul3A_383 : vector<16xf32>
        %get3A_385 = arith.index_cast %add3A_376 : i32 to index
        %get3A_386 = arith.constant 16 : index
        %get3A_387 = tpu.vector_load %arg15[%get3A_385, %get3A_386] {strides = array<i32>} : memref<40x128xf32, #tpu.memory_space<vmem>>, vector<16xf32>,
        %get3A_388 = arith.index_cast %add3A_376 : i32 to index
        %get3A_389 = arith.constant 16 : index
        %get3A_390 = tpu.vector_load %arg17[%get3A_388, %get3A_389] {strides = array<i32>} : memref<40x128xf32, #tpu.memory_space<vmem>>, vector<16xf32>,
        %mul3A_391 = arith.mulf %get3A_387, %get3A_390 : vector<16xf32>
        %add3A_392 = arith.addf %add3A_384, %mul3A_391 : vector<16xf32>
        %get3A_393 = arith.index_cast %add3A_376 : i32 to index
        %get3A_394 = arith.constant 32 : index
        %get3A_395 = tpu.vector_load %arg15[%get3A_393, %get3A_394] {strides = array<i32>} : memref<40x128xf32, #tpu.memory_space<vmem>>, vector<16xf32>,
        %get3A_396 = arith.index_cast %add3A_376 : i32 to index
        %get3A_397 = arith.constant 32 : index
        %get3A_398 = tpu.vector_load %arg17[%get3A_396, %get3A_397] {strides = array<i32>} : memref<40x128xf32, #tpu.memory_space<vmem>>, vector<16xf32>,
        %mul3A_399 = arith.mulf %get3A_395, %get3A_398 : vector<16xf32>
        %add3A_400 = arith.addf %add3A_392, %mul3A_399 : vector<16xf32>
        %get3A_401 = arith.index_cast %add3A_376 : i32 to index
        %get3A_402 = arith.constant 48 : index
        %get3A_403 = tpu.vector_load %arg15[%get3A_401, %get3A_402] {strides = array<i32>} : memref<40x128xf32, #tpu.memory_space<vmem>>, vector<16xf32>,
        %get3A_404 = arith.index_cast %add3A_376 : i32 to index
        %get3A_405 = arith.constant 48 : index
        %get3A_406 = tpu.vector_load %arg17[%get3A_404, %get3A_405] {strides = array<i32>} : memref<40x128xf32, #tpu.memory_space<vmem>>, vector<16xf32>,
        %mul3A_407 = arith.mulf %get3A_403, %get3A_406 : vector<16xf32>
        %add3A_408 = arith.addf %add3A_400, %mul3A_407 : vector<16xf32>
        %get3A_409 = arith.index_cast %add3A_376 : i32 to index
        %get3A_410 = arith.constant 64 : index
        %get3A_411 = tpu.vector_load %arg15[%get3A_409, %get3A_410] {strides = array<i32>} : memref<40x128xf32, #tpu.memory_space<vmem>>, vector<16xf32>,
        %get3A_412 = arith.index_cast %add3A_376 : i32 to index
        %get3A_413 = arith.constant 64 : index
        %get3A_414 = tpu.vector_load %arg17[%get3A_412, %get3A_413] {strides = array<i32>} : memref<40x128xf32, #tpu.memory_space<vmem>>, vector<16xf32>,
        %mul3A_415 = arith.mulf %get3A_411, %get3A_414 : vector<16xf32>
        %add3A_416 = arith.addf %add3A_408, %mul3A_415 : vector<16xf32>
        %get3A_417 = arith.index_cast %add3A_376 : i32 to index
        %get3A_418 = arith.constant 80 : index
        %get3A_419 = tpu.vector_load %arg15[%get3A_417, %get3A_418] {strides = array<i32>} : memref<40x128xf32, #tpu.memory_space<vmem>>, vector<16xf32>,
        %get3A_420 = arith.index_cast %add3A_376 : i32 to index
        %get3A_421 = arith.constant 80 : index
        %get3A_422 = tpu.vector_load %arg17[%get3A_420, %get3A_421] {strides = array<i32>} : memref<40x128xf32, #tpu.memory_space<vmem>>, vector<16xf32>,
        %mul3A_423 = arith.mulf %get3A_419, %get3A_422 : vector<16xf32>
        %add3A_424 = arith.addf %add3A_416, %mul3A_423 : vector<16xf32>
        %get3A_425 = arith.index_cast %add3A_376 : i32 to index
        %get3A_426 = arith.constant 96 : index
        %get3A_427 = tpu.vector_load %arg15[%get3A_425, %get3A_426] {strides = array<i32>} : memref<40x128xf32, #tpu.memory_space<vmem>>, vector<16xf32>,
        %get3A_428 = arith.index_cast %add3A_376 : i32 to index
        %get3A_429 = arith.constant 96 : index
        %get3A_430 = tpu.vector_load %arg17[%get3A_428, %get3A_429] {strides = array<i32>} : memref<40x128xf32, #tpu.memory_space<vmem>>, vector<16xf32>,
        %mul3A_431 = arith.mulf %get3A_427, %get3A_430 : vector<16xf32>
        %add3A_432 = arith.addf %add3A_424, %mul3A_431 : vector<16xf32>
        %get3A_433 = arith.index_cast %add3A_376 : i32 to index
        %get3A_434 = arith.constant 112 : index
        %get3A_435 = tpu.vector_load %arg15[%get3A_433, %get3A_434] {strides = array<i32>} : memref<40x128xf32, #tpu.memory_space<vmem>>, vector<16xf32>,
        %get3A_436 = arith.index_cast %add3A_376 : i32 to index
        %get3A_437 = arith.constant 112 : index
        %get3A_438 = tpu.vector_load %arg17[%get3A_436, %get3A_437] {strides = array<i32>} : memref<40x128xf32, #tpu.memory_space<vmem>>, vector<16xf32>,
        %mul3A_439 = arith.mulf %get3A_435, %get3A_438 : vector<16xf32>
        %add3A_440 = arith.addf %add3A_432, %mul3A_439 : vector<16xf32>
        %broadcast_in_dim3A_441 = arith.constant true
        %broadcast_in_dim3A_442 = vector.broadcast %broadcast_in_dim3A_441 : i1 to vector<16xi1>
        %masked_cumsum3A_443 = tpu.scan <sum>, %add3A_440 masked %broadcast_in_dim3A_442 : vector<16xf32>, vector<16xi1> -> vector<16xf32>
        %broadcast_in_dim3A_444 = vector.broadcast %add3A_376 : i32 to vector<16xi32>
        tpu.vector_store_idx %arg23[%broadcast_in_dim3A_444], %masked_cumsum3A_443 masked %eq3A_6 : memref<40xf32, #tpu.memory_space<vmem>>[vector<16xi32>], vector<16xf32>, vector<16xi1>
        %mul3A_445 = arith.constant 4 : i32
        %mul3A_446 = arith.muli %mul3A_445, %scan3A_229 : i32
        %add3A_447 = arith.constant 3 : i32
        %add3A_448 = arith.addi %mul3A_446, %add3A_447 : i32
        %get3A_449 = arith.index_cast %add3A_448 : i32 to index
        %get3A_450 = arith.constant 0 : index
        %get3A_451 = tpu.vector_load %arg15[%get3A_449, %get3A_450] {strides = array<i32>} : memref<40x128xf32, #tpu.memory_space<vmem>>, vector<16xf32>,
        %get3A_452 = arith.index_cast %add3A_448 : i32 to index
        %get3A_453 = arith.constant 0 : index
        %get3A_454 = tpu.vector_load %arg17[%get3A_452, %get3A_453] {strides = array<i32>} : memref<40x128xf32, #tpu.memory_space<vmem>>, vector<16xf32>,
        %mul3A_455 = arith.mulf %get3A_451, %get3A_454 : vector<16xf32>
        %add3A_456 = arith.addf %broadcast_in_dim3A_1, %mul3A_455 : vector<16xf32>
        %get3A_457 = arith.index_cast %add3A_448 : i32 to index
        %get3A_458 = arith.constant 16 : index
        %get3A_459 = tpu.vector_load %arg15[%get3A_457, %get3A_458] {strides = array<i32>} : memref<40x128xf32, #tpu.memory_space<vmem>>, vector<16xf32>,
        %get3A_460 = arith.index_cast %add3A_448 : i32 to index
        %get3A_461 = arith.constant 16 : index
        %get3A_462 = tpu.vector_load %arg17[%get3A_460, %get3A_461] {strides = array<i32>} : memref<40x128xf32, #tpu.memory_space<vmem>>, vector<16xf32>,
        %mul3A_463 = arith.mulf %get3A_459, %get3A_462 : vector<16xf32>
        %add3A_464 = arith.addf %add3A_456, %mul3A_463 : vector<16xf32>
        %get3A_465 = arith.index_cast %add3A_448 : i32 to index
        %get3A_466 = arith.constant 32 : index
        %get3A_467 = tpu.vector_load %arg15[%get3A_465, %get3A_466] {strides = array<i32>} : memref<40x128xf32, #tpu.memory_space<vmem>>, vector<16xf32>,
        %get3A_468 = arith.index_cast %add3A_448 : i32 to index
        %get3A_469 = arith.constant 32 : index
        %get3A_470 = tpu.vector_load %arg17[%get3A_468, %get3A_469] {strides = array<i32>} : memref<40x128xf32, #tpu.memory_space<vmem>>, vector<16xf32>,
        %mul3A_471 = arith.mulf %get3A_467, %get3A_470 : vector<16xf32>
        %add3A_472 = arith.addf %add3A_464, %mul3A_471 : vector<16xf32>
        %get3A_473 = arith.index_cast %add3A_448 : i32 to index
        %get3A_474 = arith.constant 48 : index
        %get3A_475 = tpu.vector_load %arg15[%get3A_473, %get3A_474] {strides = array<i32>} : memref<40x128xf32, #tpu.memory_space<vmem>>, vector<16xf32>,
        %get3A_476 = arith.index_cast %add3A_448 : i32 to index
        %get3A_477 = arith.constant 48 : index
        %get3A_478 = tpu.vector_load %arg17[%get3A_476, %get3A_477] {strides = array<i32>} : memref<40x128xf32, #tpu.memory_space<vmem>>, vector<16xf32>,
        %mul3A_479 = arith.mulf %get3A_475, %get3A_478 : vector<16xf32>
        %add3A_480 = arith.addf %add3A_472, %mul3A_479 : vector<16xf32>
        %get3A_481 = arith.index_cast %add3A_448 : i32 to index
        %get3A_482 = arith.constant 64 : index
        %get3A_483 = tpu.vector_load %arg15[%get3A_481, %get3A_482] {strides = array<i32>} : memref<40x128xf32, #tpu.memory_space<vmem>>, vector<16xf32>,
        %get3A_484 = arith.index_cast %add3A_448 : i32 to index
        %get3A_485 = arith.constant 64 : index
        %get3A_486 = tpu.vector_load %arg17[%get3A_484, %get3A_485] {strides = array<i32>} : memref<40x128xf32, #tpu.memory_space<vmem>>, vector<16xf32>,
        %mul3A_487 = arith.mulf %get3A_483, %get3A_486 : vector<16xf32>
        %add3A_488 = arith.addf %add3A_480, %mul3A_487 : vector<16xf32>
        %get3A_489 = arith.index_cast %add3A_448 : i32 to index
        %get3A_490 = arith.constant 80 : index
        %get3A_491 = tpu.vector_load %arg15[%get3A_489, %get3A_490] {strides = array<i32>} : memref<40x128xf32, #tpu.memory_space<vmem>>, vector<16xf32>,
        %get3A_492 = arith.index_cast %add3A_448 : i32 to index
        %get3A_493 = arith.constant 80 : index
        %get3A_494 = tpu.vector_load %arg17[%get3A_492, %get3A_493] {strides = array<i32>} : memref<40x128xf32, #tpu.memory_space<vmem>>, vector<16xf32>,
        %mul3A_495 = arith.mulf %get3A_491, %get3A_494 : vector<16xf32>
        %add3A_496 = arith.addf %add3A_488, %mul3A_495 : vector<16xf32>
        %get3A_497 = arith.index_cast %add3A_448 : i32 to index
        %get3A_498 = arith.constant 96 : index
        %get3A_499 = tpu.vector_load %arg15[%get3A_497, %get3A_498] {strides = array<i32>} : memref<40x128xf32, #tpu.memory_space<vmem>>, vector<16xf32>,
        %get3A_500 = arith.index_cast %add3A_448 : i32 to index
        %get3A_501 = arith.constant 96 : index
        %get3A_502 = tpu.vector_load %arg17[%get3A_500, %get3A_501] {strides = array<i32>} : memref<40x128xf32, #tpu.memory_space<vmem>>, vector<16xf32>,
        %mul3A_503 = arith.mulf %get3A_499, %get3A_502 : vector<16xf32>
        %add3A_504 = arith.addf %add3A_496, %mul3A_503 : vector<16xf32>
        %get3A_505 = arith.index_cast %add3A_448 : i32 to index
        %get3A_506 = arith.constant 112 : index
        %get3A_507 = tpu.vector_load %arg15[%get3A_505, %get3A_506] {strides = array<i32>} : memref<40x128xf32, #tpu.memory_space<vmem>>, vector<16xf32>,
        %get3A_508 = arith.index_cast %add3A_448 : i32 to index
        %get3A_509 = arith.constant 112 : index
        %get3A_510 = tpu.vector_load %arg17[%get3A_508, %get3A_509] {strides = array<i32>} : memref<40x128xf32, #tpu.memory_space<vmem>>, vector<16xf32>,
        %mul3A_511 = arith.mulf %get3A_507, %get3A_510 : vector<16xf32>
        %add3A_512 = arith.addf %add3A_504, %mul3A_511 : vector<16xf32>
        %broadcast_in_dim3A_513 = arith.constant true
        %broadcast_in_dim3A_514 = vector.broadcast %broadcast_in_dim3A_513 : i1 to vector<16xi1>
        %masked_cumsum3A_515 = tpu.scan <sum>, %add3A_512 masked %broadcast_in_dim3A_514 : vector<16xf32>, vector<16xi1> -> vector<16xf32>
        %broadcast_in_dim3A_516 = vector.broadcast %add3A_448 : i32 to vector<16xi32>
        tpu.vector_store_idx %arg23[%broadcast_in_dim3A_516], %masked_cumsum3A_515 masked %eq3A_6 : memref<40xf32, #tpu.memory_space<vmem>>[vector<16xi32>], vector<16xf32>, vector<16xi1>
      }
      %scan3A_71 = arith.constant 10 : i32
      %get3A = arith.constant 0 : index
      %get3A_72 = tpu.vector_load %arg23[%get3A] {strides = array<i32>} : memref<40xf32, #tpu.memory_space<vmem>>, vector<16xf32>,
      %mul3A_73 = arith.constant 0.0883883461 : f32
      %mul3A_74 = vector.broadcast %mul3A_73 : f32 to vector<16xf32>
      %mul3A_75 = arith.mulf %get3A_72, %mul3A_74 : vector<16xf32>
      %exp3A = math.exp %mul3A_75 : vector<16xf32>
      %swap3A = arith.constant 0 : index
      %swap3A_76 = tpu.vector_load %arg23[%swap3A] {strides = array<i32>} : memref<40xf32, #tpu.memory_space<vmem>>, vector<16xf32>,
      tpu.vector_store %arg23[%swap3A], %exp3A {strides = array<i32>} : memref<40xf32, #tpu.memory_space<vmem>>, vector<16xf32>,
      %add3A_77 = arith.constant 0 : i32
      %add3A_78 = vector.broadcast %add3A_77 : i32 to vector<16xi32>
      %add3A_79 = arith.addi %add3A_78, %iota3A : vector<16xi32>
      tpu.vector_store_idx %arg21[%add3A_79, %broadcast_in_dim3A_8], %exp3A : memref<40x136xf32, #tpu.memory_space<vmem>>[vector<16xi32>, vector<16xi32>], vector<16xf32>,
      %get3A_80 = arith.constant 16 : index
      %get3A_81 = tpu.vector_load %arg23[%get3A_80] {strides = array<i32>} : memref<40xf32, #tpu.memory_space<vmem>>, vector<16xf32>,
      %mul3A_82 = arith.constant 0.0883883461 : f32
      %mul3A_83 = vector.broadcast %mul3A_82 : f32 to vector<16xf32>
      %mul3A_84 = arith.mulf %get3A_81, %mul3A_83 : vector<16xf32>
      %exp3A_85 = math.exp %mul3A_84 : vector<16xf32>
      %swap3A_86 = arith.constant 16 : index
      %swap3A_87 = tpu.vector_load %arg23[%swap3A_86] {strides = array<i32>} : memref<40xf32, #tpu.memory_space<vmem>>, vector<16xf32>,
      tpu.vector_store %arg23[%swap3A_86], %exp3A_85 {strides = array<i32>} : memref<40xf32, #tpu.memory_space<vmem>>, vector<16xf32>,
      %add3A_88 = arith.constant 16 : i32
      %add3A_89 = vector.broadcast %add3A_88 : i32 to vector<16xi32>
      %add3A_90 = arith.addi %add3A_89, %iota3A : vector<16xi32>
      tpu.vector_store_idx %arg21[%add3A_90, %broadcast_in_dim3A_8], %exp3A_85 : memref<40x136xf32, #tpu.memory_space<vmem>>[vector<16xi32>, vector<16xi32>], vector<16xf32>,
      %add3A_91 = arith.constant 32 : i32
      %add3A_92 = vector.broadcast %add3A_91 : i32 to vector<16xi32>
      %add3A_93 = arith.addi %add3A_92, %iota3A : vector<16xi32>
      %min3A = arith.constant 39 : i32
      %min3A_94 = vector.broadcast %min3A : i32 to vector<16xi32>
      %min3A_95 = arith.minsi %add3A_93, %min3A_94 : vector<16xi32>
      %add3A_96 = arith.constant 32 : i32
      %add3A_97 = vector.broadcast %add3A_96 : i32 to vector<16xi32>
      %add3A_98 = arith.addi %add3A_97, %iota3A : vector<16xi32>
      %lt3A = arith.constant 40 : i32
      %lt3A_99 = vector.broadcast %lt3A : i32 to vector<16xi32>
      %lt3A_100 = arith.cmpi slt, %add3A_98, %lt3A_99 : vector<16xi32>
      %gather3A = tpu.vector_load_idx %arg23[%min3A_95] : memref<40xf32, #tpu.memory_space<vmem>>[vector<16xi32>], vector<16xf32>,
      %mul3A_101 = arith.constant 0.0883883461 : f32
      %mul3A_102 = vector.broadcast %mul3A_101 : f32 to vector<16xf32>
      %mul3A_103 = arith.mulf %gather3A, %mul3A_102 : vector<16xf32>
      %exp3A_104 = math.exp %mul3A_103 : vector<16xf32>
      tpu.vector_store_idx %arg23[%min3A_95], %exp3A_104 masked %lt3A_100 : memref<40xf32, #tpu.memory_space<vmem>>[vector<16xi32>], vector<16xf32>, vector<16xi1>
      tpu.vector_store_idx %arg21[%min3A_95, %broadcast_in_dim3A_8], %exp3A_104 masked %lt3A_100 : memref<40x136xf32, #tpu.memory_space<vmem>>[vector<16xi32>, vector<16xi32>], vector<16xf32>, vector<16xi1>
      %scan3A_105 = arith.constant 0 : i32
      %scan3A_106 = arith.constant 0 : i32
      %scan3A_107 = arith.constant 20 : i32
      %scan3A_108 = arith.addi %scan3A_106, %scan3A_107 : i32
      %scan3A_109 = arith.constant 1 : i32
      scf.for %scan3A_229 = %scan3A_106 to %scan3A_108 step %scan3A_109  : i32 {
        %mul3A_230 = arith.constant 2 : i32
        %mul3A_231 = arith.muli %mul3A_230, %scan3A_229 : i32
        %add3A_232 = arith.constant 0 : i32
        %add3A_233 = arith.addi %mul3A_231, %add3A_232 : i32
        %broadcast_in_dim3A_234 = vector.broadcast %add3A_233 : i32 to vector<16xi32>
        %gather3A_235 = tpu.vector_load_idx %arg23[%broadcast_in_dim3A_234] : memref<40xf32, #tpu.memory_space<vmem>>[vector<16xi32>], vector<16xf32>,
        %get3A_236 = arith.index_cast %add3A_233 : i32 to index
        %get3A_237 = arith.constant 0 : index
        %get3A_238 = tpu.vector_load %arg19[%get3A_236, %get3A_237] {strides = array<i32>} : memref<40x136xf32, #tpu.memory_space<vmem>>, vector<16xf32>,
        %mul3A_239 = arith.mulf %get3A_238, %gather3A_235 : vector<16xf32>
        %swap3A_240 = arith.index_cast %add3A_233 : i32 to index
        %swap3A_241 = arith.constant 0 : index
        %swap3A_242 = tpu.vector_load %arg21[%swap3A_240, %swap3A_241] {strides = array<i32>} : memref<40x136xf32, #tpu.memory_space<vmem>>, vector<16xf32>,
        tpu.vector_store %arg21[%swap3A_240, %swap3A_241], %mul3A_239 {strides = array<i32>} : memref<40x136xf32, #tpu.memory_space<vmem>>, vector<16xf32>,
        %get3A_243 = arith.index_cast %add3A_233 : i32 to index
        %get3A_244 = arith.constant 16 : index
        %get3A_245 = tpu.vector_load %arg19[%get3A_243, %get3A_244] {strides = array<i32>} : memref<40x136xf32, #tpu.memory_space<vmem>>, vector<16xf32>,
        %mul3A_246 = arith.mulf %get3A_245, %gather3A_235 : vector<16xf32>
        %swap3A_247 = arith.index_cast %add3A_233 : i32 to index
        %swap3A_248 = arith.constant 16 : index
        %swap3A_249 = tpu.vector_load %arg21[%swap3A_247, %swap3A_248] {strides = array<i32>} : memref<40x136xf32, #tpu.memory_space<vmem>>, vector<16xf32>,
        tpu.vector_store %arg21[%swap3A_247, %swap3A_248], %mul3A_246 {strides = array<i32>} : memref<40x136xf32, #tpu.memory_space<vmem>>, vector<16xf32>,
        %get3A_250 = arith.index_cast %add3A_233 : i32 to index
        %get3A_251 = arith.constant 32 : index
        %get3A_252 = tpu.vector_load %arg19[%get3A_250, %get3A_251] {strides = array<i32>} : memref<40x136xf32, #tpu.memory_space<vmem>>, vector<16xf32>,
        %mul3A_253 = arith.mulf %get3A_252, %gather3A_235 : vector<16xf32>
        %swap3A_254 = arith.index_cast %add3A_233 : i32 to index
        %swap3A_255 = arith.constant 32 : index
        %swap3A_256 = tpu.vector_load %arg21[%swap3A_254, %swap3A_255] {strides = array<i32>} : memref<40x136xf32, #tpu.memory_space<vmem>>, vector<16xf32>,
        tpu.vector_store %arg21[%swap3A_254, %swap3A_255], %mul3A_253 {strides = array<i32>} : memref<40x136xf32, #tpu.memory_space<vmem>>, vector<16xf32>,
        %get3A_257 = arith.index_cast %add3A_233 : i32 to index
        %get3A_258 = arith.constant 48 : index
        %get3A_259 = tpu.vector_load %arg19[%get3A_257, %get3A_258] {strides = array<i32>} : memref<40x136xf32, #tpu.memory_space<vmem>>, vector<16xf32>,
        %mul3A_260 = arith.mulf %get3A_259, %gather3A_235 : vector<16xf32>
        %swap3A_261 = arith.index_cast %add3A_233 : i32 to index
        %swap3A_262 = arith.constant 48 : index
        %swap3A_263 = tpu.vector_load %arg21[%swap3A_261, %swap3A_262] {strides = array<i32>} : memref<40x136xf32, #tpu.memory_space<vmem>>, vector<16xf32>,
        tpu.vector_store %arg21[%swap3A_261, %swap3A_262], %mul3A_260 {strides = array<i32>} : memref<40x136xf32, #tpu.memory_space<vmem>>, vector<16xf32>,
        %get3A_264 = arith.index_cast %add3A_233 : i32 to index
        %get3A_265 = arith.constant 64 : index
        %get3A_266 = tpu.vector_load %arg19[%get3A_264, %get3A_265] {strides = array<i32>} : memref<40x136xf32, #tpu.memory_space<vmem>>, vector<16xf32>,
        %mul3A_267 = arith.mulf %get3A_266, %gather3A_235 : vector<16xf32>
        %swap3A_268 = arith.index_cast %add3A_233 : i32 to index
        %swap3A_269 = arith.constant 64 : index
        %swap3A_270 = tpu.vector_load %arg21[%swap3A_268, %swap3A_269] {strides = array<i32>} : memref<40x136xf32, #tpu.memory_space<vmem>>, vector<16xf32>,
        tpu.vector_store %arg21[%swap3A_268, %swap3A_269], %mul3A_267 {strides = array<i32>} : memref<40x136xf32, #tpu.memory_space<vmem>>, vector<16xf32>,
        %get3A_271 = arith.index_cast %add3A_233 : i32 to index
        %get3A_272 = arith.constant 80 : index
        %get3A_273 = tpu.vector_load %arg19[%get3A_271, %get3A_272] {strides = array<i32>} : memref<40x136xf32, #tpu.memory_space<vmem>>, vector<16xf32>,
        %mul3A_274 = arith.mulf %get3A_273, %gather3A_235 : vector<16xf32>
        %swap3A_275 = arith.index_cast %add3A_233 : i32 to index
        %swap3A_276 = arith.constant 80 : index
        %swap3A_277 = tpu.vector_load %arg21[%swap3A_275, %swap3A_276] {strides = array<i32>} : memref<40x136xf32, #tpu.memory_space<vmem>>, vector<16xf32>,
        tpu.vector_store %arg21[%swap3A_275, %swap3A_276], %mul3A_274 {strides = array<i32>} : memref<40x136xf32, #tpu.memory_space<vmem>>, vector<16xf32>,
        %get3A_278 = arith.index_cast %add3A_233 : i32 to index
        %get3A_279 = arith.constant 96 : index
        %get3A_280 = tpu.vector_load %arg19[%get3A_278, %get3A_279] {strides = array<i32>} : memref<40x136xf32, #tpu.memory_space<vmem>>, vector<16xf32>,
        %mul3A_281 = arith.mulf %get3A_280, %gather3A_235 : vector<16xf32>
        %swap3A_282 = arith.index_cast %add3A_233 : i32 to index
        %swap3A_283 = arith.constant 96 : index
        %swap3A_284 = tpu.vector_load %arg21[%swap3A_282, %swap3A_283] {strides = array<i32>} : memref<40x136xf32, #tpu.memory_space<vmem>>, vector<16xf32>,
        tpu.vector_store %arg21[%swap3A_282, %swap3A_283], %mul3A_281 {strides = array<i32>} : memref<40x136xf32, #tpu.memory_space<vmem>>, vector<16xf32>,
        %get3A_285 = arith.index_cast %add3A_233 : i32 to index
        %get3A_286 = arith.constant 112 : index
        %get3A_287 = tpu.vector_load %arg19[%get3A_285, %get3A_286] {strides = array<i32>} : memref<40x136xf32, #tpu.memory_space<vmem>>, vector<16xf32>,
        %mul3A_288 = arith.mulf %get3A_287, %gather3A_235 : vector<16xf32>
        %swap3A_289 = arith.index_cast %add3A_233 : i32 to index
        %swap3A_290 = arith.constant 112 : index
        %swap3A_291 = tpu.vector_load %arg21[%swap3A_289, %swap3A_290] {strides = array<i32>} : memref<40x136xf32, #tpu.memory_space<vmem>>, vector<16xf32>,
        tpu.vector_store %arg21[%swap3A_289, %swap3A_290], %mul3A_288 {strides = array<i32>} : memref<40x136xf32, #tpu.memory_space<vmem>>, vector<16xf32>,
        %mul3A_292 = arith.constant 2 : i32
        %mul3A_293 = arith.muli %mul3A_292, %scan3A_229 : i32
        %add3A_294 = arith.constant 1 : i32
        %add3A_295 = arith.addi %mul3A_293, %add3A_294 : i32
        %broadcast_in_dim3A_296 = vector.broadcast %add3A_295 : i32 to vector<16xi32>
        %gather3A_297 = tpu.vector_load_idx %arg23[%broadcast_in_dim3A_296] : memref<40xf32, #tpu.memory_space<vmem>>[vector<16xi32>], vector<16xf32>,
        %get3A_298 = arith.index_cast %add3A_295 : i32 to index
        %get3A_299 = arith.constant 0 : index
        %get3A_300 = tpu.vector_load %arg19[%get3A_298, %get3A_299] {strides = array<i32>} : memref<40x136xf32, #tpu.memory_space<vmem>>, vector<16xf32>,
        %mul3A_301 = arith.mulf %get3A_300, %gather3A_297 : vector<16xf32>
        %swap3A_302 = arith.index_cast %add3A_295 : i32 to index
        %swap3A_303 = arith.constant 0 : index
        %swap3A_304 = tpu.vector_load %arg21[%swap3A_302, %swap3A_303] {strides = array<i32>} : memref<40x136xf32, #tpu.memory_space<vmem>>, vector<16xf32>,
        tpu.vector_store %arg21[%swap3A_302, %swap3A_303], %mul3A_301 {strides = array<i32>} : memref<40x136xf32, #tpu.memory_space<vmem>>, vector<16xf32>,
        %get3A_305 = arith.index_cast %add3A_295 : i32 to index
        %get3A_306 = arith.constant 16 : index
        %get3A_307 = tpu.vector_load %arg19[%get3A_305, %get3A_306] {strides = array<i32>} : memref<40x136xf32, #tpu.memory_space<vmem>>, vector<16xf32>,
        %mul3A_308 = arith.mulf %get3A_307, %gather3A_297 : vector<16xf32>
        %swap3A_309 = arith.index_cast %add3A_295 : i32 to index
        %swap3A_310 = arith.constant 16 : index
        %swap3A_311 = tpu.vector_load %arg21[%swap3A_309, %swap3A_310] {strides = array<i32>} : memref<40x136xf32, #tpu.memory_space<vmem>>, vector<16xf32>,
        tpu.vector_store %arg21[%swap3A_309, %swap3A_310], %mul3A_308 {strides = array<i32>} : memref<40x136xf32, #tpu.memory_space<vmem>>, vector<16xf32>,
        %get3A_312 = arith.index_cast %add3A_295 : i32 to index
        %get3A_313 = arith.constant 32 : index
        %get3A_314 = tpu.vector_load %arg19[%get3A_312, %get3A_313] {strides = array<i32>} : memref<40x136xf32, #tpu.memory_space<vmem>>, vector<16xf32>,
        %mul3A_315 = arith.mulf %get3A_314, %gather3A_297 : vector<16xf32>
        %swap3A_316 = arith.index_cast %add3A_295 : i32 to index
        %swap3A_317 = arith.constant 32 : index
        %swap3A_318 = tpu.vector_load %arg21[%swap3A_316, %swap3A_317] {strides = array<i32>} : memref<40x136xf32, #tpu.memory_space<vmem>>, vector<16xf32>,
        tpu.vector_store %arg21[%swap3A_316, %swap3A_317], %mul3A_315 {strides = array<i32>} : memref<40x136xf32, #tpu.memory_space<vmem>>, vector<16xf32>,
        %get3A_319 = arith.index_cast %add3A_295 : i32 to index
        %get3A_320 = arith.constant 48 : index
        %get3A_321 = tpu.vector_load %arg19[%get3A_319, %get3A_320] {strides = array<i32>} : memref<40x136xf32, #tpu.memory_space<vmem>>, vector<16xf32>,
        %mul3A_322 = arith.mulf %get3A_321, %gather3A_297 : vector<16xf32>
        %swap3A_323 = arith.index_cast %add3A_295 : i32 to index
        %swap3A_324 = arith.constant 48 : index
        %swap3A_325 = tpu.vector_load %arg21[%swap3A_323, %swap3A_324] {strides = array<i32>} : memref<40x136xf32, #tpu.memory_space<vmem>>, vector<16xf32>,
        tpu.vector_store %arg21[%swap3A_323, %swap3A_324], %mul3A_322 {strides = array<i32>} : memref<40x136xf32, #tpu.memory_space<vmem>>, vector<16xf32>,
        %get3A_326 = arith.index_cast %add3A_295 : i32 to index
        %get3A_327 = arith.constant 64 : index
        %get3A_328 = tpu.vector_load %arg19[%get3A_326, %get3A_327] {strides = array<i32>} : memref<40x136xf32, #tpu.memory_space<vmem>>, vector<16xf32>,
        %mul3A_329 = arith.mulf %get3A_328, %gather3A_297 : vector<16xf32>
        %swap3A_330 = arith.index_cast %add3A_295 : i32 to index
        %swap3A_331 = arith.constant 64 : index
        %swap3A_332 = tpu.vector_load %arg21[%swap3A_330, %swap3A_331] {strides = array<i32>} : memref<40x136xf32, #tpu.memory_space<vmem>>, vector<16xf32>,
        tpu.vector_store %arg21[%swap3A_330, %swap3A_331], %mul3A_329 {strides = array<i32>} : memref<40x136xf32, #tpu.memory_space<vmem>>, vector<16xf32>,
        %get3A_333 = arith.index_cast %add3A_295 : i32 to index
        %get3A_334 = arith.constant 80 : index
        %get3A_335 = tpu.vector_load %arg19[%get3A_333, %get3A_334] {strides = array<i32>} : memref<40x136xf32, #tpu.memory_space<vmem>>, vector<16xf32>,
        %mul3A_336 = arith.mulf %get3A_335, %gather3A_297 : vector<16xf32>
        %swap3A_337 = arith.index_cast %add3A_295 : i32 to index
        %swap3A_338 = arith.constant 80 : index
        %swap3A_339 = tpu.vector_load %arg21[%swap3A_337, %swap3A_338] {strides = array<i32>} : memref<40x136xf32, #tpu.memory_space<vmem>>, vector<16xf32>,
        tpu.vector_store %arg21[%swap3A_337, %swap3A_338], %mul3A_336 {strides = array<i32>} : memref<40x136xf32, #tpu.memory_space<vmem>>, vector<16xf32>,
        %get3A_340 = arith.index_cast %add3A_295 : i32 to index
        %get3A_341 = arith.constant 96 : index
        %get3A_342 = tpu.vector_load %arg19[%get3A_340, %get3A_341] {strides = array<i32>} : memref<40x136xf32, #tpu.memory_space<vmem>>, vector<16xf32>,
        %mul3A_343 = arith.mulf %get3A_342, %gather3A_297 : vector<16xf32>
        %swap3A_344 = arith.index_cast %add3A_295 : i32 to index
        %swap3A_345 = arith.constant 96 : index
        %swap3A_346 = tpu.vector_load %arg21[%swap3A_344, %swap3A_345] {strides = array<i32>} : memref<40x136xf32, #tpu.memory_space<vmem>>, vector<16xf32>,
        tpu.vector_store %arg21[%swap3A_344, %swap3A_345], %mul3A_343 {strides = array<i32>} : memref<40x136xf32, #tpu.memory_space<vmem>>, vector<16xf32>,
        %get3A_347 = arith.index_cast %add3A_295 : i32 to index
        %get3A_348 = arith.constant 112 : index
        %get3A_349 = tpu.vector_load %arg19[%get3A_347, %get3A_348] {strides = array<i32>} : memref<40x136xf32, #tpu.memory_space<vmem>>, vector<16xf32>,
        %mul3A_350 = arith.mulf %get3A_349, %gather3A_297 : vector<16xf32>
        %swap3A_351 = arith.index_cast %add3A_295 : i32 to index
        %swap3A_352 = arith.constant 112 : index
        %swap3A_353 = tpu.vector_load %arg21[%swap3A_351, %swap3A_352] {strides = array<i32>} : memref<40x136xf32, #tpu.memory_space<vmem>>, vector<16xf32>,
        tpu.vector_store %arg21[%swap3A_351, %swap3A_352], %mul3A_350 {strides = array<i32>} : memref<40x136xf32, #tpu.memory_space<vmem>>, vector<16xf32>,
      }
      %scan3A_110 = arith.constant 20 : i32
      %get3A_111 = arith.constant 0 : index
      %get3A_112 = tpu.vector_load %arg11[%get3A_111] {strides = array<i32>} : memref<40xi32, #tpu.memory_space<vmem>>, vector<16xi32>,
      %swap3A_113 = arith.constant 0 : index
      %swap3A_114 = tpu.vector_load %arg13[%swap3A_113] {strides = array<i32>} : memref<40xi32, #tpu.memory_space<vmem>>, vector<16xi32>,
      tpu.vector_store %arg13[%swap3A_113], %get3A_112 {strides = array<i32>} : memref<40xi32, #tpu.memory_space<vmem>>, vector<16xi32>,
      %get3A_115 = arith.constant 16 : index
      %get3A_116 = tpu.vector_load %arg11[%get3A_115] {strides = array<i32>} : memref<40xi32, #tpu.memory_space<vmem>>, vector<16xi32>,
      %swap3A_117 = arith.constant 16 : index
      %swap3A_118 = tpu.vector_load %arg13[%swap3A_117] {strides = array<i32>} : memref<40xi32, #tpu.memory_space<vmem>>, vector<16xi32>,
      tpu.vector_store %arg13[%swap3A_117], %get3A_116 {strides = array<i32>} : memref<40xi32, #tpu.memory_space<vmem>>, vector<16xi32>,
      %get3A_119 = arith.constant 24 : index
      %get3A_120 = tpu.vector_load %arg11[%get3A_119] {strides = array<i32>} : memref<40xi32, #tpu.memory_space<vmem>>, vector<16xi32>,
      %add3A_121 = arith.constant 24 : i32
      %add3A_122 = vector.broadcast %add3A_121 : i32 to vector<16xi32>
      %add3A_123 = arith.addi %add3A_122, %iota3A : vector<16xi32>
      %ge3A_124 = arith.constant 8 : i32
      %ge3A_125 = vector.broadcast %ge3A_124 : i32 to vector<16xi32>
      %ge3A_126 = arith.cmpi sge, %iota3A, %ge3A_125 : vector<16xi32>
      tpu.vector_store_idx %arg13[%add3A_123], %get3A_120 masked %ge3A_126 : memref<40xi32, #tpu.memory_space<vmem>>[vector<16xi32>], vector<16xi32>, vector<16xi1>
      %dma_start3A_127 = arith.constant 0 : i32
      %dma_start3A_128 = arith.constant 0 : i32
      %dma_start3A_129 = tpu.memref_slice %arg25[%dma_start3A_127, %dma_start3A_128] : memref<10000x136xf32, #tpu.memory_space<vmem_shared>> -> memref<10000x136xf32, #tpu.memory_space<vmem_shared>>
      tpu.enqueue_indirect_dma source(%arg21 : memref<40x136xf32, #tpu.memory_space<vmem>>) target(%dma_start3A_129 : memref<10000x136xf32, #tpu.memory_space<vmem_shared>>) offsets(%arg13 : memref<40xi32, #tpu.memory_space<vmem>>) semaphore(%arg28 : memref<!tpu.dma_semaphore, #tpu.memory_space<semaphore_mem>>) {add = true}
      %lt3A_130 = arith.constant 124 : i32
      %lt3A_131 = arith.cmpi slt, %scan3A_40, %lt3A_130 : i32
      %convert_element_type3A_132 = arith.extui %lt3A_131 : i1 to i32
      %cond3A_133 = arith.constant 0 : i32
      %cond3A_134 = arith.cmpi ne, %convert_element_type3A_132, %cond3A_133 : i32
      scf.if %cond3A_134 {
        %mul3A_229 = arith.constant 2 : i32
        %mul3A_230 = arith.muli %mul3A_229, %scan3A_40 : i32
        %add3A_231 = arith.constant 2 : i32
        %add3A_232 = arith.addi %mul3A_230, %add3A_231 : i32
        %mul3A_233 = arith.constant 40 : i32
        %mul3A_234 = arith.muli %add3A_232, %mul3A_233 : i32
        %add3A_235 = arith.addi %mul3A_10, %mul3A_234 : i32
        %dma_start3A_236 = tpu.memref_slice %arg2[%add3A_235] : memref<320000xi32, #tpu.memory_space<hbm>> -> memref<40xi32, #tpu.memory_space<hbm>>
        %dma_start3A_237 = tpu.memref_slice %arg2[%add3A_235] : memref<320000xi32, #tpu.memory_space<hbm>> -> memref<40xi32, #tpu.memory_space<hbm>>
        tpu.enqueue_dma source(%dma_start3A_237 : memref<40xi32, #tpu.memory_space<hbm>>) target(%arg9 : memref<40xi32, #tpu.memory_space<vmem>>) target_semaphore(%arg30 : memref<!tpu.dma_semaphore, #tpu.memory_space<semaphore_mem>>)
        %mul3A_238 = arith.constant 40 : i32
        %mul3A_239 = arith.muli %add3A_232, %mul3A_238 : i32
        %add3A_240 = arith.addi %mul3A_10, %mul3A_239 : i32
        %dma_start3A_241 = tpu.memref_slice %arg3[%add3A_240] : memref<320000xi32, #tpu.memory_space<hbm>> -> memref<40xi32, #tpu.memory_space<hbm>>
        %dma_start3A_242 = tpu.memref_slice %arg3[%add3A_240] : memref<320000xi32, #tpu.memory_space<hbm>> -> memref<40xi32, #tpu.memory_space<hbm>>
        tpu.enqueue_dma source(%dma_start3A_242 : memref<40xi32, #tpu.memory_space<hbm>>) target(%arg11 : memref<40xi32, #tpu.memory_space<vmem>>) target_semaphore(%arg30 : memref<!tpu.dma_semaphore, #tpu.memory_space<semaphore_mem>>)
      } else {
      }
      %dma_wait3A_135 = arith.constant 0 : i32
      %dma_wait3A_136 = arith.constant 0 : i32
      %dma_wait3A_137 = tpu.memref_slice %arg5[%dma_wait3A_135, %dma_wait3A_136] : memref<10000x128xf32, #tpu.memory_space<hbm>> -> memref<10000x128xf32, #tpu.memory_space<hbm>>
      tpu.wait_indirect_dma semaphore(%arg27 : memref<!tpu.dma_semaphore, #tpu.memory_space<semaphore_mem>>) src(%dma_wait3A_137 : memref<10000x128xf32, #tpu.memory_space<hbm>>) dst(%arg16 : memref<40x128xf32, #tpu.memory_space<vmem>>)
      %dma_wait3A_138 = arith.constant 0 : i32
      %dma_wait3A_139 = arith.constant 0 : i32
      %dma_wait3A_140 = tpu.memref_slice %arg6[%dma_wait3A_138, %dma_wait3A_139] : memref<10000x128xf32, #tpu.memory_space<hbm>> -> memref<10000x128xf32, #tpu.memory_space<hbm>>
      tpu.wait_indirect_dma semaphore(%arg27 : memref<!tpu.dma_semaphore, #tpu.memory_space<semaphore_mem>>) src(%dma_wait3A_140 : memref<10000x128xf32, #tpu.memory_space<hbm>>) dst(%arg18 : memref<40x128xf32, #tpu.memory_space<vmem>>)
      %dma_wait3A_141 = arith.constant 0 : i32
      %dma_wait3A_142 = arith.constant 0 : i32
      %dma_wait3A_143 = tpu.memref_slice %arg7[%dma_wait3A_141, %dma_wait3A_142] : memref<10000x136xf32, #tpu.memory_space<hbm>> -> memref<10000x136xf32, #tpu.memory_space<hbm>>
      tpu.wait_indirect_dma semaphore(%arg27 : memref<!tpu.dma_semaphore, #tpu.memory_space<semaphore_mem>>) src(%dma_wait3A_143 : memref<10000x136xf32, #tpu.memory_space<hbm>>) dst(%arg20 : memref<40x136xf32, #tpu.memory_space<vmem>>)
      %lt3A_144 = arith.constant 124 : i32
      %lt3A_145 = arith.cmpi slt, %scan3A_40, %lt3A_144 : i32
      %convert_element_type3A_146 = arith.extui %lt3A_145 : i1 to i32
      %cond3A_147 = arith.constant 0 : i32
      %cond3A_148 = arith.cmpi ne, %convert_element_type3A_146, %cond3A_147 : i32
      scf.if %cond3A_148 {
        %dma_wait3A_229 = arith.constant 0 : i32
        %dma_wait3A_230 = tpu.memref_slice %arg2[%dma_wait3A_229] : memref<320000xi32, #tpu.memory_space<hbm>> -> memref<40xi32, #tpu.memory_space<hbm>>
        %dma_wait3A_231 = arith.constant 0 : i32
        %dma_wait3A_232 = tpu.memref_slice %arg2[%dma_wait3A_231] : memref<320000xi32, #tpu.memory_space<hbm>> -> memref<40xi32, #tpu.memory_space<hbm>>
        tpu.wait_dma2 semaphore(%arg30 : memref<!tpu.dma_semaphore, #tpu.memory_space<semaphore_mem>>) src(%dma_wait3A_232 : memref<40xi32, #tpu.memory_space<hbm>>) dst(%arg9 : memref<40xi32, #tpu.memory_space<vmem>>)
        %dma_wait3A_233 = arith.constant 0 : i32
        %dma_wait3A_234 = tpu.memref_slice %arg3[%dma_wait3A_233] : memref<320000xi32, #tpu.memory_space<hbm>> -> memref<40xi32, #tpu.memory_space<hbm>>
        %dma_wait3A_235 = arith.constant 0 : i32
        %dma_wait3A_236 = tpu.memref_slice %arg3[%dma_wait3A_235] : memref<320000xi32, #tpu.memory_space<hbm>> -> memref<40xi32, #tpu.memory_space<hbm>>
        tpu.wait_dma2 semaphore(%arg30 : memref<!tpu.dma_semaphore, #tpu.memory_space<semaphore_mem>>) src(%dma_wait3A_236 : memref<40xi32, #tpu.memory_space<hbm>>) dst(%arg11 : memref<40xi32, #tpu.memory_space<vmem>>)
        %dma_start3A_237 = arith.constant 0 : i32
        %dma_start3A_238 = arith.constant 0 : i32
        %dma_start3A_239 = tpu.memref_slice %arg5[%dma_start3A_237, %dma_start3A_238] : memref<10000x128xf32, #tpu.memory_space<hbm>> -> memref<10000x128xf32, #tpu.memory_space<hbm>>
        tpu.enqueue_indirect_dma source(%dma_start3A_239 : memref<10000x128xf32, #tpu.memory_space<hbm>>) target(%arg15 : memref<40x128xf32, #tpu.memory_space<vmem>>) offsets(%arg11 : memref<40xi32, #tpu.memory_space<vmem>>) semaphore(%arg26 : memref<!tpu.dma_semaphore, #tpu.memory_space<semaphore_mem>>)
        %dma_start3A_240 = arith.constant 0 : i32
        %dma_start3A_241 = arith.constant 0 : i32
        %dma_start3A_242 = tpu.memref_slice %arg6[%dma_start3A_240, %dma_start3A_241] : memref<10000x128xf32, #tpu.memory_space<hbm>> -> memref<10000x128xf32, #tpu.memory_space<hbm>>
        tpu.enqueue_indirect_dma source(%dma_start3A_242 : memref<10000x128xf32, #tpu.memory_space<hbm>>) target(%arg17 : memref<40x128xf32, #tpu.memory_space<vmem>>) offsets(%arg9 : memref<40xi32, #tpu.memory_space<vmem>>) semaphore(%arg26 : memref<!tpu.dma_semaphore, #tpu.memory_space<semaphore_mem>>)
        %dma_start3A_243 = arith.constant 0 : i32
        %dma_start3A_244 = arith.constant 0 : i32
        %dma_start3A_245 = tpu.memref_slice %arg7[%dma_start3A_243, %dma_start3A_244] : memref<10000x136xf32, #tpu.memory_space<hbm>> -> memref<10000x136xf32, #tpu.memory_space<hbm>>
        tpu.enqueue_indirect_dma source(%dma_start3A_245 : memref<10000x136xf32, #tpu.memory_space<hbm>>) target(%arg19 : memref<40x136xf32, #tpu.memory_space<vmem>>) offsets(%arg9 : memref<40xi32, #tpu.memory_space<vmem>>) semaphore(%arg26 : memref<!tpu.dma_semaphore, #tpu.memory_space<semaphore_mem>>)
      } else {
      }
      %ge3A_149 = arith.constant 1 : i32
      %ge3A_150 = arith.cmpi sge, %scan3A_40, %ge3A_149 : i32
      %convert_element_type3A_151 = arith.extui %ge3A_150 : i1 to i32
      %cond3A_152 = arith.constant 0 : i32
      %cond3A_153 = arith.cmpi ne, %convert_element_type3A_151, %cond3A_152 : i32
      scf.if %cond3A_153 {
        %dma_wait3A_229 = arith.constant 0 : i32
        %dma_wait3A_230 = arith.constant 0 : i32
        %dma_wait3A_231 = tpu.memref_slice %arg25[%dma_wait3A_229, %dma_wait3A_230] : memref<10000x136xf32, #tpu.memory_space<vmem_shared>> -> memref<10000x136xf32, #tpu.memory_space<vmem_shared>>
        tpu.wait_indirect_dma semaphore(%arg29 : memref<!tpu.dma_semaphore, #tpu.memory_space<semaphore_mem>>) src(%arg22 : memref<40x136xf32, #tpu.memory_space<vmem>>) dst(%dma_wait3A_231 : memref<10000x136xf32, #tpu.memory_space<vmem_shared>>)
      } else {
      }
      %scan3A_154 = arith.constant 0 : i32
      %scan3A_155 = arith.constant 0 : i32
      %scan3A_156 = arith.constant 10 : i32
      %scan3A_157 = arith.addi %scan3A_155, %scan3A_156 : i32
      %scan3A_158 = arith.constant 1 : i32
      scf.for %scan3A_229 = %scan3A_155 to %scan3A_157 step %scan3A_158  : i32 {
        %mul3A_230 = arith.constant 4 : i32
        %mul3A_231 = arith.muli %mul3A_230, %scan3A_229 : i32
        %add3A_232 = arith.constant 0 : i32
        %add3A_233 = arith.addi %mul3A_231, %add3A_232 : i32
        %get3A_234 = arith.index_cast %add3A_233 : i32 to index
        %get3A_235 = arith.constant 0 : index
        %get3A_236 = tpu.vector_load %arg16[%get3A_234, %get3A_235] {strides = array<i32>} : memref<40x128xf32, #tpu.memory_space<vmem>>, vector<16xf32>,
        %get3A_237 = arith.index_cast %add3A_233 : i32 to index
        %get3A_238 = arith.constant 0 : index
        %get3A_239 = tpu.vector_load %arg18[%get3A_237, %get3A_238] {strides = array<i32>} : memref<40x128xf32, #tpu.memory_space<vmem>>, vector<16xf32>,
        %mul3A_240 = arith.mulf %get3A_236, %get3A_239 : vector<16xf32>
        %add3A_241 = arith.addf %broadcast_in_dim3A_1, %mul3A_240 : vector<16xf32>
        %get3A_242 = arith.index_cast %add3A_233 : i32 to index
        %get3A_243 = arith.constant 16 : index
        %get3A_244 = tpu.vector_load %arg16[%get3A_242, %get3A_243] {strides = array<i32>} : memref<40x128xf32, #tpu.memory_space<vmem>>, vector<16xf32>,
        %get3A_245 = arith.index_cast %add3A_233 : i32 to index
        %get3A_246 = arith.constant 16 : index
        %get3A_247 = tpu.vector_load %arg18[%get3A_245, %get3A_246] {strides = array<i32>} : memref<40x128xf32, #tpu.memory_space<vmem>>, vector<16xf32>,
        %mul3A_248 = arith.mulf %get3A_244, %get3A_247 : vector<16xf32>
        %add3A_249 = arith.addf %add3A_241, %mul3A_248 : vector<16xf32>
        %get3A_250 = arith.index_cast %add3A_233 : i32 to index
        %get3A_251 = arith.constant 32 : index
        %get3A_252 = tpu.vector_load %arg16[%get3A_250, %get3A_251] {strides = array<i32>} : memref<40x128xf32, #tpu.memory_space<vmem>>, vector<16xf32>,
        %get3A_253 = arith.index_cast %add3A_233 : i32 to index
        %get3A_254 = arith.constant 32 : index
        %get3A_255 = tpu.vector_load %arg18[%get3A_253, %get3A_254] {strides = array<i32>} : memref<40x128xf32, #tpu.memory_space<vmem>>, vector<16xf32>,
        %mul3A_256 = arith.mulf %get3A_252, %get3A_255 : vector<16xf32>
        %add3A_257 = arith.addf %add3A_249, %mul3A_256 : vector<16xf32>
        %get3A_258 = arith.index_cast %add3A_233 : i32 to index
        %get3A_259 = arith.constant 48 : index
        %get3A_260 = tpu.vector_load %arg16[%get3A_258, %get3A_259] {strides = array<i32>} : memref<40x128xf32, #tpu.memory_space<vmem>>, vector<16xf32>,
        %get3A_261 = arith.index_cast %add3A_233 : i32 to index
        %get3A_262 = arith.constant 48 : index
        %get3A_263 = tpu.vector_load %arg18[%get3A_261, %get3A_262] {strides = array<i32>} : memref<40x128xf32, #tpu.memory_space<vmem>>, vector<16xf32>,
        %mul3A_264 = arith.mulf %get3A_260, %get3A_263 : vector<16xf32>
        %add3A_265 = arith.addf %add3A_257, %mul3A_264 : vector<16xf32>
        %get3A_266 = arith.index_cast %add3A_233 : i32 to index
        %get3A_267 = arith.constant 64 : index
        %get3A_268 = tpu.vector_load %arg16[%get3A_266, %get3A_267] {strides = array<i32>} : memref<40x128xf32, #tpu.memory_space<vmem>>, vector<16xf32>,
        %get3A_269 = arith.index_cast %add3A_233 : i32 to index
        %get3A_270 = arith.constant 64 : index
        %get3A_271 = tpu.vector_load %arg18[%get3A_269, %get3A_270] {strides = array<i32>} : memref<40x128xf32, #tpu.memory_space<vmem>>, vector<16xf32>,
        %mul3A_272 = arith.mulf %get3A_268, %get3A_271 : vector<16xf32>
        %add3A_273 = arith.addf %add3A_265, %mul3A_272 : vector<16xf32>
        %get3A_274 = arith.index_cast %add3A_233 : i32 to index
        %get3A_275 = arith.constant 80 : index
        %get3A_276 = tpu.vector_load %arg16[%get3A_274, %get3A_275] {strides = array<i32>} : memref<40x128xf32, #tpu.memory_space<vmem>>, vector<16xf32>,
        %get3A_277 = arith.index_cast %add3A_233 : i32 to index
        %get3A_278 = arith.constant 80 : index
        %get3A_279 = tpu.vector_load %arg18[%get3A_277, %get3A_278] {strides = array<i32>} : memref<40x128xf32, #tpu.memory_space<vmem>>, vector<16xf32>,
        %mul3A_280 = arith.mulf %get3A_276, %get3A_279 : vector<16xf32>
        %add3A_281 = arith.addf %add3A_273, %mul3A_280 : vector<16xf32>
        %get3A_282 = arith.index_cast %add3A_233 : i32 to index
        %get3A_283 = arith.constant 96 : index
        %get3A_284 = tpu.vector_load %arg16[%get3A_282, %get3A_283] {strides = array<i32>} : memref<40x128xf32, #tpu.memory_space<vmem>>, vector<16xf32>,
        %get3A_285 = arith.index_cast %add3A_233 : i32 to index
        %get3A_286 = arith.constant 96 : index
        %get3A_287 = tpu.vector_load %arg18[%get3A_285, %get3A_286] {strides = array<i32>} : memref<40x128xf32, #tpu.memory_space<vmem>>, vector<16xf32>,
        %mul3A_288 = arith.mulf %get3A_284, %get3A_287 : vector<16xf32>
        %add3A_289 = arith.addf %add3A_281, %mul3A_288 : vector<16xf32>
        %get3A_290 = arith.index_cast %add3A_233 : i32 to index
        %get3A_291 = arith.constant 112 : index
        %get3A_292 = tpu.vector_load %arg16[%get3A_290, %get3A_291] {strides = array<i32>} : memref<40x128xf32, #tpu.memory_space<vmem>>, vector<16xf32>,
        %get3A_293 = arith.index_cast %add3A_233 : i32 to index
        %get3A_294 = arith.constant 112 : index
        %get3A_295 = tpu.vector_load %arg18[%get3A_293, %get3A_294] {strides = array<i32>} : memref<40x128xf32, #tpu.memory_space<vmem>>, vector<16xf32>,
        %mul3A_296 = arith.mulf %get3A_292, %get3A_295 : vector<16xf32>
        %add3A_297 = arith.addf %add3A_289, %mul3A_296 : vector<16xf32>
        %broadcast_in_dim3A_298 = arith.constant true
        %broadcast_in_dim3A_299 = vector.broadcast %broadcast_in_dim3A_298 : i1 to vector<16xi1>
        %masked_cumsum3A = tpu.scan <sum>, %add3A_297 masked %broadcast_in_dim3A_299 : vector<16xf32>, vector<16xi1> -> vector<16xf32>
        %broadcast_in_dim3A_300 = vector.broadcast %add3A_233 : i32 to vector<16xi32>
        tpu.vector_store_idx %arg24[%broadcast_in_dim3A_300], %masked_cumsum3A masked %eq3A_6 : memref<40xf32, #tpu.memory_space<vmem>>[vector<16xi32>], vector<16xf32>, vector<16xi1>
        %mul3A_301 = arith.constant 4 : i32
        %mul3A_302 = arith.muli %mul3A_301, %scan3A_229 : i32
        %add3A_303 = arith.constant 1 : i32
        %add3A_304 = arith.addi %mul3A_302, %add3A_303 : i32
        %get3A_305 = arith.index_cast %add3A_304 : i32 to index
        %get3A_306 = arith.constant 0 : index
        %get3A_307 = tpu.vector_load %arg16[%get3A_305, %get3A_306] {strides = array<i32>} : memref<40x128xf32, #tpu.memory_space<vmem>>, vector<16xf32>,
        %get3A_308 = arith.index_cast %add3A_304 : i32 to index
        %get3A_309 = arith.constant 0 : index
        %get3A_310 = tpu.vector_load %arg18[%get3A_308, %get3A_309] {strides = array<i32>} : memref<40x128xf32, #tpu.memory_space<vmem>>, vector<16xf32>,
        %mul3A_311 = arith.mulf %get3A_307, %get3A_310 : vector<16xf32>
        %add3A_312 = arith.addf %broadcast_in_dim3A_1, %mul3A_311 : vector<16xf32>
        %get3A_313 = arith.index_cast %add3A_304 : i32 to index
        %get3A_314 = arith.constant 16 : index
        %get3A_315 = tpu.vector_load %arg16[%get3A_313, %get3A_314] {strides = array<i32>} : memref<40x128xf32, #tpu.memory_space<vmem>>, vector<16xf32>,
        %get3A_316 = arith.index_cast %add3A_304 : i32 to index
        %get3A_317 = arith.constant 16 : index
        %get3A_318 = tpu.vector_load %arg18[%get3A_316, %get3A_317] {strides = array<i32>} : memref<40x128xf32, #tpu.memory_space<vmem>>, vector<16xf32>,
        %mul3A_319 = arith.mulf %get3A_315, %get3A_318 : vector<16xf32>
        %add3A_320 = arith.addf %add3A_312, %mul3A_319 : vector<16xf32>
        %get3A_321 = arith.index_cast %add3A_304 : i32 to index
        %get3A_322 = arith.constant 32 : index
        %get3A_323 = tpu.vector_load %arg16[%get3A_321, %get3A_322] {strides = array<i32>} : memref<40x128xf32, #tpu.memory_space<vmem>>, vector<16xf32>,
        %get3A_324 = arith.index_cast %add3A_304 : i32 to index
        %get3A_325 = arith.constant 32 : index
        %get3A_326 = tpu.vector_load %arg18[%get3A_324, %get3A_325] {strides = array<i32>} : memref<40x128xf32, #tpu.memory_space<vmem>>, vector<16xf32>,
        %mul3A_327 = arith.mulf %get3A_323, %get3A_326 : vector<16xf32>
        %add3A_328 = arith.addf %add3A_320, %mul3A_327 : vector<16xf32>
        %get3A_329 = arith.index_cast %add3A_304 : i32 to index
        %get3A_330 = arith.constant 48 : index
        %get3A_331 = tpu.vector_load %arg16[%get3A_329, %get3A_330] {strides = array<i32>} : memref<40x128xf32, #tpu.memory_space<vmem>>, vector<16xf32>,
        %get3A_332 = arith.index_cast %add3A_304 : i32 to index
        %get3A_333 = arith.constant 48 : index
        %get3A_334 = tpu.vector_load %arg18[%get3A_332, %get3A_333] {strides = array<i32>} : memref<40x128xf32, #tpu.memory_space<vmem>>, vector<16xf32>,
        %mul3A_335 = arith.mulf %get3A_331, %get3A_334 : vector<16xf32>
        %add3A_336 = arith.addf %add3A_328, %mul3A_335 : vector<16xf32>
        %get3A_337 = arith.index_cast %add3A_304 : i32 to index
        %get3A_338 = arith.constant 64 : index
        %get3A_339 = tpu.vector_load %arg16[%get3A_337, %get3A_338] {strides = array<i32>} : memref<40x128xf32, #tpu.memory_space<vmem>>, vector<16xf32>,
        %get3A_340 = arith.index_cast %add3A_304 : i32 to index
        %get3A_341 = arith.constant 64 : index
        %get3A_342 = tpu.vector_load %arg18[%get3A_340, %get3A_341] {strides = array<i32>} : memref<40x128xf32, #tpu.memory_space<vmem>>, vector<16xf32>,
        %mul3A_343 = arith.mulf %get3A_339, %get3A_342 : vector<16xf32>
        %add3A_344 = arith.addf %add3A_336, %mul3A_343 : vector<16xf32>
        %get3A_345 = arith.index_cast %add3A_304 : i32 to index
        %get3A_346 = arith.constant 80 : index
        %get3A_347 = tpu.vector_load %arg16[%get3A_345, %get3A_346] {strides = array<i32>} : memref<40x128xf32, #tpu.memory_space<vmem>>, vector<16xf32>,
        %get3A_348 = arith.index_cast %add3A_304 : i32 to index
        %get3A_349 = arith.constant 80 : index
        %get3A_350 = tpu.vector_load %arg18[%get3A_348, %get3A_349] {strides = array<i32>} : memref<40x128xf32, #tpu.memory_space<vmem>>, vector<16xf32>,
        %mul3A_351 = arith.mulf %get3A_347, %get3A_350 : vector<16xf32>
        %add3A_352 = arith.addf %add3A_344, %mul3A_351 : vector<16xf32>
        %get3A_353 = arith.index_cast %add3A_304 : i32 to index
        %get3A_354 = arith.constant 96 : index
        %get3A_355 = tpu.vector_load %arg16[%get3A_353, %get3A_354] {strides = array<i32>} : memref<40x128xf32, #tpu.memory_space<vmem>>, vector<16xf32>,
        %get3A_356 = arith.index_cast %add3A_304 : i32 to index
        %get3A_357 = arith.constant 96 : index
        %get3A_358 = tpu.vector_load %arg18[%get3A_356, %get3A_357] {strides = array<i32>} : memref<40x128xf32, #tpu.memory_space<vmem>>, vector<16xf32>,
        %mul3A_359 = arith.mulf %get3A_355, %get3A_358 : vector<16xf32>
        %add3A_360 = arith.addf %add3A_352, %mul3A_359 : vector<16xf32>
        %get3A_361 = arith.index_cast %add3A_304 : i32 to index
        %get3A_362 = arith.constant 112 : index
        %get3A_363 = tpu.vector_load %arg16[%get3A_361, %get3A_362] {strides = array<i32>} : memref<40x128xf32, #tpu.memory_space<vmem>>, vector<16xf32>,
        %get3A_364 = arith.index_cast %add3A_304 : i32 to index
        %get3A_365 = arith.constant 112 : index
        %get3A_366 = tpu.vector_load %arg18[%get3A_364, %get3A_365] {strides = array<i32>} : memref<40x128xf32, #tpu.memory_space<vmem>>, vector<16xf32>,
        %mul3A_367 = arith.mulf %get3A_363, %get3A_366 : vector<16xf32>
        %add3A_368 = arith.addf %add3A_360, %mul3A_367 : vector<16xf32>
        %broadcast_in_dim3A_369 = arith.constant true
        %broadcast_in_dim3A_370 = vector.broadcast %broadcast_in_dim3A_369 : i1 to vector<16xi1>
        %masked_cumsum3A_371 = tpu.scan <sum>, %add3A_368 masked %broadcast_in_dim3A_370 : vector<16xf32>, vector<16xi1> -> vector<16xf32>
        %broadcast_in_dim3A_372 = vector.broadcast %add3A_304 : i32 to vector<16xi32>
        tpu.vector_store_idx %arg24[%broadcast_in_dim3A_372], %masked_cumsum3A_371 masked %eq3A_6 : memref<40xf32, #tpu.memory_space<vmem>>[vector<16xi32>], vector<16xf32>, vector<16xi1>
        %mul3A_373 = arith.constant 4 : i32
        %mul3A_374 = arith.muli %mul3A_373, %scan3A_229 : i32
        %add3A_375 = arith.constant 2 : i32
        %add3A_376 = arith.addi %mul3A_374, %add3A_375 : i32
        %get3A_377 = arith.index_cast %add3A_376 : i32 to index
        %get3A_378 = arith.constant 0 : index
        %get3A_379 = tpu.vector_load %arg16[%get3A_377, %get3A_378] {strides = array<i32>} : memref<40x128xf32, #tpu.memory_space<vmem>>, vector<16xf32>,
        %get3A_380 = arith.index_cast %add3A_376 : i32 to index
        %get3A_381 = arith.constant 0 : index
        %get3A_382 = tpu.vector_load %arg18[%get3A_380, %get3A_381] {strides = array<i32>} : memref<40x128xf32, #tpu.memory_space<vmem>>, vector<16xf32>,
        %mul3A_383 = arith.mulf %get3A_379, %get3A_382 : vector<16xf32>
        %add3A_384 = arith.addf %broadcast_in_dim3A_1, %mul3A_383 : vector<16xf32>
        %get3A_385 = arith.index_cast %add3A_376 : i32 to index
        %get3A_386 = arith.constant 16 : index
        %get3A_387 = tpu.vector_load %arg16[%get3A_385, %get3A_386] {strides = array<i32>} : memref<40x128xf32, #tpu.memory_space<vmem>>, vector<16xf32>,
        %get3A_388 = arith.index_cast %add3A_376 : i32 to index
        %get3A_389 = arith.constant 16 : index
        %get3A_390 = tpu.vector_load %arg18[%get3A_388, %get3A_389] {strides = array<i32>} : memref<40x128xf32, #tpu.memory_space<vmem>>, vector<16xf32>,
        %mul3A_391 = arith.mulf %get3A_387, %get3A_390 : vector<16xf32>
        %add3A_392 = arith.addf %add3A_384, %mul3A_391 : vector<16xf32>
        %get3A_393 = arith.index_cast %add3A_376 : i32 to index
        %get3A_394 = arith.constant 32 : index
        %get3A_395 = tpu.vector_load %arg16[%get3A_393, %get3A_394] {strides = array<i32>} : memref<40x128xf32, #tpu.memory_space<vmem>>, vector<16xf32>,
        %get3A_396 = arith.index_cast %add3A_376 : i32 to index
        %get3A_397 = arith.constant 32 : index
        %get3A_398 = tpu.vector_load %arg18[%get3A_396, %get3A_397] {strides = array<i32>} : memref<40x128xf32, #tpu.memory_space<vmem>>, vector<16xf32>,
        %mul3A_399 = arith.mulf %get3A_395, %get3A_398 : vector<16xf32>
        %add3A_400 = arith.addf %add3A_392, %mul3A_399 : vector<16xf32>
        %get3A_401 = arith.index_cast %add3A_376 : i32 to index
        %get3A_402 = arith.constant 48 : index
        %get3A_403 = tpu.vector_load %arg16[%get3A_401, %get3A_402] {strides = array<i32>} : memref<40x128xf32, #tpu.memory_space<vmem>>, vector<16xf32>,
        %get3A_404 = arith.index_cast %add3A_376 : i32 to index
        %get3A_405 = arith.constant 48 : index
        %get3A_406 = tpu.vector_load %arg18[%get3A_404, %get3A_405] {strides = array<i32>} : memref<40x128xf32, #tpu.memory_space<vmem>>, vector<16xf32>,
        %mul3A_407 = arith.mulf %get3A_403, %get3A_406 : vector<16xf32>
        %add3A_408 = arith.addf %add3A_400, %mul3A_407 : vector<16xf32>
        %get3A_409 = arith.index_cast %add3A_376 : i32 to index
        %get3A_410 = arith.constant 64 : index
        %get3A_411 = tpu.vector_load %arg16[%get3A_409, %get3A_410] {strides = array<i32>} : memref<40x128xf32, #tpu.memory_space<vmem>>, vector<16xf32>,
        %get3A_412 = arith.index_cast %add3A_376 : i32 to index
        %get3A_413 = arith.constant 64 : index
        %get3A_414 = tpu.vector_load %arg18[%get3A_412, %get3A_413] {strides = array<i32>} : memref<40x128xf32, #tpu.memory_space<vmem>>, vector<16xf32>,
        %mul3A_415 = arith.mulf %get3A_411, %get3A_414 : vector<16xf32>
        %add3A_416 = arith.addf %add3A_408, %mul3A_415 : vector<16xf32>
        %get3A_417 = arith.index_cast %add3A_376 : i32 to index
        %get3A_418 = arith.constant 80 : index
        %get3A_419 = tpu.vector_load %arg16[%get3A_417, %get3A_418] {strides = array<i32>} : memref<40x128xf32, #tpu.memory_space<vmem>>, vector<16xf32>,
        %get3A_420 = arith.index_cast %add3A_376 : i32 to index
        %get3A_421 = arith.constant 80 : index
        %get3A_422 = tpu.vector_load %arg18[%get3A_420, %get3A_421] {strides = array<i32>} : memref<40x128xf32, #tpu.memory_space<vmem>>, vector<16xf32>,
        %mul3A_423 = arith.mulf %get3A_419, %get3A_422 : vector<16xf32>
        %add3A_424 = arith.addf %add3A_416, %mul3A_423 : vector<16xf32>
        %get3A_425 = arith.index_cast %add3A_376 : i32 to index
        %get3A_426 = arith.constant 96 : index
        %get3A_427 = tpu.vector_load %arg16[%get3A_425, %get3A_426] {strides = array<i32>} : memref<40x128xf32, #tpu.memory_space<vmem>>, vector<16xf32>,
        %get3A_428 = arith.index_cast %add3A_376 : i32 to index
        %get3A_429 = arith.constant 96 : index
        %get3A_430 = tpu.vector_load %arg18[%get3A_428, %get3A_429] {strides = array<i32>} : memref<40x128xf32, #tpu.memory_space<vmem>>, vector<16xf32>,
        %mul3A_431 = arith.mulf %get3A_427, %get3A_430 : vector<16xf32>
        %add3A_432 = arith.addf %add3A_424, %mul3A_431 : vector<16xf32>
        %get3A_433 = arith.index_cast %add3A_376 : i32 to index
        %get3A_434 = arith.constant 112 : index
        %get3A_435 = tpu.vector_load %arg16[%get3A_433, %get3A_434] {strides = array<i32>} : memref<40x128xf32, #tpu.memory_space<vmem>>, vector<16xf32>,
        %get3A_436 = arith.index_cast %add3A_376 : i32 to index
        %get3A_437 = arith.constant 112 : index
        %get3A_438 = tpu.vector_load %arg18[%get3A_436, %get3A_437] {strides = array<i32>} : memref<40x128xf32, #tpu.memory_space<vmem>>, vector<16xf32>,
        %mul3A_439 = arith.mulf %get3A_435, %get3A_438 : vector<16xf32>
        %add3A_440 = arith.addf %add3A_432, %mul3A_439 : vector<16xf32>
        %broadcast_in_dim3A_441 = arith.constant true
        %broadcast_in_dim3A_442 = vector.broadcast %broadcast_in_dim3A_441 : i1 to vector<16xi1>
        %masked_cumsum3A_443 = tpu.scan <sum>, %add3A_440 masked %broadcast_in_dim3A_442 : vector<16xf32>, vector<16xi1> -> vector<16xf32>
        %broadcast_in_dim3A_444 = vector.broadcast %add3A_376 : i32 to vector<16xi32>
        tpu.vector_store_idx %arg24[%broadcast_in_dim3A_444], %masked_cumsum3A_443 masked %eq3A_6 : memref<40xf32, #tpu.memory_space<vmem>>[vector<16xi32>], vector<16xf32>, vector<16xi1>
        %mul3A_445 = arith.constant 4 : i32
        %mul3A_446 = arith.muli %mul3A_445, %scan3A_229 : i32
        %add3A_447 = arith.constant 3 : i32
        %add3A_448 = arith.addi %mul3A_446, %add3A_447 : i32
        %get3A_449 = arith.index_cast %add3A_448 : i32 to index
        %get3A_450 = arith.constant 0 : index
        %get3A_451 = tpu.vector_load %arg16[%get3A_449, %get3A_450] {strides = array<i32>} : memref<40x128xf32, #tpu.memory_space<vmem>>, vector<16xf32>,
        %get3A_452 = arith.index_cast %add3A_448 : i32 to index
        %get3A_453 = arith.constant 0 : index
        %get3A_454 = tpu.vector_load %arg18[%get3A_452, %get3A_453] {strides = array<i32>} : memref<40x128xf32, #tpu.memory_space<vmem>>, vector<16xf32>,
        %mul3A_455 = arith.mulf %get3A_451, %get3A_454 : vector<16xf32>
        %add3A_456 = arith.addf %broadcast_in_dim3A_1, %mul3A_455 : vector<16xf32>
        %get3A_457 = arith.index_cast %add3A_448 : i32 to index
        %get3A_458 = arith.constant 16 : index
        %get3A_459 = tpu.vector_load %arg16[%get3A_457, %get3A_458] {strides = array<i32>} : memref<40x128xf32, #tpu.memory_space<vmem>>, vector<16xf32>,
        %get3A_460 = arith.index_cast %add3A_448 : i32 to index
        %get3A_461 = arith.constant 16 : index
        %get3A_462 = tpu.vector_load %arg18[%get3A_460, %get3A_461] {strides = array<i32>} : memref<40x128xf32, #tpu.memory_space<vmem>>, vector<16xf32>,
        %mul3A_463 = arith.mulf %get3A_459, %get3A_462 : vector<16xf32>
        %add3A_464 = arith.addf %add3A_456, %mul3A_463 : vector<16xf32>
        %get3A_465 = arith.index_cast %add3A_448 : i32 to index
        %get3A_466 = arith.constant 32 : index
        %get3A_467 = tpu.vector_load %arg16[%get3A_465, %get3A_466] {strides = array<i32>} : memref<40x128xf32, #tpu.memory_space<vmem>>, vector<16xf32>,
        %get3A_468 = arith.index_cast %add3A_448 : i32 to index
        %get3A_469 = arith.constant 32 : index
        %get3A_470 = tpu.vector_load %arg18[%get3A_468, %get3A_469] {strides = array<i32>} : memref<40x128xf32, #tpu.memory_space<vmem>>, vector<16xf32>,
        %mul3A_471 = arith.mulf %get3A_467, %get3A_470 : vector<16xf32>
        %add3A_472 = arith.addf %add3A_464, %mul3A_471 : vector<16xf32>
        %get3A_473 = arith.index_cast %add3A_448 : i32 to index
        %get3A_474 = arith.constant 48 : index
        %get3A_475 = tpu.vector_load %arg16[%get3A_473, %get3A_474] {strides = array<i32>} : memref<40x128xf32, #tpu.memory_space<vmem>>, vector<16xf32>,
        %get3A_476 = arith.index_cast %add3A_448 : i32 to index
        %get3A_477 = arith.constant 48 : index
        %get3A_478 = tpu.vector_load %arg18[%get3A_476, %get3A_477] {strides = array<i32>} : memref<40x128xf32, #tpu.memory_space<vmem>>, vector<16xf32>,
        %mul3A_479 = arith.mulf %get3A_475, %get3A_478 : vector<16xf32>
        %add3A_480 = arith.addf %add3A_472, %mul3A_479 : vector<16xf32>
        %get3A_481 = arith.index_cast %add3A_448 : i32 to index
        %get3A_482 = arith.constant 64 : index
        %get3A_483 = tpu.vector_load %arg16[%get3A_481, %get3A_482] {strides = array<i32>} : memref<40x128xf32, #tpu.memory_space<vmem>>, vector<16xf32>,
        %get3A_484 = arith.index_cast %add3A_448 : i32 to index
        %get3A_485 = arith.constant 64 : index
        %get3A_486 = tpu.vector_load %arg18[%get3A_484, %get3A_485] {strides = array<i32>} : memref<40x128xf32, #tpu.memory_space<vmem>>, vector<16xf32>,
        %mul3A_487 = arith.mulf %get3A_483, %get3A_486 : vector<16xf32>
        %add3A_488 = arith.addf %add3A_480, %mul3A_487 : vector<16xf32>
        %get3A_489 = arith.index_cast %add3A_448 : i32 to index
        %get3A_490 = arith.constant 80 : index
        %get3A_491 = tpu.vector_load %arg16[%get3A_489, %get3A_490] {strides = array<i32>} : memref<40x128xf32, #tpu.memory_space<vmem>>, vector<16xf32>,
        %get3A_492 = arith.index_cast %add3A_448 : i32 to index
        %get3A_493 = arith.constant 80 : index
        %get3A_494 = tpu.vector_load %arg18[%get3A_492, %get3A_493] {strides = array<i32>} : memref<40x128xf32, #tpu.memory_space<vmem>>, vector<16xf32>,
        %mul3A_495 = arith.mulf %get3A_491, %get3A_494 : vector<16xf32>
        %add3A_496 = arith.addf %add3A_488, %mul3A_495 : vector<16xf32>
        %get3A_497 = arith.index_cast %add3A_448 : i32 to index
        %get3A_498 = arith.constant 96 : index
        %get3A_499 = tpu.vector_load %arg16[%get3A_497, %get3A_498] {strides = array<i32>} : memref<40x128xf32, #tpu.memory_space<vmem>>, vector<16xf32>,
        %get3A_500 = arith.index_cast %add3A_448 : i32 to index
        %get3A_501 = arith.constant 96 : index
        %get3A_502 = tpu.vector_load %arg18[%get3A_500, %get3A_501] {strides = array<i32>} : memref<40x128xf32, #tpu.memory_space<vmem>>, vector<16xf32>,
        %mul3A_503 = arith.mulf %get3A_499, %get3A_502 : vector<16xf32>
        %add3A_504 = arith.addf %add3A_496, %mul3A_503 : vector<16xf32>
        %get3A_505 = arith.index_cast %add3A_448 : i32 to index
        %get3A_506 = arith.constant 112 : index
        %get3A_507 = tpu.vector_load %arg16[%get3A_505, %get3A_506] {strides = array<i32>} : memref<40x128xf32, #tpu.memory_space<vmem>>, vector<16xf32>,
        %get3A_508 = arith.index_cast %add3A_448 : i32 to index
        %get3A_509 = arith.constant 112 : index
        %get3A_510 = tpu.vector_load %arg18[%get3A_508, %get3A_509] {strides = array<i32>} : memref<40x128xf32, #tpu.memory_space<vmem>>, vector<16xf32>,
        %mul3A_511 = arith.mulf %get3A_507, %get3A_510 : vector<16xf32>
        %add3A_512 = arith.addf %add3A_504, %mul3A_511 : vector<16xf32>
        %broadcast_in_dim3A_513 = arith.constant true
        %broadcast_in_dim3A_514 = vector.broadcast %broadcast_in_dim3A_513 : i1 to vector<16xi1>
        %masked_cumsum3A_515 = tpu.scan <sum>, %add3A_512 masked %broadcast_in_dim3A_514 : vector<16xf32>, vector<16xi1> -> vector<16xf32>
        %broadcast_in_dim3A_516 = vector.broadcast %add3A_448 : i32 to vector<16xi32>
        tpu.vector_store_idx %arg24[%broadcast_in_dim3A_516], %masked_cumsum3A_515 masked %eq3A_6 : memref<40xf32, #tpu.memory_space<vmem>>[vector<16xi32>], vector<16xf32>, vector<16xi1>
      }
      %scan3A_159 = arith.constant 10 : i32
      %get3A_160 = arith.constant 0 : index
      %get3A_161 = tpu.vector_load %arg24[%get3A_160] {strides = array<i32>} : memref<40xf32, #tpu.memory_space<vmem>>, vector<16xf32>,
      %mul3A_162 = arith.constant 0.0883883461 : f32
      %mul3A_163 = vector.broadcast %mul3A_162 : f32 to vector<16xf32>
      %mul3A_164 = arith.mulf %get3A_161, %mul3A_163 : vector<16xf32>
      %exp3A_165 = math.exp %mul3A_164 : vector<16xf32>
      %swap3A_166 = arith.constant 0 : index
      %swap3A_167 = tpu.vector_load %arg24[%swap3A_166] {strides = array<i32>} : memref<40xf32, #tpu.memory_space<vmem>>, vector<16xf32>,
      tpu.vector_store %arg24[%swap3A_166], %exp3A_165 {strides = array<i32>} : memref<40xf32, #tpu.memory_space<vmem>>, vector<16xf32>,
      %add3A_168 = arith.constant 0 : i32
      %add3A_169 = vector.broadcast %add3A_168 : i32 to vector<16xi32>
      %add3A_170 = arith.addi %add3A_169, %iota3A : vector<16xi32>
      tpu.vector_store_idx %arg22[%add3A_170, %broadcast_in_dim3A_8], %exp3A_165 : memref<40x136xf32, #tpu.memory_space<vmem>>[vector<16xi32>, vector<16xi32>], vector<16xf32>,
      %get3A_171 = arith.constant 16 : index
      %get3A_172 = tpu.vector_load %arg24[%get3A_171] {strides = array<i32>} : memref<40xf32, #tpu.memory_space<vmem>>, vector<16xf32>,
      %mul3A_173 = arith.constant 0.0883883461 : f32
      %mul3A_174 = vector.broadcast %mul3A_173 : f32 to vector<16xf32>
      %mul3A_175 = arith.mulf %get3A_172, %mul3A_174 : vector<16xf32>
      %exp3A_176 = math.exp %mul3A_175 : vector<16xf32>
      %swap3A_177 = arith.constant 16 : index
      %swap3A_178 = tpu.vector_load %arg24[%swap3A_177] {strides = array<i32>} : memref<40xf32, #tpu.memory_space<vmem>>, vector<16xf32>,
      tpu.vector_store %arg24[%swap3A_177], %exp3A_176 {strides = array<i32>} : memref<40xf32, #tpu.memory_space<vmem>>, vector<16xf32>,
      %add3A_179 = arith.constant 16 : i32
      %add3A_180 = vector.broadcast %add3A_179 : i32 to vector<16xi32>
      %add3A_181 = arith.addi %add3A_180, %iota3A : vector<16xi32>
      tpu.vector_store_idx %arg22[%add3A_181, %broadcast_in_dim3A_8], %exp3A_176 : memref<40x136xf32, #tpu.memory_space<vmem>>[vector<16xi32>, vector<16xi32>], vector<16xf32>,
      %add3A_182 = arith.constant 32 : i32
      %add3A_183 = vector.broadcast %add3A_182 : i32 to vector<16xi32>
      %add3A_184 = arith.addi %add3A_183, %iota3A : vector<16xi32>
      %min3A_185 = arith.constant 39 : i32
      %min3A_186 = vector.broadcast %min3A_185 : i32 to vector<16xi32>
      %min3A_187 = arith.minsi %add3A_184, %min3A_186 : vector<16xi32>
      %add3A_188 = arith.constant 32 : i32
      %add3A_189 = vector.broadcast %add3A_188 : i32 to vector<16xi32>
      %add3A_190 = arith.addi %add3A_189, %iota3A : vector<16xi32>
      %lt3A_191 = arith.constant 40 : i32
      %lt3A_192 = vector.broadcast %lt3A_191 : i32 to vector<16xi32>
      %lt3A_193 = arith.cmpi slt, %add3A_190, %lt3A_192 : vector<16xi32>
      %gather3A_194 = tpu.vector_load_idx %arg24[%min3A_187] : memref<40xf32, #tpu.memory_space<vmem>>[vector<16xi32>], vector<16xf32>,
      %mul3A_195 = arith.constant 0.0883883461 : f32
      %mul3A_196 = vector.broadcast %mul3A_195 : f32 to vector<16xf32>
      %mul3A_197 = arith.mulf %gather3A_194, %mul3A_196 : vector<16xf32>
      %exp3A_198 = math.exp %mul3A_197 : vector<16xf32>
      tpu.vector_store_idx %arg24[%min3A_187], %exp3A_198 masked %lt3A_193 : memref<40xf32, #tpu.memory_space<vmem>>[vector<16xi32>], vector<16xf32>, vector<16xi1>
      tpu.vector_store_idx %arg22[%min3A_187, %broadcast_in_dim3A_8], %exp3A_198 masked %lt3A_193 : memref<40x136xf32, #tpu.memory_space<vmem>>[vector<16xi32>, vector<16xi32>], vector<16xf32>, vector<16xi1>
      %scan3A_199 = arith.constant 0 : i32
      %scan3A_200 = arith.constant 0 : i32
      %scan3A_201 = arith.constant 20 : i32
      %scan3A_202 = arith.addi %scan3A_200, %scan3A_201 : i32
      %scan3A_203 = arith.constant 1 : i32
      scf.for %scan3A_229 = %scan3A_200 to %scan3A_202 step %scan3A_203  : i32 {
        %mul3A_230 = arith.constant 2 : i32
        %mul3A_231 = arith.muli %mul3A_230, %scan3A_229 : i32
        %add3A_232 = arith.constant 0 : i32
        %add3A_233 = arith.addi %mul3A_231, %add3A_232 : i32
        %broadcast_in_dim3A_234 = vector.broadcast %add3A_233 : i32 to vector<16xi32>
        %gather3A_235 = tpu.vector_load_idx %arg24[%broadcast_in_dim3A_234] : memref<40xf32, #tpu.memory_space<vmem>>[vector<16xi32>], vector<16xf32>,
        %get3A_236 = arith.index_cast %add3A_233 : i32 to index
        %get3A_237 = arith.constant 0 : index
        %get3A_238 = tpu.vector_load %arg20[%get3A_236, %get3A_237] {strides = array<i32>} : memref<40x136xf32, #tpu.memory_space<vmem>>, vector<16xf32>,
        %mul3A_239 = arith.mulf %get3A_238, %gather3A_235 : vector<16xf32>
        %swap3A_240 = arith.index_cast %add3A_233 : i32 to index
        %swap3A_241 = arith.constant 0 : index
        %swap3A_242 = tpu.vector_load %arg22[%swap3A_240, %swap3A_241] {strides = array<i32>} : memref<40x136xf32, #tpu.memory_space<vmem>>, vector<16xf32>,
        tpu.vector_store %arg22[%swap3A_240, %swap3A_241], %mul3A_239 {strides = array<i32>} : memref<40x136xf32, #tpu.memory_space<vmem>>, vector<16xf32>,
        %get3A_243 = arith.index_cast %add3A_233 : i32 to index
        %get3A_244 = arith.constant 16 : index
        %get3A_245 = tpu.vector_load %arg20[%get3A_243, %get3A_244] {strides = array<i32>} : memref<40x136xf32, #tpu.memory_space<vmem>>, vector<16xf32>,
        %mul3A_246 = arith.mulf %get3A_245, %gather3A_235 : vector<16xf32>
        %swap3A_247 = arith.index_cast %add3A_233 : i32 to index
        %swap3A_248 = arith.constant 16 : index
        %swap3A_249 = tpu.vector_load %arg22[%swap3A_247, %swap3A_248] {strides = array<i32>} : memref<40x136xf32, #tpu.memory_space<vmem>>, vector<16xf32>,
        tpu.vector_store %arg22[%swap3A_247, %swap3A_248], %mul3A_246 {strides = array<i32>} : memref<40x136xf32, #tpu.memory_space<vmem>>, vector<16xf32>,
        %get3A_250 = arith.index_cast %add3A_233 : i32 to index
        %get3A_251 = arith.constant 32 : index
        %get3A_252 = tpu.vector_load %arg20[%get3A_250, %get3A_251] {strides = array<i32>} : memref<40x136xf32, #tpu.memory_space<vmem>>, vector<16xf32>,
        %mul3A_253 = arith.mulf %get3A_252, %gather3A_235 : vector<16xf32>
        %swap3A_254 = arith.index_cast %add3A_233 : i32 to index
        %swap3A_255 = arith.constant 32 : index
        %swap3A_256 = tpu.vector_load %arg22[%swap3A_254, %swap3A_255] {strides = array<i32>} : memref<40x136xf32, #tpu.memory_space<vmem>>, vector<16xf32>,
        tpu.vector_store %arg22[%swap3A_254, %swap3A_255], %mul3A_253 {strides = array<i32>} : memref<40x136xf32, #tpu.memory_space<vmem>>, vector<16xf32>,
        %get3A_257 = arith.index_cast %add3A_233 : i32 to index
        %get3A_258 = arith.constant 48 : index
        %get3A_259 = tpu.vector_load %arg20[%get3A_257, %get3A_258] {strides = array<i32>} : memref<40x136xf32, #tpu.memory_space<vmem>>, vector<16xf32>,
        %mul3A_260 = arith.mulf %get3A_259, %gather3A_235 : vector<16xf32>
        %swap3A_261 = arith.index_cast %add3A_233 : i32 to index
        %swap3A_262 = arith.constant 48 : index
        %swap3A_263 = tpu.vector_load %arg22[%swap3A_261, %swap3A_262] {strides = array<i32>} : memref<40x136xf32, #tpu.memory_space<vmem>>, vector<16xf32>,
        tpu.vector_store %arg22[%swap3A_261, %swap3A_262], %mul3A_260 {strides = array<i32>} : memref<40x136xf32, #tpu.memory_space<vmem>>, vector<16xf32>,
        %get3A_264 = arith.index_cast %add3A_233 : i32 to index
        %get3A_265 = arith.constant 64 : index
        %get3A_266 = tpu.vector_load %arg20[%get3A_264, %get3A_265] {strides = array<i32>} : memref<40x136xf32, #tpu.memory_space<vmem>>, vector<16xf32>,
        %mul3A_267 = arith.mulf %get3A_266, %gather3A_235 : vector<16xf32>
        %swap3A_268 = arith.index_cast %add3A_233 : i32 to index
        %swap3A_269 = arith.constant 64 : index
        %swap3A_270 = tpu.vector_load %arg22[%swap3A_268, %swap3A_269] {strides = array<i32>} : memref<40x136xf32, #tpu.memory_space<vmem>>, vector<16xf32>,
        tpu.vector_store %arg22[%swap3A_268, %swap3A_269], %mul3A_267 {strides = array<i32>} : memref<40x136xf32, #tpu.memory_space<vmem>>, vector<16xf32>,
        %get3A_271 = arith.index_cast %add3A_233 : i32 to index
        %get3A_272 = arith.constant 80 : index
        %get3A_273 = tpu.vector_load %arg20[%get3A_271, %get3A_272] {strides = array<i32>} : memref<40x136xf32, #tpu.memory_space<vmem>>, vector<16xf32>,
        %mul3A_274 = arith.mulf %get3A_273, %gather3A_235 : vector<16xf32>
        %swap3A_275 = arith.index_cast %add3A_233 : i32 to index
        %swap3A_276 = arith.constant 80 : index
        %swap3A_277 = tpu.vector_load %arg22[%swap3A_275, %swap3A_276] {strides = array<i32>} : memref<40x136xf32, #tpu.memory_space<vmem>>, vector<16xf32>,
        tpu.vector_store %arg22[%swap3A_275, %swap3A_276], %mul3A_274 {strides = array<i32>} : memref<40x136xf32, #tpu.memory_space<vmem>>, vector<16xf32>,
        %get3A_278 = arith.index_cast %add3A_233 : i32 to index
        %get3A_279 = arith.constant 96 : index
        %get3A_280 = tpu.vector_load %arg20[%get3A_278, %get3A_279] {strides = array<i32>} : memref<40x136xf32, #tpu.memory_space<vmem>>, vector<16xf32>,
        %mul3A_281 = arith.mulf %get3A_280, %gather3A_235 : vector<16xf32>
        %swap3A_282 = arith.index_cast %add3A_233 : i32 to index
        %swap3A_283 = arith.constant 96 : index
        %swap3A_284 = tpu.vector_load %arg22[%swap3A_282, %swap3A_283] {strides = array<i32>} : memref<40x136xf32, #tpu.memory_space<vmem>>, vector<16xf32>,
        tpu.vector_store %arg22[%swap3A_282, %swap3A_283], %mul3A_281 {strides = array<i32>} : memref<40x136xf32, #tpu.memory_space<vmem>>, vector<16xf32>,
        %get3A_285 = arith.index_cast %add3A_233 : i32 to index
        %get3A_286 = arith.constant 112 : index
        %get3A_287 = tpu.vector_load %arg20[%get3A_285, %get3A_286] {strides = array<i32>} : memref<40x136xf32, #tpu.memory_space<vmem>>, vector<16xf32>,
        %mul3A_288 = arith.mulf %get3A_287, %gather3A_235 : vector<16xf32>
        %swap3A_289 = arith.index_cast %add3A_233 : i32 to index
        %swap3A_290 = arith.constant 112 : index
        %swap3A_291 = tpu.vector_load %arg22[%swap3A_289, %swap3A_290] {strides = array<i32>} : memref<40x136xf32, #tpu.memory_space<vmem>>, vector<16xf32>,
        tpu.vector_store %arg22[%swap3A_289, %swap3A_290], %mul3A_288 {strides = array<i32>} : memref<40x136xf32, #tpu.memory_space<vmem>>, vector<16xf32>,
        %mul3A_292 = arith.constant 2 : i32
        %mul3A_293 = arith.muli %mul3A_292, %scan3A_229 : i32
        %add3A_294 = arith.constant 1 : i32
        %add3A_295 = arith.addi %mul3A_293, %add3A_294 : i32
        %broadcast_in_dim3A_296 = vector.broadcast %add3A_295 : i32 to vector<16xi32>
        %gather3A_297 = tpu.vector_load_idx %arg24[%broadcast_in_dim3A_296] : memref<40xf32, #tpu.memory_space<vmem>>[vector<16xi32>], vector<16xf32>,
        %get3A_298 = arith.index_cast %add3A_295 : i32 to index
        %get3A_299 = arith.constant 0 : index
        %get3A_300 = tpu.vector_load %arg20[%get3A_298, %get3A_299] {strides = array<i32>} : memref<40x136xf32, #tpu.memory_space<vmem>>, vector<16xf32>,
        %mul3A_301 = arith.mulf %get3A_300, %gather3A_297 : vector<16xf32>
        %swap3A_302 = arith.index_cast %add3A_295 : i32 to index
        %swap3A_303 = arith.constant 0 : index
        %swap3A_304 = tpu.vector_load %arg22[%swap3A_302, %swap3A_303] {strides = array<i32>} : memref<40x136xf32, #tpu.memory_space<vmem>>, vector<16xf32>,
        tpu.vector_store %arg22[%swap3A_302, %swap3A_303], %mul3A_301 {strides = array<i32>} : memref<40x136xf32, #tpu.memory_space<vmem>>, vector<16xf32>,
        %get3A_305 = arith.index_cast %add3A_295 : i32 to index
        %get3A_306 = arith.constant 16 : index
        %get3A_307 = tpu.vector_load %arg20[%get3A_305, %get3A_306] {strides = array<i32>} : memref<40x136xf32, #tpu.memory_space<vmem>>, vector<16xf32>,
        %mul3A_308 = arith.mulf %get3A_307, %gather3A_297 : vector<16xf32>
        %swap3A_309 = arith.index_cast %add3A_295 : i32 to index
        %swap3A_310 = arith.constant 16 : index
        %swap3A_311 = tpu.vector_load %arg22[%swap3A_309, %swap3A_310] {strides = array<i32>} : memref<40x136xf32, #tpu.memory_space<vmem>>, vector<16xf32>,
        tpu.vector_store %arg22[%swap3A_309, %swap3A_310], %mul3A_308 {strides = array<i32>} : memref<40x136xf32, #tpu.memory_space<vmem>>, vector<16xf32>,
        %get3A_312 = arith.index_cast %add3A_295 : i32 to index
        %get3A_313 = arith.constant 32 : index
        %get3A_314 = tpu.vector_load %arg20[%get3A_312, %get3A_313] {strides = array<i32>} : memref<40x136xf32, #tpu.memory_space<vmem>>, vector<16xf32>,
        %mul3A_315 = arith.mulf %get3A_314, %gather3A_297 : vector<16xf32>
        %swap3A_316 = arith.index_cast %add3A_295 : i32 to index
        %swap3A_317 = arith.constant 32 : index
        %swap3A_318 = tpu.vector_load %arg22[%swap3A_316, %swap3A_317] {strides = array<i32>} : memref<40x136xf32, #tpu.memory_space<vmem>>, vector<16xf32>,
        tpu.vector_store %arg22[%swap3A_316, %swap3A_317], %mul3A_315 {strides = array<i32>} : memref<40x136xf32, #tpu.memory_space<vmem>>, vector<16xf32>,
        %get3A_319 = arith.index_cast %add3A_295 : i32 to index
        %get3A_320 = arith.constant 48 : index
        %get3A_321 = tpu.vector_load %arg20[%get3A_319, %get3A_320] {strides = array<i32>} : memref<40x136xf32, #tpu.memory_space<vmem>>, vector<16xf32>,
        %mul3A_322 = arith.mulf %get3A_321, %gather3A_297 : vector<16xf32>
        %swap3A_323 = arith.index_cast %add3A_295 : i32 to index
        %swap3A_324 = arith.constant 48 : index
        %swap3A_325 = tpu.vector_load %arg22[%swap3A_323, %swap3A_324] {strides = array<i32>} : memref<40x136xf32, #tpu.memory_space<vmem>>, vector<16xf32>,
        tpu.vector_store %arg22[%swap3A_323, %swap3A_324], %mul3A_322 {strides = array<i32>} : memref<40x136xf32, #tpu.memory_space<vmem>>, vector<16xf32>,
        %get3A_326 = arith.index_cast %add3A_295 : i32 to index
        %get3A_327 = arith.constant 64 : index
        %get3A_328 = tpu.vector_load %arg20[%get3A_326, %get3A_327] {strides = array<i32>} : memref<40x136xf32, #tpu.memory_space<vmem>>, vector<16xf32>,
        %mul3A_329 = arith.mulf %get3A_328, %gather3A_297 : vector<16xf32>
        %swap3A_330 = arith.index_cast %add3A_295 : i32 to index
        %swap3A_331 = arith.constant 64 : index
        %swap3A_332 = tpu.vector_load %arg22[%swap3A_330, %swap3A_331] {strides = array<i32>} : memref<40x136xf32, #tpu.memory_space<vmem>>, vector<16xf32>,
        tpu.vector_store %arg22[%swap3A_330, %swap3A_331], %mul3A_329 {strides = array<i32>} : memref<40x136xf32, #tpu.memory_space<vmem>>, vector<16xf32>,
        %get3A_333 = arith.index_cast %add3A_295 : i32 to index
        %get3A_334 = arith.constant 80 : index
        %get3A_335 = tpu.vector_load %arg20[%get3A_333, %get3A_334] {strides = array<i32>} : memref<40x136xf32, #tpu.memory_space<vmem>>, vector<16xf32>,
        %mul3A_336 = arith.mulf %get3A_335, %gather3A_297 : vector<16xf32>
        %swap3A_337 = arith.index_cast %add3A_295 : i32 to index
        %swap3A_338 = arith.constant 80 : index
        %swap3A_339 = tpu.vector_load %arg22[%swap3A_337, %swap3A_338] {strides = array<i32>} : memref<40x136xf32, #tpu.memory_space<vmem>>, vector<16xf32>,
        tpu.vector_store %arg22[%swap3A_337, %swap3A_338], %mul3A_336 {strides = array<i32>} : memref<40x136xf32, #tpu.memory_space<vmem>>, vector<16xf32>,
        %get3A_340 = arith.index_cast %add3A_295 : i32 to index
        %get3A_341 = arith.constant 96 : index
        %get3A_342 = tpu.vector_load %arg20[%get3A_340, %get3A_341] {strides = array<i32>} : memref<40x136xf32, #tpu.memory_space<vmem>>, vector<16xf32>,
        %mul3A_343 = arith.mulf %get3A_342, %gather3A_297 : vector<16xf32>
        %swap3A_344 = arith.index_cast %add3A_295 : i32 to index
        %swap3A_345 = arith.constant 96 : index
        %swap3A_346 = tpu.vector_load %arg22[%swap3A_344, %swap3A_345] {strides = array<i32>} : memref<40x136xf32, #tpu.memory_space<vmem>>, vector<16xf32>,
        tpu.vector_store %arg22[%swap3A_344, %swap3A_345], %mul3A_343 {strides = array<i32>} : memref<40x136xf32, #tpu.memory_space<vmem>>, vector<16xf32>,
        %get3A_347 = arith.index_cast %add3A_295 : i32 to index
        %get3A_348 = arith.constant 112 : index
        %get3A_349 = tpu.vector_load %arg20[%get3A_347, %get3A_348] {strides = array<i32>} : memref<40x136xf32, #tpu.memory_space<vmem>>, vector<16xf32>,
        %mul3A_350 = arith.mulf %get3A_349, %gather3A_297 : vector<16xf32>
        %swap3A_351 = arith.index_cast %add3A_295 : i32 to index
        %swap3A_352 = arith.constant 112 : index
        %swap3A_353 = tpu.vector_load %arg22[%swap3A_351, %swap3A_352] {strides = array<i32>} : memref<40x136xf32, #tpu.memory_space<vmem>>, vector<16xf32>,
        tpu.vector_store %arg22[%swap3A_351, %swap3A_352], %mul3A_350 {strides = array<i32>} : memref<40x136xf32, #tpu.memory_space<vmem>>, vector<16xf32>,
      }
      %scan3A_204 = arith.constant 20 : i32
      %get3A_205 = arith.constant 0 : index
      %get3A_206 = tpu.vector_load %arg12[%get3A_205] {strides = array<i32>} : memref<40xi32, #tpu.memory_space<vmem>>, vector<16xi32>,
      %swap3A_207 = arith.constant 0 : index
      %swap3A_208 = tpu.vector_load %arg14[%swap3A_207] {strides = array<i32>} : memref<40xi32, #tpu.memory_space<vmem>>, vector<16xi32>,
      tpu.vector_store %arg14[%swap3A_207], %get3A_206 {strides = array<i32>} : memref<40xi32, #tpu.memory_space<vmem>>, vector<16xi32>,
      %get3A_209 = arith.constant 16 : index
      %get3A_210 = tpu.vector_load %arg12[%get3A_209] {strides = array<i32>} : memref<40xi32, #tpu.memory_space<vmem>>, vector<16xi32>,
      %swap3A_211 = arith.constant 16 : index
      %swap3A_212 = tpu.vector_load %arg14[%swap3A_211] {strides = array<i32>} : memref<40xi32, #tpu.memory_space<vmem>>, vector<16xi32>,
      tpu.vector_store %arg14[%swap3A_211], %get3A_210 {strides = array<i32>} : memref<40xi32, #tpu.memory_space<vmem>>, vector<16xi32>,
      %get3A_213 = arith.constant 24 : index
      %get3A_214 = tpu.vector_load %arg12[%get3A_213] {strides = array<i32>} : memref<40xi32, #tpu.memory_space<vmem>>, vector<16xi32>,
      %add3A_215 = arith.constant 24 : i32
      %add3A_216 = vector.broadcast %add3A_215 : i32 to vector<16xi32>
      %add3A_217 = arith.addi %add3A_216, %iota3A : vector<16xi32>
      %ge3A_218 = arith.constant 8 : i32
      %ge3A_219 = vector.broadcast %ge3A_218 : i32 to vector<16xi32>
      %ge3A_220 = arith.cmpi sge, %iota3A, %ge3A_219 : vector<16xi32>
      tpu.vector_store_idx %arg14[%add3A_217], %get3A_214 masked %ge3A_220 : memref<40xi32, #tpu.memory_space<vmem>>[vector<16xi32>], vector<16xi32>, vector<16xi1>
      %dma_start3A_221 = arith.constant 0 : i32
      %dma_start3A_222 = arith.constant 0 : i32
      %dma_start3A_223 = tpu.memref_slice %arg25[%dma_start3A_221, %dma_start3A_222] : memref<10000x136xf32, #tpu.memory_space<vmem_shared>> -> memref<10000x136xf32, #tpu.memory_space<vmem_shared>>
      tpu.enqueue_indirect_dma source(%arg22 : memref<40x136xf32, #tpu.memory_space<vmem>>) target(%dma_start3A_223 : memref<10000x136xf32, #tpu.memory_space<vmem_shared>>) offsets(%arg14 : memref<40xi32, #tpu.memory_space<vmem>>) semaphore(%arg29 : memref<!tpu.dma_semaphore, #tpu.memory_space<semaphore_mem>>) {add = true}
      %lt3A_224 = arith.constant 124 : i32
      %lt3A_225 = arith.cmpi slt, %scan3A_40, %lt3A_224 : i32
      %convert_element_type3A_226 = arith.extui %lt3A_225 : i1 to i32
      %cond3A_227 = arith.constant 0 : i32
      %cond3A_228 = arith.cmpi ne, %convert_element_type3A_226, %cond3A_227 : i32
      scf.if %cond3A_228 {
        %mul3A_229 = arith.constant 2 : i32
        %mul3A_230 = arith.muli %mul3A_229, %scan3A_40 : i32
        %add3A_231 = arith.constant 3 : i32
        %add3A_232 = arith.addi %mul3A_230, %add3A_231 : i32
        %mul3A_233 = arith.constant 40 : i32
        %mul3A_234 = arith.muli %add3A_232, %mul3A_233 : i32
        %add3A_235 = arith.addi %mul3A_10, %mul3A_234 : i32
        %dma_start3A_236 = tpu.memref_slice %arg2[%add3A_235] : memref<320000xi32, #tpu.memory_space<hbm>> -> memref<40xi32, #tpu.memory_space<hbm>>
        %dma_start3A_237 = tpu.memref_slice %arg2[%add3A_235] : memref<320000xi32, #tpu.memory_space<hbm>> -> memref<40xi32, #tpu.memory_space<hbm>>
        tpu.enqueue_dma source(%dma_start3A_237 : memref<40xi32, #tpu.memory_space<hbm>>) target(%arg10 : memref<40xi32, #tpu.memory_space<vmem>>) target_semaphore(%arg31 : memref<!tpu.dma_semaphore, #tpu.memory_space<semaphore_mem>>)
        %mul3A_238 = arith.constant 40 : i32
        %mul3A_239 = arith.muli %add3A_232, %mul3A_238 : i32
        %add3A_240 = arith.addi %mul3A_10, %mul3A_239 : i32
        %dma_start3A_241 = tpu.memref_slice %arg3[%add3A_240] : memref<320000xi32, #tpu.memory_space<hbm>> -> memref<40xi32, #tpu.memory_space<hbm>>
        %dma_start3A_242 = tpu.memref_slice %arg3[%add3A_240] : memref<320000xi32, #tpu.memory_space<hbm>> -> memref<40xi32, #tpu.memory_space<hbm>>
        tpu.enqueue_dma source(%dma_start3A_242 : memref<40xi32, #tpu.memory_space<hbm>>) target(%arg12 : memref<40xi32, #tpu.memory_space<vmem>>) target_semaphore(%arg31 : memref<!tpu.dma_semaphore, #tpu.memory_space<semaphore_mem>>)
      } else {
      }
    }
    %scan3A_29 = arith.constant 125 : i32
    %dma_wait3A = arith.constant 0 : i32
    %dma_wait3A_30 = arith.constant 0 : i32
    %dma_wait3A_31 = tpu.memref_slice %arg25[%dma_wait3A, %dma_wait3A_30] : memref<10000x136xf32, #tpu.memory_space<vmem_shared>> -> memref<10000x136xf32, #tpu.memory_space<vmem_shared>>
    tpu.wait_indirect_dma semaphore(%arg28 : memref<!tpu.dma_semaphore, #tpu.memory_space<semaphore_mem>>) src(%arg21 : memref<40x136xf32, #tpu.memory_space<vmem>>) dst(%dma_wait3A_31 : memref<10000x136xf32, #tpu.memory_space<vmem_shared>>)
    %dma_wait3A_32 = arith.constant 0 : i32
    %dma_wait3A_33 = arith.constant 0 : i32
    %dma_wait3A_34 = tpu.memref_slice %arg25[%dma_wait3A_32, %dma_wait3A_33] : memref<10000x136xf32, #tpu.memory_space<vmem_shared>> -> memref<10000x136xf32, #tpu.memory_space<vmem_shared>>
    tpu.wait_indirect_dma semaphore(%arg29 : memref<!tpu.dma_semaphore, #tpu.memory_space<semaphore_mem>>) src(%arg22 : memref<40x136xf32, #tpu.memory_space<vmem>>) dst(%dma_wait3A_34 : memref<10000x136xf32, #tpu.memory_space<vmem_shared>>)
    %barrier3A_35 = arith.constant 0 : index
    tpu.barrier barrier_id(%barrier3A_35)
    %mul3A_36 = arith.constant 625 : i32
    %mul3A_37 = arith.muli %arg1, %mul3A_36 : i32
    %mul3A_38 = arith.constant 625 : i32
    %mul3A_39 = arith.muli %arg1, %mul3A_38 : i32
    "tpu.region"() ({
      %run_scoped3A = tpu.sem_alloc : memref<!tpu.dma_semaphore, #tpu.memory_space<semaphore_mem>>
      %dma_start3A_40 = arith.constant 0 : i32
      %dma_start3A_41 = tpu.memref_slice %arg8[%arg0, %mul3A_39, %dma_start3A_40] : memref<2x10000x136xf32, #tpu.memory_space<hbm>> -> memref<1x625x136xf32, #tpu.memory_space<hbm>>
      %dma_start3A_42 = tpu.memref_squeeze %dma_start3A_41 : memref<1x625x136xf32, #tpu.memory_space<hbm>> -> memref<625x136xf32, #tpu.memory_space<hbm>>
      %dma_start3A_43 = arith.constant 0 : i32
      %dma_start3A_44 = tpu.memref_slice %arg25[%mul3A_37, %dma_start3A_43] : memref<10000x136xf32, #tpu.memory_space<vmem_shared>> -> memref<625x136xf32, #tpu.memory_space<vmem_shared>>
      tpu.enqueue_dma source(%dma_start3A_44 : memref<625x136xf32, #tpu.memory_space<vmem_shared>>) target(%dma_start3A_42 : memref<625x136xf32, #tpu.memory_space<hbm>>) target_semaphore(%run_scoped3A : memref<!tpu.dma_semaphore, #tpu.memory_space<semaphore_mem>>)
      %dma_wait3A_45 = arith.constant 0 : i32
      %dma_wait3A_46 = tpu.memref_slice %arg8[%arg0, %mul3A_39, %dma_wait3A_45] : memref<2x10000x136xf32, #tpu.memory_space<hbm>> -> memref<1x625x136xf32, #tpu.memory_space<hbm>>
      %dma_wait3A_47 = tpu.memref_squeeze %dma_wait3A_46 : memref<1x625x136xf32, #tpu.memory_space<hbm>> -> memref<625x136xf32, #tpu.memory_space<hbm>>
      %dma_wait3A_48 = arith.constant 0 : i32
      %dma_wait3A_49 = tpu.memref_slice %arg25[%mul3A_37, %dma_wait3A_48] : memref<10000x136xf32, #tpu.memory_space<vmem_shared>> -> memref<625x136xf32, #tpu.memory_space<vmem_shared>>
      tpu.wait_dma2 semaphore(%run_scoped3A : memref<!tpu.dma_semaphore, #tpu.memory_space<semaphore_mem>>) src(%dma_wait3A_49 : memref<625x136xf32, #tpu.memory_space<vmem_shared>>) dst(%dma_wait3A_47 : memref<625x136xf32, #tpu.memory_space<hbm>>)
      tpu.yield
    }) : () -> ()
    return
  }
}

#map = affine_map<(d0, d1) -> (0)>
#map1 = affine_map<(d0, d1) -> (0, 0)>
#map2 = affine_map<(d0, d1) -> (0, 0, 0)>
module attributes {stable_mosaic.version = 14 : i64} {
  func.func @_edge_kernel(%arg0: i32, %arg1: i32, %arg2: memref<320000xi32, #tpu.memory_space<hbm>>, %arg3: memref<320000xi32, #tpu.memory_space<hbm>>, %arg4: memref<625x136xf32, #tpu.memory_space<hbm>>, %arg5: memref<10000x128xf32, #tpu.memory_space<hbm>>, %arg6: memref<10000x128xf32, #tpu.memory_space<hbm>>, %arg7: memref<10000x136xf32, #tpu.memory_space<hbm>>, %arg8: memref<2x10000x136xf32, #tpu.memory_space<hbm>>, %arg9: memref<40xi32, #tpu.memory_space<vmem>>, %arg10: memref<40xi32, #tpu.memory_space<vmem>>, %arg11: memref<40xi32, #tpu.memory_space<vmem>>, %arg12: memref<40xi32, #tpu.memory_space<vmem>>, %arg13: memref<40xi32, #tpu.memory_space<vmem>>, %arg14: memref<40xi32, #tpu.memory_space<vmem>>, %arg15: memref<40x128xf32, #tpu.memory_space<vmem>>, %arg16: memref<40x128xf32, #tpu.memory_space<vmem>>, %arg17: memref<40x128xf32, #tpu.memory_space<vmem>>, %arg18: memref<40x128xf32, #tpu.memory_space<vmem>>, %arg19: memref<40x136xf32, #tpu.memory_space<vmem>>, %arg20: memref<40x136xf32, #tpu.memory_space<vmem>>, %arg21: memref<40x136xf32, #tpu.memory_space<vmem>>, %arg22: memref<40x136xf32, #tpu.memory_space<vmem>>, %arg23: memref<40xf32, #tpu.memory_space<vmem>>, %arg24: memref<40xf32, #tpu.memory_space<vmem>>, %arg25: memref<10000x136xf32, #tpu.memory_space<vmem_shared>>, %arg26: memref<!tpu.dma_semaphore, #tpu.memory_space<semaphore_mem>>, %arg27: memref<!tpu.dma_semaphore, #tpu.memory_space<semaphore_mem>>, %arg28: memref<!tpu.dma_semaphore, #tpu.memory_space<semaphore_mem>>, %arg29: memref<!tpu.dma_semaphore, #tpu.memory_space<semaphore_mem>>, %arg30: memref<!tpu.dma_semaphore, #tpu.memory_space<semaphore_mem>>, %arg31: memref<!tpu.dma_semaphore, #tpu.memory_space<semaphore_mem>>) attributes {dimension_semantics = [#tpu.dimension_semantics<core_parallel>, #tpu.dimension_semantics<subcore_parallel>], iteration_bounds = array<i64: 2, 16>, scalar_prefetch = 0 : i64, scratch_operands = 23 : i64, tpu.core_type = #tpu.core_type<sc_vector_subcore>, window_params = [{transform_indices = #map}, {transform_indices = #map}, {transform_indices = #map1}, {transform_indices = #map1}, {transform_indices = #map1}, {transform_indices = #map1}, {transform_indices = #map2}]} {
    %mul3A = arith.constant 16 : i32
    %mul3A_0 = arith.muli %arg0, %mul3A : i32
    %add3A = arith.addi %mul3A_0, %arg1 : i32
    %broadcast_in_dim3A = arith.constant 0.000000e+00 : f32
    %broadcast_in_dim3A_1 = vector.broadcast %broadcast_in_dim3A : f32 to vector<16xf32>
    %iota3A = tpu.iota {dimensions = array<i32: 0>} : vector<16xi32>
    %eq3A = arith.constant 0 : i32
    %eq3A_2 = vector.broadcast %eq3A : i32 to vector<16xi32>
    %eq3A_3 = arith.cmpi eq, %iota3A, %eq3A_2 : vector<16xi32>
    %eq3A_4 = arith.constant 15 : i32
    %eq3A_5 = vector.broadcast %eq3A_4 : i32 to vector<16xi32>
    %eq3A_6 = arith.cmpi eq, %iota3A, %eq3A_5 : vector<16xi32>
    %broadcast_in_dim3A_7 = arith.constant 128 : i32
    %broadcast_in_dim3A_8 = vector.broadcast %broadcast_in_dim3A_7 : i32 to vector<16xi32>
    %mul3A_9 = arith.constant 10000 : i32
    %mul3A_10 = arith.muli %add3A, %mul3A_9 : i32
    %mul3A_11 = arith.constant 625 : i32
    %mul3A_12 = arith.muli %arg1, %mul3A_11 : i32
    "tpu.region"() ({
      %run_scoped3A = tpu.sem_alloc : memref<!tpu.dma_semaphore, #tpu.memory_space<semaphore_mem>>
      %dma_start3A_40 = arith.constant 0 : i32
      %dma_start3A_41 = tpu.memref_slice %arg25[%mul3A_12, %dma_start3A_40] : memref<10000x136xf32, #tpu.memory_space<vmem_shared>> -> memref<625x136xf32, #tpu.memory_space<vmem_shared>>
      tpu.enqueue_dma source(%arg4 : memref<625x136xf32, #tpu.memory_space<hbm>>) target(%dma_start3A_41 : memref<625x136xf32, #tpu.memory_space<vmem_shared>>) target_semaphore(%run_scoped3A : memref<!tpu.dma_semaphore, #tpu.memory_space<semaphore_mem>>)
      %dma_wait3A_42 = arith.constant 0 : i32
      %dma_wait3A_43 = tpu.memref_slice %arg25[%mul3A_12, %dma_wait3A_42] : memref<10000x136xf32, #tpu.memory_space<vmem_shared>> -> memref<625x136xf32, #tpu.memory_space<vmem_shared>>
      tpu.wait_dma2 semaphore(%run_scoped3A : memref<!tpu.dma_semaphore, #tpu.memory_space<semaphore_mem>>) src(%arg4 : memref<625x136xf32, #tpu.memory_space<hbm>>) dst(%dma_wait3A_43 : memref<625x136xf32, #tpu.memory_space<vmem_shared>>)
      tpu.yield
    }) : () -> ()
    "tpu.region"() ({
      %run_scoped3A = tpu.sem_alloc : memref<!tpu.dma_semaphore, #tpu.memory_space<semaphore_mem>>
      %dma_start3A_40 = tpu.memref_slice %arg2[%mul3A_10] : memref<320000xi32, #tpu.memory_space<hbm>> -> memref<40xi32, #tpu.memory_space<hbm>>
      %dma_start3A_41 = tpu.memref_slice %arg2[%mul3A_10] : memref<320000xi32, #tpu.memory_space<hbm>> -> memref<40xi32, #tpu.memory_space<hbm>>
      tpu.enqueue_dma source(%dma_start3A_41 : memref<40xi32, #tpu.memory_space<hbm>>) target(%arg9 : memref<40xi32, #tpu.memory_space<vmem>>) target_semaphore(%run_scoped3A : memref<!tpu.dma_semaphore, #tpu.memory_space<semaphore_mem>>)
      %dma_wait3A_42 = tpu.memref_slice %arg2[%mul3A_10] : memref<320000xi32, #tpu.memory_space<hbm>> -> memref<40xi32, #tpu.memory_space<hbm>>
      %dma_wait3A_43 = tpu.memref_slice %arg2[%mul3A_10] : memref<320000xi32, #tpu.memory_space<hbm>> -> memref<40xi32, #tpu.memory_space<hbm>>
      tpu.wait_dma2 semaphore(%run_scoped3A : memref<!tpu.dma_semaphore, #tpu.memory_space<semaphore_mem>>) src(%dma_wait3A_43 : memref<40xi32, #tpu.memory_space<hbm>>) dst(%arg9 : memref<40xi32, #tpu.memory_space<vmem>>)
      tpu.yield
    }) : () -> ()
    "tpu.region"() ({
      %run_scoped3A = tpu.sem_alloc : memref<!tpu.dma_semaphore, #tpu.memory_space<semaphore_mem>>
      %dma_start3A_40 = tpu.memref_slice %arg3[%mul3A_10] : memref<320000xi32, #tpu.memory_space<hbm>> -> memref<40xi32, #tpu.memory_space<hbm>>
      %dma_start3A_41 = tpu.memref_slice %arg3[%mul3A_10] : memref<320000xi32, #tpu.memory_space<hbm>> -> memref<40xi32, #tpu.memory_space<hbm>>
      tpu.enqueue_dma source(%dma_start3A_41 : memref<40xi32, #tpu.memory_space<hbm>>) target(%arg11 : memref<40xi32, #tpu.memory_space<vmem>>) target_semaphore(%run_scoped3A : memref<!tpu.dma_semaphore, #tpu.memory_space<semaphore_mem>>)
      %dma_wait3A_42 = tpu.memref_slice %arg3[%mul3A_10] : memref<320000xi32, #tpu.memory_space<hbm>> -> memref<40xi32, #tpu.memory_space<hbm>>
      %dma_wait3A_43 = tpu.memref_slice %arg3[%mul3A_10] : memref<320000xi32, #tpu.memory_space<hbm>> -> memref<40xi32, #tpu.memory_space<hbm>>
      tpu.wait_dma2 semaphore(%run_scoped3A : memref<!tpu.dma_semaphore, #tpu.memory_space<semaphore_mem>>) src(%dma_wait3A_43 : memref<40xi32, #tpu.memory_space<hbm>>) dst(%arg11 : memref<40xi32, #tpu.memory_space<vmem>>)
      tpu.yield
    }) : () -> ()
    %add3A_13 = arith.constant 40 : i32
    %add3A_14 = arith.addi %mul3A_10, %add3A_13 : i32
    "tpu.region"() ({
      %run_scoped3A = tpu.sem_alloc : memref<!tpu.dma_semaphore, #tpu.memory_space<semaphore_mem>>
      %dma_start3A_40 = tpu.memref_slice %arg2[%add3A_14] : memref<320000xi32, #tpu.memory_space<hbm>> -> memref<40xi32, #tpu.memory_space<hbm>>
      %dma_start3A_41 = tpu.memref_slice %arg2[%add3A_14] : memref<320000xi32, #tpu.memory_space<hbm>> -> memref<40xi32, #tpu.memory_space<hbm>>
      tpu.enqueue_dma source(%dma_start3A_41 : memref<40xi32, #tpu.memory_space<hbm>>) target(%arg10 : memref<40xi32, #tpu.memory_space<vmem>>) target_semaphore(%run_scoped3A : memref<!tpu.dma_semaphore, #tpu.memory_space<semaphore_mem>>)
      %dma_wait3A_42 = tpu.memref_slice %arg2[%add3A_14] : memref<320000xi32, #tpu.memory_space<hbm>> -> memref<40xi32, #tpu.memory_space<hbm>>
      %dma_wait3A_43 = tpu.memref_slice %arg2[%add3A_14] : memref<320000xi32, #tpu.memory_space<hbm>> -> memref<40xi32, #tpu.memory_space<hbm>>
      tpu.wait_dma2 semaphore(%run_scoped3A : memref<!tpu.dma_semaphore, #tpu.memory_space<semaphore_mem>>) src(%dma_wait3A_43 : memref<40xi32, #tpu.memory_space<hbm>>) dst(%arg10 : memref<40xi32, #tpu.memory_space<vmem>>)
      tpu.yield
    }) : () -> ()
    %add3A_15 = arith.constant 40 : i32
    %add3A_16 = arith.addi %mul3A_10, %add3A_15 : i32
    "tpu.region"() ({
      %run_scoped3A = tpu.sem_alloc : memref<!tpu.dma_semaphore, #tpu.memory_space<semaphore_mem>>
      %dma_start3A_40 = tpu.memref_slice %arg3[%add3A_16] : memref<320000xi32, #tpu.memory_space<hbm>> -> memref<40xi32, #tpu.memory_space<hbm>>
      %dma_start3A_41 = tpu.memref_slice %arg3[%add3A_16] : memref<320000xi32, #tpu.memory_space<hbm>> -> memref<40xi32, #tpu.memory_space<hbm>>
      tpu.enqueue_dma source(%dma_start3A_41 : memref<40xi32, #tpu.memory_space<hbm>>) target(%arg12 : memref<40xi32, #tpu.memory_space<vmem>>) target_semaphore(%run_scoped3A : memref<!tpu.dma_semaphore, #tpu.memory_space<semaphore_mem>>)
      %dma_wait3A_42 = tpu.memref_slice %arg3[%add3A_16] : memref<320000xi32, #tpu.memory_space<hbm>> -> memref<40xi32, #tpu.memory_space<hbm>>
      %dma_wait3A_43 = tpu.memref_slice %arg3[%add3A_16] : memref<320000xi32, #tpu.memory_space<hbm>> -> memref<40xi32, #tpu.memory_space<hbm>>
      tpu.wait_dma2 semaphore(%run_scoped3A : memref<!tpu.dma_semaphore, #tpu.memory_space<semaphore_mem>>) src(%dma_wait3A_43 : memref<40xi32, #tpu.memory_space<hbm>>) dst(%arg12 : memref<40xi32, #tpu.memory_space<vmem>>)
      tpu.yield
    }) : () -> ()
    %barrier3A = arith.constant 0 : index
    tpu.barrier barrier_id(%barrier3A)
    %dma_start3A = arith.constant 0 : i32
    %dma_start3A_17 = arith.constant 0 : i32
    %dma_start3A_18 = tpu.memref_slice %arg5[%dma_start3A, %dma_start3A_17] : memref<10000x128xf32, #tpu.memory_space<hbm>> -> memref<10000x128xf32, #tpu.memory_space<hbm>>
    tpu.enqueue_indirect_dma source(%dma_start3A_18 : memref<10000x128xf32, #tpu.memory_space<hbm>>) target(%arg15 : memref<40x128xf32, #tpu.memory_space<vmem>>) offsets(%arg11 : memref<40xi32, #tpu.memory_space<vmem>>) semaphore(%arg26 : memref<!tpu.dma_semaphore, #tpu.memory_space<semaphore_mem>>)
    %dma_start3A_19 = arith.constant 0 : i32
    %dma_start3A_20 = arith.constant 0 : i32
    %dma_start3A_21 = tpu.memref_slice %arg6[%dma_start3A_19, %dma_start3A_20] : memref<10000x128xf32, #tpu.memory_space<hbm>> -> memref<10000x128xf32, #tpu.memory_space<hbm>>
    tpu.enqueue_indirect_dma source(%dma_start3A_21 : memref<10000x128xf32, #tpu.memory_space<hbm>>) target(%arg17 : memref<40x128xf32, #tpu.memory_space<vmem>>) offsets(%arg9 : memref<40xi32, #tpu.memory_space<vmem>>) semaphore(%arg26 : memref<!tpu.dma_semaphore, #tpu.memory_space<semaphore_mem>>)
    %dma_start3A_22 = arith.constant 0 : i32
    %dma_start3A_23 = arith.constant 0 : i32
    %dma_start3A_24 = tpu.memref_slice %arg7[%dma_start3A_22, %dma_start3A_23] : memref<10000x136xf32, #tpu.memory_space<hbm>> -> memref<10000x136xf32, #tpu.memory_space<hbm>>
    tpu.enqueue_indirect_dma source(%dma_start3A_24 : memref<10000x136xf32, #tpu.memory_space<hbm>>) target(%arg19 : memref<40x136xf32, #tpu.memory_space<vmem>>) offsets(%arg9 : memref<40xi32, #tpu.memory_space<vmem>>) semaphore(%arg26 : memref<!tpu.dma_semaphore, #tpu.memory_space<semaphore_mem>>)
    %scan3A = arith.constant 0 : i32
    %scan3A_25 = arith.constant 0 : i32
    %scan3A_26 = arith.constant 125 : i32
    %scan3A_27 = arith.addi %scan3A_25, %scan3A_26 : i32
    %scan3A_28 = arith.constant 1 : i32
    scf.for %scan3A_40 = %scan3A_25 to %scan3A_27 step %scan3A_28  : i32 {
      %dma_wait3A_41 = arith.constant 0 : i32
      %dma_wait3A_42 = arith.constant 0 : i32
      %dma_wait3A_43 = tpu.memref_slice %arg5[%dma_wait3A_41, %dma_wait3A_42] : memref<10000x128xf32, #tpu.memory_space<hbm>> -> memref<10000x128xf32, #tpu.memory_space<hbm>>
      tpu.wait_indirect_dma semaphore(%arg26 : memref<!tpu.dma_semaphore, #tpu.memory_space<semaphore_mem>>) src(%dma_wait3A_43 : memref<10000x128xf32, #tpu.memory_space<hbm>>) dst(%arg15 : memref<40x128xf32, #tpu.memory_space<vmem>>)
      %dma_wait3A_44 = arith.constant 0 : i32
      %dma_wait3A_45 = arith.constant 0 : i32
      %dma_wait3A_46 = tpu.memref_slice %arg6[%dma_wait3A_44, %dma_wait3A_45] : memref<10000x128xf32, #tpu.memory_space<hbm>> -> memref<10000x128xf32, #tpu.memory_space<hbm>>
      tpu.wait_indirect_dma semaphore(%arg26 : memref<!tpu.dma_semaphore, #tpu.memory_space<semaphore_mem>>) src(%dma_wait3A_46 : memref<10000x128xf32, #tpu.memory_space<hbm>>) dst(%arg17 : memref<40x128xf32, #tpu.memory_space<vmem>>)
      %dma_wait3A_47 = arith.constant 0 : i32
      %dma_wait3A_48 = arith.constant 0 : i32
      %dma_wait3A_49 = tpu.memref_slice %arg7[%dma_wait3A_47, %dma_wait3A_48] : memref<10000x136xf32, #tpu.memory_space<hbm>> -> memref<10000x136xf32, #tpu.memory_space<hbm>>
      tpu.wait_indirect_dma semaphore(%arg26 : memref<!tpu.dma_semaphore, #tpu.memory_space<semaphore_mem>>) src(%dma_wait3A_49 : memref<10000x136xf32, #tpu.memory_space<hbm>>) dst(%arg19 : memref<40x136xf32, #tpu.memory_space<vmem>>)
      %ge3A = arith.constant 1 : i32
      %ge3A_50 = arith.cmpi sge, %scan3A_40, %ge3A : i32
      %convert_element_type3A = arith.extui %ge3A_50 : i1 to i32
      %cond3A = arith.constant 0 : i32
      %cond3A_51 = arith.cmpi ne, %convert_element_type3A, %cond3A : i32
      scf.if %cond3A_51 {
        %dma_wait3A_229 = arith.constant 0 : i32
        %dma_wait3A_230 = tpu.memref_slice %arg2[%dma_wait3A_229] : memref<320000xi32, #tpu.memory_space<hbm>> -> memref<40xi32, #tpu.memory_space<hbm>>
        %dma_wait3A_231 = arith.constant 0 : i32
        %dma_wait3A_232 = tpu.memref_slice %arg2[%dma_wait3A_231] : memref<320000xi32, #tpu.memory_space<hbm>> -> memref<40xi32, #tpu.memory_space<hbm>>
        tpu.wait_dma2 semaphore(%arg31 : memref<!tpu.dma_semaphore, #tpu.memory_space<semaphore_mem>>) src(%dma_wait3A_232 : memref<40xi32, #tpu.memory_space<hbm>>) dst(%arg10 : memref<40xi32, #tpu.memory_space<vmem>>)
        %dma_wait3A_233 = arith.constant 0 : i32
        %dma_wait3A_234 = tpu.memref_slice %arg3[%dma_wait3A_233] : memref<320000xi32, #tpu.memory_space<hbm>> -> memref<40xi32, #tpu.memory_space<hbm>>
        %dma_wait3A_235 = arith.constant 0 : i32
        %dma_wait3A_236 = tpu.memref_slice %arg3[%dma_wait3A_235] : memref<320000xi32, #tpu.memory_space<hbm>> -> memref<40xi32, #tpu.memory_space<hbm>>
        tpu.wait_dma2 semaphore(%arg31 : memref<!tpu.dma_semaphore, #tpu.memory_space<semaphore_mem>>) src(%dma_wait3A_236 : memref<40xi32, #tpu.memory_space<hbm>>) dst(%arg12 : memref<40xi32, #tpu.memory_space<vmem>>)
      } else {
      }
      %dma_start3A_52 = arith.constant 0 : i32
      %dma_start3A_53 = arith.constant 0 : i32
      %dma_start3A_54 = tpu.memref_slice %arg5[%dma_start3A_52, %dma_start3A_53] : memref<10000x128xf32, #tpu.memory_space<hbm>> -> memref<10000x128xf32, #tpu.memory_space<hbm>>
      tpu.enqueue_indirect_dma source(%dma_start3A_54 : memref<10000x128xf32, #tpu.memory_space<hbm>>) target(%arg16 : memref<40x128xf32, #tpu.memory_space<vmem>>) offsets(%arg12 : memref<40xi32, #tpu.memory_space<vmem>>) semaphore(%arg27 : memref<!tpu.dma_semaphore, #tpu.memory_space<semaphore_mem>>)
      %dma_start3A_55 = arith.constant 0 : i32
      %dma_start3A_56 = arith.constant 0 : i32
      %dma_start3A_57 = tpu.memref_slice %arg6[%dma_start3A_55, %dma_start3A_56] : memref<10000x128xf32, #tpu.memory_space<hbm>> -> memref<10000x128xf32, #tpu.memory_space<hbm>>
      tpu.enqueue_indirect_dma source(%dma_start3A_57 : memref<10000x128xf32, #tpu.memory_space<hbm>>) target(%arg18 : memref<40x128xf32, #tpu.memory_space<vmem>>) offsets(%arg10 : memref<40xi32, #tpu.memory_space<vmem>>) semaphore(%arg27 : memref<!tpu.dma_semaphore, #tpu.memory_space<semaphore_mem>>)
      %dma_start3A_58 = arith.constant 0 : i32
      %dma_start3A_59 = arith.constant 0 : i32
      %dma_start3A_60 = tpu.memref_slice %arg7[%dma_start3A_58, %dma_start3A_59] : memref<10000x136xf32, #tpu.memory_space<hbm>> -> memref<10000x136xf32, #tpu.memory_space<hbm>>
      tpu.enqueue_indirect_dma source(%dma_start3A_60 : memref<10000x136xf32, #tpu.memory_space<hbm>>) target(%arg20 : memref<40x136xf32, #tpu.memory_space<vmem>>) offsets(%arg10 : memref<40xi32, #tpu.memory_space<vmem>>) semaphore(%arg27 : memref<!tpu.dma_semaphore, #tpu.memory_space<semaphore_mem>>)
      %ge3A_61 = arith.constant 1 : i32
      %ge3A_62 = arith.cmpi sge, %scan3A_40, %ge3A_61 : i32
      %convert_element_type3A_63 = arith.extui %ge3A_62 : i1 to i32
      %cond3A_64 = arith.constant 0 : i32
      %cond3A_65 = arith.cmpi ne, %convert_element_type3A_63, %cond3A_64 : i32
      scf.if %cond3A_65 {
        %dma_wait3A_229 = arith.constant 0 : i32
        %dma_wait3A_230 = arith.constant 0 : i32
        %dma_wait3A_231 = tpu.memref_slice %arg25[%dma_wait3A_229, %dma_wait3A_230] : memref<10000x136xf32, #tpu.memory_space<vmem_shared>> -> memref<10000x136xf32, #tpu.memory_space<vmem_shared>>
        tpu.wait_indirect_dma semaphore(%arg28 : memref<!tpu.dma_semaphore, #tpu.memory_space<semaphore_mem>>) src(%arg21 : memref<40x136xf32, #tpu.memory_space<vmem>>) dst(%dma_wait3A_231 : memref<10000x136xf32, #tpu.memory_space<vmem_shared>>)
      } else {
      }
      %scan3A_66 = arith.constant 0 : i32
      %scan3A_67 = arith.constant 0 : i32
      %scan3A_68 = arith.constant 10 : i32
      %scan3A_69 = arith.addi %scan3A_67, %scan3A_68 : i32
      %scan3A_70 = arith.constant 1 : i32
      scf.for %scan3A_229 = %scan3A_67 to %scan3A_69 step %scan3A_70  : i32 {
        %mul3A_230 = arith.constant 4 : i32
        %mul3A_231 = arith.muli %mul3A_230, %scan3A_229 : i32
        %add3A_232 = arith.constant 0 : i32
        %add3A_233 = arith.addi %mul3A_231, %add3A_232 : i32
        %get3A_234 = arith.index_cast %add3A_233 : i32 to index
        %get3A_235 = arith.constant 0 : index
        %get3A_236 = tpu.vector_load %arg15[%get3A_234, %get3A_235] {strides = array<i32>} : memref<40x128xf32, #tpu.memory_space<vmem>>, vector<16xf32>,
        %get3A_237 = arith.index_cast %add3A_233 : i32 to index
        %get3A_238 = arith.constant 0 : index
        %get3A_239 = tpu.vector_load %arg17[%get3A_237, %get3A_238] {strides = array<i32>} : memref<40x128xf32, #tpu.memory_space<vmem>>, vector<16xf32>,
        %mul3A_240 = arith.mulf %get3A_236, %get3A_239 : vector<16xf32>
        %add3A_241 = arith.addf %broadcast_in_dim3A_1, %mul3A_240 : vector<16xf32>
        %get3A_242 = arith.index_cast %add3A_233 : i32 to index
        %get3A_243 = arith.constant 16 : index
        %get3A_244 = tpu.vector_load %arg15[%get3A_242, %get3A_243] {strides = array<i32>} : memref<40x128xf32, #tpu.memory_space<vmem>>, vector<16xf32>,
        %get3A_245 = arith.index_cast %add3A_233 : i32 to index
        %get3A_246 = arith.constant 16 : index
        %get3A_247 = tpu.vector_load %arg17[%get3A_245, %get3A_246] {strides = array<i32>} : memref<40x128xf32, #tpu.memory_space<vmem>>, vector<16xf32>,
        %mul3A_248 = arith.mulf %get3A_244, %get3A_247 : vector<16xf32>
        %add3A_249 = arith.addf %add3A_241, %mul3A_248 : vector<16xf32>
        %get3A_250 = arith.index_cast %add3A_233 : i32 to index
        %get3A_251 = arith.constant 32 : index
        %get3A_252 = tpu.vector_load %arg15[%get3A_250, %get3A_251] {strides = array<i32>} : memref<40x128xf32, #tpu.memory_space<vmem>>, vector<16xf32>,
        %get3A_253 = arith.index_cast %add3A_233 : i32 to index
        %get3A_254 = arith.constant 32 : index
        %get3A_255 = tpu.vector_load %arg17[%get3A_253, %get3A_254] {strides = array<i32>} : memref<40x128xf32, #tpu.memory_space<vmem>>, vector<16xf32>,
        %mul3A_256 = arith.mulf %get3A_252, %get3A_255 : vector<16xf32>
        %add3A_257 = arith.addf %add3A_249, %mul3A_256 : vector<16xf32>
        %get3A_258 = arith.index_cast %add3A_233 : i32 to index
        %get3A_259 = arith.constant 48 : index
        %get3A_260 = tpu.vector_load %arg15[%get3A_258, %get3A_259] {strides = array<i32>} : memref<40x128xf32, #tpu.memory_space<vmem>>, vector<16xf32>,
        %get3A_261 = arith.index_cast %add3A_233 : i32 to index
        %get3A_262 = arith.constant 48 : index
        %get3A_263 = tpu.vector_load %arg17[%get3A_261, %get3A_262] {strides = array<i32>} : memref<40x128xf32, #tpu.memory_space<vmem>>, vector<16xf32>,
        %mul3A_264 = arith.mulf %get3A_260, %get3A_263 : vector<16xf32>
        %add3A_265 = arith.addf %add3A_257, %mul3A_264 : vector<16xf32>
        %get3A_266 = arith.index_cast %add3A_233 : i32 to index
        %get3A_267 = arith.constant 64 : index
        %get3A_268 = tpu.vector_load %arg15[%get3A_266, %get3A_267] {strides = array<i32>} : memref<40x128xf32, #tpu.memory_space<vmem>>, vector<16xf32>,
        %get3A_269 = arith.index_cast %add3A_233 : i32 to index
        %get3A_270 = arith.constant 64 : index
        %get3A_271 = tpu.vector_load %arg17[%get3A_269, %get3A_270] {strides = array<i32>} : memref<40x128xf32, #tpu.memory_space<vmem>>, vector<16xf32>,
        %mul3A_272 = arith.mulf %get3A_268, %get3A_271 : vector<16xf32>
        %add3A_273 = arith.addf %add3A_265, %mul3A_272 : vector<16xf32>
        %get3A_274 = arith.index_cast %add3A_233 : i32 to index
        %get3A_275 = arith.constant 80 : index
        %get3A_276 = tpu.vector_load %arg15[%get3A_274, %get3A_275] {strides = array<i32>} : memref<40x128xf32, #tpu.memory_space<vmem>>, vector<16xf32>,
        %get3A_277 = arith.index_cast %add3A_233 : i32 to index
        %get3A_278 = arith.constant 80 : index
        %get3A_279 = tpu.vector_load %arg17[%get3A_277, %get3A_278] {strides = array<i32>} : memref<40x128xf32, #tpu.memory_space<vmem>>, vector<16xf32>,
        %mul3A_280 = arith.mulf %get3A_276, %get3A_279 : vector<16xf32>
        %add3A_281 = arith.addf %add3A_273, %mul3A_280 : vector<16xf32>
        %get3A_282 = arith.index_cast %add3A_233 : i32 to index
        %get3A_283 = arith.constant 96 : index
        %get3A_284 = tpu.vector_load %arg15[%get3A_282, %get3A_283] {strides = array<i32>} : memref<40x128xf32, #tpu.memory_space<vmem>>, vector<16xf32>,
        %get3A_285 = arith.index_cast %add3A_233 : i32 to index
        %get3A_286 = arith.constant 96 : index
        %get3A_287 = tpu.vector_load %arg17[%get3A_285, %get3A_286] {strides = array<i32>} : memref<40x128xf32, #tpu.memory_space<vmem>>, vector<16xf32>,
        %mul3A_288 = arith.mulf %get3A_284, %get3A_287 : vector<16xf32>
        %add3A_289 = arith.addf %add3A_281, %mul3A_288 : vector<16xf32>
        %get3A_290 = arith.index_cast %add3A_233 : i32 to index
        %get3A_291 = arith.constant 112 : index
        %get3A_292 = tpu.vector_load %arg15[%get3A_290, %get3A_291] {strides = array<i32>} : memref<40x128xf32, #tpu.memory_space<vmem>>, vector<16xf32>,
        %get3A_293 = arith.index_cast %add3A_233 : i32 to index
        %get3A_294 = arith.constant 112 : index
        %get3A_295 = tpu.vector_load %arg17[%get3A_293, %get3A_294] {strides = array<i32>} : memref<40x128xf32, #tpu.memory_space<vmem>>, vector<16xf32>,
        %mul3A_296 = arith.mulf %get3A_292, %get3A_295 : vector<16xf32>
        %add3A_297 = arith.addf %add3A_289, %mul3A_296 : vector<16xf32>
        %broadcast_in_dim3A_298 = arith.constant true
        %broadcast_in_dim3A_299 = vector.broadcast %broadcast_in_dim3A_298 : i1 to vector<16xi1>
        %masked_cumsum3A = tpu.scan <sum>, %add3A_297 masked %broadcast_in_dim3A_299 : vector<16xf32>, vector<16xi1> -> vector<16xf32>
        %broadcast_in_dim3A_300 = vector.broadcast %add3A_233 : i32 to vector<16xi32>
        tpu.vector_store_idx %arg23[%broadcast_in_dim3A_300], %masked_cumsum3A masked %eq3A_6 : memref<40xf32, #tpu.memory_space<vmem>>[vector<16xi32>], vector<16xf32>, vector<16xi1>
        %mul3A_301 = arith.constant 4 : i32
        %mul3A_302 = arith.muli %mul3A_301, %scan3A_229 : i32
        %add3A_303 = arith.constant 1 : i32
        %add3A_304 = arith.addi %mul3A_302, %add3A_303 : i32
        %get3A_305 = arith.index_cast %add3A_304 : i32 to index
        %get3A_306 = arith.constant 0 : index
        %get3A_307 = tpu.vector_load %arg15[%get3A_305, %get3A_306] {strides = array<i32>} : memref<40x128xf32, #tpu.memory_space<vmem>>, vector<16xf32>,
        %get3A_308 = arith.index_cast %add3A_304 : i32 to index
        %get3A_309 = arith.constant 0 : index
        %get3A_310 = tpu.vector_load %arg17[%get3A_308, %get3A_309] {strides = array<i32>} : memref<40x128xf32, #tpu.memory_space<vmem>>, vector<16xf32>,
        %mul3A_311 = arith.mulf %get3A_307, %get3A_310 : vector<16xf32>
        %add3A_312 = arith.addf %broadcast_in_dim3A_1, %mul3A_311 : vector<16xf32>
        %get3A_313 = arith.index_cast %add3A_304 : i32 to index
        %get3A_314 = arith.constant 16 : index
        %get3A_315 = tpu.vector_load %arg15[%get3A_313, %get3A_314] {strides = array<i32>} : memref<40x128xf32, #tpu.memory_space<vmem>>, vector<16xf32>,
        %get3A_316 = arith.index_cast %add3A_304 : i32 to index
        %get3A_317 = arith.constant 16 : index
        %get3A_318 = tpu.vector_load %arg17[%get3A_316, %get3A_317] {strides = array<i32>} : memref<40x128xf32, #tpu.memory_space<vmem>>, vector<16xf32>,
        %mul3A_319 = arith.mulf %get3A_315, %get3A_318 : vector<16xf32>
        %add3A_320 = arith.addf %add3A_312, %mul3A_319 : vector<16xf32>
        %get3A_321 = arith.index_cast %add3A_304 : i32 to index
        %get3A_322 = arith.constant 32 : index
        %get3A_323 = tpu.vector_load %arg15[%get3A_321, %get3A_322] {strides = array<i32>} : memref<40x128xf32, #tpu.memory_space<vmem>>, vector<16xf32>,
        %get3A_324 = arith.index_cast %add3A_304 : i32 to index
        %get3A_325 = arith.constant 32 : index
        %get3A_326 = tpu.vector_load %arg17[%get3A_324, %get3A_325] {strides = array<i32>} : memref<40x128xf32, #tpu.memory_space<vmem>>, vector<16xf32>,
        %mul3A_327 = arith.mulf %get3A_323, %get3A_326 : vector<16xf32>
        %add3A_328 = arith.addf %add3A_320, %mul3A_327 : vector<16xf32>
        %get3A_329 = arith.index_cast %add3A_304 : i32 to index
        %get3A_330 = arith.constant 48 : index
        %get3A_331 = tpu.vector_load %arg15[%get3A_329, %get3A_330] {strides = array<i32>} : memref<40x128xf32, #tpu.memory_space<vmem>>, vector<16xf32>,
        %get3A_332 = arith.index_cast %add3A_304 : i32 to index
        %get3A_333 = arith.constant 48 : index
        %get3A_334 = tpu.vector_load %arg17[%get3A_332, %get3A_333] {strides = array<i32>} : memref<40x128xf32, #tpu.memory_space<vmem>>, vector<16xf32>,
        %mul3A_335 = arith.mulf %get3A_331, %get3A_334 : vector<16xf32>
        %add3A_336 = arith.addf %add3A_328, %mul3A_335 : vector<16xf32>
        %get3A_337 = arith.index_cast %add3A_304 : i32 to index
        %get3A_338 = arith.constant 64 : index
        %get3A_339 = tpu.vector_load %arg15[%get3A_337, %get3A_338] {strides = array<i32>} : memref<40x128xf32, #tpu.memory_space<vmem>>, vector<16xf32>,
        %get3A_340 = arith.index_cast %add3A_304 : i32 to index
        %get3A_341 = arith.constant 64 : index
        %get3A_342 = tpu.vector_load %arg17[%get3A_340, %get3A_341] {strides = array<i32>} : memref<40x128xf32, #tpu.memory_space<vmem>>, vector<16xf32>,
        %mul3A_343 = arith.mulf %get3A_339, %get3A_342 : vector<16xf32>
        %add3A_344 = arith.addf %add3A_336, %mul3A_343 : vector<16xf32>
        %get3A_345 = arith.index_cast %add3A_304 : i32 to index
        %get3A_346 = arith.constant 80 : index
        %get3A_347 = tpu.vector_load %arg15[%get3A_345, %get3A_346] {strides = array<i32>} : memref<40x128xf32, #tpu.memory_space<vmem>>, vector<16xf32>,
        %get3A_348 = arith.index_cast %add3A_304 : i32 to index
        %get3A_349 = arith.constant 80 : index
        %get3A_350 = tpu.vector_load %arg17[%get3A_348, %get3A_349] {strides = array<i32>} : memref<40x128xf32, #tpu.memory_space<vmem>>, vector<16xf32>,
        %mul3A_351 = arith.mulf %get3A_347, %get3A_350 : vector<16xf32>
        %add3A_352 = arith.addf %add3A_344, %mul3A_351 : vector<16xf32>
        %get3A_353 = arith.index_cast %add3A_304 : i32 to index
        %get3A_354 = arith.constant 96 : index
        %get3A_355 = tpu.vector_load %arg15[%get3A_353, %get3A_354] {strides = array<i32>} : memref<40x128xf32, #tpu.memory_space<vmem>>, vector<16xf32>,
        %get3A_356 = arith.index_cast %add3A_304 : i32 to index
        %get3A_357 = arith.constant 96 : index
        %get3A_358 = tpu.vector_load %arg17[%get3A_356, %get3A_357] {strides = array<i32>} : memref<40x128xf32, #tpu.memory_space<vmem>>, vector<16xf32>,
        %mul3A_359 = arith.mulf %get3A_355, %get3A_358 : vector<16xf32>
        %add3A_360 = arith.addf %add3A_352, %mul3A_359 : vector<16xf32>
        %get3A_361 = arith.index_cast %add3A_304 : i32 to index
        %get3A_362 = arith.constant 112 : index
        %get3A_363 = tpu.vector_load %arg15[%get3A_361, %get3A_362] {strides = array<i32>} : memref<40x128xf32, #tpu.memory_space<vmem>>, vector<16xf32>,
        %get3A_364 = arith.index_cast %add3A_304 : i32 to index
        %get3A_365 = arith.constant 112 : index
        %get3A_366 = tpu.vector_load %arg17[%get3A_364, %get3A_365] {strides = array<i32>} : memref<40x128xf32, #tpu.memory_space<vmem>>, vector<16xf32>,
        %mul3A_367 = arith.mulf %get3A_363, %get3A_366 : vector<16xf32>
        %add3A_368 = arith.addf %add3A_360, %mul3A_367 : vector<16xf32>
        %broadcast_in_dim3A_369 = arith.constant true
        %broadcast_in_dim3A_370 = vector.broadcast %broadcast_in_dim3A_369 : i1 to vector<16xi1>
        %masked_cumsum3A_371 = tpu.scan <sum>, %add3A_368 masked %broadcast_in_dim3A_370 : vector<16xf32>, vector<16xi1> -> vector<16xf32>
        %broadcast_in_dim3A_372 = vector.broadcast %add3A_304 : i32 to vector<16xi32>
        tpu.vector_store_idx %arg23[%broadcast_in_dim3A_372], %masked_cumsum3A_371 masked %eq3A_6 : memref<40xf32, #tpu.memory_space<vmem>>[vector<16xi32>], vector<16xf32>, vector<16xi1>
        %mul3A_373 = arith.constant 4 : i32
        %mul3A_374 = arith.muli %mul3A_373, %scan3A_229 : i32
        %add3A_375 = arith.constant 2 : i32
        %add3A_376 = arith.addi %mul3A_374, %add3A_375 : i32
        %get3A_377 = arith.index_cast %add3A_376 : i32 to index
        %get3A_378 = arith.constant 0 : index
        %get3A_379 = tpu.vector_load %arg15[%get3A_377, %get3A_378] {strides = array<i32>} : memref<40x128xf32, #tpu.memory_space<vmem>>, vector<16xf32>,
        %get3A_380 = arith.index_cast %add3A_376 : i32 to index
        %get3A_381 = arith.constant 0 : index
        %get3A_382 = tpu.vector_load %arg17[%get3A_380, %get3A_381] {strides = array<i32>} : memref<40x128xf32, #tpu.memory_space<vmem>>, vector<16xf32>,
        %mul3A_383 = arith.mulf %get3A_379, %get3A_382 : vector<16xf32>
        %add3A_384 = arith.addf %broadcast_in_dim3A_1, %mul3A_383 : vector<16xf32>
        %get3A_385 = arith.index_cast %add3A_376 : i32 to index
        %get3A_386 = arith.constant 16 : index
        %get3A_387 = tpu.vector_load %arg15[%get3A_385, %get3A_386] {strides = array<i32>} : memref<40x128xf32, #tpu.memory_space<vmem>>, vector<16xf32>,
        %get3A_388 = arith.index_cast %add3A_376 : i32 to index
        %get3A_389 = arith.constant 16 : index
        %get3A_390 = tpu.vector_load %arg17[%get3A_388, %get3A_389] {strides = array<i32>} : memref<40x128xf32, #tpu.memory_space<vmem>>, vector<16xf32>,
        %mul3A_391 = arith.mulf %get3A_387, %get3A_390 : vector<16xf32>
        %add3A_392 = arith.addf %add3A_384, %mul3A_391 : vector<16xf32>
        %get3A_393 = arith.index_cast %add3A_376 : i32 to index
        %get3A_394 = arith.constant 32 : index
        %get3A_395 = tpu.vector_load %arg15[%get3A_393, %get3A_394] {strides = array<i32>} : memref<40x128xf32, #tpu.memory_space<vmem>>, vector<16xf32>,
        %get3A_396 = arith.index_cast %add3A_376 : i32 to index
        %get3A_397 = arith.constant 32 : index
        %get3A_398 = tpu.vector_load %arg17[%get3A_396, %get3A_397] {strides = array<i32>} : memref<40x128xf32, #tpu.memory_space<vmem>>, vector<16xf32>,
        %mul3A_399 = arith.mulf %get3A_395, %get3A_398 : vector<16xf32>
        %add3A_400 = arith.addf %add3A_392, %mul3A_399 : vector<16xf32>
        %get3A_401 = arith.index_cast %add3A_376 : i32 to index
        %get3A_402 = arith.constant 48 : index
        %get3A_403 = tpu.vector_load %arg15[%get3A_401, %get3A_402] {strides = array<i32>} : memref<40x128xf32, #tpu.memory_space<vmem>>, vector<16xf32>,
        %get3A_404 = arith.index_cast %add3A_376 : i32 to index
        %get3A_405 = arith.constant 48 : index
        %get3A_406 = tpu.vector_load %arg17[%get3A_404, %get3A_405] {strides = array<i32>} : memref<40x128xf32, #tpu.memory_space<vmem>>, vector<16xf32>,
        %mul3A_407 = arith.mulf %get3A_403, %get3A_406 : vector<16xf32>
        %add3A_408 = arith.addf %add3A_400, %mul3A_407 : vector<16xf32>
        %get3A_409 = arith.index_cast %add3A_376 : i32 to index
        %get3A_410 = arith.constant 64 : index
        %get3A_411 = tpu.vector_load %arg15[%get3A_409, %get3A_410] {strides = array<i32>} : memref<40x128xf32, #tpu.memory_space<vmem>>, vector<16xf32>,
        %get3A_412 = arith.index_cast %add3A_376 : i32 to index
        %get3A_413 = arith.constant 64 : index
        %get3A_414 = tpu.vector_load %arg17[%get3A_412, %get3A_413] {strides = array<i32>} : memref<40x128xf32, #tpu.memory_space<vmem>>, vector<16xf32>,
        %mul3A_415 = arith.mulf %get3A_411, %get3A_414 : vector<16xf32>
        %add3A_416 = arith.addf %add3A_408, %mul3A_415 : vector<16xf32>
        %get3A_417 = arith.index_cast %add3A_376 : i32 to index
        %get3A_418 = arith.constant 80 : index
        %get3A_419 = tpu.vector_load %arg15[%get3A_417, %get3A_418] {strides = array<i32>} : memref<40x128xf32, #tpu.memory_space<vmem>>, vector<16xf32>,
        %get3A_420 = arith.index_cast %add3A_376 : i32 to index
        %get3A_421 = arith.constant 80 : index
        %get3A_422 = tpu.vector_load %arg17[%get3A_420, %get3A_421] {strides = array<i32>} : memref<40x128xf32, #tpu.memory_space<vmem>>, vector<16xf32>,
        %mul3A_423 = arith.mulf %get3A_419, %get3A_422 : vector<16xf32>
        %add3A_424 = arith.addf %add3A_416, %mul3A_423 : vector<16xf32>
        %get3A_425 = arith.index_cast %add3A_376 : i32 to index
        %get3A_426 = arith.constant 96 : index
        %get3A_427 = tpu.vector_load %arg15[%get3A_425, %get3A_426] {strides = array<i32>} : memref<40x128xf32, #tpu.memory_space<vmem>>, vector<16xf32>,
        %get3A_428 = arith.index_cast %add3A_376 : i32 to index
        %get3A_429 = arith.constant 96 : index
        %get3A_430 = tpu.vector_load %arg17[%get3A_428, %get3A_429] {strides = array<i32>} : memref<40x128xf32, #tpu.memory_space<vmem>>, vector<16xf32>,
        %mul3A_431 = arith.mulf %get3A_427, %get3A_430 : vector<16xf32>
        %add3A_432 = arith.addf %add3A_424, %mul3A_431 : vector<16xf32>
        %get3A_433 = arith.index_cast %add3A_376 : i32 to index
        %get3A_434 = arith.constant 112 : index
        %get3A_435 = tpu.vector_load %arg15[%get3A_433, %get3A_434] {strides = array<i32>} : memref<40x128xf32, #tpu.memory_space<vmem>>, vector<16xf32>,
        %get3A_436 = arith.index_cast %add3A_376 : i32 to index
        %get3A_437 = arith.constant 112 : index
        %get3A_438 = tpu.vector_load %arg17[%get3A_436, %get3A_437] {strides = array<i32>} : memref<40x128xf32, #tpu.memory_space<vmem>>, vector<16xf32>,
        %mul3A_439 = arith.mulf %get3A_435, %get3A_438 : vector<16xf32>
        %add3A_440 = arith.addf %add3A_432, %mul3A_439 : vector<16xf32>
        %broadcast_in_dim3A_441 = arith.constant true
        %broadcast_in_dim3A_442 = vector.broadcast %broadcast_in_dim3A_441 : i1 to vector<16xi1>
        %masked_cumsum3A_443 = tpu.scan <sum>, %add3A_440 masked %broadcast_in_dim3A_442 : vector<16xf32>, vector<16xi1> -> vector<16xf32>
        %broadcast_in_dim3A_444 = vector.broadcast %add3A_376 : i32 to vector<16xi32>
        tpu.vector_store_idx %arg23[%broadcast_in_dim3A_444], %masked_cumsum3A_443 masked %eq3A_6 : memref<40xf32, #tpu.memory_space<vmem>>[vector<16xi32>], vector<16xf32>, vector<16xi1>
        %mul3A_445 = arith.constant 4 : i32
        %mul3A_446 = arith.muli %mul3A_445, %scan3A_229 : i32
        %add3A_447 = arith.constant 3 : i32
        %add3A_448 = arith.addi %mul3A_446, %add3A_447 : i32
        %get3A_449 = arith.index_cast %add3A_448 : i32 to index
        %get3A_450 = arith.constant 0 : index
        %get3A_451 = tpu.vector_load %arg15[%get3A_449, %get3A_450] {strides = array<i32>} : memref<40x128xf32, #tpu.memory_space<vmem>>, vector<16xf32>,
        %get3A_452 = arith.index_cast %add3A_448 : i32 to index
        %get3A_453 = arith.constant 0 : index
        %get3A_454 = tpu.vector_load %arg17[%get3A_452, %get3A_453] {strides = array<i32>} : memref<40x128xf32, #tpu.memory_space<vmem>>, vector<16xf32>,
        %mul3A_455 = arith.mulf %get3A_451, %get3A_454 : vector<16xf32>
        %add3A_456 = arith.addf %broadcast_in_dim3A_1, %mul3A_455 : vector<16xf32>
        %get3A_457 = arith.index_cast %add3A_448 : i32 to index
        %get3A_458 = arith.constant 16 : index
        %get3A_459 = tpu.vector_load %arg15[%get3A_457, %get3A_458] {strides = array<i32>} : memref<40x128xf32, #tpu.memory_space<vmem>>, vector<16xf32>,
        %get3A_460 = arith.index_cast %add3A_448 : i32 to index
        %get3A_461 = arith.constant 16 : index
        %get3A_462 = tpu.vector_load %arg17[%get3A_460, %get3A_461] {strides = array<i32>} : memref<40x128xf32, #tpu.memory_space<vmem>>, vector<16xf32>,
        %mul3A_463 = arith.mulf %get3A_459, %get3A_462 : vector<16xf32>
        %add3A_464 = arith.addf %add3A_456, %mul3A_463 : vector<16xf32>
        %get3A_465 = arith.index_cast %add3A_448 : i32 to index
        %get3A_466 = arith.constant 32 : index
        %get3A_467 = tpu.vector_load %arg15[%get3A_465, %get3A_466] {strides = array<i32>} : memref<40x128xf32, #tpu.memory_space<vmem>>, vector<16xf32>,
        %get3A_468 = arith.index_cast %add3A_448 : i32 to index
        %get3A_469 = arith.constant 32 : index
        %get3A_470 = tpu.vector_load %arg17[%get3A_468, %get3A_469] {strides = array<i32>} : memref<40x128xf32, #tpu.memory_space<vmem>>, vector<16xf32>,
        %mul3A_471 = arith.mulf %get3A_467, %get3A_470 : vector<16xf32>
        %add3A_472 = arith.addf %add3A_464, %mul3A_471 : vector<16xf32>
        %get3A_473 = arith.index_cast %add3A_448 : i32 to index
        %get3A_474 = arith.constant 48 : index
        %get3A_475 = tpu.vector_load %arg15[%get3A_473, %get3A_474] {strides = array<i32>} : memref<40x128xf32, #tpu.memory_space<vmem>>, vector<16xf32>,
        %get3A_476 = arith.index_cast %add3A_448 : i32 to index
        %get3A_477 = arith.constant 48 : index
        %get3A_478 = tpu.vector_load %arg17[%get3A_476, %get3A_477] {strides = array<i32>} : memref<40x128xf32, #tpu.memory_space<vmem>>, vector<16xf32>,
        %mul3A_479 = arith.mulf %get3A_475, %get3A_478 : vector<16xf32>
        %add3A_480 = arith.addf %add3A_472, %mul3A_479 : vector<16xf32>
        %get3A_481 = arith.index_cast %add3A_448 : i32 to index
        %get3A_482 = arith.constant 64 : index
        %get3A_483 = tpu.vector_load %arg15[%get3A_481, %get3A_482] {strides = array<i32>} : memref<40x128xf32, #tpu.memory_space<vmem>>, vector<16xf32>,
        %get3A_484 = arith.index_cast %add3A_448 : i32 to index
        %get3A_485 = arith.constant 64 : index
        %get3A_486 = tpu.vector_load %arg17[%get3A_484, %get3A_485] {strides = array<i32>} : memref<40x128xf32, #tpu.memory_space<vmem>>, vector<16xf32>,
        %mul3A_487 = arith.mulf %get3A_483, %get3A_486 : vector<16xf32>
        %add3A_488 = arith.addf %add3A_480, %mul3A_487 : vector<16xf32>
        %get3A_489 = arith.index_cast %add3A_448 : i32 to index
        %get3A_490 = arith.constant 80 : index
        %get3A_491 = tpu.vector_load %arg15[%get3A_489, %get3A_490] {strides = array<i32>} : memref<40x128xf32, #tpu.memory_space<vmem>>, vector<16xf32>,
        %get3A_492 = arith.index_cast %add3A_448 : i32 to index
        %get3A_493 = arith.constant 80 : index
        %get3A_494 = tpu.vector_load %arg17[%get3A_492, %get3A_493] {strides = array<i32>} : memref<40x128xf32, #tpu.memory_space<vmem>>, vector<16xf32>,
        %mul3A_495 = arith.mulf %get3A_491, %get3A_494 : vector<16xf32>
        %add3A_496 = arith.addf %add3A_488, %mul3A_495 : vector<16xf32>
        %get3A_497 = arith.index_cast %add3A_448 : i32 to index
        %get3A_498 = arith.constant 96 : index
        %get3A_499 = tpu.vector_load %arg15[%get3A_497, %get3A_498] {strides = array<i32>} : memref<40x128xf32, #tpu.memory_space<vmem>>, vector<16xf32>,
        %get3A_500 = arith.index_cast %add3A_448 : i32 to index
        %get3A_501 = arith.constant 96 : index
        %get3A_502 = tpu.vector_load %arg17[%get3A_500, %get3A_501] {strides = array<i32>} : memref<40x128xf32, #tpu.memory_space<vmem>>, vector<16xf32>,
        %mul3A_503 = arith.mulf %get3A_499, %get3A_502 : vector<16xf32>
        %add3A_504 = arith.addf %add3A_496, %mul3A_503 : vector<16xf32>
        %get3A_505 = arith.index_cast %add3A_448 : i32 to index
        %get3A_506 = arith.constant 112 : index
        %get3A_507 = tpu.vector_load %arg15[%get3A_505, %get3A_506] {strides = array<i32>} : memref<40x128xf32, #tpu.memory_space<vmem>>, vector<16xf32>,
        %get3A_508 = arith.index_cast %add3A_448 : i32 to index
        %get3A_509 = arith.constant 112 : index
        %get3A_510 = tpu.vector_load %arg17[%get3A_508, %get3A_509] {strides = array<i32>} : memref<40x128xf32, #tpu.memory_space<vmem>>, vector<16xf32>,
        %mul3A_511 = arith.mulf %get3A_507, %get3A_510 : vector<16xf32>
        %add3A_512 = arith.addf %add3A_504, %mul3A_511 : vector<16xf32>
        %broadcast_in_dim3A_513 = arith.constant true
        %broadcast_in_dim3A_514 = vector.broadcast %broadcast_in_dim3A_513 : i1 to vector<16xi1>
        %masked_cumsum3A_515 = tpu.scan <sum>, %add3A_512 masked %broadcast_in_dim3A_514 : vector<16xf32>, vector<16xi1> -> vector<16xf32>
        %broadcast_in_dim3A_516 = vector.broadcast %add3A_448 : i32 to vector<16xi32>
        tpu.vector_store_idx %arg23[%broadcast_in_dim3A_516], %masked_cumsum3A_515 masked %eq3A_6 : memref<40xf32, #tpu.memory_space<vmem>>[vector<16xi32>], vector<16xf32>, vector<16xi1>
      }
      %scan3A_71 = arith.constant 10 : i32
      %get3A = arith.constant 0 : index
      %get3A_72 = tpu.vector_load %arg23[%get3A] {strides = array<i32>} : memref<40xf32, #tpu.memory_space<vmem>>, vector<16xf32>,
      %mul3A_73 = arith.constant 0.0883883461 : f32
      %mul3A_74 = vector.broadcast %mul3A_73 : f32 to vector<16xf32>
      %mul3A_75 = arith.mulf %get3A_72, %mul3A_74 : vector<16xf32>
      %exp3A = math.exp %mul3A_75 : vector<16xf32>
      %swap3A = arith.constant 0 : index
      %swap3A_76 = tpu.vector_load %arg23[%swap3A] {strides = array<i32>} : memref<40xf32, #tpu.memory_space<vmem>>, vector<16xf32>,
      tpu.vector_store %arg23[%swap3A], %exp3A {strides = array<i32>} : memref<40xf32, #tpu.memory_space<vmem>>, vector<16xf32>,
      %add3A_77 = arith.constant 0 : i32
      %add3A_78 = vector.broadcast %add3A_77 : i32 to vector<16xi32>
      %add3A_79 = arith.addi %add3A_78, %iota3A : vector<16xi32>
      tpu.vector_store_idx %arg21[%add3A_79, %broadcast_in_dim3A_8], %exp3A : memref<40x136xf32, #tpu.memory_space<vmem>>[vector<16xi32>, vector<16xi32>], vector<16xf32>,
      %get3A_80 = arith.constant 16 : index
      %get3A_81 = tpu.vector_load %arg23[%get3A_80] {strides = array<i32>} : memref<40xf32, #tpu.memory_space<vmem>>, vector<16xf32>,
      %mul3A_82 = arith.constant 0.0883883461 : f32
      %mul3A_83 = vector.broadcast %mul3A_82 : f32 to vector<16xf32>
      %mul3A_84 = arith.mulf %get3A_81, %mul3A_83 : vector<16xf32>
      %exp3A_85 = math.exp %mul3A_84 : vector<16xf32>
      %swap3A_86 = arith.constant 16 : index
      %swap3A_87 = tpu.vector_load %arg23[%swap3A_86] {strides = array<i32>} : memref<40xf32, #tpu.memory_space<vmem>>, vector<16xf32>,
      tpu.vector_store %arg23[%swap3A_86], %exp3A_85 {strides = array<i32>} : memref<40xf32, #tpu.memory_space<vmem>>, vector<16xf32>,
      %add3A_88 = arith.constant 16 : i32
      %add3A_89 = vector.broadcast %add3A_88 : i32 to vector<16xi32>
      %add3A_90 = arith.addi %add3A_89, %iota3A : vector<16xi32>
      tpu.vector_store_idx %arg21[%add3A_90, %broadcast_in_dim3A_8], %exp3A_85 : memref<40x136xf32, #tpu.memory_space<vmem>>[vector<16xi32>, vector<16xi32>], vector<16xf32>,
      %add3A_91 = arith.constant 32 : i32
      %add3A_92 = vector.broadcast %add3A_91 : i32 to vector<16xi32>
      %add3A_93 = arith.addi %add3A_92, %iota3A : vector<16xi32>
      %min3A = arith.constant 39 : i32
      %min3A_94 = vector.broadcast %min3A : i32 to vector<16xi32>
      %min3A_95 = arith.minsi %add3A_93, %min3A_94 : vector<16xi32>
      %add3A_96 = arith.constant 32 : i32
      %add3A_97 = vector.broadcast %add3A_96 : i32 to vector<16xi32>
      %add3A_98 = arith.addi %add3A_97, %iota3A : vector<16xi32>
      %lt3A = arith.constant 40 : i32
      %lt3A_99 = vector.broadcast %lt3A : i32 to vector<16xi32>
      %lt3A_100 = arith.cmpi slt, %add3A_98, %lt3A_99 : vector<16xi32>
      %gather3A = tpu.vector_load_idx %arg23[%min3A_95] : memref<40xf32, #tpu.memory_space<vmem>>[vector<16xi32>], vector<16xf32>,
      %mul3A_101 = arith.constant 0.0883883461 : f32
      %mul3A_102 = vector.broadcast %mul3A_101 : f32 to vector<16xf32>
      %mul3A_103 = arith.mulf %gather3A, %mul3A_102 : vector<16xf32>
      %exp3A_104 = math.exp %mul3A_103 : vector<16xf32>
      tpu.vector_store_idx %arg23[%min3A_95], %exp3A_104 masked %lt3A_100 : memref<40xf32, #tpu.memory_space<vmem>>[vector<16xi32>], vector<16xf32>, vector<16xi1>
      tpu.vector_store_idx %arg21[%min3A_95, %broadcast_in_dim3A_8], %exp3A_104 masked %lt3A_100 : memref<40x136xf32, #tpu.memory_space<vmem>>[vector<16xi32>, vector<16xi32>], vector<16xf32>, vector<16xi1>
      %scan3A_105 = arith.constant 0 : i32
      %scan3A_106 = arith.constant 0 : i32
      %scan3A_107 = arith.constant 20 : i32
      %scan3A_108 = arith.addi %scan3A_106, %scan3A_107 : i32
      %scan3A_109 = arith.constant 1 : i32
      scf.for %scan3A_229 = %scan3A_106 to %scan3A_108 step %scan3A_109  : i32 {
        %mul3A_230 = arith.constant 2 : i32
        %mul3A_231 = arith.muli %mul3A_230, %scan3A_229 : i32
        %add3A_232 = arith.constant 0 : i32
        %add3A_233 = arith.addi %mul3A_231, %add3A_232 : i32
        %broadcast_in_dim3A_234 = vector.broadcast %add3A_233 : i32 to vector<16xi32>
        %gather3A_235 = tpu.vector_load_idx %arg23[%broadcast_in_dim3A_234] : memref<40xf32, #tpu.memory_space<vmem>>[vector<16xi32>], vector<16xf32>,
        %get3A_236 = arith.index_cast %add3A_233 : i32 to index
        %get3A_237 = arith.constant 0 : index
        %get3A_238 = tpu.vector_load %arg19[%get3A_236, %get3A_237] {strides = array<i32>} : memref<40x136xf32, #tpu.memory_space<vmem>>, vector<16xf32>,
        %mul3A_239 = arith.mulf %get3A_238, %gather3A_235 : vector<16xf32>
        %swap3A_240 = arith.index_cast %add3A_233 : i32 to index
        %swap3A_241 = arith.constant 0 : index
        %swap3A_242 = tpu.vector_load %arg21[%swap3A_240, %swap3A_241] {strides = array<i32>} : memref<40x136xf32, #tpu.memory_space<vmem>>, vector<16xf32>,
        tpu.vector_store %arg21[%swap3A_240, %swap3A_241], %mul3A_239 {strides = array<i32>} : memref<40x136xf32, #tpu.memory_space<vmem>>, vector<16xf32>,
        %get3A_243 = arith.index_cast %add3A_233 : i32 to index
        %get3A_244 = arith.constant 16 : index
        %get3A_245 = tpu.vector_load %arg19[%get3A_243, %get3A_244] {strides = array<i32>} : memref<40x136xf32, #tpu.memory_space<vmem>>, vector<16xf32>,
        %mul3A_246 = arith.mulf %get3A_245, %gather3A_235 : vector<16xf32>
        %swap3A_247 = arith.index_cast %add3A_233 : i32 to index
        %swap3A_248 = arith.constant 16 : index
        %swap3A_249 = tpu.vector_load %arg21[%swap3A_247, %swap3A_248] {strides = array<i32>} : memref<40x136xf32, #tpu.memory_space<vmem>>, vector<16xf32>,
        tpu.vector_store %arg21[%swap3A_247, %swap3A_248], %mul3A_246 {strides = array<i32>} : memref<40x136xf32, #tpu.memory_space<vmem>>, vector<16xf32>,
        %get3A_250 = arith.index_cast %add3A_233 : i32 to index
        %get3A_251 = arith.constant 32 : index
        %get3A_252 = tpu.vector_load %arg19[%get3A_250, %get3A_251] {strides = array<i32>} : memref<40x136xf32, #tpu.memory_space<vmem>>, vector<16xf32>,
        %mul3A_253 = arith.mulf %get3A_252, %gather3A_235 : vector<16xf32>
        %swap3A_254 = arith.index_cast %add3A_233 : i32 to index
        %swap3A_255 = arith.constant 32 : index
        %swap3A_256 = tpu.vector_load %arg21[%swap3A_254, %swap3A_255] {strides = array<i32>} : memref<40x136xf32, #tpu.memory_space<vmem>>, vector<16xf32>,
        tpu.vector_store %arg21[%swap3A_254, %swap3A_255], %mul3A_253 {strides = array<i32>} : memref<40x136xf32, #tpu.memory_space<vmem>>, vector<16xf32>,
        %get3A_257 = arith.index_cast %add3A_233 : i32 to index
        %get3A_258 = arith.constant 48 : index
        %get3A_259 = tpu.vector_load %arg19[%get3A_257, %get3A_258] {strides = array<i32>} : memref<40x136xf32, #tpu.memory_space<vmem>>, vector<16xf32>,
        %mul3A_260 = arith.mulf %get3A_259, %gather3A_235 : vector<16xf32>
        %swap3A_261 = arith.index_cast %add3A_233 : i32 to index
        %swap3A_262 = arith.constant 48 : index
        %swap3A_263 = tpu.vector_load %arg21[%swap3A_261, %swap3A_262] {strides = array<i32>} : memref<40x136xf32, #tpu.memory_space<vmem>>, vector<16xf32>,
        tpu.vector_store %arg21[%swap3A_261, %swap3A_262], %mul3A_260 {strides = array<i32>} : memref<40x136xf32, #tpu.memory_space<vmem>>, vector<16xf32>,
        %get3A_264 = arith.index_cast %add3A_233 : i32 to index
        %get3A_265 = arith.constant 64 : index
        %get3A_266 = tpu.vector_load %arg19[%get3A_264, %get3A_265] {strides = array<i32>} : memref<40x136xf32, #tpu.memory_space<vmem>>, vector<16xf32>,
        %mul3A_267 = arith.mulf %get3A_266, %gather3A_235 : vector<16xf32>
        %swap3A_268 = arith.index_cast %add3A_233 : i32 to index
        %swap3A_269 = arith.constant 64 : index
        %swap3A_270 = tpu.vector_load %arg21[%swap3A_268, %swap3A_269] {strides = array<i32>} : memref<40x136xf32, #tpu.memory_space<vmem>>, vector<16xf32>,
        tpu.vector_store %arg21[%swap3A_268, %swap3A_269], %mul3A_267 {strides = array<i32>} : memref<40x136xf32, #tpu.memory_space<vmem>>, vector<16xf32>,
        %get3A_271 = arith.index_cast %add3A_233 : i32 to index
        %get3A_272 = arith.constant 80 : index
        %get3A_273 = tpu.vector_load %arg19[%get3A_271, %get3A_272] {strides = array<i32>} : memref<40x136xf32, #tpu.memory_space<vmem>>, vector<16xf32>,
        %mul3A_274 = arith.mulf %get3A_273, %gather3A_235 : vector<16xf32>
        %swap3A_275 = arith.index_cast %add3A_233 : i32 to index
        %swap3A_276 = arith.constant 80 : index
        %swap3A_277 = tpu.vector_load %arg21[%swap3A_275, %swap3A_276] {strides = array<i32>} : memref<40x136xf32, #tpu.memory_space<vmem>>, vector<16xf32>,
        tpu.vector_store %arg21[%swap3A_275, %swap3A_276], %mul3A_274 {strides = array<i32>} : memref<40x136xf32, #tpu.memory_space<vmem>>, vector<16xf32>,
        %get3A_278 = arith.index_cast %add3A_233 : i32 to index
        %get3A_279 = arith.constant 96 : index
        %get3A_280 = tpu.vector_load %arg19[%get3A_278, %get3A_279] {strides = array<i32>} : memref<40x136xf32, #tpu.memory_space<vmem>>, vector<16xf32>,
        %mul3A_281 = arith.mulf %get3A_280, %gather3A_235 : vector<16xf32>
        %swap3A_282 = arith.index_cast %add3A_233 : i32 to index
        %swap3A_283 = arith.constant 96 : index
        %swap3A_284 = tpu.vector_load %arg21[%swap3A_282, %swap3A_283] {strides = array<i32>} : memref<40x136xf32, #tpu.memory_space<vmem>>, vector<16xf32>,
        tpu.vector_store %arg21[%swap3A_282, %swap3A_283], %mul3A_281 {strides = array<i32>} : memref<40x136xf32, #tpu.memory_space<vmem>>, vector<16xf32>,
        %get3A_285 = arith.index_cast %add3A_233 : i32 to index
        %get3A_286 = arith.constant 112 : index
        %get3A_287 = tpu.vector_load %arg19[%get3A_285, %get3A_286] {strides = array<i32>} : memref<40x136xf32, #tpu.memory_space<vmem>>, vector<16xf32>,
        %mul3A_288 = arith.mulf %get3A_287, %gather3A_235 : vector<16xf32>
        %swap3A_289 = arith.index_cast %add3A_233 : i32 to index
        %swap3A_290 = arith.constant 112 : index
        %swap3A_291 = tpu.vector_load %arg21[%swap3A_289, %swap3A_290] {strides = array<i32>} : memref<40x136xf32, #tpu.memory_space<vmem>>, vector<16xf32>,
        tpu.vector_store %arg21[%swap3A_289, %swap3A_290], %mul3A_288 {strides = array<i32>} : memref<40x136xf32, #tpu.memory_space<vmem>>, vector<16xf32>,
        %mul3A_292 = arith.constant 2 : i32
        %mul3A_293 = arith.muli %mul3A_292, %scan3A_229 : i32
        %add3A_294 = arith.constant 1 : i32
        %add3A_295 = arith.addi %mul3A_293, %add3A_294 : i32
        %broadcast_in_dim3A_296 = vector.broadcast %add3A_295 : i32 to vector<16xi32>
        %gather3A_297 = tpu.vector_load_idx %arg23[%broadcast_in_dim3A_296] : memref<40xf32, #tpu.memory_space<vmem>>[vector<16xi32>], vector<16xf32>,
        %get3A_298 = arith.index_cast %add3A_295 : i32 to index
        %get3A_299 = arith.constant 0 : index
        %get3A_300 = tpu.vector_load %arg19[%get3A_298, %get3A_299] {strides = array<i32>} : memref<40x136xf32, #tpu.memory_space<vmem>>, vector<16xf32>,
        %mul3A_301 = arith.mulf %get3A_300, %gather3A_297 : vector<16xf32>
        %swap3A_302 = arith.index_cast %add3A_295 : i32 to index
        %swap3A_303 = arith.constant 0 : index
        %swap3A_304 = tpu.vector_load %arg21[%swap3A_302, %swap3A_303] {strides = array<i32>} : memref<40x136xf32, #tpu.memory_space<vmem>>, vector<16xf32>,
        tpu.vector_store %arg21[%swap3A_302, %swap3A_303], %mul3A_301 {strides = array<i32>} : memref<40x136xf32, #tpu.memory_space<vmem>>, vector<16xf32>,
        %get3A_305 = arith.index_cast %add3A_295 : i32 to index
        %get3A_306 = arith.constant 16 : index
        %get3A_307 = tpu.vector_load %arg19[%get3A_305, %get3A_306] {strides = array<i32>} : memref<40x136xf32, #tpu.memory_space<vmem>>, vector<16xf32>,
        %mul3A_308 = arith.mulf %get3A_307, %gather3A_297 : vector<16xf32>
        %swap3A_309 = arith.index_cast %add3A_295 : i32 to index
        %swap3A_310 = arith.constant 16 : index
        %swap3A_311 = tpu.vector_load %arg21[%swap3A_309, %swap3A_310] {strides = array<i32>} : memref<40x136xf32, #tpu.memory_space<vmem>>, vector<16xf32>,
        tpu.vector_store %arg21[%swap3A_309, %swap3A_310], %mul3A_308 {strides = array<i32>} : memref<40x136xf32, #tpu.memory_space<vmem>>, vector<16xf32>,
        %get3A_312 = arith.index_cast %add3A_295 : i32 to index
        %get3A_313 = arith.constant 32 : index
        %get3A_314 = tpu.vector_load %arg19[%get3A_312, %get3A_313] {strides = array<i32>} : memref<40x136xf32, #tpu.memory_space<vmem>>, vector<16xf32>,
        %mul3A_315 = arith.mulf %get3A_314, %gather3A_297 : vector<16xf32>
        %swap3A_316 = arith.index_cast %add3A_295 : i32 to index
        %swap3A_317 = arith.constant 32 : index
        %swap3A_318 = tpu.vector_load %arg21[%swap3A_316, %swap3A_317] {strides = array<i32>} : memref<40x136xf32, #tpu.memory_space<vmem>>, vector<16xf32>,
        tpu.vector_store %arg21[%swap3A_316, %swap3A_317], %mul3A_315 {strides = array<i32>} : memref<40x136xf32, #tpu.memory_space<vmem>>, vector<16xf32>,
        %get3A_319 = arith.index_cast %add3A_295 : i32 to index
        %get3A_320 = arith.constant 48 : index
        %get3A_321 = tpu.vector_load %arg19[%get3A_319, %get3A_320] {strides = array<i32>} : memref<40x136xf32, #tpu.memory_space<vmem>>, vector<16xf32>,
        %mul3A_322 = arith.mulf %get3A_321, %gather3A_297 : vector<16xf32>
        %swap3A_323 = arith.index_cast %add3A_295 : i32 to index
        %swap3A_324 = arith.constant 48 : index
        %swap3A_325 = tpu.vector_load %arg21[%swap3A_323, %swap3A_324] {strides = array<i32>} : memref<40x136xf32, #tpu.memory_space<vmem>>, vector<16xf32>,
        tpu.vector_store %arg21[%swap3A_323, %swap3A_324], %mul3A_322 {strides = array<i32>} : memref<40x136xf32, #tpu.memory_space<vmem>>, vector<16xf32>,
        %get3A_326 = arith.index_cast %add3A_295 : i32 to index
        %get3A_327 = arith.constant 64 : index
        %get3A_328 = tpu.vector_load %arg19[%get3A_326, %get3A_327] {strides = array<i32>} : memref<40x136xf32, #tpu.memory_space<vmem>>, vector<16xf32>,
        %mul3A_329 = arith.mulf %get3A_328, %gather3A_297 : vector<16xf32>
        %swap3A_330 = arith.index_cast %add3A_295 : i32 to index
        %swap3A_331 = arith.constant 64 : index
        %swap3A_332 = tpu.vector_load %arg21[%swap3A_330, %swap3A_331] {strides = array<i32>} : memref<40x136xf32, #tpu.memory_space<vmem>>, vector<16xf32>,
        tpu.vector_store %arg21[%swap3A_330, %swap3A_331], %mul3A_329 {strides = array<i32>} : memref<40x136xf32, #tpu.memory_space<vmem>>, vector<16xf32>,
        %get3A_333 = arith.index_cast %add3A_295 : i32 to index
        %get3A_334 = arith.constant 80 : index
        %get3A_335 = tpu.vector_load %arg19[%get3A_333, %get3A_334] {strides = array<i32>} : memref<40x136xf32, #tpu.memory_space<vmem>>, vector<16xf32>,
        %mul3A_336 = arith.mulf %get3A_335, %gather3A_297 : vector<16xf32>
        %swap3A_337 = arith.index_cast %add3A_295 : i32 to index
        %swap3A_338 = arith.constant 80 : index
        %swap3A_339 = tpu.vector_load %arg21[%swap3A_337, %swap3A_338] {strides = array<i32>} : memref<40x136xf32, #tpu.memory_space<vmem>>, vector<16xf32>,
        tpu.vector_store %arg21[%swap3A_337, %swap3A_338], %mul3A_336 {strides = array<i32>} : memref<40x136xf32, #tpu.memory_space<vmem>>, vector<16xf32>,
        %get3A_340 = arith.index_cast %add3A_295 : i32 to index
        %get3A_341 = arith.constant 96 : index
        %get3A_342 = tpu.vector_load %arg19[%get3A_340, %get3A_341] {strides = array<i32>} : memref<40x136xf32, #tpu.memory_space<vmem>>, vector<16xf32>,
        %mul3A_343 = arith.mulf %get3A_342, %gather3A_297 : vector<16xf32>
        %swap3A_344 = arith.index_cast %add3A_295 : i32 to index
        %swap3A_345 = arith.constant 96 : index
        %swap3A_346 = tpu.vector_load %arg21[%swap3A_344, %swap3A_345] {strides = array<i32>} : memref<40x136xf32, #tpu.memory_space<vmem>>, vector<16xf32>,
        tpu.vector_store %arg21[%swap3A_344, %swap3A_345], %mul3A_343 {strides = array<i32>} : memref<40x136xf32, #tpu.memory_space<vmem>>, vector<16xf32>,
        %get3A_347 = arith.index_cast %add3A_295 : i32 to index
        %get3A_348 = arith.constant 112 : index
        %get3A_349 = tpu.vector_load %arg19[%get3A_347, %get3A_348] {strides = array<i32>} : memref<40x136xf32, #tpu.memory_space<vmem>>, vector<16xf32>,
        %mul3A_350 = arith.mulf %get3A_349, %gather3A_297 : vector<16xf32>
        %swap3A_351 = arith.index_cast %add3A_295 : i32 to index
        %swap3A_352 = arith.constant 112 : index
        %swap3A_353 = tpu.vector_load %arg21[%swap3A_351, %swap3A_352] {strides = array<i32>} : memref<40x136xf32, #tpu.memory_space<vmem>>, vector<16xf32>,
        tpu.vector_store %arg21[%swap3A_351, %swap3A_352], %mul3A_350 {strides = array<i32>} : memref<40x136xf32, #tpu.memory_space<vmem>>, vector<16xf32>,
      }
      %scan3A_110 = arith.constant 20 : i32
      %get3A_111 = arith.constant 0 : index
      %get3A_112 = tpu.vector_load %arg11[%get3A_111] {strides = array<i32>} : memref<40xi32, #tpu.memory_space<vmem>>, vector<16xi32>,
      %swap3A_113 = arith.constant 0 : index
      %swap3A_114 = tpu.vector_load %arg13[%swap3A_113] {strides = array<i32>} : memref<40xi32, #tpu.memory_space<vmem>>, vector<16xi32>,
      tpu.vector_store %arg13[%swap3A_113], %get3A_112 {strides = array<i32>} : memref<40xi32, #tpu.memory_space<vmem>>, vector<16xi32>,
      %get3A_115 = arith.constant 16 : index
      %get3A_116 = tpu.vector_load %arg11[%get3A_115] {strides = array<i32>} : memref<40xi32, #tpu.memory_space<vmem>>, vector<16xi32>,
      %swap3A_117 = arith.constant 16 : index
      %swap3A_118 = tpu.vector_load %arg13[%swap3A_117] {strides = array<i32>} : memref<40xi32, #tpu.memory_space<vmem>>, vector<16xi32>,
      tpu.vector_store %arg13[%swap3A_117], %get3A_116 {strides = array<i32>} : memref<40xi32, #tpu.memory_space<vmem>>, vector<16xi32>,
      %get3A_119 = arith.constant 24 : index
      %get3A_120 = tpu.vector_load %arg11[%get3A_119] {strides = array<i32>} : memref<40xi32, #tpu.memory_space<vmem>>, vector<16xi32>,
      %add3A_121 = arith.constant 24 : i32
      %add3A_122 = vector.broadcast %add3A_121 : i32 to vector<16xi32>
      %add3A_123 = arith.addi %add3A_122, %iota3A : vector<16xi32>
      %ge3A_124 = arith.constant 8 : i32
      %ge3A_125 = vector.broadcast %ge3A_124 : i32 to vector<16xi32>
      %ge3A_126 = arith.cmpi sge, %iota3A, %ge3A_125 : vector<16xi32>
      tpu.vector_store_idx %arg13[%add3A_123], %get3A_120 masked %ge3A_126 : memref<40xi32, #tpu.memory_space<vmem>>[vector<16xi32>], vector<16xi32>, vector<16xi1>
      %dma_start3A_127 = arith.constant 0 : i32
      %dma_start3A_128 = arith.constant 0 : i32
      %dma_start3A_129 = tpu.memref_slice %arg25[%dma_start3A_127, %dma_start3A_128] : memref<10000x136xf32, #tpu.memory_space<vmem_shared>> -> memref<10000x136xf32, #tpu.memory_space<vmem_shared>>
      tpu.enqueue_indirect_dma source(%arg21 : memref<40x136xf32, #tpu.memory_space<vmem>>) target(%dma_start3A_129 : memref<10000x136xf32, #tpu.memory_space<vmem_shared>>) offsets(%arg13 : memref<40xi32, #tpu.memory_space<vmem>>) semaphore(%arg28 : memref<!tpu.dma_semaphore, #tpu.memory_space<semaphore_mem>>) {add = true}
      %lt3A_130 = arith.constant 124 : i32
      %lt3A_131 = arith.cmpi slt, %scan3A_40, %lt3A_130 : i32
      %convert_element_type3A_132 = arith.extui %lt3A_131 : i1 to i32
      %cond3A_133 = arith.constant 0 : i32
      %cond3A_134 = arith.cmpi ne, %convert_element_type3A_132, %cond3A_133 : i32
      scf.if %cond3A_134 {
        %mul3A_229 = arith.constant 2 : i32
        %mul3A_230 = arith.muli %mul3A_229, %scan3A_40 : i32
        %add3A_231 = arith.constant 2 : i32
        %add3A_232 = arith.addi %mul3A_230, %add3A_231 : i32
        %mul3A_233 = arith.constant 40 : i32
        %mul3A_234 = arith.muli %add3A_232, %mul3A_233 : i32
        %add3A_235 = arith.addi %mul3A_10, %mul3A_234 : i32
        %dma_start3A_236 = tpu.memref_slice %arg2[%add3A_235] : memref<320000xi32, #tpu.memory_space<hbm>> -> memref<40xi32, #tpu.memory_space<hbm>>
        %dma_start3A_237 = tpu.memref_slice %arg2[%add3A_235] : memref<320000xi32, #tpu.memory_space<hbm>> -> memref<40xi32, #tpu.memory_space<hbm>>
        tpu.enqueue_dma source(%dma_start3A_237 : memref<40xi32, #tpu.memory_space<hbm>>) target(%arg9 : memref<40xi32, #tpu.memory_space<vmem>>) target_semaphore(%arg30 : memref<!tpu.dma_semaphore, #tpu.memory_space<semaphore_mem>>)
        %mul3A_238 = arith.constant 40 : i32
        %mul3A_239 = arith.muli %add3A_232, %mul3A_238 : i32
        %add3A_240 = arith.addi %mul3A_10, %mul3A_239 : i32
        %dma_start3A_241 = tpu.memref_slice %arg3[%add3A_240] : memref<320000xi32, #tpu.memory_space<hbm>> -> memref<40xi32, #tpu.memory_space<hbm>>
        %dma_start3A_242 = tpu.memref_slice %arg3[%add3A_240] : memref<320000xi32, #tpu.memory_space<hbm>> -> memref<40xi32, #tpu.memory_space<hbm>>
        tpu.enqueue_dma source(%dma_start3A_242 : memref<40xi32, #tpu.memory_space<hbm>>) target(%arg11 : memref<40xi32, #tpu.memory_space<vmem>>) target_semaphore(%arg30 : memref<!tpu.dma_semaphore, #tpu.memory_space<semaphore_mem>>)
      } else {
      }
      %dma_wait3A_135 = arith.constant 0 : i32
      %dma_wait3A_136 = arith.constant 0 : i32
      %dma_wait3A_137 = tpu.memref_slice %arg5[%dma_wait3A_135, %dma_wait3A_136] : memref<10000x128xf32, #tpu.memory_space<hbm>> -> memref<10000x128xf32, #tpu.memory_space<hbm>>
      tpu.wait_indirect_dma semaphore(%arg27 : memref<!tpu.dma_semaphore, #tpu.memory_space<semaphore_mem>>) src(%dma_wait3A_137 : memref<10000x128xf32, #tpu.memory_space<hbm>>) dst(%arg16 : memref<40x128xf32, #tpu.memory_space<vmem>>)
      %dma_wait3A_138 = arith.constant 0 : i32
      %dma_wait3A_139 = arith.constant 0 : i32
      %dma_wait3A_140 = tpu.memref_slice %arg6[%dma_wait3A_138, %dma_wait3A_139] : memref<10000x128xf32, #tpu.memory_space<hbm>> -> memref<10000x128xf32, #tpu.memory_space<hbm>>
      tpu.wait_indirect_dma semaphore(%arg27 : memref<!tpu.dma_semaphore, #tpu.memory_space<semaphore_mem>>) src(%dma_wait3A_140 : memref<10000x128xf32, #tpu.memory_space<hbm>>) dst(%arg18 : memref<40x128xf32, #tpu.memory_space<vmem>>)
      %dma_wait3A_141 = arith.constant 0 : i32
      %dma_wait3A_142 = arith.constant 0 : i32
      %dma_wait3A_143 = tpu.memref_slice %arg7[%dma_wait3A_141, %dma_wait3A_142] : memref<10000x136xf32, #tpu.memory_space<hbm>> -> memref<10000x136xf32, #tpu.memory_space<hbm>>
      tpu.wait_indirect_dma semaphore(%arg27 : memref<!tpu.dma_semaphore, #tpu.memory_space<semaphore_mem>>) src(%dma_wait3A_143 : memref<10000x136xf32, #tpu.memory_space<hbm>>) dst(%arg20 : memref<40x136xf32, #tpu.memory_space<vmem>>)
      %lt3A_144 = arith.constant 124 : i32
      %lt3A_145 = arith.cmpi slt, %scan3A_40, %lt3A_144 : i32
      %convert_element_type3A_146 = arith.extui %lt3A_145 : i1 to i32
      %cond3A_147 = arith.constant 0 : i32
      %cond3A_148 = arith.cmpi ne, %convert_element_type3A_146, %cond3A_147 : i32
      scf.if %cond3A_148 {
        %dma_wait3A_229 = arith.constant 0 : i32
        %dma_wait3A_230 = tpu.memref_slice %arg2[%dma_wait3A_229] : memref<320000xi32, #tpu.memory_space<hbm>> -> memref<40xi32, #tpu.memory_space<hbm>>
        %dma_wait3A_231 = arith.constant 0 : i32
        %dma_wait3A_232 = tpu.memref_slice %arg2[%dma_wait3A_231] : memref<320000xi32, #tpu.memory_space<hbm>> -> memref<40xi32, #tpu.memory_space<hbm>>
        tpu.wait_dma2 semaphore(%arg30 : memref<!tpu.dma_semaphore, #tpu.memory_space<semaphore_mem>>) src(%dma_wait3A_232 : memref<40xi32, #tpu.memory_space<hbm>>) dst(%arg9 : memref<40xi32, #tpu.memory_space<vmem>>)
        %dma_wait3A_233 = arith.constant 0 : i32
        %dma_wait3A_234 = tpu.memref_slice %arg3[%dma_wait3A_233] : memref<320000xi32, #tpu.memory_space<hbm>> -> memref<40xi32, #tpu.memory_space<hbm>>
        %dma_wait3A_235 = arith.constant 0 : i32
        %dma_wait3A_236 = tpu.memref_slice %arg3[%dma_wait3A_235] : memref<320000xi32, #tpu.memory_space<hbm>> -> memref<40xi32, #tpu.memory_space<hbm>>
        tpu.wait_dma2 semaphore(%arg30 : memref<!tpu.dma_semaphore, #tpu.memory_space<semaphore_mem>>) src(%dma_wait3A_236 : memref<40xi32, #tpu.memory_space<hbm>>) dst(%arg11 : memref<40xi32, #tpu.memory_space<vmem>>)
        %dma_start3A_237 = arith.constant 0 : i32
        %dma_start3A_238 = arith.constant 0 : i32
        %dma_start3A_239 = tpu.memref_slice %arg5[%dma_start3A_237, %dma_start3A_238] : memref<10000x128xf32, #tpu.memory_space<hbm>> -> memref<10000x128xf32, #tpu.memory_space<hbm>>
        tpu.enqueue_indirect_dma source(%dma_start3A_239 : memref<10000x128xf32, #tpu.memory_space<hbm>>) target(%arg15 : memref<40x128xf32, #tpu.memory_space<vmem>>) offsets(%arg11 : memref<40xi32, #tpu.memory_space<vmem>>) semaphore(%arg26 : memref<!tpu.dma_semaphore, #tpu.memory_space<semaphore_mem>>)
        %dma_start3A_240 = arith.constant 0 : i32
        %dma_start3A_241 = arith.constant 0 : i32
        %dma_start3A_242 = tpu.memref_slice %arg6[%dma_start3A_240, %dma_start3A_241] : memref<10000x128xf32, #tpu.memory_space<hbm>> -> memref<10000x128xf32, #tpu.memory_space<hbm>>
        tpu.enqueue_indirect_dma source(%dma_start3A_242 : memref<10000x128xf32, #tpu.memory_space<hbm>>) target(%arg17 : memref<40x128xf32, #tpu.memory_space<vmem>>) offsets(%arg9 : memref<40xi32, #tpu.memory_space<vmem>>) semaphore(%arg26 : memref<!tpu.dma_semaphore, #tpu.memory_space<semaphore_mem>>)
        %dma_start3A_243 = arith.constant 0 : i32
        %dma_start3A_244 = arith.constant 0 : i32
        %dma_start3A_245 = tpu.memref_slice %arg7[%dma_start3A_243, %dma_start3A_244] : memref<10000x136xf32, #tpu.memory_space<hbm>> -> memref<10000x136xf32, #tpu.memory_space<hbm>>
        tpu.enqueue_indirect_dma source(%dma_start3A_245 : memref<10000x136xf32, #tpu.memory_space<hbm>>) target(%arg19 : memref<40x136xf32, #tpu.memory_space<vmem>>) offsets(%arg9 : memref<40xi32, #tpu.memory_space<vmem>>) semaphore(%arg26 : memref<!tpu.dma_semaphore, #tpu.memory_space<semaphore_mem>>)
      } else {
      }
      %ge3A_149 = arith.constant 1 : i32
      %ge3A_150 = arith.cmpi sge, %scan3A_40, %ge3A_149 : i32
      %convert_element_type3A_151 = arith.extui %ge3A_150 : i1 to i32
      %cond3A_152 = arith.constant 0 : i32
      %cond3A_153 = arith.cmpi ne, %convert_element_type3A_151, %cond3A_152 : i32
      scf.if %cond3A_153 {
        %dma_wait3A_229 = arith.constant 0 : i32
        %dma_wait3A_230 = arith.constant 0 : i32
        %dma_wait3A_231 = tpu.memref_slice %arg25[%dma_wait3A_229, %dma_wait3A_230] : memref<10000x136xf32, #tpu.memory_space<vmem_shared>> -> memref<10000x136xf32, #tpu.memory_space<vmem_shared>>
        tpu.wait_indirect_dma semaphore(%arg29 : memref<!tpu.dma_semaphore, #tpu.memory_space<semaphore_mem>>) src(%arg22 : memref<40x136xf32, #tpu.memory_space<vmem>>) dst(%dma_wait3A_231 : memref<10000x136xf32, #tpu.memory_space<vmem_shared>>)
      } else {
      }
      %scan3A_154 = arith.constant 0 : i32
      %scan3A_155 = arith.constant 0 : i32
      %scan3A_156 = arith.constant 10 : i32
      %scan3A_157 = arith.addi %scan3A_155, %scan3A_156 : i32
      %scan3A_158 = arith.constant 1 : i32
      scf.for %scan3A_229 = %scan3A_155 to %scan3A_157 step %scan3A_158  : i32 {
        %mul3A_230 = arith.constant 4 : i32
        %mul3A_231 = arith.muli %mul3A_230, %scan3A_229 : i32
        %add3A_232 = arith.constant 0 : i32
        %add3A_233 = arith.addi %mul3A_231, %add3A_232 : i32
        %get3A_234 = arith.index_cast %add3A_233 : i32 to index
        %get3A_235 = arith.constant 0 : index
        %get3A_236 = tpu.vector_load %arg16[%get3A_234, %get3A_235] {strides = array<i32>} : memref<40x128xf32, #tpu.memory_space<vmem>>, vector<16xf32>,
        %get3A_237 = arith.index_cast %add3A_233 : i32 to index
        %get3A_238 = arith.constant 0 : index
        %get3A_239 = tpu.vector_load %arg18[%get3A_237, %get3A_238] {strides = array<i32>} : memref<40x128xf32, #tpu.memory_space<vmem>>, vector<16xf32>,
        %mul3A_240 = arith.mulf %get3A_236, %get3A_239 : vector<16xf32>
        %add3A_241 = arith.addf %broadcast_in_dim3A_1, %mul3A_240 : vector<16xf32>
        %get3A_242 = arith.index_cast %add3A_233 : i32 to index
        %get3A_243 = arith.constant 16 : index
        %get3A_244 = tpu.vector_load %arg16[%get3A_242, %get3A_243] {strides = array<i32>} : memref<40x128xf32, #tpu.memory_space<vmem>>, vector<16xf32>,
        %get3A_245 = arith.index_cast %add3A_233 : i32 to index
        %get3A_246 = arith.constant 16 : index
        %get3A_247 = tpu.vector_load %arg18[%get3A_245, %get3A_246] {strides = array<i32>} : memref<40x128xf32, #tpu.memory_space<vmem>>, vector<16xf32>,
        %mul3A_248 = arith.mulf %get3A_244, %get3A_247 : vector<16xf32>
        %add3A_249 = arith.addf %add3A_241, %mul3A_248 : vector<16xf32>
        %get3A_250 = arith.index_cast %add3A_233 : i32 to index
        %get3A_251 = arith.constant 32 : index
        %get3A_252 = tpu.vector_load %arg16[%get3A_250, %get3A_251] {strides = array<i32>} : memref<40x128xf32, #tpu.memory_space<vmem>>, vector<16xf32>,
        %get3A_253 = arith.index_cast %add3A_233 : i32 to index
        %get3A_254 = arith.constant 32 : index
        %get3A_255 = tpu.vector_load %arg18[%get3A_253, %get3A_254] {strides = array<i32>} : memref<40x128xf32, #tpu.memory_space<vmem>>, vector<16xf32>,
        %mul3A_256 = arith.mulf %get3A_252, %get3A_255 : vector<16xf32>
        %add3A_257 = arith.addf %add3A_249, %mul3A_256 : vector<16xf32>
        %get3A_258 = arith.index_cast %add3A_233 : i32 to index
        %get3A_259 = arith.constant 48 : index
        %get3A_260 = tpu.vector_load %arg16[%get3A_258, %get3A_259] {strides = array<i32>} : memref<40x128xf32, #tpu.memory_space<vmem>>, vector<16xf32>,
        %get3A_261 = arith.index_cast %add3A_233 : i32 to index
        %get3A_262 = arith.constant 48 : index
        %get3A_263 = tpu.vector_load %arg18[%get3A_261, %get3A_262] {strides = array<i32>} : memref<40x128xf32, #tpu.memory_space<vmem>>, vector<16xf32>,
        %mul3A_264 = arith.mulf %get3A_260, %get3A_263 : vector<16xf32>
        %add3A_265 = arith.addf %add3A_257, %mul3A_264 : vector<16xf32>
        %get3A_266 = arith.index_cast %add3A_233 : i32 to index
        %get3A_267 = arith.constant 64 : index
        %get3A_268 = tpu.vector_load %arg16[%get3A_266, %get3A_267] {strides = array<i32>} : memref<40x128xf32, #tpu.memory_space<vmem>>, vector<16xf32>,
        %get3A_269 = arith.index_cast %add3A_233 : i32 to index
        %get3A_270 = arith.constant 64 : index
        %get3A_271 = tpu.vector_load %arg18[%get3A_269, %get3A_270] {strides = array<i32>} : memref<40x128xf32, #tpu.memory_space<vmem>>, vector<16xf32>,
        %mul3A_272 = arith.mulf %get3A_268, %get3A_271 : vector<16xf32>
        %add3A_273 = arith.addf %add3A_265, %mul3A_272 : vector<16xf32>
        %get3A_274 = arith.index_cast %add3A_233 : i32 to index
        %get3A_275 = arith.constant 80 : index
        %get3A_276 = tpu.vector_load %arg16[%get3A_274, %get3A_275] {strides = array<i32>} : memref<40x128xf32, #tpu.memory_space<vmem>>, vector<16xf32>,
        %get3A_277 = arith.index_cast %add3A_233 : i32 to index
        %get3A_278 = arith.constant 80 : index
        %get3A_279 = tpu.vector_load %arg18[%get3A_277, %get3A_278] {strides = array<i32>} : memref<40x128xf32, #tpu.memory_space<vmem>>, vector<16xf32>,
        %mul3A_280 = arith.mulf %get3A_276, %get3A_279 : vector<16xf32>
        %add3A_281 = arith.addf %add3A_273, %mul3A_280 : vector<16xf32>
        %get3A_282 = arith.index_cast %add3A_233 : i32 to index
        %get3A_283 = arith.constant 96 : index
        %get3A_284 = tpu.vector_load %arg16[%get3A_282, %get3A_283] {strides = array<i32>} : memref<40x128xf32, #tpu.memory_space<vmem>>, vector<16xf32>,
        %get3A_285 = arith.index_cast %add3A_233 : i32 to index
        %get3A_286 = arith.constant 96 : index
        %get3A_287 = tpu.vector_load %arg18[%get3A_285, %get3A_286] {strides = array<i32>} : memref<40x128xf32, #tpu.memory_space<vmem>>, vector<16xf32>,
        %mul3A_288 = arith.mulf %get3A_284, %get3A_287 : vector<16xf32>
        %add3A_289 = arith.addf %add3A_281, %mul3A_288 : vector<16xf32>
        %get3A_290 = arith.index_cast %add3A_233 : i32 to index
        %get3A_291 = arith.constant 112 : index
        %get3A_292 = tpu.vector_load %arg16[%get3A_290, %get3A_291] {strides = array<i32>} : memref<40x128xf32, #tpu.memory_space<vmem>>, vector<16xf32>,
        %get3A_293 = arith.index_cast %add3A_233 : i32 to index
        %get3A_294 = arith.constant 112 : index
        %get3A_295 = tpu.vector_load %arg18[%get3A_293, %get3A_294] {strides = array<i32>} : memref<40x128xf32, #tpu.memory_space<vmem>>, vector<16xf32>,
        %mul3A_296 = arith.mulf %get3A_292, %get3A_295 : vector<16xf32>
        %add3A_297 = arith.addf %add3A_289, %mul3A_296 : vector<16xf32>
        %broadcast_in_dim3A_298 = arith.constant true
        %broadcast_in_dim3A_299 = vector.broadcast %broadcast_in_dim3A_298 : i1 to vector<16xi1>
        %masked_cumsum3A = tpu.scan <sum>, %add3A_297 masked %broadcast_in_dim3A_299 : vector<16xf32>, vector<16xi1> -> vector<16xf32>
        %broadcast_in_dim3A_300 = vector.broadcast %add3A_233 : i32 to vector<16xi32>
        tpu.vector_store_idx %arg24[%broadcast_in_dim3A_300], %masked_cumsum3A masked %eq3A_6 : memref<40xf32, #tpu.memory_space<vmem>>[vector<16xi32>], vector<16xf32>, vector<16xi1>
        %mul3A_301 = arith.constant 4 : i32
        %mul3A_302 = arith.muli %mul3A_301, %scan3A_229 : i32
        %add3A_303 = arith.constant 1 : i32
        %add3A_304 = arith.addi %mul3A_302, %add3A_303 : i32
        %get3A_305 = arith.index_cast %add3A_304 : i32 to index
        %get3A_306 = arith.constant 0 : index
        %get3A_307 = tpu.vector_load %arg16[%get3A_305, %get3A_306] {strides = array<i32>} : memref<40x128xf32, #tpu.memory_space<vmem>>, vector<16xf32>,
        %get3A_308 = arith.index_cast %add3A_304 : i32 to index
        %get3A_309 = arith.constant 0 : index
        %get3A_310 = tpu.vector_load %arg18[%get3A_308, %get3A_309] {strides = array<i32>} : memref<40x128xf32, #tpu.memory_space<vmem>>, vector<16xf32>,
        %mul3A_311 = arith.mulf %get3A_307, %get3A_310 : vector<16xf32>
        %add3A_312 = arith.addf %broadcast_in_dim3A_1, %mul3A_311 : vector<16xf32>
        %get3A_313 = arith.index_cast %add3A_304 : i32 to index
        %get3A_314 = arith.constant 16 : index
        %get3A_315 = tpu.vector_load %arg16[%get3A_313, %get3A_314] {strides = array<i32>} : memref<40x128xf32, #tpu.memory_space<vmem>>, vector<16xf32>,
        %get3A_316 = arith.index_cast %add3A_304 : i32 to index
        %get3A_317 = arith.constant 16 : index
        %get3A_318 = tpu.vector_load %arg18[%get3A_316, %get3A_317] {strides = array<i32>} : memref<40x128xf32, #tpu.memory_space<vmem>>, vector<16xf32>,
        %mul3A_319 = arith.mulf %get3A_315, %get3A_318 : vector<16xf32>
        %add3A_320 = arith.addf %add3A_312, %mul3A_319 : vector<16xf32>
        %get3A_321 = arith.index_cast %add3A_304 : i32 to index
        %get3A_322 = arith.constant 32 : index
        %get3A_323 = tpu.vector_load %arg16[%get3A_321, %get3A_322] {strides = array<i32>} : memref<40x128xf32, #tpu.memory_space<vmem>>, vector<16xf32>,
        %get3A_324 = arith.index_cast %add3A_304 : i32 to index
        %get3A_325 = arith.constant 32 : index
        %get3A_326 = tpu.vector_load %arg18[%get3A_324, %get3A_325] {strides = array<i32>} : memref<40x128xf32, #tpu.memory_space<vmem>>, vector<16xf32>,
        %mul3A_327 = arith.mulf %get3A_323, %get3A_326 : vector<16xf32>
        %add3A_328 = arith.addf %add3A_320, %mul3A_327 : vector<16xf32>
        %get3A_329 = arith.index_cast %add3A_304 : i32 to index
        %get3A_330 = arith.constant 48 : index
        %get3A_331 = tpu.vector_load %arg16[%get3A_329, %get3A_330] {strides = array<i32>} : memref<40x128xf32, #tpu.memory_space<vmem>>, vector<16xf32>,
        %get3A_332 = arith.index_cast %add3A_304 : i32 to index
        %get3A_333 = arith.constant 48 : index
        %get3A_334 = tpu.vector_load %arg18[%get3A_332, %get3A_333] {strides = array<i32>} : memref<40x128xf32, #tpu.memory_space<vmem>>, vector<16xf32>,
        %mul3A_335 = arith.mulf %get3A_331, %get3A_334 : vector<16xf32>
        %add3A_336 = arith.addf %add3A_328, %mul3A_335 : vector<16xf32>
        %get3A_337 = arith.index_cast %add3A_304 : i32 to index
        %get3A_338 = arith.constant 64 : index
        %get3A_339 = tpu.vector_load %arg16[%get3A_337, %get3A_338] {strides = array<i32>} : memref<40x128xf32, #tpu.memory_space<vmem>>, vector<16xf32>,
        %get3A_340 = arith.index_cast %add3A_304 : i32 to index
        %get3A_341 = arith.constant 64 : index
        %get3A_342 = tpu.vector_load %arg18[%get3A_340, %get3A_341] {strides = array<i32>} : memref<40x128xf32, #tpu.memory_space<vmem>>, vector<16xf32>,
        %mul3A_343 = arith.mulf %get3A_339, %get3A_342 : vector<16xf32>
        %add3A_344 = arith.addf %add3A_336, %mul3A_343 : vector<16xf32>
        %get3A_345 = arith.index_cast %add3A_304 : i32 to index
        %get3A_346 = arith.constant 80 : index
        %get3A_347 = tpu.vector_load %arg16[%get3A_345, %get3A_346] {strides = array<i32>} : memref<40x128xf32, #tpu.memory_space<vmem>>, vector<16xf32>,
        %get3A_348 = arith.index_cast %add3A_304 : i32 to index
        %get3A_349 = arith.constant 80 : index
        %get3A_350 = tpu.vector_load %arg18[%get3A_348, %get3A_349] {strides = array<i32>} : memref<40x128xf32, #tpu.memory_space<vmem>>, vector<16xf32>,
        %mul3A_351 = arith.mulf %get3A_347, %get3A_350 : vector<16xf32>
        %add3A_352 = arith.addf %add3A_344, %mul3A_351 : vector<16xf32>
        %get3A_353 = arith.index_cast %add3A_304 : i32 to index
        %get3A_354 = arith.constant 96 : index
        %get3A_355 = tpu.vector_load %arg16[%get3A_353, %get3A_354] {strides = array<i32>} : memref<40x128xf32, #tpu.memory_space<vmem>>, vector<16xf32>,
        %get3A_356 = arith.index_cast %add3A_304 : i32 to index
        %get3A_357 = arith.constant 96 : index
        %get3A_358 = tpu.vector_load %arg18[%get3A_356, %get3A_357] {strides = array<i32>} : memref<40x128xf32, #tpu.memory_space<vmem>>, vector<16xf32>,
        %mul3A_359 = arith.mulf %get3A_355, %get3A_358 : vector<16xf32>
        %add3A_360 = arith.addf %add3A_352, %mul3A_359 : vector<16xf32>
        %get3A_361 = arith.index_cast %add3A_304 : i32 to index
        %get3A_362 = arith.constant 112 : index
        %get3A_363 = tpu.vector_load %arg16[%get3A_361, %get3A_362] {strides = array<i32>} : memref<40x128xf32, #tpu.memory_space<vmem>>, vector<16xf32>,
        %get3A_364 = arith.index_cast %add3A_304 : i32 to index
        %get3A_365 = arith.constant 112 : index
        %get3A_366 = tpu.vector_load %arg18[%get3A_364, %get3A_365] {strides = array<i32>} : memref<40x128xf32, #tpu.memory_space<vmem>>, vector<16xf32>,
        %mul3A_367 = arith.mulf %get3A_363, %get3A_366 : vector<16xf32>
        %add3A_368 = arith.addf %add3A_360, %mul3A_367 : vector<16xf32>
        %broadcast_in_dim3A_369 = arith.constant true
        %broadcast_in_dim3A_370 = vector.broadcast %broadcast_in_dim3A_369 : i1 to vector<16xi1>
        %masked_cumsum3A_371 = tpu.scan <sum>, %add3A_368 masked %broadcast_in_dim3A_370 : vector<16xf32>, vector<16xi1> -> vector<16xf32>
        %broadcast_in_dim3A_372 = vector.broadcast %add3A_304 : i32 to vector<16xi32>
        tpu.vector_store_idx %arg24[%broadcast_in_dim3A_372], %masked_cumsum3A_371 masked %eq3A_6 : memref<40xf32, #tpu.memory_space<vmem>>[vector<16xi32>], vector<16xf32>, vector<16xi1>
        %mul3A_373 = arith.constant 4 : i32
        %mul3A_374 = arith.muli %mul3A_373, %scan3A_229 : i32
        %add3A_375 = arith.constant 2 : i32
        %add3A_376 = arith.addi %mul3A_374, %add3A_375 : i32
        %get3A_377 = arith.index_cast %add3A_376 : i32 to index
        %get3A_378 = arith.constant 0 : index
        %get3A_379 = tpu.vector_load %arg16[%get3A_377, %get3A_378] {strides = array<i32>} : memref<40x128xf32, #tpu.memory_space<vmem>>, vector<16xf32>,
        %get3A_380 = arith.index_cast %add3A_376 : i32 to index
        %get3A_381 = arith.constant 0 : index
        %get3A_382 = tpu.vector_load %arg18[%get3A_380, %get3A_381] {strides = array<i32>} : memref<40x128xf32, #tpu.memory_space<vmem>>, vector<16xf32>,
        %mul3A_383 = arith.mulf %get3A_379, %get3A_382 : vector<16xf32>
        %add3A_384 = arith.addf %broadcast_in_dim3A_1, %mul3A_383 : vector<16xf32>
        %get3A_385 = arith.index_cast %add3A_376 : i32 to index
        %get3A_386 = arith.constant 16 : index
        %get3A_387 = tpu.vector_load %arg16[%get3A_385, %get3A_386] {strides = array<i32>} : memref<40x128xf32, #tpu.memory_space<vmem>>, vector<16xf32>,
        %get3A_388 = arith.index_cast %add3A_376 : i32 to index
        %get3A_389 = arith.constant 16 : index
        %get3A_390 = tpu.vector_load %arg18[%get3A_388, %get3A_389] {strides = array<i32>} : memref<40x128xf32, #tpu.memory_space<vmem>>, vector<16xf32>,
        %mul3A_391 = arith.mulf %get3A_387, %get3A_390 : vector<16xf32>
        %add3A_392 = arith.addf %add3A_384, %mul3A_391 : vector<16xf32>
        %get3A_393 = arith.index_cast %add3A_376 : i32 to index
        %get3A_394 = arith.constant 32 : index
        %get3A_395 = tpu.vector_load %arg16[%get3A_393, %get3A_394] {strides = array<i32>} : memref<40x128xf32, #tpu.memory_space<vmem>>, vector<16xf32>,
        %get3A_396 = arith.index_cast %add3A_376 : i32 to index
        %get3A_397 = arith.constant 32 : index
        %get3A_398 = tpu.vector_load %arg18[%get3A_396, %get3A_397] {strides = array<i32>} : memref<40x128xf32, #tpu.memory_space<vmem>>, vector<16xf32>,
        %mul3A_399 = arith.mulf %get3A_395, %get3A_398 : vector<16xf32>
        %add3A_400 = arith.addf %add3A_392, %mul3A_399 : vector<16xf32>
        %get3A_401 = arith.index_cast %add3A_376 : i32 to index
        %get3A_402 = arith.constant 48 : index
        %get3A_403 = tpu.vector_load %arg16[%get3A_401, %get3A_402] {strides = array<i32>} : memref<40x128xf32, #tpu.memory_space<vmem>>, vector<16xf32>,
        %get3A_404 = arith.index_cast %add3A_376 : i32 to index
        %get3A_405 = arith.constant 48 : index
        %get3A_406 = tpu.vector_load %arg18[%get3A_404, %get3A_405] {strides = array<i32>} : memref<40x128xf32, #tpu.memory_space<vmem>>, vector<16xf32>,
        %mul3A_407 = arith.mulf %get3A_403, %get3A_406 : vector<16xf32>
        %add3A_408 = arith.addf %add3A_400, %mul3A_407 : vector<16xf32>
        %get3A_409 = arith.index_cast %add3A_376 : i32 to index
        %get3A_410 = arith.constant 64 : index
        %get3A_411 = tpu.vector_load %arg16[%get3A_409, %get3A_410] {strides = array<i32>} : memref<40x128xf32, #tpu.memory_space<vmem>>, vector<16xf32>,
        %get3A_412 = arith.index_cast %add3A_376 : i32 to index
        %get3A_413 = arith.constant 64 : index
        %get3A_414 = tpu.vector_load %arg18[%get3A_412, %get3A_413] {strides = array<i32>} : memref<40x128xf32, #tpu.memory_space<vmem>>, vector<16xf32>,
        %mul3A_415 = arith.mulf %get3A_411, %get3A_414 : vector<16xf32>
        %add3A_416 = arith.addf %add3A_408, %mul3A_415 : vector<16xf32>
        %get3A_417 = arith.index_cast %add3A_376 : i32 to index
        %get3A_418 = arith.constant 80 : index
        %get3A_419 = tpu.vector_load %arg16[%get3A_417, %get3A_418] {strides = array<i32>} : memref<40x128xf32, #tpu.memory_space<vmem>>, vector<16xf32>,
        %get3A_420 = arith.index_cast %add3A_376 : i32 to index
        %get3A_421 = arith.constant 80 : index
        %get3A_422 = tpu.vector_load %arg18[%get3A_420, %get3A_421] {strides = array<i32>} : memref<40x128xf32, #tpu.memory_space<vmem>>, vector<16xf32>,
        %mul3A_423 = arith.mulf %get3A_419, %get3A_422 : vector<16xf32>
        %add3A_424 = arith.addf %add3A_416, %mul3A_423 : vector<16xf32>
        %get3A_425 = arith.index_cast %add3A_376 : i32 to index
        %get3A_426 = arith.constant 96 : index
        %get3A_427 = tpu.vector_load %arg16[%get3A_425, %get3A_426] {strides = array<i32>} : memref<40x128xf32, #tpu.memory_space<vmem>>, vector<16xf32>,
        %get3A_428 = arith.index_cast %add3A_376 : i32 to index
        %get3A_429 = arith.constant 96 : index
        %get3A_430 = tpu.vector_load %arg18[%get3A_428, %get3A_429] {strides = array<i32>} : memref<40x128xf32, #tpu.memory_space<vmem>>, vector<16xf32>,
        %mul3A_431 = arith.mulf %get3A_427, %get3A_430 : vector<16xf32>
        %add3A_432 = arith.addf %add3A_424, %mul3A_431 : vector<16xf32>
        %get3A_433 = arith.index_cast %add3A_376 : i32 to index
        %get3A_434 = arith.constant 112 : index
        %get3A_435 = tpu.vector_load %arg16[%get3A_433, %get3A_434] {strides = array<i32>} : memref<40x128xf32, #tpu.memory_space<vmem>>, vector<16xf32>,
        %get3A_436 = arith.index_cast %add3A_376 : i32 to index
        %get3A_437 = arith.constant 112 : index
        %get3A_438 = tpu.vector_load %arg18[%get3A_436, %get3A_437] {strides = array<i32>} : memref<40x128xf32, #tpu.memory_space<vmem>>, vector<16xf32>,
        %mul3A_439 = arith.mulf %get3A_435, %get3A_438 : vector<16xf32>
        %add3A_440 = arith.addf %add3A_432, %mul3A_439 : vector<16xf32>
        %broadcast_in_dim3A_441 = arith.constant true
        %broadcast_in_dim3A_442 = vector.broadcast %broadcast_in_dim3A_441 : i1 to vector<16xi1>
        %masked_cumsum3A_443 = tpu.scan <sum>, %add3A_440 masked %broadcast_in_dim3A_442 : vector<16xf32>, vector<16xi1> -> vector<16xf32>
        %broadcast_in_dim3A_444 = vector.broadcast %add3A_376 : i32 to vector<16xi32>
        tpu.vector_store_idx %arg24[%broadcast_in_dim3A_444], %masked_cumsum3A_443 masked %eq3A_6 : memref<40xf32, #tpu.memory_space<vmem>>[vector<16xi32>], vector<16xf32>, vector<16xi1>
        %mul3A_445 = arith.constant 4 : i32
        %mul3A_446 = arith.muli %mul3A_445, %scan3A_229 : i32
        %add3A_447 = arith.constant 3 : i32
        %add3A_448 = arith.addi %mul3A_446, %add3A_447 : i32
        %get3A_449 = arith.index_cast %add3A_448 : i32 to index
        %get3A_450 = arith.constant 0 : index
        %get3A_451 = tpu.vector_load %arg16[%get3A_449, %get3A_450] {strides = array<i32>} : memref<40x128xf32, #tpu.memory_space<vmem>>, vector<16xf32>,
        %get3A_452 = arith.index_cast %add3A_448 : i32 to index
        %get3A_453 = arith.constant 0 : index
        %get3A_454 = tpu.vector_load %arg18[%get3A_452, %get3A_453] {strides = array<i32>} : memref<40x128xf32, #tpu.memory_space<vmem>>, vector<16xf32>,
        %mul3A_455 = arith.mulf %get3A_451, %get3A_454 : vector<16xf32>
        %add3A_456 = arith.addf %broadcast_in_dim3A_1, %mul3A_455 : vector<16xf32>
        %get3A_457 = arith.index_cast %add3A_448 : i32 to index
        %get3A_458 = arith.constant 16 : index
        %get3A_459 = tpu.vector_load %arg16[%get3A_457, %get3A_458] {strides = array<i32>} : memref<40x128xf32, #tpu.memory_space<vmem>>, vector<16xf32>,
        %get3A_460 = arith.index_cast %add3A_448 : i32 to index
        %get3A_461 = arith.constant 16 : index
        %get3A_462 = tpu.vector_load %arg18[%get3A_460, %get3A_461] {strides = array<i32>} : memref<40x128xf32, #tpu.memory_space<vmem>>, vector<16xf32>,
        %mul3A_463 = arith.mulf %get3A_459, %get3A_462 : vector<16xf32>
        %add3A_464 = arith.addf %add3A_456, %mul3A_463 : vector<16xf32>
        %get3A_465 = arith.index_cast %add3A_448 : i32 to index
        %get3A_466 = arith.constant 32 : index
        %get3A_467 = tpu.vector_load %arg16[%get3A_465, %get3A_466] {strides = array<i32>} : memref<40x128xf32, #tpu.memory_space<vmem>>, vector<16xf32>,
        %get3A_468 = arith.index_cast %add3A_448 : i32 to index
        %get3A_469 = arith.constant 32 : index
        %get3A_470 = tpu.vector_load %arg18[%get3A_468, %get3A_469] {strides = array<i32>} : memref<40x128xf32, #tpu.memory_space<vmem>>, vector<16xf32>,
        %mul3A_471 = arith.mulf %get3A_467, %get3A_470 : vector<16xf32>
        %add3A_472 = arith.addf %add3A_464, %mul3A_471 : vector<16xf32>
        %get3A_473 = arith.index_cast %add3A_448 : i32 to index
        %get3A_474 = arith.constant 48 : index
        %get3A_475 = tpu.vector_load %arg16[%get3A_473, %get3A_474] {strides = array<i32>} : memref<40x128xf32, #tpu.memory_space<vmem>>, vector<16xf32>,
        %get3A_476 = arith.index_cast %add3A_448 : i32 to index
        %get3A_477 = arith.constant 48 : index
        %get3A_478 = tpu.vector_load %arg18[%get3A_476, %get3A_477] {strides = array<i32>} : memref<40x128xf32, #tpu.memory_space<vmem>>, vector<16xf32>,
        %mul3A_479 = arith.mulf %get3A_475, %get3A_478 : vector<16xf32>
        %add3A_480 = arith.addf %add3A_472, %mul3A_479 : vector<16xf32>
        %get3A_481 = arith.index_cast %add3A_448 : i32 to index
        %get3A_482 = arith.constant 64 : index
        %get3A_483 = tpu.vector_load %arg16[%get3A_481, %get3A_482] {strides = array<i32>} : memref<40x128xf32, #tpu.memory_space<vmem>>, vector<16xf32>,
        %get3A_484 = arith.index_cast %add3A_448 : i32 to index
        %get3A_485 = arith.constant 64 : index
        %get3A_486 = tpu.vector_load %arg18[%get3A_484, %get3A_485] {strides = array<i32>} : memref<40x128xf32, #tpu.memory_space<vmem>>, vector<16xf32>,
        %mul3A_487 = arith.mulf %get3A_483, %get3A_486 : vector<16xf32>
        %add3A_488 = arith.addf %add3A_480, %mul3A_487 : vector<16xf32>
        %get3A_489 = arith.index_cast %add3A_448 : i32 to index
        %get3A_490 = arith.constant 80 : index
        %get3A_491 = tpu.vector_load %arg16[%get3A_489, %get3A_490] {strides = array<i32>} : memref<40x128xf32, #tpu.memory_space<vmem>>, vector<16xf32>,
        %get3A_492 = arith.index_cast %add3A_448 : i32 to index
        %get3A_493 = arith.constant 80 : index
        %get3A_494 = tpu.vector_load %arg18[%get3A_492, %get3A_493] {strides = array<i32>} : memref<40x128xf32, #tpu.memory_space<vmem>>, vector<16xf32>,
        %mul3A_495 = arith.mulf %get3A_491, %get3A_494 : vector<16xf32>
        %add3A_496 = arith.addf %add3A_488, %mul3A_495 : vector<16xf32>
        %get3A_497 = arith.index_cast %add3A_448 : i32 to index
        %get3A_498 = arith.constant 96 : index
        %get3A_499 = tpu.vector_load %arg16[%get3A_497, %get3A_498] {strides = array<i32>} : memref<40x128xf32, #tpu.memory_space<vmem>>, vector<16xf32>,
        %get3A_500 = arith.index_cast %add3A_448 : i32 to index
        %get3A_501 = arith.constant 96 : index
        %get3A_502 = tpu.vector_load %arg18[%get3A_500, %get3A_501] {strides = array<i32>} : memref<40x128xf32, #tpu.memory_space<vmem>>, vector<16xf32>,
        %mul3A_503 = arith.mulf %get3A_499, %get3A_502 : vector<16xf32>
        %add3A_504 = arith.addf %add3A_496, %mul3A_503 : vector<16xf32>
        %get3A_505 = arith.index_cast %add3A_448 : i32 to index
        %get3A_506 = arith.constant 112 : index
        %get3A_507 = tpu.vector_load %arg16[%get3A_505, %get3A_506] {strides = array<i32>} : memref<40x128xf32, #tpu.memory_space<vmem>>, vector<16xf32>,
        %get3A_508 = arith.index_cast %add3A_448 : i32 to index
        %get3A_509 = arith.constant 112 : index
        %get3A_510 = tpu.vector_load %arg18[%get3A_508, %get3A_509] {strides = array<i32>} : memref<40x128xf32, #tpu.memory_space<vmem>>, vector<16xf32>,
        %mul3A_511 = arith.mulf %get3A_507, %get3A_510 : vector<16xf32>
        %add3A_512 = arith.addf %add3A_504, %mul3A_511 : vector<16xf32>
        %broadcast_in_dim3A_513 = arith.constant true
        %broadcast_in_dim3A_514 = vector.broadcast %broadcast_in_dim3A_513 : i1 to vector<16xi1>
        %masked_cumsum3A_515 = tpu.scan <sum>, %add3A_512 masked %broadcast_in_dim3A_514 : vector<16xf32>, vector<16xi1> -> vector<16xf32>
        %broadcast_in_dim3A_516 = vector.broadcast %add3A_448 : i32 to vector<16xi32>
        tpu.vector_store_idx %arg24[%broadcast_in_dim3A_516], %masked_cumsum3A_515 masked %eq3A_6 : memref<40xf32, #tpu.memory_space<vmem>>[vector<16xi32>], vector<16xf32>, vector<16xi1>
      }
      %scan3A_159 = arith.constant 10 : i32
      %get3A_160 = arith.constant 0 : index
      %get3A_161 = tpu.vector_load %arg24[%get3A_160] {strides = array<i32>} : memref<40xf32, #tpu.memory_space<vmem>>, vector<16xf32>,
      %mul3A_162 = arith.constant 0.0883883461 : f32
      %mul3A_163 = vector.broadcast %mul3A_162 : f32 to vector<16xf32>
      %mul3A_164 = arith.mulf %get3A_161, %mul3A_163 : vector<16xf32>
      %exp3A_165 = math.exp %mul3A_164 : vector<16xf32>
      %swap3A_166 = arith.constant 0 : index
      %swap3A_167 = tpu.vector_load %arg24[%swap3A_166] {strides = array<i32>} : memref<40xf32, #tpu.memory_space<vmem>>, vector<16xf32>,
      tpu.vector_store %arg24[%swap3A_166], %exp3A_165 {strides = array<i32>} : memref<40xf32, #tpu.memory_space<vmem>>, vector<16xf32>,
      %add3A_168 = arith.constant 0 : i32
      %add3A_169 = vector.broadcast %add3A_168 : i32 to vector<16xi32>
      %add3A_170 = arith.addi %add3A_169, %iota3A : vector<16xi32>
      tpu.vector_store_idx %arg22[%add3A_170, %broadcast_in_dim3A_8], %exp3A_165 : memref<40x136xf32, #tpu.memory_space<vmem>>[vector<16xi32>, vector<16xi32>], vector<16xf32>,
      %get3A_171 = arith.constant 16 : index
      %get3A_172 = tpu.vector_load %arg24[%get3A_171] {strides = array<i32>} : memref<40xf32, #tpu.memory_space<vmem>>, vector<16xf32>,
      %mul3A_173 = arith.constant 0.0883883461 : f32
      %mul3A_174 = vector.broadcast %mul3A_173 : f32 to vector<16xf32>
      %mul3A_175 = arith.mulf %get3A_172, %mul3A_174 : vector<16xf32>
      %exp3A_176 = math.exp %mul3A_175 : vector<16xf32>
      %swap3A_177 = arith.constant 16 : index
      %swap3A_178 = tpu.vector_load %arg24[%swap3A_177] {strides = array<i32>} : memref<40xf32, #tpu.memory_space<vmem>>, vector<16xf32>,
      tpu.vector_store %arg24[%swap3A_177], %exp3A_176 {strides = array<i32>} : memref<40xf32, #tpu.memory_space<vmem>>, vector<16xf32>,
      %add3A_179 = arith.constant 16 : i32
      %add3A_180 = vector.broadcast %add3A_179 : i32 to vector<16xi32>
      %add3A_181 = arith.addi %add3A_180, %iota3A : vector<16xi32>
      tpu.vector_store_idx %arg22[%add3A_181, %broadcast_in_dim3A_8], %exp3A_176 : memref<40x136xf32, #tpu.memory_space<vmem>>[vector<16xi32>, vector<16xi32>], vector<16xf32>,
      %add3A_182 = arith.constant 32 : i32
      %add3A_183 = vector.broadcast %add3A_182 : i32 to vector<16xi32>
      %add3A_184 = arith.addi %add3A_183, %iota3A : vector<16xi32>
      %min3A_185 = arith.constant 39 : i32
      %min3A_186 = vector.broadcast %min3A_185 : i32 to vector<16xi32>
      %min3A_187 = arith.minsi %add3A_184, %min3A_186 : vector<16xi32>
      %add3A_188 = arith.constant 32 : i32
      %add3A_189 = vector.broadcast %add3A_188 : i32 to vector<16xi32>
      %add3A_190 = arith.addi %add3A_189, %iota3A : vector<16xi32>
      %lt3A_191 = arith.constant 40 : i32
      %lt3A_192 = vector.broadcast %lt3A_191 : i32 to vector<16xi32>
      %lt3A_193 = arith.cmpi slt, %add3A_190, %lt3A_192 : vector<16xi32>
      %gather3A_194 = tpu.vector_load_idx %arg24[%min3A_187] : memref<40xf32, #tpu.memory_space<vmem>>[vector<16xi32>], vector<16xf32>,
      %mul3A_195 = arith.constant 0.0883883461 : f32
      %mul3A_196 = vector.broadcast %mul3A_195 : f32 to vector<16xf32>
      %mul3A_197 = arith.mulf %gather3A_194, %mul3A_196 : vector<16xf32>
      %exp3A_198 = math.exp %mul3A_197 : vector<16xf32>
      tpu.vector_store_idx %arg24[%min3A_187], %exp3A_198 masked %lt3A_193 : memref<40xf32, #tpu.memory_space<vmem>>[vector<16xi32>], vector<16xf32>, vector<16xi1>
      tpu.vector_store_idx %arg22[%min3A_187, %broadcast_in_dim3A_8], %exp3A_198 masked %lt3A_193 : memref<40x136xf32, #tpu.memory_space<vmem>>[vector<16xi32>, vector<16xi32>], vector<16xf32>, vector<16xi1>
      %scan3A_199 = arith.constant 0 : i32
      %scan3A_200 = arith.constant 0 : i32
      %scan3A_201 = arith.constant 20 : i32
      %scan3A_202 = arith.addi %scan3A_200, %scan3A_201 : i32
      %scan3A_203 = arith.constant 1 : i32
      scf.for %scan3A_229 = %scan3A_200 to %scan3A_202 step %scan3A_203  : i32 {
        %mul3A_230 = arith.constant 2 : i32
        %mul3A_231 = arith.muli %mul3A_230, %scan3A_229 : i32
        %add3A_232 = arith.constant 0 : i32
        %add3A_233 = arith.addi %mul3A_231, %add3A_232 : i32
        %broadcast_in_dim3A_234 = vector.broadcast %add3A_233 : i32 to vector<16xi32>
        %gather3A_235 = tpu.vector_load_idx %arg24[%broadcast_in_dim3A_234] : memref<40xf32, #tpu.memory_space<vmem>>[vector<16xi32>], vector<16xf32>,
        %get3A_236 = arith.index_cast %add3A_233 : i32 to index
        %get3A_237 = arith.constant 0 : index
        %get3A_238 = tpu.vector_load %arg20[%get3A_236, %get3A_237] {strides = array<i32>} : memref<40x136xf32, #tpu.memory_space<vmem>>, vector<16xf32>,
        %mul3A_239 = arith.mulf %get3A_238, %gather3A_235 : vector<16xf32>
        %swap3A_240 = arith.index_cast %add3A_233 : i32 to index
        %swap3A_241 = arith.constant 0 : index
        %swap3A_242 = tpu.vector_load %arg22[%swap3A_240, %swap3A_241] {strides = array<i32>} : memref<40x136xf32, #tpu.memory_space<vmem>>, vector<16xf32>,
        tpu.vector_store %arg22[%swap3A_240, %swap3A_241], %mul3A_239 {strides = array<i32>} : memref<40x136xf32, #tpu.memory_space<vmem>>, vector<16xf32>,
        %get3A_243 = arith.index_cast %add3A_233 : i32 to index
        %get3A_244 = arith.constant 16 : index
        %get3A_245 = tpu.vector_load %arg20[%get3A_243, %get3A_244] {strides = array<i32>} : memref<40x136xf32, #tpu.memory_space<vmem>>, vector<16xf32>,
        %mul3A_246 = arith.mulf %get3A_245, %gather3A_235 : vector<16xf32>
        %swap3A_247 = arith.index_cast %add3A_233 : i32 to index
        %swap3A_248 = arith.constant 16 : index
        %swap3A_249 = tpu.vector_load %arg22[%swap3A_247, %swap3A_248] {strides = array<i32>} : memref<40x136xf32, #tpu.memory_space<vmem>>, vector<16xf32>,
        tpu.vector_store %arg22[%swap3A_247, %swap3A_248], %mul3A_246 {strides = array<i32>} : memref<40x136xf32, #tpu.memory_space<vmem>>, vector<16xf32>,
        %get3A_250 = arith.index_cast %add3A_233 : i32 to index
        %get3A_251 = arith.constant 32 : index
        %get3A_252 = tpu.vector_load %arg20[%get3A_250, %get3A_251] {strides = array<i32>} : memref<40x136xf32, #tpu.memory_space<vmem>>, vector<16xf32>,
        %mul3A_253 = arith.mulf %get3A_252, %gather3A_235 : vector<16xf32>
        %swap3A_254 = arith.index_cast %add3A_233 : i32 to index
        %swap3A_255 = arith.constant 32 : index
        %swap3A_256 = tpu.vector_load %arg22[%swap3A_254, %swap3A_255] {strides = array<i32>} : memref<40x136xf32, #tpu.memory_space<vmem>>, vector<16xf32>,
        tpu.vector_store %arg22[%swap3A_254, %swap3A_255], %mul3A_253 {strides = array<i32>} : memref<40x136xf32, #tpu.memory_space<vmem>>, vector<16xf32>,
        %get3A_257 = arith.index_cast %add3A_233 : i32 to index
        %get3A_258 = arith.constant 48 : index
        %get3A_259 = tpu.vector_load %arg20[%get3A_257, %get3A_258] {strides = array<i32>} : memref<40x136xf32, #tpu.memory_space<vmem>>, vector<16xf32>,
        %mul3A_260 = arith.mulf %get3A_259, %gather3A_235 : vector<16xf32>
        %swap3A_261 = arith.index_cast %add3A_233 : i32 to index
        %swap3A_262 = arith.constant 48 : index
        %swap3A_263 = tpu.vector_load %arg22[%swap3A_261, %swap3A_262] {strides = array<i32>} : memref<40x136xf32, #tpu.memory_space<vmem>>, vector<16xf32>,
        tpu.vector_store %arg22[%swap3A_261, %swap3A_262], %mul3A_260 {strides = array<i32>} : memref<40x136xf32, #tpu.memory_space<vmem>>, vector<16xf32>,
        %get3A_264 = arith.index_cast %add3A_233 : i32 to index
        %get3A_265 = arith.constant 64 : index
        %get3A_266 = tpu.vector_load %arg20[%get3A_264, %get3A_265] {strides = array<i32>} : memref<40x136xf32, #tpu.memory_space<vmem>>, vector<16xf32>,
        %mul3A_267 = arith.mulf %get3A_266, %gather3A_235 : vector<16xf32>
        %swap3A_268 = arith.index_cast %add3A_233 : i32 to index
        %swap3A_269 = arith.constant 64 : index
        %swap3A_270 = tpu.vector_load %arg22[%swap3A_268, %swap3A_269] {strides = array<i32>} : memref<40x136xf32, #tpu.memory_space<vmem>>, vector<16xf32>,
        tpu.vector_store %arg22[%swap3A_268, %swap3A_269], %mul3A_267 {strides = array<i32>} : memref<40x136xf32, #tpu.memory_space<vmem>>, vector<16xf32>,
        %get3A_271 = arith.index_cast %add3A_233 : i32 to index
        %get3A_272 = arith.constant 80 : index
        %get3A_273 = tpu.vector_load %arg20[%get3A_271, %get3A_272] {strides = array<i32>} : memref<40x136xf32, #tpu.memory_space<vmem>>, vector<16xf32>,
        %mul3A_274 = arith.mulf %get3A_273, %gather3A_235 : vector<16xf32>
        %swap3A_275 = arith.index_cast %add3A_233 : i32 to index
        %swap3A_276 = arith.constant 80 : index
        %swap3A_277 = tpu.vector_load %arg22[%swap3A_275, %swap3A_276] {strides = array<i32>} : memref<40x136xf32, #tpu.memory_space<vmem>>, vector<16xf32>,
        tpu.vector_store %arg22[%swap3A_275, %swap3A_276], %mul3A_274 {strides = array<i32>} : memref<40x136xf32, #tpu.memory_space<vmem>>, vector<16xf32>,
        %get3A_278 = arith.index_cast %add3A_233 : i32 to index
        %get3A_279 = arith.constant 96 : index
        %get3A_280 = tpu.vector_load %arg20[%get3A_278, %get3A_279] {strides = array<i32>} : memref<40x136xf32, #tpu.memory_space<vmem>>, vector<16xf32>,
        %mul3A_281 = arith.mulf %get3A_280, %gather3A_235 : vector<16xf32>
        %swap3A_282 = arith.index_cast %add3A_233 : i32 to index
        %swap3A_283 = arith.constant 96 : index
        %swap3A_284 = tpu.vector_load %arg22[%swap3A_282, %swap3A_283] {strides = array<i32>} : memref<40x136xf32, #tpu.memory_space<vmem>>, vector<16xf32>,
        tpu.vector_store %arg22[%swap3A_282, %swap3A_283], %mul3A_281 {strides = array<i32>} : memref<40x136xf32, #tpu.memory_space<vmem>>, vector<16xf32>,
        %get3A_285 = arith.index_cast %add3A_233 : i32 to index
        %get3A_286 = arith.constant 112 : index
        %get3A_287 = tpu.vector_load %arg20[%get3A_285, %get3A_286] {strides = array<i32>} : memref<40x136xf32, #tpu.memory_space<vmem>>, vector<16xf32>,
        %mul3A_288 = arith.mulf %get3A_287, %gather3A_235 : vector<16xf32>
        %swap3A_289 = arith.index_cast %add3A_233 : i32 to index
        %swap3A_290 = arith.constant 112 : index
        %swap3A_291 = tpu.vector_load %arg22[%swap3A_289, %swap3A_290] {strides = array<i32>} : memref<40x136xf32, #tpu.memory_space<vmem>>, vector<16xf32>,
        tpu.vector_store %arg22[%swap3A_289, %swap3A_290], %mul3A_288 {strides = array<i32>} : memref<40x136xf32, #tpu.memory_space<vmem>>, vector<16xf32>,
        %mul3A_292 = arith.constant 2 : i32
        %mul3A_293 = arith.muli %mul3A_292, %scan3A_229 : i32
        %add3A_294 = arith.constant 1 : i32
        %add3A_295 = arith.addi %mul3A_293, %add3A_294 : i32
        %broadcast_in_dim3A_296 = vector.broadcast %add3A_295 : i32 to vector<16xi32>
        %gather3A_297 = tpu.vector_load_idx %arg24[%broadcast_in_dim3A_296] : memref<40xf32, #tpu.memory_space<vmem>>[vector<16xi32>], vector<16xf32>,
        %get3A_298 = arith.index_cast %add3A_295 : i32 to index
        %get3A_299 = arith.constant 0 : index
        %get3A_300 = tpu.vector_load %arg20[%get3A_298, %get3A_299] {strides = array<i32>} : memref<40x136xf32, #tpu.memory_space<vmem>>, vector<16xf32>,
        %mul3A_301 = arith.mulf %get3A_300, %gather3A_297 : vector<16xf32>
        %swap3A_302 = arith.index_cast %add3A_295 : i32 to index
        %swap3A_303 = arith.constant 0 : index
        %swap3A_304 = tpu.vector_load %arg22[%swap3A_302, %swap3A_303] {strides = array<i32>} : memref<40x136xf32, #tpu.memory_space<vmem>>, vector<16xf32>,
        tpu.vector_store %arg22[%swap3A_302, %swap3A_303], %mul3A_301 {strides = array<i32>} : memref<40x136xf32, #tpu.memory_space<vmem>>, vector<16xf32>,
        %get3A_305 = arith.index_cast %add3A_295 : i32 to index
        %get3A_306 = arith.constant 16 : index
        %get3A_307 = tpu.vector_load %arg20[%get3A_305, %get3A_306] {strides = array<i32>} : memref<40x136xf32, #tpu.memory_space<vmem>>, vector<16xf32>,
        %mul3A_308 = arith.mulf %get3A_307, %gather3A_297 : vector<16xf32>
        %swap3A_309 = arith.index_cast %add3A_295 : i32 to index
        %swap3A_310 = arith.constant 16 : index
        %swap3A_311 = tpu.vector_load %arg22[%swap3A_309, %swap3A_310] {strides = array<i32>} : memref<40x136xf32, #tpu.memory_space<vmem>>, vector<16xf32>,
        tpu.vector_store %arg22[%swap3A_309, %swap3A_310], %mul3A_308 {strides = array<i32>} : memref<40x136xf32, #tpu.memory_space<vmem>>, vector<16xf32>,
        %get3A_312 = arith.index_cast %add3A_295 : i32 to index
        %get3A_313 = arith.constant 32 : index
        %get3A_314 = tpu.vector_load %arg20[%get3A_312, %get3A_313] {strides = array<i32>} : memref<40x136xf32, #tpu.memory_space<vmem>>, vector<16xf32>,
        %mul3A_315 = arith.mulf %get3A_314, %gather3A_297 : vector<16xf32>
        %swap3A_316 = arith.index_cast %add3A_295 : i32 to index
        %swap3A_317 = arith.constant 32 : index
        %swap3A_318 = tpu.vector_load %arg22[%swap3A_316, %swap3A_317] {strides = array<i32>} : memref<40x136xf32, #tpu.memory_space<vmem>>, vector<16xf32>,
        tpu.vector_store %arg22[%swap3A_316, %swap3A_317], %mul3A_315 {strides = array<i32>} : memref<40x136xf32, #tpu.memory_space<vmem>>, vector<16xf32>,
        %get3A_319 = arith.index_cast %add3A_295 : i32 to index
        %get3A_320 = arith.constant 48 : index
        %get3A_321 = tpu.vector_load %arg20[%get3A_319, %get3A_320] {strides = array<i32>} : memref<40x136xf32, #tpu.memory_space<vmem>>, vector<16xf32>,
        %mul3A_322 = arith.mulf %get3A_321, %gather3A_297 : vector<16xf32>
        %swap3A_323 = arith.index_cast %add3A_295 : i32 to index
        %swap3A_324 = arith.constant 48 : index
        %swap3A_325 = tpu.vector_load %arg22[%swap3A_323, %swap3A_324] {strides = array<i32>} : memref<40x136xf32, #tpu.memory_space<vmem>>, vector<16xf32>,
        tpu.vector_store %arg22[%swap3A_323, %swap3A_324], %mul3A_322 {strides = array<i32>} : memref<40x136xf32, #tpu.memory_space<vmem>>, vector<16xf32>,
        %get3A_326 = arith.index_cast %add3A_295 : i32 to index
        %get3A_327 = arith.constant 64 : index
        %get3A_328 = tpu.vector_load %arg20[%get3A_326, %get3A_327] {strides = array<i32>} : memref<40x136xf32, #tpu.memory_space<vmem>>, vector<16xf32>,
        %mul3A_329 = arith.mulf %get3A_328, %gather3A_297 : vector<16xf32>
        %swap3A_330 = arith.index_cast %add3A_295 : i32 to index
        %swap3A_331 = arith.constant 64 : index
        %swap3A_332 = tpu.vector_load %arg22[%swap3A_330, %swap3A_331] {strides = array<i32>} : memref<40x136xf32, #tpu.memory_space<vmem>>, vector<16xf32>,
        tpu.vector_store %arg22[%swap3A_330, %swap3A_331], %mul3A_329 {strides = array<i32>} : memref<40x136xf32, #tpu.memory_space<vmem>>, vector<16xf32>,
        %get3A_333 = arith.index_cast %add3A_295 : i32 to index
        %get3A_334 = arith.constant 80 : index
        %get3A_335 = tpu.vector_load %arg20[%get3A_333, %get3A_334] {strides = array<i32>} : memref<40x136xf32, #tpu.memory_space<vmem>>, vector<16xf32>,
        %mul3A_336 = arith.mulf %get3A_335, %gather3A_297 : vector<16xf32>
        %swap3A_337 = arith.index_cast %add3A_295 : i32 to index
        %swap3A_338 = arith.constant 80 : index
        %swap3A_339 = tpu.vector_load %arg22[%swap3A_337, %swap3A_338] {strides = array<i32>} : memref<40x136xf32, #tpu.memory_space<vmem>>, vector<16xf32>,
        tpu.vector_store %arg22[%swap3A_337, %swap3A_338], %mul3A_336 {strides = array<i32>} : memref<40x136xf32, #tpu.memory_space<vmem>>, vector<16xf32>,
        %get3A_340 = arith.index_cast %add3A_295 : i32 to index
        %get3A_341 = arith.constant 96 : index
        %get3A_342 = tpu.vector_load %arg20[%get3A_340, %get3A_341] {strides = array<i32>} : memref<40x136xf32, #tpu.memory_space<vmem>>, vector<16xf32>,
        %mul3A_343 = arith.mulf %get3A_342, %gather3A_297 : vector<16xf32>
        %swap3A_344 = arith.index_cast %add3A_295 : i32 to index
        %swap3A_345 = arith.constant 96 : index
        %swap3A_346 = tpu.vector_load %arg22[%swap3A_344, %swap3A_345] {strides = array<i32>} : memref<40x136xf32, #tpu.memory_space<vmem>>, vector<16xf32>,
        tpu.vector_store %arg22[%swap3A_344, %swap3A_345], %mul3A_343 {strides = array<i32>} : memref<40x136xf32, #tpu.memory_space<vmem>>, vector<16xf32>,
        %get3A_347 = arith.index_cast %add3A_295 : i32 to index
        %get3A_348 = arith.constant 112 : index
        %get3A_349 = tpu.vector_load %arg20[%get3A_347, %get3A_348] {strides = array<i32>} : memref<40x136xf32, #tpu.memory_space<vmem>>, vector<16xf32>,
        %mul3A_350 = arith.mulf %get3A_349, %gather3A_297 : vector<16xf32>
        %swap3A_351 = arith.index_cast %add3A_295 : i32 to index
        %swap3A_352 = arith.constant 112 : index
        %swap3A_353 = tpu.vector_load %arg22[%swap3A_351, %swap3A_352] {strides = array<i32>} : memref<40x136xf32, #tpu.memory_space<vmem>>, vector<16xf32>,
        tpu.vector_store %arg22[%swap3A_351, %swap3A_352], %mul3A_350 {strides = array<i32>} : memref<40x136xf32, #tpu.memory_space<vmem>>, vector<16xf32>,
      }
      %scan3A_204 = arith.constant 20 : i32
      %get3A_205 = arith.constant 0 : index
      %get3A_206 = tpu.vector_load %arg12[%get3A_205] {strides = array<i32>} : memref<40xi32, #tpu.memory_space<vmem>>, vector<16xi32>,
      %swap3A_207 = arith.constant 0 : index
      %swap3A_208 = tpu.vector_load %arg14[%swap3A_207] {strides = array<i32>} : memref<40xi32, #tpu.memory_space<vmem>>, vector<16xi32>,
      tpu.vector_store %arg14[%swap3A_207], %get3A_206 {strides = array<i32>} : memref<40xi32, #tpu.memory_space<vmem>>, vector<16xi32>,
      %get3A_209 = arith.constant 16 : index
      %get3A_210 = tpu.vector_load %arg12[%get3A_209] {strides = array<i32>} : memref<40xi32, #tpu.memory_space<vmem>>, vector<16xi32>,
      %swap3A_211 = arith.constant 16 : index
      %swap3A_212 = tpu.vector_load %arg14[%swap3A_211] {strides = array<i32>} : memref<40xi32, #tpu.memory_space<vmem>>, vector<16xi32>,
      tpu.vector_store %arg14[%swap3A_211], %get3A_210 {strides = array<i32>} : memref<40xi32, #tpu.memory_space<vmem>>, vector<16xi32>,
      %get3A_213 = arith.constant 24 : index
      %get3A_214 = tpu.vector_load %arg12[%get3A_213] {strides = array<i32>} : memref<40xi32, #tpu.memory_space<vmem>>, vector<16xi32>,
      %add3A_215 = arith.constant 24 : i32
      %add3A_216 = vector.broadcast %add3A_215 : i32 to vector<16xi32>
      %add3A_217 = arith.addi %add3A_216, %iota3A : vector<16xi32>
      %ge3A_218 = arith.constant 8 : i32
      %ge3A_219 = vector.broadcast %ge3A_218 : i32 to vector<16xi32>
      %ge3A_220 = arith.cmpi sge, %iota3A, %ge3A_219 : vector<16xi32>
      tpu.vector_store_idx %arg14[%add3A_217], %get3A_214 masked %ge3A_220 : memref<40xi32, #tpu.memory_space<vmem>>[vector<16xi32>], vector<16xi32>, vector<16xi1>
      %dma_start3A_221 = arith.constant 0 : i32
      %dma_start3A_222 = arith.constant 0 : i32
      %dma_start3A_223 = tpu.memref_slice %arg25[%dma_start3A_221, %dma_start3A_222] : memref<10000x136xf32, #tpu.memory_space<vmem_shared>> -> memref<10000x136xf32, #tpu.memory_space<vmem_shared>>
      tpu.enqueue_indirect_dma source(%arg22 : memref<40x136xf32, #tpu.memory_space<vmem>>) target(%dma_start3A_223 : memref<10000x136xf32, #tpu.memory_space<vmem_shared>>) offsets(%arg14 : memref<40xi32, #tpu.memory_space<vmem>>) semaphore(%arg29 : memref<!tpu.dma_semaphore, #tpu.memory_space<semaphore_mem>>) {add = true}
      %lt3A_224 = arith.constant 124 : i32
      %lt3A_225 = arith.cmpi slt, %scan3A_40, %lt3A_224 : i32
      %convert_element_type3A_226 = arith.extui %lt3A_225 : i1 to i32
      %cond3A_227 = arith.constant 0 : i32
      %cond3A_228 = arith.cmpi ne, %convert_element_type3A_226, %cond3A_227 : i32
      scf.if %cond3A_228 {
        %mul3A_229 = arith.constant 2 : i32
        %mul3A_230 = arith.muli %mul3A_229, %scan3A_40 : i32
        %add3A_231 = arith.constant 3 : i32
        %add3A_232 = arith.addi %mul3A_230, %add3A_231 : i32
        %mul3A_233 = arith.constant 40 : i32
        %mul3A_234 = arith.muli %add3A_232, %mul3A_233 : i32
        %add3A_235 = arith.addi %mul3A_10, %mul3A_234 : i32
        %dma_start3A_236 = tpu.memref_slice %arg2[%add3A_235] : memref<320000xi32, #tpu.memory_space<hbm>> -> memref<40xi32, #tpu.memory_space<hbm>>
        %dma_start3A_237 = tpu.memref_slice %arg2[%add3A_235] : memref<320000xi32, #tpu.memory_space<hbm>> -> memref<40xi32, #tpu.memory_space<hbm>>
        tpu.enqueue_dma source(%dma_start3A_237 : memref<40xi32, #tpu.memory_space<hbm>>) target(%arg10 : memref<40xi32, #tpu.memory_space<vmem>>) target_semaphore(%arg31 : memref<!tpu.dma_semaphore, #tpu.memory_space<semaphore_mem>>)
        %mul3A_238 = arith.constant 40 : i32
        %mul3A_239 = arith.muli %add3A_232, %mul3A_238 : i32
        %add3A_240 = arith.addi %mul3A_10, %mul3A_239 : i32
        %dma_start3A_241 = tpu.memref_slice %arg3[%add3A_240] : memref<320000xi32, #tpu.memory_space<hbm>> -> memref<40xi32, #tpu.memory_space<hbm>>
        %dma_start3A_242 = tpu.memref_slice %arg3[%add3A_240] : memref<320000xi32, #tpu.memory_space<hbm>> -> memref<40xi32, #tpu.memory_space<hbm>>
        tpu.enqueue_dma source(%dma_start3A_242 : memref<40xi32, #tpu.memory_space<hbm>>) target(%arg12 : memref<40xi32, #tpu.memory_space<vmem>>) target_semaphore(%arg31 : memref<!tpu.dma_semaphore, #tpu.memory_space<semaphore_mem>>)
      } else {
      }
    }
    %scan3A_29 = arith.constant 125 : i32
    %dma_wait3A = arith.constant 0 : i32
    %dma_wait3A_30 = arith.constant 0 : i32
    %dma_wait3A_31 = tpu.memref_slice %arg25[%dma_wait3A, %dma_wait3A_30] : memref<10000x136xf32, #tpu.memory_space<vmem_shared>> -> memref<10000x136xf32, #tpu.memory_space<vmem_shared>>
    tpu.wait_indirect_dma semaphore(%arg28 : memref<!tpu.dma_semaphore, #tpu.memory_space<semaphore_mem>>) src(%arg21 : memref<40x136xf32, #tpu.memory_space<vmem>>) dst(%dma_wait3A_31 : memref<10000x136xf32, #tpu.memory_space<vmem_shared>>)
    %dma_wait3A_32 = arith.constant 0 : i32
    %dma_wait3A_33 = arith.constant 0 : i32
    %dma_wait3A_34 = tpu.memref_slice %arg25[%dma_wait3A_32, %dma_wait3A_33] : memref<10000x136xf32, #tpu.memory_space<vmem_shared>> -> memref<10000x136xf32, #tpu.memory_space<vmem_shared>>
    tpu.wait_indirect_dma semaphore(%arg29 : memref<!tpu.dma_semaphore, #tpu.memory_space<semaphore_mem>>) src(%arg22 : memref<40x136xf32, #tpu.memory_space<vmem>>) dst(%dma_wait3A_34 : memref<10000x136xf32, #tpu.memory_space<vmem_shared>>)
    %barrier3A_35 = arith.constant 0 : index
    tpu.barrier barrier_id(%barrier3A_35)
    %mul3A_36 = arith.constant 625 : i32
    %mul3A_37 = arith.muli %arg1, %mul3A_36 : i32
    %mul3A_38 = arith.constant 625 : i32
    %mul3A_39 = arith.muli %arg1, %mul3A_38 : i32
    "tpu.region"() ({
      %run_scoped3A = tpu.sem_alloc : memref<!tpu.dma_semaphore, #tpu.memory_space<semaphore_mem>>
      %dma_start3A_40 = arith.constant 0 : i32
      %dma_start3A_41 = tpu.memref_slice %arg8[%arg0, %mul3A_39, %dma_start3A_40] : memref<2x10000x136xf32, #tpu.memory_space<hbm>> -> memref<1x625x136xf32, #tpu.memory_space<hbm>>
      %dma_start3A_42 = tpu.memref_squeeze %dma_start3A_41 : memref<1x625x136xf32, #tpu.memory_space<hbm>> -> memref<625x136xf32, #tpu.memory_space<hbm>>
      %dma_start3A_43 = arith.constant 0 : i32
      %dma_start3A_44 = tpu.memref_slice %arg25[%mul3A_37, %dma_start3A_43] : memref<10000x136xf32, #tpu.memory_space<vmem_shared>> -> memref<625x136xf32, #tpu.memory_space<vmem_shared>>
      tpu.enqueue_dma source(%dma_start3A_44 : memref<625x136xf32, #tpu.memory_space<vmem_shared>>) target(%dma_start3A_42 : memref<625x136xf32, #tpu.memory_space<hbm>>) target_semaphore(%run_scoped3A : memref<!tpu.dma_semaphore, #tpu.memory_space<semaphore_mem>>)
      %dma_wait3A_45 = arith.constant 0 : i32
      %dma_wait3A_46 = tpu.memref_slice %arg8[%arg0, %mul3A_39, %dma_wait3A_45] : memref<2x10000x136xf32, #tpu.memory_space<hbm>> -> memref<1x625x136xf32, #tpu.memory_space<hbm>>
      %dma_wait3A_47 = tpu.memref_squeeze %dma_wait3A_46 : memref<1x625x136xf32, #tpu.memory_space<hbm>> -> memref<625x136xf32, #tpu.memory_space<hbm>>
      %dma_wait3A_48 = arith.constant 0 : i32
      %dma_wait3A_49 = tpu.memref_slice %arg25[%mul3A_37, %dma_wait3A_48] : memref<10000x136xf32, #tpu.memory_space<vmem_shared>> -> memref<625x136xf32, #tpu.memory_space<vmem_shared>>
      tpu.wait_dma2 semaphore(%run_scoped3A : memref<!tpu.dma_semaphore, #tpu.memory_space<semaphore_mem>>) src(%dma_wait3A_49 : memref<625x136xf32, #tpu.memory_space<vmem_shared>>) dst(%dma_wait3A_47 : memref<625x136xf32, #tpu.memory_space<hbm>>)
      tpu.yield
    }) : () -> ()
    return
  }
}

module attributes {stable_mosaic.version = 14 : i64} {
  func.func @_qkv_body(%arg0: i32, %arg1: memref<1000x128xf32, #tpu.memory_space<vmem>>, %arg2: memref<128x128xf32, #tpu.memory_space<vmem>>, %arg3: memref<128xf32, #tpu.memory_space<vmem>>, %arg4: memref<128x128xf32, #tpu.memory_space<vmem>>, %arg5: memref<128xf32, #tpu.memory_space<vmem>>, %arg6: memref<128x128xf32, #tpu.memory_space<vmem>>, %arg7: memref<128xf32, #tpu.memory_space<vmem>>, %arg8: memref<1000x128xf32, #tpu.memory_space<vmem>>, %arg9: memref<1000x128xf32, #tpu.memory_space<vmem>>, %arg10: memref<1000x136xf32, #tpu.memory_space<vmem>>) attributes {dimension_semantics = [#tpu.dimension_semantics<arbitrary>], iteration_bounds = array<i64: 10>, scalar_prefetch = 0 : i64, scratch_operands = 0 : i64, tpu.core_type = #tpu.core_type<tc>, window_params = [{transform_indices = @transform_0, window_bounds = array<i64: 1000, 128>}, {pipeline_mode = #tpu.pipeline_mode<synchronous>, transform_indices = @transform_1, window_bounds = array<i64: 128, 128>}, {pipeline_mode = #tpu.pipeline_mode<synchronous>, transform_indices = @transform_2, window_bounds = array<i64: 128>}, {pipeline_mode = #tpu.pipeline_mode<synchronous>, transform_indices = @transform_3, window_bounds = array<i64: 128, 128>}, {pipeline_mode = #tpu.pipeline_mode<synchronous>, transform_indices = @transform_4, window_bounds = array<i64: 128>}, {pipeline_mode = #tpu.pipeline_mode<synchronous>, transform_indices = @transform_5, window_bounds = array<i64: 128, 128>}, {pipeline_mode = #tpu.pipeline_mode<synchronous>, transform_indices = @transform_6, window_bounds = array<i64: 128>}, {transform_indices = @transform_7, window_bounds = array<i64: 1000, 128>}, {transform_indices = @transform_8, window_bounds = array<i64: 1000, 128>}, {transform_indices = @transform_9, window_bounds = array<i64: 1000, 136>}]} {
    %get3A = arith.constant 0 : index
    %get3A_0 = arith.constant 0 : index
    %get3A_1 = vector.load %arg1[%get3A, %get3A_0] : memref<1000x128xf32, #tpu.memory_space<vmem>>, vector<1000x128xf32>
    %get3A_2 = arith.constant 0 : index
    %get3A_3 = arith.constant 0 : index
    %get3A_4 = vector.load %arg2[%get3A_2, %get3A_3] : memref<128x128xf32, #tpu.memory_space<vmem>>, vector<128x128xf32>
    %dot_general3A = arith.constant dense<0.000000e+00> : vector<1000x128xf32>
    %dot_general3A_5 = tpu.matmul %get3A_1, %get3A_4, %dot_general3A {dimension_numbers = #tpu.dot_dimension_numbers<[1], [0], [0], [1], [0, 0, 1, 1], [], []>, transpose_lhs_hint = false} : vector<1000x128xf32>, vector<128x128xf32>, vector<1000x128xf32> -> vector<1000x128xf32>
    %get3A_6 = arith.constant 0 : index
    %get3A_7 = vector.load %arg3[%get3A_6] : memref<128xf32, #tpu.memory_space<vmem>>, vector<128xf32>
    %broadcast_in_dim3A = vector.shape_cast %get3A_7 : vector<128xf32> to vector<1x128xf32>
    %add3A = vector.broadcast %broadcast_in_dim3A : vector<1x128xf32> to vector<1000x128xf32>
    %add3A_8 = arith.addf %dot_general3A_5, %add3A : vector<1000x128xf32>
    %swap3A = arith.constant 0 : index
    %swap3A_9 = arith.constant 0 : index
    %swap3A_10 = vector.load %arg8[%swap3A, %swap3A_9] : memref<1000x128xf32, #tpu.memory_space<vmem>>, vector<1000x128xf32>
    tpu.vector_store %arg8[%swap3A, %swap3A_9], %add3A_8 {strides = array<i32>} : memref<1000x128xf32, #tpu.memory_space<vmem>>, vector<1000x128xf32>,
    %get3A_11 = arith.constant 0 : index
    %get3A_12 = arith.constant 0 : index
    %get3A_13 = vector.load %arg4[%get3A_11, %get3A_12] : memref<128x128xf32, #tpu.memory_space<vmem>>, vector<128x128xf32>
    %dot_general3A_14 = arith.constant dense<0.000000e+00> : vector<1000x128xf32>
    %dot_general3A_15 = tpu.matmul %get3A_1, %get3A_13, %dot_general3A_14 {dimension_numbers = #tpu.dot_dimension_numbers<[1], [0], [0], [1], [0, 0, 1, 1], [], []>, transpose_lhs_hint = false} : vector<1000x128xf32>, vector<128x128xf32>, vector<1000x128xf32> -> vector<1000x128xf32>
    %get3A_16 = arith.constant 0 : index
    %get3A_17 = vector.load %arg5[%get3A_16] : memref<128xf32, #tpu.memory_space<vmem>>, vector<128xf32>
    %broadcast_in_dim3A_18 = vector.shape_cast %get3A_17 : vector<128xf32> to vector<1x128xf32>
    %add3A_19 = vector.broadcast %broadcast_in_dim3A_18 : vector<1x128xf32> to vector<1000x128xf32>
    %add3A_20 = arith.addf %dot_general3A_15, %add3A_19 : vector<1000x128xf32>
    %swap3A_21 = arith.constant 0 : index
    %swap3A_22 = arith.constant 0 : index
    %swap3A_23 = vector.load %arg9[%swap3A_21, %swap3A_22] : memref<1000x128xf32, #tpu.memory_space<vmem>>, vector<1000x128xf32>
    tpu.vector_store %arg9[%swap3A_21, %swap3A_22], %add3A_20 {strides = array<i32>} : memref<1000x128xf32, #tpu.memory_space<vmem>>, vector<1000x128xf32>,
    %get3A_24 = arith.constant 0 : index
    %get3A_25 = arith.constant 0 : index
    %get3A_26 = vector.load %arg6[%get3A_24, %get3A_25] : memref<128x128xf32, #tpu.memory_space<vmem>>, vector<128x128xf32>
    %dot_general3A_27 = arith.constant dense<0.000000e+00> : vector<1000x128xf32>
    %dot_general3A_28 = tpu.matmul %get3A_1, %get3A_26, %dot_general3A_27 {dimension_numbers = #tpu.dot_dimension_numbers<[1], [0], [0], [1], [0, 0, 1, 1], [], []>, transpose_lhs_hint = false} : vector<1000x128xf32>, vector<128x128xf32>, vector<1000x128xf32> -> vector<1000x128xf32>
    %get3A_29 = arith.constant 0 : index
    %get3A_30 = vector.load %arg7[%get3A_29] : memref<128xf32, #tpu.memory_space<vmem>>, vector<128xf32>
    %broadcast_in_dim3A_31 = vector.shape_cast %get3A_30 : vector<128xf32> to vector<1x128xf32>
    %add3A_32 = vector.broadcast %broadcast_in_dim3A_31 : vector<1x128xf32> to vector<1000x128xf32>
    %add3A_33 = arith.addf %dot_general3A_28, %add3A_32 : vector<1000x128xf32>
    %broadcast_in_dim3A_34 = arith.constant 1.000000e+00 : f32
    %broadcast_in_dim3A_35 = vector.broadcast %broadcast_in_dim3A_34 : f32 to vector<1000x1xf32>
    %broadcast_in_dim3A_36 = arith.constant 0.000000e+00 : f32
    %broadcast_in_dim3A_37 = vector.broadcast %broadcast_in_dim3A_36 : f32 to vector<1000x7xf32>
    %concatenate3A = tpu.concatenate %add3A_33, %broadcast_in_dim3A_35, %broadcast_in_dim3A_37 in 1 : vector<1000x128xf32>, vector<1000x1xf32>, vector<1000x7xf32> -> vector<1000x136xf32>
    %swap3A_38 = arith.constant 0 : index
    %swap3A_39 = arith.constant 0 : index
    %swap3A_40 = vector.load %arg10[%swap3A_38, %swap3A_39] : memref<1000x136xf32, #tpu.memory_space<vmem>>, vector<1000x136xf32>
    tpu.vector_store %arg10[%swap3A_38, %swap3A_39], %concatenate3A {strides = array<i32>} : memref<1000x136xf32, #tpu.memory_space<vmem>>, vector<1000x136xf32>,
    return
  }
  func.func @transform_0(%arg0: i32) -> (i32, i32) {
    %c0_i32 = arith.constant 0 : i32
    %c0_i32_0 = arith.constant 0 : i32
    return %arg0, %c0_i32 : i32, i32
  }
  func.func @transform_1(%arg0: i32) -> (i32, i32) {
    %c0_i32 = arith.constant 0 : i32
    %c0_i32_0 = arith.constant 0 : i32
    %c0_i32_1 = arith.constant 0 : i32
    return %c0_i32, %c0_i32_0 : i32, i32
  }
  func.func @transform_2(%arg0: i32) -> i32 {
    %c0_i32 = arith.constant 0 : i32
    %c0_i32_0 = arith.constant 0 : i32
    return %c0_i32 : i32
  }
  func.func @transform_3(%arg0: i32) -> (i32, i32) {
    %c0_i32 = arith.constant 0 : i32
    %c0_i32_0 = arith.constant 0 : i32
    %c0_i32_1 = arith.constant 0 : i32
    return %c0_i32, %c0_i32_0 : i32, i32
  }
  func.func @transform_4(%arg0: i32) -> i32 {
    %c0_i32 = arith.constant 0 : i32
    %c0_i32_0 = arith.constant 0 : i32
    return %c0_i32 : i32
  }
  func.func @transform_5(%arg0: i32) -> (i32, i32) {
    %c0_i32 = arith.constant 0 : i32
    %c0_i32_0 = arith.constant 0 : i32
    %c0_i32_1 = arith.constant 0 : i32
    return %c0_i32, %c0_i32_0 : i32, i32
  }
  func.func @transform_6(%arg0: i32) -> i32 {
    %c0_i32 = arith.constant 0 : i32
    %c0_i32_0 = arith.constant 0 : i32
    return %c0_i32 : i32
  }
  func.func @transform_7(%arg0: i32) -> (i32, i32) {
    %c0_i32 = arith.constant 0 : i32
    %c0_i32_0 = arith.constant 0 : i32
    return %arg0, %c0_i32 : i32, i32
  }
  func.func @transform_8(%arg0: i32) -> (i32, i32) {
    %c0_i32 = arith.constant 0 : i32
    %c0_i32_0 = arith.constant 0 : i32
    return %arg0, %c0_i32 : i32, i32
  }
  func.func @transform_9(%arg0: i32) -> (i32, i32) {
    %c0_i32 = arith.constant 0 : i32
    %c0_i32_0 = arith.constant 0 : i32
    return %arg0, %c0_i32 : i32, i32
  }
}

module attributes {stable_mosaic.version = 14 : i64} {
  func.func @_mid_body(%arg0: i32, %arg1: memref<2x1000x136xf32, #tpu.memory_space<vmem>>, %arg2: memref<128x128xf32, #tpu.memory_space<vmem>>, %arg3: memref<128xf32, #tpu.memory_space<vmem>>, %arg4: memref<128x128xf32, #tpu.memory_space<vmem>>, %arg5: memref<128xf32, #tpu.memory_space<vmem>>, %arg6: memref<128x128xf32, #tpu.memory_space<vmem>>, %arg7: memref<128xf32, #tpu.memory_space<vmem>>, %arg8: memref<1000x128xf32, #tpu.memory_space<vmem>>, %arg9: memref<1000x128xf32, #tpu.memory_space<vmem>>, %arg10: memref<1000x136xf32, #tpu.memory_space<vmem>>) attributes {dimension_semantics = [#tpu.dimension_semantics<arbitrary>], iteration_bounds = array<i64: 10>, scalar_prefetch = 0 : i64, scratch_operands = 0 : i64, tpu.core_type = #tpu.core_type<tc>, window_params = [{transform_indices = @transform_0, window_bounds = array<i64: 2, 1000, 136>}, {pipeline_mode = #tpu.pipeline_mode<synchronous>, transform_indices = @transform_1, window_bounds = array<i64: 128, 128>}, {pipeline_mode = #tpu.pipeline_mode<synchronous>, transform_indices = @transform_2, window_bounds = array<i64: 128>}, {pipeline_mode = #tpu.pipeline_mode<synchronous>, transform_indices = @transform_3, window_bounds = array<i64: 128, 128>}, {pipeline_mode = #tpu.pipeline_mode<synchronous>, transform_indices = @transform_4, window_bounds = array<i64: 128>}, {pipeline_mode = #tpu.pipeline_mode<synchronous>, transform_indices = @transform_5, window_bounds = array<i64: 128, 128>}, {pipeline_mode = #tpu.pipeline_mode<synchronous>, transform_indices = @transform_6, window_bounds = array<i64: 128>}, {transform_indices = @transform_7, window_bounds = array<i64: 1000, 128>}, {transform_indices = @transform_8, window_bounds = array<i64: 1000, 128>}, {transform_indices = @transform_9, window_bounds = array<i64: 1000, 136>}]} {
    %get3A = arith.constant 0 : index
    %get3A_0 = arith.constant 0 : index
    %get3A_1 = arith.constant 0 : index
    %get3A_2 = vector.load %arg1[%get3A, %get3A_0, %get3A_1] : memref<2x1000x136xf32, #tpu.memory_space<vmem>>, vector<1x1000x136xf32>
    %get3A_3 = vector.shape_cast %get3A_2 : vector<1x1000x136xf32> to vector<1000x136xf32>
    %get3A_4 = arith.constant 1 : index
    %get3A_5 = arith.constant 0 : index
    %get3A_6 = arith.constant 0 : index
    %get3A_7 = vector.load %arg1[%get3A_4, %get3A_5, %get3A_6] : memref<2x1000x136xf32, #tpu.memory_space<vmem>>, vector<1x1000x136xf32>
    %get3A_8 = vector.shape_cast %get3A_7 : vector<1x1000x136xf32> to vector<1000x136xf32>
    %add3A = arith.addf %get3A_3, %get3A_8 : vector<1000x136xf32>
    %slice3A = vector.extract_strided_slice %add3A {offsets = [0, 0], sizes = [1000, 128], strides = [1, 1]} : vector<1000x136xf32> to vector<1000x128xf32>
    %slice3A_9 = vector.extract_strided_slice %add3A {offsets = [0, 128], sizes = [1000, 1], strides = [1, 1]} : vector<1000x136xf32> to vector<1000x1xf32>
    %add3A_10 = arith.constant 1.000000e-16 : f32
    %add3A_11 = vector.broadcast %add3A_10 : f32 to vector<1000x1xf32>
    %add3A_12 = arith.addf %slice3A_9, %add3A_11 : vector<1000x1xf32>
    %div3A = vector.broadcast %add3A_12 : vector<1000x1xf32> to vector<1000x128xf32>
    %div3A_13 = arith.divf %slice3A, %div3A : vector<1000x128xf32>
    %gt3A = arith.constant 0.000000e+00 : f32
    %gt3A_14 = vector.broadcast %gt3A : f32 to vector<1000x128xf32>
    %gt3A_15 = arith.cmpf ogt, %div3A_13, %gt3A_14 : vector<1000x128xf32>
    %min3A = arith.constant 0.000000e+00 : f32
    %min3A_16 = vector.broadcast %min3A : f32 to vector<1000x128xf32>
    %min3A_17 = arith.minimumf %div3A_13, %min3A_16 : vector<1000x128xf32>
    %exp3A = math.exp %min3A_17 : vector<1000x128xf32>
    %sub3A = arith.constant 1.000000e+00 : f32
    %sub3A_18 = vector.broadcast %sub3A : f32 to vector<1000x128xf32>
    %sub3A_19 = arith.subf %exp3A, %sub3A_18 : vector<1000x128xf32>
    %select_n3A = arith.select %gt3A_15, %div3A_13, %sub3A_19 : vector<1000x128xi1>, vector<1000x128xf32>
    %get3A_20 = arith.constant 0 : index
    %get3A_21 = arith.constant 0 : index
    %get3A_22 = vector.load %arg2[%get3A_20, %get3A_21] : memref<128x128xf32, #tpu.memory_space<vmem>>, vector<128x128xf32>
    %dot_general3A = arith.constant dense<0.000000e+00> : vector<1000x128xf32>
    %dot_general3A_23 = tpu.matmul %select_n3A, %get3A_22, %dot_general3A {dimension_numbers = #tpu.dot_dimension_numbers<[1], [0], [0], [1], [0, 0, 1, 1], [], []>, transpose_lhs_hint = false} : vector<1000x128xf32>, vector<128x128xf32>, vector<1000x128xf32> -> vector<1000x128xf32>
    %get3A_24 = arith.constant 0 : index
    %get3A_25 = vector.load %arg3[%get3A_24] : memref<128xf32, #tpu.memory_space<vmem>>, vector<128xf32>
    %broadcast_in_dim3A = vector.shape_cast %get3A_25 : vector<128xf32> to vector<1x128xf32>
    %add3A_26 = vector.broadcast %broadcast_in_dim3A : vector<1x128xf32> to vector<1000x128xf32>
    %add3A_27 = arith.addf %dot_general3A_23, %add3A_26 : vector<1000x128xf32>
    %swap3A = arith.constant 0 : index
    %swap3A_28 = arith.constant 0 : index
    %swap3A_29 = vector.load %arg8[%swap3A, %swap3A_28] : memref<1000x128xf32, #tpu.memory_space<vmem>>, vector<1000x128xf32>
    tpu.vector_store %arg8[%swap3A, %swap3A_28], %add3A_27 {strides = array<i32>} : memref<1000x128xf32, #tpu.memory_space<vmem>>, vector<1000x128xf32>,
    %get3A_30 = arith.constant 0 : index
    %get3A_31 = arith.constant 0 : index
    %get3A_32 = vector.load %arg4[%get3A_30, %get3A_31] : memref<128x128xf32, #tpu.memory_space<vmem>>, vector<128x128xf32>
    %dot_general3A_33 = arith.constant dense<0.000000e+00> : vector<1000x128xf32>
    %dot_general3A_34 = tpu.matmul %select_n3A, %get3A_32, %dot_general3A_33 {dimension_numbers = #tpu.dot_dimension_numbers<[1], [0], [0], [1], [0, 0, 1, 1], [], []>, transpose_lhs_hint = false} : vector<1000x128xf32>, vector<128x128xf32>, vector<1000x128xf32> -> vector<1000x128xf32>
    %get3A_35 = arith.constant 0 : index
    %get3A_36 = vector.load %arg5[%get3A_35] : memref<128xf32, #tpu.memory_space<vmem>>, vector<128xf32>
    %broadcast_in_dim3A_37 = vector.shape_cast %get3A_36 : vector<128xf32> to vector<1x128xf32>
    %add3A_38 = vector.broadcast %broadcast_in_dim3A_37 : vector<1x128xf32> to vector<1000x128xf32>
    %add3A_39 = arith.addf %dot_general3A_34, %add3A_38 : vector<1000x128xf32>
    %swap3A_40 = arith.constant 0 : index
    %swap3A_41 = arith.constant 0 : index
    %swap3A_42 = vector.load %arg9[%swap3A_40, %swap3A_41] : memref<1000x128xf32, #tpu.memory_space<vmem>>, vector<1000x128xf32>
    tpu.vector_store %arg9[%swap3A_40, %swap3A_41], %add3A_39 {strides = array<i32>} : memref<1000x128xf32, #tpu.memory_space<vmem>>, vector<1000x128xf32>,
    %get3A_43 = arith.constant 0 : index
    %get3A_44 = arith.constant 0 : index
    %get3A_45 = vector.load %arg6[%get3A_43, %get3A_44] : memref<128x128xf32, #tpu.memory_space<vmem>>, vector<128x128xf32>
    %dot_general3A_46 = arith.constant dense<0.000000e+00> : vector<1000x128xf32>
    %dot_general3A_47 = tpu.matmul %select_n3A, %get3A_45, %dot_general3A_46 {dimension_numbers = #tpu.dot_dimension_numbers<[1], [0], [0], [1], [0, 0, 1, 1], [], []>, transpose_lhs_hint = false} : vector<1000x128xf32>, vector<128x128xf32>, vector<1000x128xf32> -> vector<1000x128xf32>
    %get3A_48 = arith.constant 0 : index
    %get3A_49 = vector.load %arg7[%get3A_48] : memref<128xf32, #tpu.memory_space<vmem>>, vector<128xf32>
    %broadcast_in_dim3A_50 = vector.shape_cast %get3A_49 : vector<128xf32> to vector<1x128xf32>
    %add3A_51 = vector.broadcast %broadcast_in_dim3A_50 : vector<1x128xf32> to vector<1000x128xf32>
    %add3A_52 = arith.addf %dot_general3A_47, %add3A_51 : vector<1000x128xf32>
    %broadcast_in_dim3A_53 = arith.constant 1.000000e+00 : f32
    %broadcast_in_dim3A_54 = vector.broadcast %broadcast_in_dim3A_53 : f32 to vector<1000x1xf32>
    %broadcast_in_dim3A_55 = arith.constant 0.000000e+00 : f32
    %broadcast_in_dim3A_56 = vector.broadcast %broadcast_in_dim3A_55 : f32 to vector<1000x7xf32>
    %concatenate3A = tpu.concatenate %add3A_52, %broadcast_in_dim3A_54, %broadcast_in_dim3A_56 in 1 : vector<1000x128xf32>, vector<1000x1xf32>, vector<1000x7xf32> -> vector<1000x136xf32>
    %swap3A_57 = arith.constant 0 : index
    %swap3A_58 = arith.constant 0 : index
    %swap3A_59 = vector.load %arg10[%swap3A_57, %swap3A_58] : memref<1000x136xf32, #tpu.memory_space<vmem>>, vector<1000x136xf32>
    tpu.vector_store %arg10[%swap3A_57, %swap3A_58], %concatenate3A {strides = array<i32>} : memref<1000x136xf32, #tpu.memory_space<vmem>>, vector<1000x136xf32>,
    return
  }
  func.func @transform_0(%arg0: i32) -> (i32, i32, i32) {
    %c0_i32 = arith.constant 0 : i32
    %c0_i32_0 = arith.constant 0 : i32
    %c0_i32_1 = arith.constant 0 : i32
    return %c0_i32, %arg0, %c0_i32_0 : i32, i32, i32
  }
  func.func @transform_1(%arg0: i32) -> (i32, i32) {
    %c0_i32 = arith.constant 0 : i32
    %c0_i32_0 = arith.constant 0 : i32
    %c0_i32_1 = arith.constant 0 : i32
    return %c0_i32, %c0_i32_0 : i32, i32
  }
  func.func @transform_2(%arg0: i32) -> i32 {
    %c0_i32 = arith.constant 0 : i32
    %c0_i32_0 = arith.constant 0 : i32
    return %c0_i32 : i32
  }
  func.func @transform_3(%arg0: i32) -> (i32, i32) {
    %c0_i32 = arith.constant 0 : i32
    %c0_i32_0 = arith.constant 0 : i32
    %c0_i32_1 = arith.constant 0 : i32
    return %c0_i32, %c0_i32_0 : i32, i32
  }
  func.func @transform_4(%arg0: i32) -> i32 {
    %c0_i32 = arith.constant 0 : i32
    %c0_i32_0 = arith.constant 0 : i32
    return %c0_i32 : i32
  }
  func.func @transform_5(%arg0: i32) -> (i32, i32) {
    %c0_i32 = arith.constant 0 : i32
    %c0_i32_0 = arith.constant 0 : i32
    %c0_i32_1 = arith.constant 0 : i32
    return %c0_i32, %c0_i32_0 : i32, i32
  }
  func.func @transform_6(%arg0: i32) -> i32 {
    %c0_i32 = arith.constant 0 : i32
    %c0_i32_0 = arith.constant 0 : i32
    return %c0_i32 : i32
  }
  func.func @transform_7(%arg0: i32) -> (i32, i32) {
    %c0_i32 = arith.constant 0 : i32
    %c0_i32_0 = arith.constant 0 : i32
    return %arg0, %c0_i32 : i32, i32
  }
  func.func @transform_8(%arg0: i32) -> (i32, i32) {
    %c0_i32 = arith.constant 0 : i32
    %c0_i32_0 = arith.constant 0 : i32
    return %arg0, %c0_i32 : i32, i32
  }
  func.func @transform_9(%arg0: i32) -> (i32, i32) {
    %c0_i32 = arith.constant 0 : i32
    %c0_i32_0 = arith.constant 0 : i32
    return %arg0, %c0_i32 : i32, i32
  }
}

module attributes {stable_mosaic.version = 14 : i64} {
  func.func @_final_body(%arg0: i32, %arg1: memref<2x1000x136xf32, #tpu.memory_space<vmem>>, %arg2: memref<1000x128xf32, #tpu.memory_space<vmem>>) attributes {dimension_semantics = [#tpu.dimension_semantics<arbitrary>], iteration_bounds = array<i64: 10>, scalar_prefetch = 0 : i64, scratch_operands = 0 : i64, tpu.core_type = #tpu.core_type<tc>, window_params = [{transform_indices = @transform_0, window_bounds = array<i64: 2, 1000, 136>}, {transform_indices = @transform_1, window_bounds = array<i64: 1000, 128>}]} {
    %get3A = arith.constant 0 : index
    %get3A_0 = arith.constant 0 : index
    %get3A_1 = arith.constant 0 : index
    %get3A_2 = vector.load %arg1[%get3A, %get3A_0, %get3A_1] : memref<2x1000x136xf32, #tpu.memory_space<vmem>>, vector<1x1000x136xf32>
    %get3A_3 = vector.shape_cast %get3A_2 : vector<1x1000x136xf32> to vector<1000x136xf32>
    %get3A_4 = arith.constant 1 : index
    %get3A_5 = arith.constant 0 : index
    %get3A_6 = arith.constant 0 : index
    %get3A_7 = vector.load %arg1[%get3A_4, %get3A_5, %get3A_6] : memref<2x1000x136xf32, #tpu.memory_space<vmem>>, vector<1x1000x136xf32>
    %get3A_8 = vector.shape_cast %get3A_7 : vector<1x1000x136xf32> to vector<1000x136xf32>
    %add3A = arith.addf %get3A_3, %get3A_8 : vector<1000x136xf32>
    %slice3A = vector.extract_strided_slice %add3A {offsets = [0, 0], sizes = [1000, 128], strides = [1, 1]} : vector<1000x136xf32> to vector<1000x128xf32>
    %slice3A_9 = vector.extract_strided_slice %add3A {offsets = [0, 128], sizes = [1000, 1], strides = [1, 1]} : vector<1000x136xf32> to vector<1000x1xf32>
    %add3A_10 = arith.constant 1.000000e-16 : f32
    %add3A_11 = vector.broadcast %add3A_10 : f32 to vector<1000x1xf32>
    %add3A_12 = arith.addf %slice3A_9, %add3A_11 : vector<1000x1xf32>
    %div3A = vector.broadcast %add3A_12 : vector<1000x1xf32> to vector<1000x128xf32>
    %div3A_13 = arith.divf %slice3A, %div3A : vector<1000x128xf32>
    %swap3A = arith.constant 0 : index
    %swap3A_14 = arith.constant 0 : index
    %swap3A_15 = vector.load %arg2[%swap3A, %swap3A_14] : memref<1000x128xf32, #tpu.memory_space<vmem>>, vector<1000x128xf32>
    tpu.vector_store %arg2[%swap3A, %swap3A_14], %div3A_13 {strides = array<i32>} : memref<1000x128xf32, #tpu.memory_space<vmem>>, vector<1000x128xf32>,
    return
  }
  func.func @transform_0(%arg0: i32) -> (i32, i32, i32) {
    %c0_i32 = arith.constant 0 : i32
    %c0_i32_0 = arith.constant 0 : i32
    %c0_i32_1 = arith.constant 0 : i32
    return %c0_i32, %arg0, %c0_i32_0 : i32, i32, i32
  }
  func.func @transform_1(%arg0: i32) -> (i32, i32) {
    %c0_i32 = arith.constant 0 : i32
    %c0_i32_0 = arith.constant 0 : i32
    return %arg0, %c0_i32 : i32, i32
  }
}

</mosaic_0001>

<sc_bundles>
// kernel: kernel.10.cloned.1.call-start
scs
__scs_entry_jumppad:
0x0: {  	(pc) =	sbr.rel $0x88, $3  }
0x1: {  	(tag) =	ssettag $0x0;
	lr =	simm.s32 $0x1  }
0x2: {  	[smem:$0x3F93] =	sst lr;
	_ =	strace $0xD0000000  }
0x3: {  	_ = 	snop  }
0x4: {  	_ = 	snop  }
0x5: {  	_ = 	snop  }
0x6: {  	_ = 	snop  }
0x7: {  	_ = 	snop  }
__scs_overlays_trampoline_lowered:
0x8: {  	[smem:$0x3FA2] =	sst s0  }
0x9: {  	[smem:$0x3FA3] =	sst s1  }
0xa: {  	[smem:$0x3FA4] =	sst s2  }
0xb: {  	[smem:$0x3FA5] =	sst s3  }
0xc: {  	[smem:$0x3FA6] =	sst s4  }
0xd: {  	[smem:$0x3FA7] =	sst s5  }
0xe: {  	[smem:$0x3FA8] =	sst s6  }
0xf: {  	[smem:$0x3FA9] =	sst s7  }
0x10: {  	[smem:$0x3FAA] =	sst s8  }
0x11: {  	[smem:$0x3FAB] =	sst s9;
	s0 =	simm.s32 @!p0 $0x0  }
0x12: {  	s1 =	sld [smem:$0x3F91];
	s0 =	simm.s32 @p0 $0x1  }
0x13: {  	[smem:$0x3FAC] =	sst s0;
	s0 =	simm.s32 @!p1 $0x0  }
0x14: {  	s2 =	sld [smem:$0x3F90];
	s0 =	simm.s32 @p1 $0x1  }
0x15: {  	[smem:$0x3FAD] =	sst s0;
	s0 =	simm.s32 @!p2 $0x0  }
0x16: {  	s3 =	sld [smem:$0x3FDB];
	s0 =	simm.s32 @p2 $0x1  }
0x17: {  	s4 =	simm.s32 $0x1BF5;
	[smem:$0x3FAF] =	sst s0  }
0x18: {  	s0 =	sld [smem:$0x3F92];
	_ =	swait.ge [sflag:s4], $0x0  }
0x19: {  	s7 =	sld [smem:$0x3F93]  }
0x1a: {  	s8 =	sadd.s32 $0xFFFFE003, lr  }
0x1b: {  	s9 =	sadd.s32 $0xFFFFFEF7, lr;
	s5 =	simm.s32 $0xFFFFFFFF;
	p2 =	slt.u32 s8, $0xFFFFF086  }
0x1c: {  	p1 =	slt.u32 s9, $0xF7A;
	s5 =	simm.s32 @!p2 $0x0  }
0x1d: {  	s5 =	simm.s32 @p1 $0x1;
	p0 =	seq.s32 s7, s2  }
0x1e: {  	s7 =	smul.u32 @!p0 $0xF7A, s2;
	p2 =	seq.s32 @!p0 s5, $0x0  }
0x1f: {  	s9 =	smul.u32 $0xF7A, s1;
	s8 =	simm.s32 @!p0 $0x1BF5;
	p2 =	por !p2, p0  }
0x20: {  	[sflag:s8] =	ssyncset.s32 @!p0 $0xFFFFF086;
	s6 =	sadd.s32 @!p0 s3, s7;
	s7 =	simm.s32 @!p0 $0x108  }
0x21: {  	s3 =	sadd.s32 s3, s9;
	s6 =	sadd.s32 @!p0 $0x88, s6;
	s7 =	simm.s32 @p2 $0x1082  }
0x22: {  	[simem:s7], [sflag:s8] =	dma.local @!p0 [hbm:s6], $0xF7A  }
0x23: {  	s9 =	sor.u32 $0xD0000000, s2;
	s6 =	simm.s32 $0x108;
	_ =	swait.ge @!p0 [sflag:s8], $0x0  }
0x24: {  	s3 =	sadd.s32 $0x88, s3;
	s6 =	simm.s32 @!p1 $0x1082;
	[sflag:s4] =	ssyncset.s32 $0xFFFFF086  }
0x25: {  	[simem:s6], [sflag:s4] =	dma.local [hbm:s3], $0xF7A  }
0x26: {  	[smem:$0x3F93] =	sst s1;
	(tag) =	ssettag s2;
	_ =	strace s9  }
0x27: {  	s1 =	sld [smem:$0x3FA3]  }
0x28: {  	s2 =	sld [smem:$0x3FA4]  }
0x29: {  	s4 =	sld [smem:$0x3FA6]  }
0x2a: {  	p0 =	seq.s32 s5, $0x0;
	s5 =	sld [smem:$0x3FA7]  }
0x2b: {  	s6 =	sld [smem:$0x3FA8]  }
0x2c: {  	s7 =	sld [smem:$0x3FA9]  }
0x2d: {  	s3 =	simm.s32 $0x108;
	s8 =	sld [smem:$0x3FAA]  }
0x2e: {  	s3 =	simm.s32 @!p0 $0x1082;
	s9 =	sld [smem:$0x3FAB]  }
0x2f: {  	lr =	sadd.s32 s0, s3;
	s0 =	sld [smem:$0x3FA2]  }
0x30: {  	s3 =	sld [smem:$0x3FA5]  }
0x31: {  	[smem:$0x3FAE] =	sst s10  }
0x32: {  	s10 =	sld [smem:$0x3FAC];
	_ =	sdelay $0x3  }
0x33: {  	p0 =	seq.s32 s10, $0x1;
	s10 =	sld [smem:$0x3FAE];
	_ =	sdelay $0x3  }
0x34: {  	[smem:$0x3FAE] =	sst s10  }
0x35: {  	s10 =	sld [smem:$0x3FAD];
	_ =	sdelay $0x3  }
0x36: {  	p1 =	seq.s32 s10, $0x1;
	s10 =	sld [smem:$0x3FAE];
	_ =	sdelay $0x3  }
0x37: {  	[smem:$0x3FAE] =	sst s10  }
0x38: {  	s10 =	sld [smem:$0x3FAF]  }
0x39: {  	_ = 	snop;
	(pc) =	sbr.ind lr, $3  }
0x3a: {  	_ = 	snop  }
0x3b: {  	_ = 	snop  }
0x3c: {  	p2 =	seq.s32 s10, $0x1;
	s10 =	sld [smem:$0x3FAE]  }
0x3d: {  	_ =	shalt  }
0x3e: {  	_ =	shalt  }
0x3f: {  	_ =	shalt  }
0x40: {  	_ =	shalt  }
0x41: {  	_ =	shalt  }
0x42: {  	_ =	shalt  }
0x43: {  	_ =	shalt  }
0x44: {  	_ =	shalt  }
0x45: {  	_ =	shalt  }
0x46: {  	_ =	shalt  }
0x47: {  	_ =	shalt  }
0x48: {  	_ =	shalt  }
0x49: {  	_ =	shalt  }
0x4a: {  	_ =	shalt  }
0x4b: {  	_ =	shalt  }
0x4c: {  	_ =	shalt  }
0x4d: {  	_ =	shalt  }
0x4e: {  	_ =	shalt  }
0x4f: {  	_ =	shalt  }
0x50: {  	_ =	shalt  }
0x51: {  	_ =	shalt  }
0x52: {  	_ =	shalt  }
0x53: {  	_ =	shalt  }
0x54: {  	_ =	shalt  }
0x55: {  	_ =	shalt  }
0x56: {  	_ =	shalt  }
0x57: {  	_ =	shalt  }
0x58: {  	_ =	shalt  }
0x59: {  	_ =	shalt  }
0x5a: {  	_ =	shalt  }
0x5b: {  	_ =	shalt  }
0x5c: {  	_ =	shalt  }
0x5d: {  	_ =	shalt  }
0x5e: {  	_ =	shalt  }
0x5f: {  	_ =	shalt  }
0x60: {  	_ =	shalt  }
0x61: {  	_ =	shalt  }
0x62: {  	_ =	shalt  }
0x63: {  	_ =	shalt  }
0x64: {  	_ =	shalt  }
0x65: {  	_ =	shalt  }
0x66: {  	_ =	shalt  }
0x67: {  	_ =	shalt  }
0x68: {  	_ =	shalt  }
0x69: {  	_ =	shalt  }
0x6a: {  	_ =	shalt  }
0x6b: {  	_ =	shalt  }
0x6c: {  	_ =	shalt  }
0x6d: {  	_ =	shalt  }
0x6e: {  	_ =	shalt  }
0x6f: {  	_ =	shalt  }
0x70: {  	_ =	shalt  }
0x71: {  	_ =	shalt  }
0x72: {  	_ =	shalt  }
0x73: {  	_ =	shalt  }
0x74: {  	_ =	shalt  }
0x75: {  	_ =	shalt  }
0x76: {  	_ =	shalt  }
0x77: {  	_ =	shalt  }
0x78: {  	_ =	shalt  }
0x79: {  	_ =	shalt  }
0x7a: {  	_ =	shalt  }
0x7b: {  	_ =	shalt  }
0x7c: {  	_ =	shalt  }
0x7d: {  	_ =	shalt  }
0x7e: {  	_ =	shalt  }
0x7f: {  	_ =	shalt  }
0x80: {  	_ =	shalt  }
0x81: {  	_ =	shalt  }
0x82: {  	_ =	shalt  }
0x83: {  	_ =	shalt  }
0x84: {  	_ =	shalt  }
0x85: {  	_ =	shalt  }
0x86: {  	_ =	shalt  }
0x87: {  	_ =	shalt  }
.Lfunc_end0:
.L_simem_size_0:
called_computation.1_lowered:
.L_overlay_start_0:
0x88: {  	s2 =	sld [smem:$0x3FD9]  }
0x89: {  	s3 =	sld [smem:$0x3FFE];
	_ =	sdelay $0x1  }
0x8a: {  	s1 =	srdreg.scid  }
0x8b: {  	s0 =	sand.u32 $0x1, s1  }
0x8c: {  	s17 =	sshll.u32 s0, $0xA;
	s2 =	sadd.s32 s3, s2  }
0x8d: {  	s2 =	sadd.s32 s2, s17  }
0x8e: {  	[smem:$0x3FBA] =	sst s2  }
0x8f: {  	_ = 	snop  }
0x90: {  	s2 =	sld [smem:$0x3FD0];
	(tm) =	ssettm $0x1  }
0x91: {  	s18 =	sld [smem:$0x3FFB];
	_ =	sdelay $0x3  }
0x92: {  	_ =	strace s18  }
0x93: {  	s3 =	sld [smem:$0x3FFC];
	_ =	sdelay $0x3  }
0x94: {  	_ =	strace s3  }
0x95: {  	s3 =	sld [smem:$0x3FFD];
	_ =	sdelay $0x3  }
0x96: {  	_ =	strace s3  }
0x97: {  	_ =	strace $0x8FFFFFFF  }
0x98: {  	s19 =	sld [smem:$0x3FDB];
	_ =	sdelay $0x1  }
0x99: {  	s4 =	simm.s32 $_scs_section_size  }
0x9a: {  	s5 =	simm.s32 $_size__tile_overlayer_lowered;
	s6 =	simm.s32 $_tile_overlayer_lowered  }
0x9b: {  	s22 =	simm.s32 $0x1BFF;
	s21 =	sshll.u32 s6, $0x1;
	s3 =	sadd.s32 s4, s19  }
0x9c: {  	s7 =	simm.s32 $0x0;
	s20 =	sshll.u32 s5, $0x1;
	s5 =	sadd.s32 s21, s3  }
0x9d: {  	[timem:s7], [sflag:s22] =	dma.local [hbm:s5], s20  }
0x9e: {  	_ =	swait.ge [sflag:s22], s20  }
0x9f: {  	s4 =	ssub.s32 $0x0, s20;
	[sflag:s22] =	ssyncset.done $0x0  }
0xa0: {  	[sflag:s22] =	ssyncadd.s32 s4;
	_ =	sdelay $0x1  }
0xa1: {  	s23 =	simm.s32 $0x1B8B  }
0xa2: {  	_ =	swait.ge [sflag:s23], $0x1  }
0xa3: {  	[sflag:s23] =	ssyncset.done $0x0  }
0xa4: {  	s25 =	simm.s32 $0x1B8E;
	s24 =	sld [smem:$0x3FFE];
	[sflag:s23] =	ssyncadd.s32 $0xFFFFFFFF  }
0xa5: {  	s26 =	simm.s32 $execute0_lowered;
	[smem:$0x3FD2] =	sst s25  }
0xa6: {  	s5 =	sshll.u32 s26, $0x1;
	_ =	strace $0x80000049;
	[dreg:$0x1] =	wrdreg $0xFFFFFFFF  }
0xa7: {  	s28 =	simm.s32 $_size_execute0_lowered;
	s3 =	sadd.s32 s3, s5;
	[dreg:$0x0] =	wrdreg $0x0  }
0xa8: {  	s5 =	sshll.u32 s28, $0x1;
	[dreg:$0x2] =	wrdreg s3  }
0xa9: {  	[dreg:$0x3] =	wrdreg s5  }
0xaa: {  	[dreg:$0x4] =	wrdreg $0xC0  }
0xab: {  	_ =	task [dreg:s7], $0x5FFFF  }
0xac: {  	[dreg:$0x1] =	wrdreg $0xFFFFFFFF  }
0xad: {  	[dreg:$0x0] =	wrdreg $0x60  }
0xae: {  	[dreg:$0x2] =	wrdreg s24  }
0xaf: {  	[dreg:$0x3] =	wrdreg s2  }
0xb0: {  	[dreg:$0x4] =	wrdreg $0xA6400  }
0xb1: {  	[dreg:$0x5] =	wrdreg $0x9  }
0xb2: {  	_ =	task.clear_ibuf [dreg:s7], $0x6FFFF;
	_ =	strace $0x90000049  }
0xb3: {  	s29 =	simm.s32 $0x9;
	_ =	strace $0x8000004B  }
0xb4: {  	_ =	swait.ge [sflag:s29], $0x1  }
0xb5: {  	[sflag:s29] =	ssyncadd.s32 $0xFFFFFFFF  }
0xb6: {  	_ =	strace $0x9000004B  }
0xb7: {  	_ =	sfence  }
0xb8: {  	s30 =	sld [smem:$0x0];
	_ =	sdelay $0x2  }
0xb9: {  	s31 =	sshll.u32 s1, $0xD;
	s1 =	sshrl.u32 s1, $0x2  }
0xba: {  	s3 =	sand.u32 $0x4000, s31;
	s1 =	sadd.s32 s1, s30  }
0xbb: {  	s0 =	sor.u32 s3, s0;
	s1 =	sshll.u32 s1, $0x11  }
0xbc: {  	s0 =	sor.u32 s1, s0  }
0xbd: {  	s0 =	sadd.s32 $0x8F2B, s0  }
0xbe: {  	[sflag:s0] =	ssyncadd.remote.s32 $0x1  }
0xbf: {  	_ =	sfence.sel $0xFFFF  }
0xc0: {  	[dreg:$0x0] =	wrdreg $0xFFFFFFFF;
	(pc) =	sbr.abs _section_cstart, $3  }
0xc1: {  	[dreg:$0x1] =	wrdreg $0xFFFFFFFF  }
0xc2: {  	_ =	task.clear_ibuf [dreg:s7], $0x2FFFF;
	_ =	strace $0x9FFFFFFF  }
0xc3: {  	(tm) =	ssettm $0x7FFFFFFF  }
tec
execute0_lowered:
.L_overlay_start_1:
0x0: {  	(tag) =	ssettag $0x1  }
0x1: {  	s0 =	rddreg [dreg:$0x0]  }
0x2: {  	s1 =	rddreg [dreg:$0x1]  }
0x3: {  	s2 =	rddreg [dreg:$0x2];
	s4 =	simm.s32 $0x0  }
0x4: {  	s3 =	srdreg.scid;
	s13 =	stileid.u32;
	s28 =	simm.s32 $0x1  }
0x5: {  	s29 =	simm.s32 $0xA5F0;
	s30 =	simm.s32 $0x7B70;
	s31 =	simm.s32 $0xA0  }
0x6: {  	s15 =	simm.s32 $0x5;
	s18 =	simm.s32 $0x0;
	[smem:$0x7FF] =	sst s4  }
0x7: {  	s5 =	sadd.s32 $0xC400, s0;
	s3 =	sand.u32 $0x1, s3;
	s7 =	smul.u32 $0x14C08, s13  }
0x8: {  	s6 =	sadd.s32 $0x2600, s0;
	s8 =	sadd.s32 $0x16200, s0;
	s9 =	sadd.s32 $0x3FE00, s0  }
0x9: {  	s20 =	sshll.u32 s13, $0x6;
	_ =	strace $0x8000004A;
	[dreg:$0x4] =	wrdreg s8  }
0xa: {  	s10 =	smul.u32 $0x14C080, s3;
	s8 =	sadd.s32 $0x18C00, s0;
	s11 =	sshll.u32 s3, $0x4  }
0xb: {  	s3 =	ssub.s32 $0x2, s3;
	s17 =	sor.u32 $0x1C07, s20;
	s20 =	simm.s32 $0x7  }
0xc: {  	s11 =	sor.u32 s13, s11;
	s12 =	sshrl.u32 s3, $0x1;
	[dreg:$0x5] =	wrdreg s17  }
0xd: {  	s10 =	sadd.s32 s7, s10;
	s11 =	smul.u32 $0x2710, s11;
	s3 =	ssub.s32 s3, s12  }
0xe: {  	v0 =	vimm.s32 $0x23222120;
	s7 =	sadd.s32 s7, s2;
	s10 =	sshrl.u32 s10, $0x3;
	s26 =	smax.u32 s3, $0x1  }
0xf: {  	v4 =	vlaneseq.u32;
	v0 =	vunpack.c.0.s8.s32 v0;
	s13 =	sshrl.u32 s7, $0x3;
	s3 =	simm.s32 $0x4;
	s7 =	simm.s32 $0xA618  }
0x10: {  	vm0 =	vcmask $0xF00;
	v1 =	vimm.s32 $0x27262524;
	v3 =	vimm.s32 $0x1538;
	s0 =	sadd.s32 s10, s0;
	s21 =	sshrl.u32 s11, $0x3;
	s22 =	sadd.s32 $0x28, s11  }
0x11: {  	vm1 =	vcmask $0x1F10;
	v0 =	vnsel vm0, $0x27, v0;
	vm0 =	vcmask $0x300;
	s14 =	sadd.s32 $0x50, s11;
	s16 =	sadd.s32 $0x78, s11;
	[dreg:$0xb] =	wrdreg s26  }
0x12: {  	v1 =	vunpack.c.0.s8.s32 v1;
	v3 =	vsel vm0, $0x1180, v3;
	vm0 =	vcmask $0x704;
	s26 =	simm.s32 $0x50F0;
	s11 =	simm.s32 $0x90B0;
	[dreg:$0xc] =	wrdreg s13  }
0x13: {  	v2 =	vmul.u32 $0x88, v4;
	v3 =	vsel vm0, $0x1208, v3;
	vm0 =	vcmask $0xB08;
	s23 =	sadd.s32 s5, s21;
	s24 =	sshrl.u32 s22, $0x3;
	s12 =	sadd.s32 s6, s21  }
.Ltmp0:
0x14: {  	v0 =	vsel vm1, v1, v0;
	vm1 =	vcmask $0xF0C;
	v1 =	vsel vm0, $0x1290, v3;
	s0 =	sadd.s32 $0x69800, s0;
	[dreg:$0x6] =	wrdreg s23;
	(pc) =	sbr.rel .LBB2_1-.Ltmp0, $4  }
0x15: {  	v4 =	vadd.s32 $0x18, v4;
	s21 =	simm.s32 $0x50;
	s22 =	simm.s32 $0x28;
	v3 =	vsel vm1, $0x1318, v1;
	vm1 =	vcmask $0x1310;
	[dreg:$0x7] =	wrdreg s12  }
0x16: {  	vm0 =	vcmask $0x3F3C;
	s25 =	sadd.s32 s5, s24;
	s10 =	sadd.s32 s6, s24;
	[dreg:$0xa] =	wrdreg s0;
	v3 =	vsel vm1, $0x13A0, v3;
	vm1 =	vcmask $0x1714  }
0x17: {  	v1 =	vadd.s32 $0x80, v2;
	s23 =	simm.s32 $0x78;
	s0 =	simm.s32 $0x2;
	[dreg:$0x8] =	wrdreg s25;
	v3 =	vsel vm1, $0x1428, v3;
	vm1 =	vcmask $0x1B18  }
0x18: {  	v2 =	vadd.s32 $0x900, v2;
	s12 =	simm.s32 $0xC8;
	[dreg:$0x9] =	wrdreg s10;
	s25 =	simm.s32 $0x28F0;
	v3 =	vsel vm1, $0x14B0, v3;
	vm1 =	vcmask $0x3F20  }
.LBB2_16:
0x19: {  	s10 =	simm.s32 $0x3  }
0x1a: {  	_ =	swait.ge [sflag:s10], $0x1540  }
0x1b: {  	[sflag:s10] =	ssyncset.done $0x0  }
0x1c: {  	[sflag:s10] =	ssyncadd.s32 $0xFFFFEAC0  }
0x1d: {  	_ =	swait.ge [sflag:s3], $0x1540  }
0x1e: {  	[sflag:s3] =	ssyncset.done $0x0  }
0x1f: {  	[sflag:s3] =	ssyncadd.s32 $0xFFFFEAC0  }
0x20: {  	[bflag:$0x0] =	sbarrier.arrive $0xFFFF  }
0x21: {  	s17 =	rddreg [dreg:$0x5]  }
0x22: {  	s19 =	rddreg [dreg:$0xa]  }
0x23: {  	s13 =	rddreg [dreg:$0xc]  }
0x24: {  	[hbm:s19], [sflag:s17] =	dma.local [spmem:s13], $0x2981  }
0x25: {  	_ =	swait.ge [sflag:s20], $0x2981  }
0x26: {  	s18 =	rddreg [dreg:$0xd]  }
0x27: {  	s24 =	rddreg [dreg:$0xb];
	s18 =	sadd.s32 $0x1, s18  }
0x28: {  	p0 =	sne.s32 s18, s24  }
.Ltmp1:
0x29: {  	_ = 	snop;
	(pc) =	sbr.rel @!p0 .LBB2_17-.Ltmp1, $3  }
0x2a: {  	_ =	sdelay $0x1  }
0x2b: {  	[sflag:s20] =	ssyncset.done $0x0  }
0x2c: {  	[sflag:s20] =	ssyncadd.s32 $0xFFFFD67F  }
.LBB2_1:
0x2d: {  	[dreg:$0xd] =	wrdreg s18  }
0x2e: {  	s10 =	rddreg [dreg:$0x4]  }
0x2f: {  	[spmem:s13], [sflag:s17] =	dma.local [hbm:s10], $0x2981  }
0x30: {  	_ =	swait.ge [sflag:s20], $0x2981  }
0x31: {  	[sflag:s20] =	ssyncset.done $0x0  }
0x32: {  	s13 =	rddreg [dreg:$0x6];
	[sflag:s20] =	ssyncadd.s32 $0xFFFFD67F  }
0x33: {  	[tilespmem:s4], [sflag:$0x7] =	stream.linear.gather [hbm4b:s13+s4], $0x28, $0x38;
	[tilespmem:$0x1F248] =	vst v63  }
0x34: {  	_ =	swait.ge [sflag:s20], $0x28  }
0x35: {  	[sflag:s20] =	ssyncset.done $0x0  }
0x36: {  	s17 =	rddreg [dreg:$0x7];
	[sflag:s20] =	ssyncadd.s32 $0xFFFFFFD8  }
0x37: {  	[tilespmem:s21], [sflag:$0x7] =	stream.linear.gather [hbm4b:s17+s4], $0x28, $0x38;
	[tilespmem:$0x1F248] =	vst v63  }
0x38: {  	_ =	swait.ge [sflag:s20], $0x28  }
0x39: {  	[sflag:s20] =	ssyncset.done $0x0  }
0x3a: {  	s18 =	rddreg [dreg:$0x8];
	[sflag:s20] =	ssyncadd.s32 $0xFFFFFFD8  }
0x3b: {  	[tilespmem:s22], [sflag:$0x7] =	stream.linear.gather [hbm4b:s18+s4], $0x28, $0x38;
	[tilespmem:$0x1F248] =	vst v63  }
0x3c: {  	_ =	swait.ge [sflag:s20], $0x28  }
0x3d: {  	[sflag:s20] =	ssyncset.done $0x0  }
0x3e: {  	s19 =	rddreg [dreg:$0x9];
	[sflag:s20] =	ssyncadd.s32 $0xFFFFFFD8  }
0x3f: {  	[tilespmem:s23], [sflag:$0x7] =	stream.linear.gather [hbm4b:s19+s4], $0x28, $0x38;
	[tilespmem:$0x1F248] =	vst v63  }
0x40: {  	_ =	swait.ge [sflag:s20], $0x28  }
0x41: {  	[sflag:s20] =	ssyncset.done $0x0  }
0x42: {  	[sflag:s20] =	ssyncadd.s32 $0xFFFFFFD8  }
0x43: {  	s24 =	simm.s32 $0xF0;
	[bflag:$0x0] =	sbarrier.arrive $0xFFFF  }
0x44: {  	[tilespmem:s24], [sflag:$0x1] =	stream.indirect.gather [hbm4b:s1+s22], $0x80, s21, s22, $0xb8;
	[tilespmem:$0x1F248] =	vst v63  }
0x45: {  	_ = 	snop  }
0x46: {  	[tilespmem:s25], [sflag:$0x1] =	stream.indirect.gather [hbm4b:s8+s22], $0x80, s4, s22, $0xb8;
	[tilespmem:$0x1F248] =	vst v63  }
0x47: {  	s18 =	simm.s32 $0x0  }
0x48: {  	[tilespmem:s26], [sflag:$0x1] =	stream.indirect.gather [hbm4b:s9+s22], $0x88, s4, s22, $0xb8;
	[tilespmem:$0x1F248] =	vst v63  }
.LBB2_2:
0x49: {  	_ =	swait.ge [sflag:s28], $0x1400  }
0x4a: {  	[sflag:s28] =	ssyncset.done $0x0  }
0x4b: {  	[sflag:s28] =	ssyncadd.s32 $0xFFFFEC00  }
0x4c: {  	_ =	swait.ge [sflag:s28], $0x1400  }
0x4d: {  	[sflag:s28] =	ssyncset.done $0x0  }
0x4e: {  	[sflag:s28] =	ssyncadd.s32 $0xFFFFEC00  }
0x4f: {  	p0 =	seq.s32 s18, $0x0;
	_ =	swait.ge [sflag:s28], $0x1540  }
0x50: {  	s10 =	simm.s32 @p0 $0x28;
	[sflag:s28] =	ssyncset.done $0x0  }
0x51: {  	s13 =	simm.s32 @p0 $0x78;
	s17 =	simm.s32 @p0 $0x14F0;
	[sflag:s28] =	ssyncadd.s32 $0xFFFFEAC0  }
0x52: {  	[tilespmem:s17], [sflag:$0x2] =	stream.indirect.gather @p0 [hbm4b:s1+s10], $0x80, s13, s10, $0xb8;
	[tilespmem:$0x1F248] =	vst v63  }
0x53: {  	s13 =	simm.s32 @p0 $0x3CF0  }
0x54: {  	[tilespmem:s13], [sflag:$0x2] =	stream.indirect.gather @p0 [hbm4b:s8+s10], $0x80, s10, s10, $0xb8;
	[tilespmem:$0x1F248] =	vst v63  }
0x55: {  	s13 =	simm.s32 @p0 $0x6630  }
0x56: {  	[tilespmem:s13], [sflag:$0x2] =	stream.indirect.gather @p0 [hbm4b:s9+s10], $0x88, s10, s10, $0xb8;
	[tilespmem:$0x1F248] =	vst v63  }
0x57: {  	s10 =	simm.s32 @!p0 $0x6  }
0x58: {  	_ =	swait.ge @!p0 [sflag:s10], $0x28  }
0x59: {  	[sflag:s10] =	ssyncset.done @!p0 $0x0  }
0x5a: {  	[sflag:s10] =	ssyncadd.s32 @!p0 $0xFFFFFFD8  }
0x5b: {  	_ =	swait.ge @!p0 [sflag:s10], $0x28  }
0x5c: {  	s17 =	simm.s32 @!p0 $0x14F0;
	[sflag:s10] =	ssyncset.done @!p0 $0x0  }
0x5d: {  	s13 =	simm.s32 @!p0 $0x78;
	[sflag:s10] =	ssyncadd.s32 @!p0 $0xFFFFFFD8;
	s10 =	simm.s32 @!p0 $0x28  }
0x5e: {  	[tilespmem:s17], [sflag:$0x2] =	stream.indirect.gather @!p0 [hbm4b:s1+s10], $0x80, s13, s10, $0xb8;
	[tilespmem:$0x1F248] =	vst v63  }
0x5f: {  	s13 =	simm.s32 @!p0 $0x3CF0  }
0x60: {  	[tilespmem:s13], [sflag:$0x2] =	stream.indirect.gather @!p0 [hbm4b:s8+s10], $0x80, s10, s10, $0xb8;
	[tilespmem:$0x1F248] =	vst v63  }
0x61: {  	s13 =	simm.s32 @!p0 $0x6630  }
0x62: {  	[tilespmem:s13], [sflag:$0x2] =	stream.indirect.gather @!p0 [hbm4b:s9+s10], $0x88, s10, s10, $0xb8;
	[tilespmem:$0x1F248] =	vst v63  }
0x63: {  	s10 =	simm.s32 @!p0 $0x3  }
0x64: {  	_ =	swait.ge @!p0 [sflag:s10], $0x1540  }
0x65: {  	[sflag:s10] =	ssyncset.done @!p0 $0x0  }
0x66: {  	s13 =	simm.s32 $0x29F0;
	[sflag:s10] =	ssyncadd.s32 @!p0 $0xFFFFEAC0  }
0x67: {  	s10 =	simm.s32 $0x1F0;
	v5 =	vld [tilespmem:s13+$0xFFFFFF00]  }
0x68: {  	v6 =	vld [tilespmem:s10+$0xFFFFFF00]  }
0x69: {  	v7 =	vld [tilespmem:s13+$0xFFFFFF10]  }
0x6a: {  	v8 =	vld [tilespmem:s10+$0xFFFFFF10]  }
0x6b: {  	v9 =	vld [tilespmem:s13+$0xFFFFFF20]  }
0x6c: {  	v10 =	vld [tilespmem:s10+$0xFFFFFF20]  }
0x6d: {  	v11 =	vld [tilespmem:s10+$0xFFFFFF30];
	v5 =	vmul.f32 v5, v6  }
0x6e: {  	v6 =	vld [tilespmem:s13+$0xFFFFFF30]  }
0x6f: {  	v25 =	vld [tilespmem:s13+$0xFFFFFF40];
	v7 =	vmul.f32 v7, v8;
	v5 =	vadd.f32 $0.0e+00, v5  }
0x70: {  	v12 =	vld [tilespmem:s10+$0xFFFFFF40]  }
0x71: {  	v26 =	vld [tilespmem:s13+$0xFFFFFF50];
	v5 =	vadd.f32 v7, v5;
	v7 =	vmul.f32 v9, v10  }
0x72: {  	v27 =	vld [tilespmem:s10+$0xFFFFFF50]  }
0x73: {  	v28 =	vld [tilespmem:s10+$0xFFFFFF60];
	v6 =	vmul.f32 v6, v11;
	v5 =	vadd.f32 v7, v5  }
0x74: {  	v7 =	vld [tilespmem:s13+$0xFFFFFF60]  }
0x75: {  	v29 =	vld [tilespmem:s13+$0xFFFFFF70];
	v5 =	vadd.f32 v6, v5;
	v6 =	vmul.f32 v25, v12  }
0x76: {  	v30 =	vld [tilespmem:s10+$0xFFFFFF70]  }
0x77: {  	v5 =	vadd.f32 v6, v5;
	v6 =	vmul.f32 v26, v27;
	_ =	sdelay $0x1  }
0x78: {  	v5 =	vadd.f32 v6, v5;
	v6 =	vmul.f32 v7, v28;
	_ =	sdelay $0x1  }
0x79: {  	v5 =	vadd.f32 v6, v5;
	v6 =	vmul.f32 v29, v30;
	_ =	sdelay $0x1  }
0x7a: {  	v5 =	vadd.f32 v6, v5;
	_ =	sdelay $0x1  }
0x7b: {  	(xrf2) =	vadd.scan.msk.f32 $0xffff, v5;
	_ =	sdelay $0x1  }
0x7c: {  	s19 =	simm.s32 $0x0  }
0x7d: {  	v5 =	vmov s19  }
0x7e: {  	v5 =	vand.u32 $0xFFFFFFFC, v5  }
0x7f: {  	v5 =	vbroadcast v5, $0x0;
	_ =	sdelay $0x4  }
0x80: {  	v6, _, _ =	vpop (xrf2)  }
0x81: {  	[tilespmem:v5+s29+$0x0] =	vst.idx.msk vm0, v6  }
0x82: {  	v5 =	vld [tilespmem:s10+$0xFFFFFF80]  }
0x83: {  	v6 =	vld [tilespmem:s13+$0xFFFFFF80]  }
0x84: {  	v7 =	vld [tilespmem:s13+$0xFFFFFF90]  }
0x85: {  	v31 =	vld [tilespmem:s10+$0xFFFFFF90]  }
0x86: {  	v32 =	vld [tilespmem:s13+$0xFFFFFFA0]  }
0x87: {  	v33 =	vld [tilespmem:s10+$0xFFFFFFA0]  }
0x88: {  	v34 =	vld [tilespmem:s10+$0xFFFFFFB0];
	v5 =	vmul.f32 v6, v5  }
0x89: {  	v6 =	vld [tilespmem:s13+$0xFFFFFFB0]  }
0x8a: {  	v35 =	vld [tilespmem:s13+$0xFFFFFFC0];
	v7 =	vmul.f32 v7, v31;
	v5 =	vadd.f32 $0.0e+00, v5  }
0x8b: {  	v36 =	vld [tilespmem:s10+$0xFFFFFFC0]  }
0x8c: {  	v37 =	vld [tilespmem:s13+$0xFFFFFFD0];
	v5 =	vadd.f32 v7, v5;
	v7 =	vmul.f32 v32, v33  }
0x8d: {  	v38 =	vld [tilespmem:s10+$0xFFFFFFD0]  }
0x8e: {  	v39 =	vld [tilespmem:s10+$0xFFFFFFE0];
	v6 =	vmul.f32 v6, v34;
	v5 =	vadd.f32 v7, v5  }
0x8f: {  	v7 =	vld [tilespmem:s13+$0xFFFFFFE0]  }
0x90: {  	v40 =	vld [tilespmem:s13+$0xFFFFFFF0];
	v5 =	vadd.f32 v6, v5;
	v6 =	vmul.f32 v35, v36  }
0x91: {  	v41 =	vld [tilespmem:s10+$0xFFFFFFF0]  }
0x92: {  	v5 =	vadd.f32 v6, v5;
	v6 =	vmul.f32 v37, v38;
	_ =	sdelay $0x1  }
0x93: {  	v5 =	vadd.f32 v6, v5;
	v6 =	vmul.f32 v7, v39;
	_ =	sdelay $0x1  }
0x94: {  	v5 =	vadd.f32 v6, v5;
	v6 =	vmul.f32 v40, v41;
	_ =	sdelay $0x1  }
0x95: {  	v5 =	vadd.f32 v6, v5;
	_ =	sdelay $0x1  }
0x96: {  	(xrf2) =	vadd.scan.msk.f32 $0xffff, v5;
	_ =	sdelay $0x1  }
0x97: {  	s24 =	simm.s32 $0x1  }
0x98: {  	v5 =	vmov s24  }
0x99: {  	v5 =	vand.u32 $0xFFFFFFFD, v5  }
0x9a: {  	v5 =	vbroadcast v5, $0x0;
	_ =	sdelay $0x4  }
0x9b: {  	v6, _, _ =	vpop (xrf2)  }
0x9c: {  	[tilespmem:v5+s29+$0x0] =	vst.idx.msk vm0, v6  }
0x9d: {  	v5 =	vld [tilespmem:s10+$0x0]  }
0x9e: {  	v6 =	vld [tilespmem:s13+$0x0]  }
0x9f: {  	v7 =	vld [tilespmem:s13+$0x10]  }
0xa0: {  	v42 =	vld [tilespmem:s10+$0x10]  }
0xa1: {  	v43 =	vld [tilespmem:s13+$0x20]  }
0xa2: {  	v44 =	vld [tilespmem:s10+$0x20]  }
0xa3: {  	v45 =	vld [tilespmem:s10+$0x30];
	v5 =	vmul.f32 v6, v5  }
0xa4: {  	v6 =	vld [tilespmem:s13+$0x30]  }
0xa5: {  	v46 =	vld [tilespmem:s13+$0x40];
	v7 =	vmul.f32 v7, v42;
	v5 =	vadd.f32 $0.0e+00, v5  }
0xa6: {  	v47 =	vld [tilespmem:s10+$0x40]  }
0xa7: {  	v48 =	vld [tilespmem:s13+$0x50];
	v5 =	vadd.f32 v7, v5;
	v7 =	vmul.f32 v43, v44  }
0xa8: {  	v49 =	vld [tilespmem:s10+$0x50]  }
0xa9: {  	v50 =	vld [tilespmem:s10+$0x60];
	v6 =	vmul.f32 v6, v45;
	v5 =	vadd.f32 v7, v5  }
0xaa: {  	v7 =	vld [tilespmem:s13+$0x60]  }
0xab: {  	v51 =	vld [tilespmem:s13+$0x70];
	v5 =	vadd.f32 v6, v5;
	v6 =	vmul.f32 v46, v47  }
0xac: {  	v52 =	vld [tilespmem:s10+$0x70]  }
0xad: {  	v5 =	vadd.f32 v6, v5;
	v6 =	vmul.f32 v48, v49;
	_ =	sdelay $0x1  }
0xae: {  	v5 =	vadd.f32 v6, v5;
	v6 =	vmul.f32 v7, v50;
	_ =	sdelay $0x1  }
0xaf: {  	v5 =	vadd.f32 v6, v5;
	v6 =	vmul.f32 v51, v52;
	_ =	sdelay $0x1  }
0xb0: {  	v5 =	vadd.f32 v6, v5;
	_ =	sdelay $0x1  }
0xb1: {  	(xrf2) =	vadd.scan.msk.f32 $0xffff, v5;
	_ =	sdelay $0x1  }
0xb2: {  	s19 =	simm.s32 $0x2  }
0xb3: {  	v5 =	vmov s19  }
0xb4: {  	v5 =	vand.u32 $0xFFFFFFFE, v5  }
0xb5: {  	v5 =	vbroadcast v5, $0x0;
	_ =	sdelay $0x4  }
0xb6: {  	v6, _, _ =	vpop (xrf2)  }
0xb7: {  	[tilespmem:v5+s29+$0x0] =	vst.idx.msk vm0, v6  }
0xb8: {  	v5 =	vld [tilespmem:s10+$0x80]  }
0xb9: {  	v6 =	vld [tilespmem:s13+$0x80]  }
0xba: {  	v7 =	vld [tilespmem:s10+$0x90]  }
0xbb: {  	v53 =	vld [tilespmem:s13+$0x90]  }
0xbc: {  	v54 =	vld [tilespmem:s10+$0xA0]  }
0xbd: {  	v55 =	vld [tilespmem:s13+$0xA0]  }
0xbe: {  	v56 =	vld [tilespmem:s13+$0xB0];
	v5 =	vmul.f32 v6, v5  }
0xbf: {  	v6 =	vld [tilespmem:s10+$0xB0]  }
0xc0: {  	v57 =	vld [tilespmem:s10+$0xC0];
	v7 =	vmul.f32 v53, v7;
	v5 =	vadd.f32 $0.0e+00, v5  }
0xc1: {  	v58 =	vld [tilespmem:s13+$0xC0]  }
0xc2: {  	v59 =	vld [tilespmem:s10+$0xD0];
	v5 =	vadd.f32 v7, v5;
	v7 =	vmul.f32 v55, v54  }
0xc3: {  	v60 =	vld [tilespmem:s13+$0xD0]  }
0xc4: {  	v61 =	vld [tilespmem:s13+$0xE0];
	v6 =	vmul.f32 v56, v6;
	v5 =	vadd.f32 v7, v5  }
0xc5: {  	v7 =	vld [tilespmem:s10+$0xE0]  }
0xc6: {  	v62 =	vld [tilespmem:s10+$0xF0];
	v5 =	vadd.f32 v6, v5;
	v6 =	vmul.f32 v58, v57  }
0xc7: {  	v63 =	vld [tilespmem:s13+$0xF0]  }
0xc8: {  	v5 =	vadd.f32 v6, v5;
	v6 =	vmul.f32 v60, v59;
	_ =	sdelay $0x1  }
0xc9: {  	v5 =	vadd.f32 v6, v5;
	v6 =	vmul.f32 v61, v7;
	_ =	sdelay $0x1  }
0xca: {  	v5 =	vadd.f32 v6, v5;
	v6 =	vmul.f32 v63, v62;
	_ =	sdelay $0x1  }
0xcb: {  	v5 =	vadd.f32 v6, v5;
	_ =	sdelay $0x1  }
0xcc: {  	(xrf2) =	vadd.scan.msk.f32 $0xffff, v5;
	_ =	sdelay $0x4  }
0xcd: {  	s24 =	simm.s32 $0x3  }
0xce: {  	s19 =	simm.s32 $0x7;
	v5 =	vmov s24  }
.LBB2_3:
0xcf: {  	p1 =	sne.s32 s19, $0x27;
	s10 =	sadd.s32 $0x200, s10;
	s13 =	sadd.s32 $0x200, s13  }
0xd0: {  	s17 =	smov.u32 s19;
	s19 =	sadd.s32 $0x4, s19;
	_ =	sdelay $0x1  }
0xd1: {  	v6, _, _ =	vpop (xrf2)  }
0xd2: {  	[tilespmem:v5+s29+$0x0] =	vst.idx.msk vm0, v6  }
0xd3: {  	v5 =	vld [tilespmem:s13+$0xFFFFFF00]  }
0xd4: {  	v6 =	vld [tilespmem:s10+$0xFFFFFF00]  }
0xd5: {  	v7 =	vld [tilespmem:s13+$0xFFFFFF10]  }
0xd6: {  	v8 =	vld [tilespmem:s10+$0xFFFFFF10]  }
0xd7: {  	v9 =	vld [tilespmem:s13+$0xFFFFFF20]  }
0xd8: {  	v10 =	vld [tilespmem:s10+$0xFFFFFF20]  }
0xd9: {  	v5 =	vmul.f32 v5, v6;
	v6 =	vld [tilespmem:s13+$0xFFFFFF30]  }
0xda: {  	v11 =	vld [tilespmem:s10+$0xFFFFFF30]  }
0xdb: {  	v5 =	vadd.f32 $0.0e+00, v5;
	v7 =	vmul.f32 v7, v8;
	v8 =	vld [tilespmem:s13+$0xFFFFFF40]  }
0xdc: {  	v12 =	vld [tilespmem:s10+$0xFFFFFF40]  }
0xdd: {  	v5 =	vadd.f32 v7, v5;
	v7 =	vmul.f32 v9, v10;
	v9 =	vld [tilespmem:s13+$0xFFFFFF50]  }
0xde: {  	v10 =	vld [tilespmem:s10+$0xFFFFFF50]  }
0xdf: {  	v5 =	vadd.f32 v7, v5;
	v6 =	vmul.f32 v6, v11;
	v7 =	vld [tilespmem:s13+$0xFFFFFF60]  }
0xe0: {  	v11 =	vld [tilespmem:s10+$0xFFFFFF60]  }
0xe1: {  	v5 =	vadd.f32 v6, v5;
	v6 =	vmul.f32 v8, v12;
	v8 =	vld [tilespmem:s13+$0xFFFFFF70]  }
0xe2: {  	v12 =	vld [tilespmem:s10+$0xFFFFFF70]  }
0xe3: {  	v5 =	vadd.f32 v6, v5;
	v6 =	vmul.f32 v9, v10;
	_ =	sdelay $0x1  }
0xe4: {  	v5 =	vadd.f32 v6, v5;
	v6 =	vmul.f32 v7, v11;
	_ =	sdelay $0x1  }
0xe5: {  	v5 =	vadd.f32 v6, v5;
	v6 =	vmul.f32 v8, v12;
	_ =	sdelay $0x1  }
0xe6: {  	v5 =	vadd.f32 v6, v5;
	_ =	sdelay $0x1  }
0xe7: {  	(xrf2) =	vadd.scan.msk.f32 $0xffff, v5;
	_ =	sdelay $0x1  }
0xe8: {  	s24 =	sadd.s32 $0xFFFFFFFD, s17  }
0xe9: {  	v5 =	vmov s24  }
0xea: {  	v5 =	vand.u32 $0xFFFFFFFC, v5  }
0xeb: {  	v5 =	vbroadcast v5, $0x0;
	_ =	sdelay $0x4  }
0xec: {  	v6, _, _ =	vpop (xrf2)  }
0xed: {  	[tilespmem:v5+s29+$0x0] =	vst.idx.msk vm0, v6  }
0xee: {  	v5 =	vld [tilespmem:s13+$0xFFFFFF90]  }
0xef: {  	v6 =	vld [tilespmem:s10+$0xFFFFFF80]  }
0xf0: {  	v7 =	vld [tilespmem:s13+$0xFFFFFF80];
	_ =	sdelay $0x1  }
0xf1: {  	v8 =	vld [tilespmem:s10+$0xFFFFFF90]  }
0xf2: {  	v9 =	vld [tilespmem:s13+$0xFFFFFFA0]  }
0xf3: {  	v10 =	vld [tilespmem:s10+$0xFFFFFFA0]  }
0xf4: {  	v6 =	vmul.f32 v7, v6;
	v7 =	vld [tilespmem:s13+$0xFFFFFFB0]  }
0xf5: {  	v11 =	vld [tilespmem:s10+$0xFFFFFFB0]  }
0xf6: {  	v6 =	vadd.f32 $0.0e+00, v6;
	v5 =	vmul.f32 v5, v8;
	v8 =	vld [tilespmem:s13+$0xFFFFFFC0]  }
0xf7: {  	v12 =	vld [tilespmem:s10+$0xFFFFFFC0]  }
0xf8: {  	v5 =	vadd.f32 v5, v6;
	v6 =	vmul.f32 v9, v10;
	v9 =	vld [tilespmem:s13+$0xFFFFFFD0]  }
0xf9: {  	v10 =	vld [tilespmem:s10+$0xFFFFFFD0]  }
0xfa: {  	v5 =	vadd.f32 v6, v5;
	v6 =	vmul.f32 v7, v11;
	v7 =	vld [tilespmem:s13+$0xFFFFFFE0]  }
0xfb: {  	v11 =	vld [tilespmem:s10+$0xFFFFFFE0]  }
0xfc: {  	v5 =	vadd.f32 v6, v5;
	v6 =	vmul.f32 v8, v12;
	v8 =	vld [tilespmem:s13+$0xFFFFFFF0]  }
0xfd: {  	v12 =	vld [tilespmem:s10+$0xFFFFFFF0]  }
0xfe: {  	v5 =	vadd.f32 v6, v5;
	v6 =	vmul.f32 v9, v10;
	_ =	sdelay $0x1  }
0xff: {  	v5 =	vadd.f32 v6, v5;
	v6 =	vmul.f32 v7, v11;
	_ =	sdelay $0x1  }
0x100: {  	v5 =	vadd.f32 v6, v5;
	v6 =	vmul.f32 v8, v12;
	_ =	sdelay $0x1  }
0x101: {  	v5 =	vadd.f32 v6, v5;
	_ =	sdelay $0x1  }
0x102: {  	(xrf2) =	vadd.scan.msk.f32 $0xffff, v5;
	_ =	sdelay $0x1  }
0x103: {  	s24 =	sadd.s32 $0xFFFFFFFE, s17  }
0x104: {  	v5 =	vmov s24  }
0x105: {  	v5 =	vand.u32 $0xFFFFFFFD, v5  }
0x106: {  	v5 =	vbroadcast v5, $0x0;
	_ =	sdelay $0x4  }
0x107: {  	v6, _, _ =	vpop (xrf2)  }
0x108: {  	[tilespmem:v5+s29+$0x0] =	vst.idx.msk vm0, v6  }
0x109: {  	v5 =	vld [tilespmem:s10+$0x0]  }
0x10a: {  	v6 =	vld [tilespmem:s13+$0x0]  }
0x10b: {  	v7 =	vld [tilespmem:s13+$0x10]  }
0x10c: {  	v8 =	vld [tilespmem:s10+$0x10]  }
0x10d: {  	v9 =	vld [tilespmem:s13+$0x20]  }
0x10e: {  	v10 =	vld [tilespmem:s10+$0x20]  }
0x10f: {  	v5 =	vmul.f32 v6, v5;
	v6 =	vld [tilespmem:s13+$0x30]  }
0x110: {  	v11 =	vld [tilespmem:s10+$0x30]  }
0x111: {  	v5 =	vadd.f32 $0.0e+00, v5;
	v7 =	vmul.f32 v7, v8;
	v8 =	vld [tilespmem:s13+$0x40]  }
0x112: {  	v12 =	vld [tilespmem:s10+$0x40]  }
0x113: {  	v5 =	vadd.f32 v7, v5;
	v7 =	vmul.f32 v9, v10;
	v9 =	vld [tilespmem:s13+$0x50]  }
0x114: {  	v10 =	vld [tilespmem:s10+$0x50]  }
0x115: {  	v5 =	vadd.f32 v7, v5;
	v6 =	vmul.f32 v6, v11;
	v7 =	vld [tilespmem:s13+$0x60]  }
0x116: {  	v11 =	vld [tilespmem:s10+$0x60]  }
0x117: {  	v5 =	vadd.f32 v6, v5;
	v6 =	vmul.f32 v8, v12;
	v8 =	vld [tilespmem:s13+$0x70]  }
0x118: {  	v12 =	vld [tilespmem:s10+$0x70]  }
0x119: {  	v5 =	vadd.f32 v6, v5;
	v6 =	vmul.f32 v9, v10;
	_ =	sdelay $0x1  }
0x11a: {  	v5 =	vadd.f32 v6, v5;
	v6 =	vmul.f32 v7, v11;
	_ =	sdelay $0x1  }
0x11b: {  	v5 =	vadd.f32 v6, v5;
	v6 =	vmul.f32 v8, v12;
	_ =	sdelay $0x1  }
0x11c: {  	v5 =	vadd.f32 v6, v5;
	_ =	sdelay $0x1  }
0x11d: {  	(xrf2) =	vadd.scan.msk.f32 $0xffff, v5;
	_ =	sdelay $0x1  }
0x11e: {  	s24 =	sadd.s32 $0xFFFFFFFF, s17  }
0x11f: {  	v5 =	vmov s24  }
0x120: {  	v5 =	vand.u32 $0xFFFFFFFE, v5  }
0x121: {  	v5 =	vbroadcast v5, $0x0;
	_ =	sdelay $0x4  }
0x122: {  	v6, _, _ =	vpop (xrf2)  }
0x123: {  	[tilespmem:v5+s29+$0x0] =	vst.idx.msk vm0, v6  }
0x124: {  	v5 =	vld [tilespmem:s10+$0x80]  }
0x125: {  	v6 =	vld [tilespmem:s13+$0x80]  }
0x126: {  	v7 =	vld [tilespmem:s10+$0x90]  }
0x127: {  	v8 =	vld [tilespmem:s13+$0x90]  }
0x128: {  	v9 =	vld [tilespmem:s10+$0xA0]  }
0x129: {  	v10 =	vld [tilespmem:s13+$0xA0]  }
0x12a: {  	v5 =	vmul.f32 v6, v5;
	v6 =	vld [tilespmem:s10+$0xB0]  }
0x12b: {  	v11 =	vld [tilespmem:s13+$0xB0]  }
0x12c: {  	v5 =	vadd.f32 $0.0e+00, v5;
	v7 =	vmul.f32 v8, v7;
	v8 =	vld [tilespmem:s10+$0xC0]  }
0x12d: {  	v12 =	vld [tilespmem:s13+$0xC0]  }
0x12e: {  	v5 =	vadd.f32 v7, v5;
	v7 =	vmul.f32 v10, v9;
	v9 =	vld [tilespmem:s10+$0xD0]  }
0x12f: {  	v10 =	vld [tilespmem:s13+$0xD0]  }
0x130: {  	v5 =	vadd.f32 v7, v5;
	v6 =	vmul.f32 v11, v6;
	v7 =	vld [tilespmem:s10+$0xE0]  }
0x131: {  	v11 =	vld [tilespmem:s13+$0xE0]  }
0x132: {  	v5 =	vadd.f32 v6, v5;
	v6 =	vmul.f32 v12, v8;
	v8 =	vld [tilespmem:s10+$0xF0]  }
0x133: {  	v12 =	vld [tilespmem:s13+$0xF0]  }
0x134: {  	v5 =	vadd.f32 v6, v5;
	v6 =	vmul.f32 v10, v9;
	_ =	sdelay $0x1  }
0x135: {  	v5 =	vadd.f32 v6, v5;
	v6 =	vmul.f32 v11, v7;
	_ =	sdelay $0x1  }
0x136: {  	v5 =	vadd.f32 v6, v5;
	v6 =	vmul.f32 v12, v8;
	_ =	sdelay $0x1  }
0x137: {  	v5 =	vadd.f32 v6, v5;
	_ =	sdelay $0x1  }
0x138: {  	(xrf2) =	vadd.scan.msk.f32 $0xffff, v5;
	_ =	sdelay $0x1  }
.Ltmp2:
0x139: {  	(pc) =	sbr.rel @p1 .LBB2_3-.Ltmp2, $2  }
0x13a: {  	_ =	sdelay $0x2  }
0x13b: {  	v5 =	vmov s17  }
0x13c: {  	_ =	sdelay $0x3  }
0x13d: {  	v6, _, _ =	vpop (xrf2)  }
0x13e: {  	[tilespmem:v5+s29+$0x0] =	vst.idx.msk vm0, v6  }
0x13f: {  	v5 =	vld [tilespmem:$0xA5F0];
	_ =	sdelay $0x4  }
0x140: {  	v5 =	vmul.f32 $8.838834610e-02, v5;
	_ =	sdelay $0x1  }
0x141: {  	v5 =	vmul.f32 $1.442695020e+00, v5;
	_ =	sdelay $0x1  }
0x142: {  	(erf) = vpow2.f32 v5;
	_ =	sdelay $0x8  }
0x143: {  	v5 =	vpop (erf)  }
0x144: {  	[tilespmem:$0xA5F0] =	vst v5  }
0x145: {  	[tilespmem:v1+s30+$0x0] =	vst.idx.msk $0xffff, v5  }
0x146: {  	v5 =	vld [tilespmem:$0xA600];
	_ =	sdelay $0x4  }
0x147: {  	v5 =	vmul.f32 $8.838834610e-02, v5;
	_ =	sdelay $0x1  }
0x148: {  	v5 =	vmul.f32 $1.442695020e+00, v5;
	_ =	sdelay $0x1  }
0x149: {  	(erf) = vpow2.f32 v5;
	_ =	sdelay $0x8  }
0x14a: {  	v5 =	vpop (erf)  }
0x14b: {  	[tilespmem:$0xA600] =	vst v5  }
0x14c: {  	[tilespmem:v2+s30+$0x0] =	vst.idx.msk $0xffff, v5  }
0x14d: {  	v5 =	vld.idx.msk [tilespmem:v0+s29+$0x0], $0xffff;
	_ =	sdelay $0x4  }
0x14e: {  	v5 =	vmul.f32 $8.838834610e-02, v5;
	_ =	sdelay $0x1  }
0x14f: {  	v5 =	vmul.f32 $1.442695020e+00, v5;
	_ =	sdelay $0x1  }
0x150: {  	(erf) = vpow2.f32 v5;
	_ =	sdelay $0x2  }
0x151: {  	s10 =	simm.s32 $0x0  }
0x152: {  	v5 =	vmov s10  }
0x153: {  	v5 =	vand.u32 $0xFFFFFFFE, v5  }
0x154: {  	v5 =	vbroadcast v5, $0x0;
	_ =	sdelay $0x2  }
0x155: {  	v6 =	vpop (erf)  }
0x156: {  	[tilespmem:v0+s29+$0x0] =	vst.idx.msk $0xff, v6  }
0x157: {  	[tilespmem:v3+s30+$0x0] =	vst.idx.msk $0xff, v6  }
0x158: {  	s10 =	simm.s32 $0x5178;
	v5 =	vld.idx.msk [tilespmem:v5+s29+$0x0], $0xffff  }
0x159: {  	v6 =	vld [tilespmem:s10+$0xFFFFFF78];
	_ =	sdelay $0x4  }
0x15a: {  	v6 =	vmul.f32 v6, v5  }
0x15b: {  	s13 =	simm.s32 $0x7BF8  }
0x15c: {  	[tilespmem:s13+$0xFFFFFF78] =	vst v6  }
0x15d: {  	v6 =	vld [tilespmem:s10+$0xFFFFFF88];
	_ =	sdelay $0x4  }
0x15e: {  	v6 =	vmul.f32 v6, v5;
	_ =	sdelay $0x1  }
0x15f: {  	[tilespmem:s13+$0xFFFFFF88] =	vst v6  }
0x160: {  	v6 =	vld [tilespmem:s10+$0xFFFFFF98];
	_ =	sdelay $0x4  }
0x161: {  	v6 =	vmul.f32 v6, v5;
	_ =	sdelay $0x1  }
0x162: {  	[tilespmem:s13+$0xFFFFFF98] =	vst v6  }
0x163: {  	v6 =	vld [tilespmem:s10+$0xFFFFFFA8];
	_ =	sdelay $0x4  }
0x164: {  	v6 =	vmul.f32 v6, v5;
	_ =	sdelay $0x1  }
0x165: {  	[tilespmem:s13+$0xFFFFFFA8] =	vst v6  }
0x166: {  	v6 =	vld [tilespmem:s10+$0xFFFFFFB8];
	_ =	sdelay $0x4  }
0x167: {  	v6 =	vmul.f32 v6, v5;
	_ =	sdelay $0x1  }
0x168: {  	[tilespmem:s13+$0xFFFFFFB8] =	vst v6  }
0x169: {  	v6 =	vld [tilespmem:s10+$0xFFFFFFC8];
	_ =	sdelay $0x4  }
0x16a: {  	v6 =	vmul.f32 v6, v5;
	_ =	sdelay $0x1  }
0x16b: {  	[tilespmem:s13+$0xFFFFFFC8] =	vst v6  }
0x16c: {  	v6 =	vld [tilespmem:s10+$0xFFFFFFD8];
	_ =	sdelay $0x4  }
0x16d: {  	v6 =	vmul.f32 v6, v5;
	_ =	sdelay $0x1  }
0x16e: {  	[tilespmem:s13+$0xFFFFFFD8] =	vst v6  }
0x16f: {  	v6 =	vld [tilespmem:s10+$0xFFFFFFE8];
	_ =	sdelay $0x1  }
0x170: {  	s17 =	simm.s32 $0x1  }
0x171: {  	v7 =	vmov s17;
	_ =	sdelay $0x1  }
0x172: {  	v5 =	vmul.f32 v6, v5;
	_ =	sdelay $0x1  }
0x173: {  	[tilespmem:s13+$0xFFFFFFE8] =	vst v5  }
0x174: {  	v5 =	vld.idx.msk [tilespmem:v7+s29+$0x0], $0xffff  }
0x175: {  	v6 =	vld [tilespmem:s10+$0x0];
	_ =	sdelay $0x4  }
0x176: {  	v6 =	vmul.f32 v6, v5;
	_ =	sdelay $0x1  }
0x177: {  	[tilespmem:s13+$0x0] =	vst v6  }
0x178: {  	v6 =	vld [tilespmem:s10+$0x10];
	_ =	sdelay $0x4  }
0x179: {  	v6 =	vmul.f32 v6, v5;
	_ =	sdelay $0x1  }
0x17a: {  	[tilespmem:s13+$0x10] =	vst v6  }
0x17b: {  	v6 =	vld [tilespmem:s10+$0x20];
	_ =	sdelay $0x4  }
0x17c: {  	v6 =	vmul.f32 v6, v5;
	_ =	sdelay $0x1  }
0x17d: {  	[tilespmem:s13+$0x20] =	vst v6  }
0x17e: {  	v6 =	vld [tilespmem:s10+$0x30];
	_ =	sdelay $0x4  }
0x17f: {  	v6 =	vmul.f32 v6, v5;
	_ =	sdelay $0x1  }
0x180: {  	[tilespmem:s13+$0x30] =	vst v6  }
0x181: {  	v6 =	vld [tilespmem:s10+$0x40];
	_ =	sdelay $0x4  }
0x182: {  	v6 =	vmul.f32 v6, v5;
	_ =	sdelay $0x1  }
0x183: {  	[tilespmem:s13+$0x40] =	vst v6  }
0x184: {  	v6 =	vld [tilespmem:s10+$0x50];
	_ =	sdelay $0x4  }
0x185: {  	v6 =	vmul.f32 v6, v5;
	_ =	sdelay $0x1  }
0x186: {  	[tilespmem:s13+$0x50] =	vst v6  }
0x187: {  	v6 =	vld [tilespmem:s10+$0x60];
	_ =	sdelay $0x4  }
0x188: {  	v6 =	vmul.f32 v6, v5;
	_ =	sdelay $0x1  }
0x189: {  	s24 =	simm.s32 $0x2;
	s19 =	simm.s32 $0x5;
	s17 =	simm.s32 $0x3;
	[tilespmem:s13+$0x60] =	vst v6  }
.LBB2_5:
0x18a: {  	p1 =	sne.s32 s19, $0x27;
	v6 =	vmov s24;
	v7 =	vld [tilespmem:s10+$0x70]  }
0x18b: {  	v6 =	vand.u32 $0xFFFFFFFE, v6  }
0x18c: {  	v6 =	vbroadcast v6, $0x0;
	_ =	sdelay $0x2  }
0x18d: {  	v5 =	vmul.f32 v7, v5;
	_ =	sdelay $0x1  }
0x18e: {  	[tilespmem:s13+$0x70] =	vst v5  }
0x18f: {  	s10 =	sadd.s32 $0x110, s10;
	v5 =	vld.idx.msk [tilespmem:v6+s29+$0x0], $0xffff  }
0x190: {  	v6 =	vld [tilespmem:s10+$0xFFFFFF78];
	_ =	sdelay $0x4  }
0x191: {  	v6 =	vmul.f32 v6, v5  }
0x192: {  	s13 =	sadd.s32 $0x110, s13  }
0x193: {  	[tilespmem:s13+$0xFFFFFF78] =	vst v6  }
0x194: {  	v6 =	vld [tilespmem:s10+$0xFFFFFF88];
	_ =	sdelay $0x4  }
0x195: {  	v6 =	vmul.f32 v6, v5;
	_ =	sdelay $0x1  }
0x196: {  	[tilespmem:s13+$0xFFFFFF88] =	vst v6  }
0x197: {  	v6 =	vld [tilespmem:s10+$0xFFFFFF98];
	_ =	sdelay $0x4  }
0x198: {  	v6 =	vmul.f32 v6, v5;
	_ =	sdelay $0x1  }
0x199: {  	[tilespmem:s13+$0xFFFFFF98] =	vst v6  }
0x19a: {  	v6 =	vld [tilespmem:s10+$0xFFFFFFA8];
	_ =	sdelay $0x4  }
0x19b: {  	v6 =	vmul.f32 v6, v5;
	_ =	sdelay $0x1  }
0x19c: {  	[tilespmem:s13+$0xFFFFFFA8] =	vst v6  }
0x19d: {  	v6 =	vld [tilespmem:s10+$0xFFFFFFB8];
	_ =	sdelay $0x4  }
0x19e: {  	v6 =	vmul.f32 v6, v5;
	_ =	sdelay $0x1  }
0x19f: {  	[tilespmem:s13+$0xFFFFFFB8] =	vst v6  }
0x1a0: {  	v6 =	vld [tilespmem:s10+$0xFFFFFFC8];
	_ =	sdelay $0x4  }
0x1a1: {  	v6 =	vmul.f32 v6, v5;
	_ =	sdelay $0x1  }
0x1a2: {  	[tilespmem:s13+$0xFFFFFFC8] =	vst v6  }
0x1a3: {  	v6 =	vld [tilespmem:s10+$0xFFFFFFD8];
	_ =	sdelay $0x4  }
0x1a4: {  	v6 =	vmul.f32 v6, v5;
	_ =	sdelay $0x1  }
0x1a5: {  	[tilespmem:s13+$0xFFFFFFD8] =	vst v6  }
0x1a6: {  	v6 =	vld [tilespmem:s10+$0xFFFFFFE8];
	_ =	sdelay $0x2  }
0x1a7: {  	v7 =	vmov s17;
	s17 =	smov.u32 s19;
	_ =	sdelay $0x1  }
0x1a8: {  	v5 =	vmul.f32 v6, v5;
	_ =	sdelay $0x1  }
0x1a9: {  	[tilespmem:s13+$0xFFFFFFE8] =	vst v5  }
0x1aa: {  	v5 =	vld.idx.msk [tilespmem:v7+s29+$0x0], $0xffff  }
0x1ab: {  	v6 =	vld [tilespmem:s10+$0x0];
	_ =	sdelay $0x4  }
0x1ac: {  	v6 =	vmul.f32 v6, v5;
	_ =	sdelay $0x1  }
0x1ad: {  	[tilespmem:s13+$0x0] =	vst v6  }
0x1ae: {  	v6 =	vld [tilespmem:s10+$0x10];
	_ =	sdelay $0x4  }
0x1af: {  	v6 =	vmul.f32 v6, v5;
	_ =	sdelay $0x1  }
0x1b0: {  	[tilespmem:s13+$0x10] =	vst v6  }
0x1b1: {  	v6 =	vld [tilespmem:s10+$0x20];
	_ =	sdelay $0x4  }
0x1b2: {  	v6 =	vmul.f32 v6, v5;
	_ =	sdelay $0x1  }
0x1b3: {  	[tilespmem:s13+$0x20] =	vst v6  }
0x1b4: {  	v6 =	vld [tilespmem:s10+$0x30];
	_ =	sdelay $0x4  }
0x1b5: {  	v6 =	vmul.f32 v6, v5;
	_ =	sdelay $0x1  }
0x1b6: {  	[tilespmem:s13+$0x30] =	vst v6  }
0x1b7: {  	v6 =	vld [tilespmem:s10+$0x40];
	_ =	sdelay $0x4  }
0x1b8: {  	v6 =	vmul.f32 v6, v5;
	_ =	sdelay $0x1  }
0x1b9: {  	[tilespmem:s13+$0x40] =	vst v6  }
0x1ba: {  	v6 =	vld [tilespmem:s10+$0x50];
	_ =	sdelay $0x4  }
0x1bb: {  	v6 =	vmul.f32 v6, v5;
	_ =	sdelay $0x1  }
0x1bc: {  	[tilespmem:s13+$0x50] =	vst v6  }
0x1bd: {  	v6 =	vld [tilespmem:s10+$0x60];
	_ =	sdelay $0x2  }
.Ltmp3:
0x1be: {  	(pc) =	sbr.rel @p1 .LBB2_5-.Ltmp3, $3  }
0x1bf: {  	_ = 	snop  }
0x1c0: {  	v6 =	vmul.f32 v6, v5;
	_ =	sdelay $0x1  }
0x1c1: {  	s19 =	sadd.s32 $0x2, s19;
	s24 =	sadd.s32 $0xFFFFFFFF, s17;
	[tilespmem:s13+$0x60] =	vst v6  }
0x1c2: {  	v6 =	vmov s24;
	v7 =	vld [tilespmem:s10+$0x70]  }
0x1c3: {  	v6 =	vand.u32 $0xFFFFFFFE, v6  }
0x1c4: {  	v6 =	vbroadcast v6, $0x0;
	_ =	sdelay $0x2  }
0x1c5: {  	v5 =	vmul.f32 v7, v5;
	_ =	sdelay $0x1  }
0x1c6: {  	[tilespmem:s13+$0x70] =	vst v5  }
0x1c7: {  	s19 =	sadd.s32 $0x110, s10;
	v5 =	vld.idx.msk [tilespmem:v6+s29+$0x0], $0xffff  }
0x1c8: {  	v6 =	vld [tilespmem:s19+$0xFFFFFF78];
	_ =	sdelay $0x4  }
0x1c9: {  	v6 =	vmul.f32 v6, v5  }
0x1ca: {  	s24 =	sadd.s32 $0x110, s13  }
0x1cb: {  	[tilespmem:s24+$0xFFFFFF78] =	vst v6  }
0x1cc: {  	v6 =	vld [tilespmem:s19+$0xFFFFFF88];
	_ =	sdelay $0x4  }
0x1cd: {  	v6 =	vmul.f32 v6, v5;
	_ =	sdelay $0x1  }
0x1ce: {  	[tilespmem:s24+$0xFFFFFF88] =	vst v6  }
0x1cf: {  	v6 =	vld [tilespmem:s19+$0xFFFFFF98];
	_ =	sdelay $0x4  }
0x1d0: {  	v6 =	vmul.f32 v6, v5;
	_ =	sdelay $0x1  }
0x1d1: {  	[tilespmem:s24+$0xFFFFFF98] =	vst v6  }
0x1d2: {  	v6 =	vld [tilespmem:s19+$0xFFFFFFA8];
	_ =	sdelay $0x4  }
0x1d3: {  	v6 =	vmul.f32 v6, v5;
	_ =	sdelay $0x1  }
0x1d4: {  	[tilespmem:s24+$0xFFFFFFA8] =	vst v6  }
0x1d5: {  	v6 =	vld [tilespmem:s19+$0xFFFFFFB8];
	_ =	sdelay $0x4  }
0x1d6: {  	v6 =	vmul.f32 v6, v5;
	_ =	sdelay $0x1  }
0x1d7: {  	[tilespmem:s24+$0xFFFFFFB8] =	vst v6  }
0x1d8: {  	v6 =	vld [tilespmem:s19+$0xFFFFFFC8];
	_ =	sdelay $0x4  }
0x1d9: {  	v6 =	vmul.f32 v6, v5;
	_ =	sdelay $0x1  }
0x1da: {  	[tilespmem:s24+$0xFFFFFFC8] =	vst v6  }
0x1db: {  	v6 =	vld [tilespmem:s19+$0xFFFFFFD8];
	_ =	sdelay $0x4  }
0x1dc: {  	v6 =	vmul.f32 v6, v5;
	_ =	sdelay $0x1  }
0x1dd: {  	[tilespmem:s24+$0xFFFFFFD8] =	vst v6  }
0x1de: {  	v6 =	vld [tilespmem:s19+$0xFFFFFFE8];
	_ =	sdelay $0x2  }
0x1df: {  	v7 =	vmov s17;
	_ =	sdelay $0x1  }
0x1e0: {  	v5 =	vmul.f32 v6, v5;
	_ =	sdelay $0x1  }
0x1e1: {  	[tilespmem:s24+$0xFFFFFFE8] =	vst v5  }
0x1e2: {  	v5 =	vld.idx.msk [tilespmem:v7+s29+$0x0], $0xffff  }
0x1e3: {  	v6 =	vld [tilespmem:s19+$0x0];
	_ =	sdelay $0x4  }
0x1e4: {  	v6 =	vmul.f32 v6, v5;
	_ =	sdelay $0x1  }
0x1e5: {  	[tilespmem:s24+$0x0] =	vst v6  }
0x1e6: {  	v6 =	vld [tilespmem:s19+$0x10];
	_ =	sdelay $0x4  }
0x1e7: {  	v6 =	vmul.f32 v6, v5;
	_ =	sdelay $0x1  }
0x1e8: {  	[tilespmem:s24+$0x10] =	vst v6  }
0x1e9: {  	v6 =	vld [tilespmem:s19+$0x20];
	_ =	sdelay $0x4  }
0x1ea: {  	v6 =	vmul.f32 v6, v5;
	_ =	sdelay $0x1  }
0x1eb: {  	[tilespmem:s24+$0x20] =	vst v6  }
0x1ec: {  	v6 =	vld [tilespmem:s19+$0x30];
	_ =	sdelay $0x4  }
0x1ed: {  	v6 =	vmul.f32 v6, v5;
	_ =	sdelay $0x1  }
0x1ee: {  	[tilespmem:s24+$0x30] =	vst v6  }
0x1ef: {  	v6 =	vld [tilespmem:s19+$0x40];
	_ =	sdelay $0x4  }
0x1f0: {  	v6 =	vmul.f32 v6, v5;
	_ =	sdelay $0x1  }
0x1f1: {  	[tilespmem:s24+$0x40] =	vst v6  }
0x1f2: {  	v6 =	vld [tilespmem:s19+$0x50];
	_ =	sdelay $0x4  }
0x1f3: {  	v6 =	vmul.f32 v6, v5;
	_ =	sdelay $0x1  }
0x1f4: {  	[tilespmem:s24+$0x50] =	vst v6  }
0x1f5: {  	v6 =	vld [tilespmem:s19+$0x60];
	_ =	sdelay $0x4  }
0x1f6: {  	v6 =	vmul.f32 v6, v5;
	_ =	sdelay $0x1  }
0x1f7: {  	[tilespmem:s24+$0x60] =	vst v6  }
0x1f8: {  	v6 =	vld [tilespmem:s19+$0x70];
	_ =	sdelay $0x4  }
0x1f9: {  	v5 =	vmul.f32 v6, v5;
	_ =	sdelay $0x1  }
0x1fa: {  	[tilespmem:s24+$0x70] =	vst v5  }
0x1fb: {  	v5 =	vld [tilespmem:$0x50]  }
0x1fc: {  	v6 =	vld [tilespmem:$0x60]  }
0x1fd: {  	v7 =	vld [tilespmem:$0x68]  }
0x1fe: {  	p1 =	sne.s32 s18, $0x7C  }
.Ltmp4:
0x1ff: {  	_ = 	snop;
	(pc) =	sbr.rel @p1 .LBB2_8-.Ltmp4, $4  }
0x200: {  	[tilespmem:$0xA0] =	vst v5  }
0x201: {  	[tilespmem:$0xB0] =	vst v6  }
0x202: {  	[tilespmem:v4+s31+$0x0] =	vst.idx.msk vm1, v7  }
0x203: {  	[spmem:s2] =	stream.indirect.scatter.add.f32 [tilespmem:s30], [sflag:$0x3], $0x88, s31, s22, $0xb8;
	[tilespmem:$0x1F248] =	vst v63  }
0x204: {  	_ =	swait.ge [sflag:s0], $0x1400  }
0x205: {  	[sflag:s0] =	ssyncset.done $0x0  }
0x206: {  	[sflag:s0] =	ssyncadd.s32 $0xFFFFEC00  }
0x207: {  	_ =	swait.ge [sflag:s0], $0x1400  }
.Ltmp5:
0x208: {  	[sflag:s0] =	ssyncset.done $0x0;
	(pc) =	sbr.rel .LBB2_9-.Ltmp5, $4  }
0x209: {  	[sflag:s0] =	ssyncadd.s32 $0xFFFFEC00  }
0x20a: {  	_ =	swait.ge [sflag:s0], $0x1540  }
0x20b: {  	[sflag:s0] =	ssyncset.done $0x0  }
0x20c: {  	[sflag:s0] =	ssyncadd.s32 $0xFFFFEAC0  }
.LBB2_8:
0x20d: {  	s10 =	smul.u32 $0x50, s18;
	_ =	sdelay $0x1  }
0x20e: {  	s10 =	sadd.s32 s10, s14  }
0x20f: {  	s10 =	sshrl.u32 s10, $0x3  }
0x210: {  	s13 =	sadd.s32 s5, s10  }
0x211: {  	[tilespmem:s4], [sflag:$0x5] =	stream.linear.gather [hbm4b:s13+s4], $0x28, $0x38;
	[tilespmem:$0x1F248] =	vst v63  }
0x212: {  	s10 =	sadd.s32 s6, s10  }
0x213: {  	[tilespmem:s21], [sflag:$0x5] =	stream.linear.gather [hbm4b:s10+s4], $0x28, $0x38;
	[tilespmem:$0x1F248] =	vst v63  }
0x214: {  	_ =	swait.ge [sflag:s0], $0x1400  }
0x215: {  	[sflag:s0] =	ssyncset.done $0x0  }
0x216: {  	[sflag:s0] =	ssyncadd.s32 $0xFFFFEC00  }
0x217: {  	_ =	swait.ge [sflag:s0], $0x1400  }
0x218: {  	[sflag:s0] =	ssyncset.done $0x0  }
0x219: {  	[sflag:s0] =	ssyncadd.s32 $0xFFFFEC00  }
0x21a: {  	_ =	swait.ge [sflag:s0], $0x1540  }
0x21b: {  	[sflag:s0] =	ssyncset.done $0x0  }
0x21c: {  	[sflag:s0] =	ssyncadd.s32 $0xFFFFEAC0  }
0x21d: {  	_ =	swait.ge [sflag:s15], $0x28  }
0x21e: {  	[sflag:s15] =	ssyncset.done $0x0  }
0x21f: {  	[sflag:s15] =	ssyncadd.s32 $0xFFFFFFD8  }
0x220: {  	_ =	swait.ge [sflag:s15], $0x28  }
0x221: {  	[sflag:s15] =	ssyncset.done $0x0  }
0x222: {  	s24 =	simm.s32 $0xF0;
	[sflag:s15] =	ssyncadd.s32 $0xFFFFFFD8  }
0x223: {  	[tilespmem:s24], [sflag:$0x1] =	stream.indirect.gather [hbm4b:s1+s22], $0x80, s21, s22, $0xb8;
	[tilespmem:$0x1F248] =	vst v63  }
.Ltmp6:
0x224: {  	_ = 	snop;
	(pc) =	sbr.rel @p0 .LBB2_10-.Ltmp6, $4  }
0x225: {  	_ = 	snop  }
0x226: {  	[tilespmem:s25], [sflag:$0x1] =	stream.indirect.gather [hbm4b:s8+s22], $0x80, s4, s22, $0xb8;
	[tilespmem:$0x1F248] =	vst v63  }
0x227: {  	_ = 	snop  }
0x228: {  	[tilespmem:s26], [sflag:$0x1] =	stream.indirect.gather [hbm4b:s9+s22], $0x88, s4, s22, $0xb8;
	[tilespmem:$0x1F248] =	vst v63  }
.LBB2_9:
0x229: {  	_ =	swait.ge [sflag:s3], $0x1540  }
0x22a: {  	[sflag:s3] =	ssyncset.done $0x0  }
0x22b: {  	[sflag:s3] =	ssyncadd.s32 $0xFFFFEAC0  }
.LBB2_10:
0x22c: {  	s13 =	simm.s32 $0x3DF0  }
0x22d: {  	s10 =	simm.s32 $0x15F0;
	v5 =	vld [tilespmem:s13+$0xFFFFFF00]  }
0x22e: {  	v6 =	vld [tilespmem:s10+$0xFFFFFF00]  }
0x22f: {  	v7 =	vld [tilespmem:s13+$0xFFFFFF10]  }
0x230: {  	v8 =	vld [tilespmem:s10+$0xFFFFFF10]  }
0x231: {  	v9 =	vld [tilespmem:s13+$0xFFFFFF20]  }
0x232: {  	v10 =	vld [tilespmem:s10+$0xFFFFFF20]  }
0x233: {  	v11 =	vld [tilespmem:s10+$0xFFFFFF30];
	v5 =	vmul.f32 v5, v6  }
0x234: {  	v6 =	vld [tilespmem:s13+$0xFFFFFF30]  }
0x235: {  	v25 =	vld [tilespmem:s13+$0xFFFFFF40];
	v7 =	vmul.f32 v7, v8;
	v5 =	vadd.f32 $0.0e+00, v5  }
0x236: {  	v12 =	vld [tilespmem:s10+$0xFFFFFF40]  }
0x237: {  	v26 =	vld [tilespmem:s13+$0xFFFFFF50];
	v5 =	vadd.f32 v7, v5;
	v7 =	vmul.f32 v9, v10  }
0x238: {  	v27 =	vld [tilespmem:s10+$0xFFFFFF50]  }
0x239: {  	v28 =	vld [tilespmem:s10+$0xFFFFFF60];
	v6 =	vmul.f32 v6, v11;
	v5 =	vadd.f32 v7, v5  }
0x23a: {  	v7 =	vld [tilespmem:s13+$0xFFFFFF60]  }
0x23b: {  	v29 =	vld [tilespmem:s13+$0xFFFFFF70];
	v5 =	vadd.f32 v6, v5;
	v6 =	vmul.f32 v25, v12  }
0x23c: {  	v30 =	vld [tilespmem:s10+$0xFFFFFF70]  }
0x23d: {  	v5 =	vadd.f32 v6, v5;
	v6 =	vmul.f32 v26, v27;
	_ =	sdelay $0x1  }
0x23e: {  	v5 =	vadd.f32 v6, v5;
	v6 =	vmul.f32 v7, v28;
	_ =	sdelay $0x1  }
0x23f: {  	v5 =	vadd.f32 v6, v5;
	v6 =	vmul.f32 v29, v30;
	_ =	sdelay $0x1  }
0x240: {  	v5 =	vadd.f32 v6, v5;
	_ =	sdelay $0x1  }
0x241: {  	(xrf2) =	vadd.scan.msk.f32 $0xffff, v5;
	_ =	sdelay $0x1  }
0x242: {  	s17 =	simm.s32 $0x0  }
0x243: {  	v5 =	vmov s17  }
0x244: {  	v5 =	vand.u32 $0xFFFFFFFC, v5  }
0x245: {  	v5 =	vbroadcast v5, $0x0;
	_ =	sdelay $0x4  }
0x246: {  	v6, _, _ =	vpop (xrf2)  }
0x247: {  	[tilespmem:v5+s7+$0x0] =	vst.idx.msk vm0, v6  }
0x248: {  	v5 =	vld [tilespmem:s10+$0xFFFFFF80]  }
0x249: {  	v6 =	vld [tilespmem:s13+$0xFFFFFF80]  }
0x24a: {  	v7 =	vld [tilespmem:s13+$0xFFFFFF90]  }
0x24b: {  	v31 =	vld [tilespmem:s10+$0xFFFFFF90]  }
0x24c: {  	v32 =	vld [tilespmem:s13+$0xFFFFFFA0]  }
0x24d: {  	v33 =	vld [tilespmem:s10+$0xFFFFFFA0]  }
0x24e: {  	v34 =	vld [tilespmem:s10+$0xFFFFFFB0];
	v5 =	vmul.f32 v6, v5  }
0x24f: {  	v6 =	vld [tilespmem:s13+$0xFFFFFFB0]  }
0x250: {  	v35 =	vld [tilespmem:s13+$0xFFFFFFC0];
	v7 =	vmul.f32 v7, v31;
	v5 =	vadd.f32 $0.0e+00, v5  }
0x251: {  	v36 =	vld [tilespmem:s10+$0xFFFFFFC0]  }
0x252: {  	v37 =	vld [tilespmem:s13+$0xFFFFFFD0];
	v5 =	vadd.f32 v7, v5;
	v7 =	vmul.f32 v32, v33  }
0x253: {  	v38 =	vld [tilespmem:s10+$0xFFFFFFD0]  }
0x254: {  	v39 =	vld [tilespmem:s10+$0xFFFFFFE0];
	v6 =	vmul.f32 v6, v34;
	v5 =	vadd.f32 v7, v5  }
0x255: {  	v7 =	vld [tilespmem:s13+$0xFFFFFFE0]  }
0x256: {  	v40 =	vld [tilespmem:s13+$0xFFFFFFF0];
	v5 =	vadd.f32 v6, v5;
	v6 =	vmul.f32 v35, v36  }
0x257: {  	v41 =	vld [tilespmem:s10+$0xFFFFFFF0]  }
0x258: {  	v5 =	vadd.f32 v6, v5;
	v6 =	vmul.f32 v37, v38;
	_ =	sdelay $0x1  }
0x259: {  	v5 =	vadd.f32 v6, v5;
	v6 =	vmul.f32 v7, v39;
	_ =	sdelay $0x1  }
0x25a: {  	v5 =	vadd.f32 v6, v5;
	v6 =	vmul.f32 v40, v41;
	_ =	sdelay $0x1  }
0x25b: {  	v5 =	vadd.f32 v6, v5;
	_ =	sdelay $0x1  }
0x25c: {  	(xrf2) =	vadd.scan.msk.f32 $0xffff, v5;
	_ =	sdelay $0x1  }
0x25d: {  	s24 =	simm.s32 $0x1  }
0x25e: {  	v5 =	vmov s24  }
0x25f: {  	v5 =	vand.u32 $0xFFFFFFFD, v5  }
0x260: {  	v5 =	vbroadcast v5, $0x0;
	_ =	sdelay $0x4  }
0x261: {  	v6, _, _ =	vpop (xrf2)  }
0x262: {  	[tilespmem:v5+s7+$0x0] =	vst.idx.msk vm0, v6  }
0x263: {  	v5 =	vld [tilespmem:s10+$0x0]  }
0x264: {  	v6 =	vld [tilespmem:s13+$0x0]  }
0x265: {  	v7 =	vld [tilespmem:s13+$0x10]  }
0x266: {  	v42 =	vld [tilespmem:s10+$0x10]  }
0x267: {  	v43 =	vld [tilespmem:s13+$0x20]  }
0x268: {  	v44 =	vld [tilespmem:s10+$0x20]  }
0x269: {  	v45 =	vld [tilespmem:s10+$0x30];
	v5 =	vmul.f32 v6, v5  }
0x26a: {  	v6 =	vld [tilespmem:s13+$0x30]  }
0x26b: {  	v46 =	vld [tilespmem:s13+$0x40];
	v7 =	vmul.f32 v7, v42;
	v5 =	vadd.f32 $0.0e+00, v5  }
0x26c: {  	v47 =	vld [tilespmem:s10+$0x40]  }
0x26d: {  	v48 =	vld [tilespmem:s13+$0x50];
	v5 =	vadd.f32 v7, v5;
	v7 =	vmul.f32 v43, v44  }
0x26e: {  	v49 =	vld [tilespmem:s10+$0x50]  }
0x26f: {  	v50 =	vld [tilespmem:s10+$0x60];
	v6 =	vmul.f32 v6, v45;
	v5 =	vadd.f32 v7, v5  }
0x270: {  	v7 =	vld [tilespmem:s13+$0x60]  }
0x271: {  	v51 =	vld [tilespmem:s13+$0x70];
	v5 =	vadd.f32 v6, v5;
	v6 =	vmul.f32 v46, v47  }
0x272: {  	v52 =	vld [tilespmem:s10+$0x70]  }
0x273: {  	v5 =	vadd.f32 v6, v5;
	v6 =	vmul.f32 v48, v49;
	_ =	sdelay $0x1  }
0x274: {  	v5 =	vadd.f32 v6, v5;
	v6 =	vmul.f32 v7, v50;
	_ =	sdelay $0x1  }
0x275: {  	v5 =	vadd.f32 v6, v5;
	v6 =	vmul.f32 v51, v52;
	_ =	sdelay $0x1  }
0x276: {  	v5 =	vadd.f32 v6, v5;
	_ =	sdelay $0x1  }
0x277: {  	(xrf2) =	vadd.scan.msk.f32 $0xffff, v5;
	_ =	sdelay $0x1  }
0x278: {  	s19 =	simm.s32 $0x2  }
0x279: {  	v5 =	vmov s19  }
0x27a: {  	v5 =	vand.u32 $0xFFFFFFFE, v5  }
0x27b: {  	v5 =	vbroadcast v5, $0x0;
	_ =	sdelay $0x4  }
0x27c: {  	v6, _, _ =	vpop (xrf2)  }
0x27d: {  	[tilespmem:v5+s7+$0x0] =	vst.idx.msk vm0, v6  }
0x27e: {  	v5 =	vld [tilespmem:s10+$0x80]  }
0x27f: {  	v6 =	vld [tilespmem:s13+$0x80]  }
0x280: {  	v7 =	vld [tilespmem:s10+$0x90]  }
0x281: {  	v53 =	vld [tilespmem:s13+$0x90]  }
0x282: {  	v54 =	vld [tilespmem:s10+$0xA0]  }
0x283: {  	v55 =	vld [tilespmem:s13+$0xA0]  }
0x284: {  	v56 =	vld [tilespmem:s13+$0xB0];
	v5 =	vmul.f32 v6, v5  }
0x285: {  	v6 =	vld [tilespmem:s10+$0xB0]  }
0x286: {  	v57 =	vld [tilespmem:s10+$0xC0];
	v7 =	vmul.f32 v53, v7;
	v5 =	vadd.f32 $0.0e+00, v5  }
0x287: {  	v58 =	vld [tilespmem:s13+$0xC0]  }
0x288: {  	v59 =	vld [tilespmem:s10+$0xD0];
	v5 =	vadd.f32 v7, v5;
	v7 =	vmul.f32 v55, v54  }
0x289: {  	v60 =	vld [tilespmem:s13+$0xD0]  }
0x28a: {  	v61 =	vld [tilespmem:s13+$0xE0];
	v6 =	vmul.f32 v56, v6;
	v5 =	vadd.f32 v7, v5  }
0x28b: {  	v7 =	vld [tilespmem:s10+$0xE0]  }
0x28c: {  	v62 =	vld [tilespmem:s10+$0xF0];
	v5 =	vadd.f32 v6, v5;
	v6 =	vmul.f32 v58, v57  }
0x28d: {  	v63 =	vld [tilespmem:s13+$0xF0]  }
0x28e: {  	v5 =	vadd.f32 v6, v5;
	v6 =	vmul.f32 v60, v59;
	_ =	sdelay $0x1  }
0x28f: {  	v5 =	vadd.f32 v6, v5;
	v6 =	vmul.f32 v61, v7;
	_ =	sdelay $0x1  }
0x290: {  	v5 =	vadd.f32 v6, v5;
	v6 =	vmul.f32 v63, v62;
	_ =	sdelay $0x1  }
0x291: {  	v5 =	vadd.f32 v6, v5;
	_ =	sdelay $0x1  }
0x292: {  	(xrf2) =	vadd.scan.msk.f32 $0xffff, v5;
	_ =	sdelay $0x4  }
0x293: {  	s24 =	simm.s32 $0x3  }
0x294: {  	s19 =	simm.s32 $0x7;
	v5 =	vmov s24  }
.LBB2_11:
0x295: {  	p0 =	sne.s32 s19, $0x27;
	s10 =	sadd.s32 $0x200, s10;
	s13 =	sadd.s32 $0x200, s13  }
0x296: {  	s17 =	smov.u32 s19;
	s19 =	sadd.s32 $0x4, s19;
	_ =	sdelay $0x1  }
0x297: {  	v6, _, _ =	vpop (xrf2)  }
0x298: {  	[tilespmem:v5+s7+$0x0] =	vst.idx.msk vm0, v6  }
0x299: {  	v5 =	vld [tilespmem:s13+$0xFFFFFF00]  }
0x29a: {  	v6 =	vld [tilespmem:s10+$0xFFFFFF00]  }
0x29b: {  	v7 =	vld [tilespmem:s13+$0xFFFFFF10]  }
0x29c: {  	v8 =	vld [tilespmem:s10+$0xFFFFFF10]  }
0x29d: {  	v9 =	vld [tilespmem:s13+$0xFFFFFF20]  }
0x29e: {  	v10 =	vld [tilespmem:s10+$0xFFFFFF20]  }
0x29f: {  	v5 =	vmul.f32 v5, v6;
	v6 =	vld [tilespmem:s13+$0xFFFFFF30]  }
0x2a0: {  	v11 =	vld [tilespmem:s10+$0xFFFFFF30]  }
0x2a1: {  	v5 =	vadd.f32 $0.0e+00, v5;
	v7 =	vmul.f32 v7, v8;
	v8 =	vld [tilespmem:s13+$0xFFFFFF40]  }
0x2a2: {  	v12 =	vld [tilespmem:s10+$0xFFFFFF40]  }
0x2a3: {  	v5 =	vadd.f32 v7, v5;
	v7 =	vmul.f32 v9, v10;
	v9 =	vld [tilespmem:s13+$0xFFFFFF50]  }
0x2a4: {  	v10 =	vld [tilespmem:s10+$0xFFFFFF50]  }
0x2a5: {  	v5 =	vadd.f32 v7, v5;
	v6 =	vmul.f32 v6, v11;
	v7 =	vld [tilespmem:s13+$0xFFFFFF60]  }
0x2a6: {  	v11 =	vld [tilespmem:s10+$0xFFFFFF60]  }
0x2a7: {  	v5 =	vadd.f32 v6, v5;
	v6 =	vmul.f32 v8, v12;
	v8 =	vld [tilespmem:s13+$0xFFFFFF70]  }
0x2a8: {  	v12 =	vld [tilespmem:s10+$0xFFFFFF70]  }
0x2a9: {  	v5 =	vadd.f32 v6, v5;
	v6 =	vmul.f32 v9, v10;
	_ =	sdelay $0x1  }
0x2aa: {  	v5 =	vadd.f32 v6, v5;
	v6 =	vmul.f32 v7, v11;
	_ =	sdelay $0x1  }
0x2ab: {  	v5 =	vadd.f32 v6, v5;
	v6 =	vmul.f32 v8, v12;
	_ =	sdelay $0x1  }
0x2ac: {  	v5 =	vadd.f32 v6, v5;
	_ =	sdelay $0x1  }
0x2ad: {  	(xrf2) =	vadd.scan.msk.f32 $0xffff, v5;
	_ =	sdelay $0x1  }
0x2ae: {  	s24 =	sadd.s32 $0xFFFFFFFD, s17  }
0x2af: {  	v5 =	vmov s24  }
0x2b0: {  	v5 =	vand.u32 $0xFFFFFFFC, v5  }
0x2b1: {  	v5 =	vbroadcast v5, $0x0;
	_ =	sdelay $0x4  }
0x2b2: {  	v6, _, _ =	vpop (xrf2)  }
0x2b3: {  	[tilespmem:v5+s7+$0x0] =	vst.idx.msk vm0, v6  }
0x2b4: {  	v5 =	vld [tilespmem:s13+$0xFFFFFF90]  }
0x2b5: {  	v6 =	vld [tilespmem:s10+$0xFFFFFF80]  }
0x2b6: {  	v7 =	vld [tilespmem:s13+$0xFFFFFF80];
	_ =	sdelay $0x1  }
0x2b7: {  	v8 =	vld [tilespmem:s10+$0xFFFFFF90]  }
0x2b8: {  	v9 =	vld [tilespmem:s13+$0xFFFFFFA0]  }
0x2b9: {  	v10 =	vld [tilespmem:s10+$0xFFFFFFA0]  }
0x2ba: {  	v6 =	vmul.f32 v7, v6;
	v7 =	vld [tilespmem:s13+$0xFFFFFFB0]  }
0x2bb: {  	v11 =	vld [tilespmem:s10+$0xFFFFFFB0]  }
0x2bc: {  	v6 =	vadd.f32 $0.0e+00, v6;
	v5 =	vmul.f32 v5, v8;
	v8 =	vld [tilespmem:s13+$0xFFFFFFC0]  }
0x2bd: {  	v12 =	vld [tilespmem:s10+$0xFFFFFFC0]  }
0x2be: {  	v5 =	vadd.f32 v5, v6;
	v6 =	vmul.f32 v9, v10;
	v9 =	vld [tilespmem:s13+$0xFFFFFFD0]  }
0x2bf: {  	v10 =	vld [tilespmem:s10+$0xFFFFFFD0]  }
0x2c0: {  	v5 =	vadd.f32 v6, v5;
	v6 =	vmul.f32 v7, v11;
	v7 =	vld [tilespmem:s13+$0xFFFFFFE0]  }
0x2c1: {  	v11 =	vld [tilespmem:s10+$0xFFFFFFE0]  }
0x2c2: {  	v5 =	vadd.f32 v6, v5;
	v6 =	vmul.f32 v8, v12;
	v8 =	vld [tilespmem:s13+$0xFFFFFFF0]  }
0x2c3: {  	v12 =	vld [tilespmem:s10+$0xFFFFFFF0]  }
0x2c4: {  	v5 =	vadd.f32 v6, v5;
	v6 =	vmul.f32 v9, v10;
	_ =	sdelay $0x1  }
0x2c5: {  	v5 =	vadd.f32 v6, v5;
	v6 =	vmul.f32 v7, v11;
	_ =	sdelay $0x1  }
0x2c6: {  	v5 =	vadd.f32 v6, v5;
	v6 =	vmul.f32 v8, v12;
	_ =	sdelay $0x1  }
0x2c7: {  	v5 =	vadd.f32 v6, v5;
	_ =	sdelay $0x1  }
0x2c8: {  	(xrf2) =	vadd.scan.msk.f32 $0xffff, v5;
	_ =	sdelay $0x1  }
0x2c9: {  	s24 =	sadd.s32 $0xFFFFFFFE, s17  }
0x2ca: {  	v5 =	vmov s24  }
0x2cb: {  	v5 =	vand.u32 $0xFFFFFFFD, v5  }
0x2cc: {  	v5 =	vbroadcast v5, $0x0;
	_ =	sdelay $0x4  }
0x2cd: {  	v6, _, _ =	vpop (xrf2)  }
0x2ce: {  	[tilespmem:v5+s7+$0x0] =	vst.idx.msk vm0, v6  }
0x2cf: {  	v5 =	vld [tilespmem:s10+$0x0]  }
0x2d0: {  	v6 =	vld [tilespmem:s13+$0x0]  }
0x2d1: {  	v7 =	vld [tilespmem:s13+$0x10]  }
0x2d2: {  	v8 =	vld [tilespmem:s10+$0x10]  }
0x2d3: {  	v9 =	vld [tilespmem:s13+$0x20]  }
0x2d4: {  	v10 =	vld [tilespmem:s10+$0x20]  }
0x2d5: {  	v5 =	vmul.f32 v6, v5;
	v6 =	vld [tilespmem:s13+$0x30]  }
0x2d6: {  	v11 =	vld [tilespmem:s10+$0x30]  }
0x2d7: {  	v5 =	vadd.f32 $0.0e+00, v5;
	v7 =	vmul.f32 v7, v8;
	v8 =	vld [tilespmem:s13+$0x40]  }
0x2d8: {  	v12 =	vld [tilespmem:s10+$0x40]  }
0x2d9: {  	v5 =	vadd.f32 v7, v5;
	v7 =	vmul.f32 v9, v10;
	v9 =	vld [tilespmem:s13+$0x50]  }
0x2da: {  	v10 =	vld [tilespmem:s10+$0x50]  }
0x2db: {  	v5 =	vadd.f32 v7, v5;
	v6 =	vmul.f32 v6, v11;
	v7 =	vld [tilespmem:s13+$0x60]  }
0x2dc: {  	v11 =	vld [tilespmem:s10+$0x60]  }
0x2dd: {  	v5 =	vadd.f32 v6, v5;
	v6 =	vmul.f32 v8, v12;
	v8 =	vld [tilespmem:s13+$0x70]  }
0x2de: {  	v12 =	vld [tilespmem:s10+$0x70]  }
0x2df: {  	v5 =	vadd.f32 v6, v5;
	v6 =	vmul.f32 v9, v10;
	_ =	sdelay $0x1  }
0x2e0: {  	v5 =	vadd.f32 v6, v5;
	v6 =	vmul.f32 v7, v11;
	_ =	sdelay $0x1  }
0x2e1: {  	v5 =	vadd.f32 v6, v5;
	v6 =	vmul.f32 v8, v12;
	_ =	sdelay $0x1  }
0x2e2: {  	v5 =	vadd.f32 v6, v5;
	_ =	sdelay $0x1  }
0x2e3: {  	(xrf2) =	vadd.scan.msk.f32 $0xffff, v5;
	_ =	sdelay $0x1  }
0x2e4: {  	s24 =	sadd.s32 $0xFFFFFFFF, s17  }
0x2e5: {  	v5 =	vmov s24  }
0x2e6: {  	v5 =	vand.u32 $0xFFFFFFFE, v5  }
0x2e7: {  	v5 =	vbroadcast v5, $0x0;
	_ =	sdelay $0x4  }
0x2e8: {  	v6, _, _ =	vpop (xrf2)  }
0x2e9: {  	[tilespmem:v5+s7+$0x0] =	vst.idx.msk vm0, v6  }
0x2ea: {  	v5 =	vld [tilespmem:s10+$0x80]  }
0x2eb: {  	v6 =	vld [tilespmem:s13+$0x80]  }
0x2ec: {  	v7 =	vld [tilespmem:s10+$0x90]  }
0x2ed: {  	v8 =	vld [tilespmem:s13+$0x90]  }
0x2ee: {  	v9 =	vld [tilespmem:s10+$0xA0]  }
0x2ef: {  	v10 =	vld [tilespmem:s13+$0xA0]  }
0x2f0: {  	v5 =	vmul.f32 v6, v5;
	v6 =	vld [tilespmem:s10+$0xB0]  }
0x2f1: {  	v11 =	vld [tilespmem:s13+$0xB0]  }
0x2f2: {  	v5 =	vadd.f32 $0.0e+00, v5;
	v7 =	vmul.f32 v8, v7;
	v8 =	vld [tilespmem:s10+$0xC0]  }
0x2f3: {  	v12 =	vld [tilespmem:s13+$0xC0]  }
0x2f4: {  	v5 =	vadd.f32 v7, v5;
	v7 =	vmul.f32 v10, v9;
	v9 =	vld [tilespmem:s10+$0xD0]  }
0x2f5: {  	v10 =	vld [tilespmem:s13+$0xD0]  }
0x2f6: {  	v5 =	vadd.f32 v7, v5;
	v6 =	vmul.f32 v11, v6;
	v7 =	vld [tilespmem:s10+$0xE0]  }
0x2f7: {  	v11 =	vld [tilespmem:s13+$0xE0]  }
0x2f8: {  	v5 =	vadd.f32 v6, v5;
	v6 =	vmul.f32 v12, v8;
	v8 =	vld [tilespmem:s10+$0xF0]  }
0x2f9: {  	v12 =	vld [tilespmem:s13+$0xF0]  }
0x2fa: {  	v5 =	vadd.f32 v6, v5;
	v6 =	vmul.f32 v10, v9;
	_ =	sdelay $0x1  }
0x2fb: {  	v5 =	vadd.f32 v6, v5;
	v6 =	vmul.f32 v11, v7;
	_ =	sdelay $0x1  }
0x2fc: {  	v5 =	vadd.f32 v6, v5;
	v6 =	vmul.f32 v12, v8;
	_ =	sdelay $0x1  }
0x2fd: {  	v5 =	vadd.f32 v6, v5;
	_ =	sdelay $0x1  }
0x2fe: {  	(xrf2) =	vadd.scan.msk.f32 $0xffff, v5;
	_ =	sdelay $0x1  }
.Ltmp7:
0x2ff: {  	(pc) =	sbr.rel @p0 .LBB2_11-.Ltmp7, $2  }
0x300: {  	_ =	sdelay $0x2  }
0x301: {  	v5 =	vmov s17  }
0x302: {  	_ =	sdelay $0x3  }
0x303: {  	v6, _, _ =	vpop (xrf2)  }
0x304: {  	[tilespmem:v5+s7+$0x0] =	vst.idx.msk vm0, v6  }
0x305: {  	v5 =	vld [tilespmem:$0xA618];
	_ =	sdelay $0x4  }
0x306: {  	v5 =	vmul.f32 $8.838834610e-02, v5;
	_ =	sdelay $0x1  }
0x307: {  	v5 =	vmul.f32 $1.442695020e+00, v5;
	_ =	sdelay $0x1  }
0x308: {  	(erf) = vpow2.f32 v5;
	_ =	sdelay $0x8  }
0x309: {  	v5 =	vpop (erf)  }
0x30a: {  	[tilespmem:$0xA618] =	vst v5  }
0x30b: {  	[tilespmem:v1+s11+$0x0] =	vst.idx.msk $0xffff, v5  }
0x30c: {  	v5 =	vld [tilespmem:$0xA628];
	_ =	sdelay $0x4  }
0x30d: {  	v5 =	vmul.f32 $8.838834610e-02, v5;
	_ =	sdelay $0x1  }
0x30e: {  	v5 =	vmul.f32 $1.442695020e+00, v5;
	_ =	sdelay $0x1  }
0x30f: {  	(erf) = vpow2.f32 v5;
	_ =	sdelay $0x8  }
0x310: {  	v5 =	vpop (erf)  }
0x311: {  	[tilespmem:$0xA628] =	vst v5  }
0x312: {  	[tilespmem:v2+s11+$0x0] =	vst.idx.msk $0xffff, v5  }
0x313: {  	v5 =	vld.idx.msk [tilespmem:v0+s7+$0x0], $0xffff;
	_ =	sdelay $0x4  }
0x314: {  	v5 =	vmul.f32 $8.838834610e-02, v5;
	_ =	sdelay $0x1  }
0x315: {  	v5 =	vmul.f32 $1.442695020e+00, v5;
	_ =	sdelay $0x1  }
0x316: {  	(erf) = vpow2.f32 v5;
	_ =	sdelay $0x2  }
0x317: {  	s10 =	simm.s32 $0x0  }
0x318: {  	v5 =	vmov s10  }
0x319: {  	v5 =	vand.u32 $0xFFFFFFFE, v5  }
0x31a: {  	v5 =	vbroadcast v5, $0x0;
	_ =	sdelay $0x2  }
0x31b: {  	v6 =	vpop (erf)  }
0x31c: {  	[tilespmem:v0+s7+$0x0] =	vst.idx.msk $0xff, v6  }
0x31d: {  	[tilespmem:v3+s11+$0x0] =	vst.idx.msk $0xff, v6  }
0x31e: {  	s10 =	simm.s32 $0x66B8;
	v5 =	vld.idx.msk [tilespmem:v5+s7+$0x0], $0xffff  }
0x31f: {  	v6 =	vld [tilespmem:s10+$0xFFFFFF78];
	_ =	sdelay $0x4  }
0x320: {  	v6 =	vmul.f32 v6, v5  }
0x321: {  	s13 =	simm.s32 $0x9138  }
0x322: {  	[tilespmem:s13+$0xFFFFFF78] =	vst v6  }
0x323: {  	v6 =	vld [tilespmem:s10+$0xFFFFFF88];
	_ =	sdelay $0x4  }
0x324: {  	v6 =	vmul.f32 v6, v5;
	_ =	sdelay $0x1  }
0x325: {  	[tilespmem:s13+$0xFFFFFF88] =	vst v6  }
0x326: {  	v6 =	vld [tilespmem:s10+$0xFFFFFF98];
	_ =	sdelay $0x4  }
0x327: {  	v6 =	vmul.f32 v6, v5;
	_ =	sdelay $0x1  }
0x328: {  	[tilespmem:s13+$0xFFFFFF98] =	vst v6  }
0x329: {  	v6 =	vld [tilespmem:s10+$0xFFFFFFA8];
	_ =	sdelay $0x4  }
0x32a: {  	v6 =	vmul.f32 v6, v5;
	_ =	sdelay $0x1  }
0x32b: {  	[tilespmem:s13+$0xFFFFFFA8] =	vst v6  }
0x32c: {  	v6 =	vld [tilespmem:s10+$0xFFFFFFB8];
	_ =	sdelay $0x4  }
0x32d: {  	v6 =	vmul.f32 v6, v5;
	_ =	sdelay $0x1  }
0x32e: {  	[tilespmem:s13+$0xFFFFFFB8] =	vst v6  }
0x32f: {  	v6 =	vld [tilespmem:s10+$0xFFFFFFC8];
	_ =	sdelay $0x4  }
0x330: {  	v6 =	vmul.f32 v6, v5;
	_ =	sdelay $0x1  }
0x331: {  	[tilespmem:s13+$0xFFFFFFC8] =	vst v6  }
0x332: {  	v6 =	vld [tilespmem:s10+$0xFFFFFFD8];
	_ =	sdelay $0x4  }
0x333: {  	v6 =	vmul.f32 v6, v5;
	_ =	sdelay $0x1  }
0x334: {  	[tilespmem:s13+$0xFFFFFFD8] =	vst v6  }
0x335: {  	v6 =	vld [tilespmem:s10+$0xFFFFFFE8];
	_ =	sdelay $0x1  }
0x336: {  	s17 =	simm.s32 $0x1  }
0x337: {  	v7 =	vmov s17;
	_ =	sdelay $0x1  }
0x338: {  	v5 =	vmul.f32 v6, v5;
	_ =	sdelay $0x1  }
0x339: {  	[tilespmem:s13+$0xFFFFFFE8] =	vst v5  }
0x33a: {  	v5 =	vld.idx.msk [tilespmem:v7+s7+$0x0], $0xffff  }
0x33b: {  	v6 =	vld [tilespmem:s10+$0x0];
	_ =	sdelay $0x4  }
0x33c: {  	v6 =	vmul.f32 v6, v5;
	_ =	sdelay $0x1  }
0x33d: {  	[tilespmem:s13+$0x0] =	vst v6  }
0x33e: {  	v6 =	vld [tilespmem:s10+$0x10];
	_ =	sdelay $0x4  }
0x33f: {  	v6 =	vmul.f32 v6, v5;
	_ =	sdelay $0x1  }
0x340: {  	[tilespmem:s13+$0x10] =	vst v6  }
0x341: {  	v6 =	vld [tilespmem:s10+$0x20];
	_ =	sdelay $0x4  }
0x342: {  	v6 =	vmul.f32 v6, v5;
	_ =	sdelay $0x1  }
0x343: {  	[tilespmem:s13+$0x20] =	vst v6  }
0x344: {  	v6 =	vld [tilespmem:s10+$0x30];
	_ =	sdelay $0x4  }
0x345: {  	v6 =	vmul.f32 v6, v5;
	_ =	sdelay $0x1  }
0x346: {  	[tilespmem:s13+$0x30] =	vst v6  }
0x347: {  	v6 =	vld [tilespmem:s10+$0x40];
	_ =	sdelay $0x4  }
0x348: {  	v6 =	vmul.f32 v6, v5;
	_ =	sdelay $0x1  }
0x349: {  	[tilespmem:s13+$0x40] =	vst v6  }
0x34a: {  	v6 =	vld [tilespmem:s10+$0x50];
	_ =	sdelay $0x4  }
0x34b: {  	v6 =	vmul.f32 v6, v5;
	_ =	sdelay $0x1  }
0x34c: {  	[tilespmem:s13+$0x50] =	vst v6  }
0x34d: {  	v6 =	vld [tilespmem:s10+$0x60];
	_ =	sdelay $0x4  }
0x34e: {  	v6 =	vmul.f32 v6, v5;
	_ =	sdelay $0x1  }
0x34f: {  	s24 =	simm.s32 $0x2;
	s19 =	simm.s32 $0x5;
	s17 =	simm.s32 $0x3;
	[tilespmem:s13+$0x60] =	vst v6  }
.LBB2_13:
0x350: {  	p0 =	sne.s32 s19, $0x27;
	v6 =	vmov s24;
	v7 =	vld [tilespmem:s10+$0x70]  }
0x351: {  	v6 =	vand.u32 $0xFFFFFFFE, v6  }
0x352: {  	v6 =	vbroadcast v6, $0x0;
	_ =	sdelay $0x2  }
0x353: {  	v5 =	vmul.f32 v7, v5;
	_ =	sdelay $0x1  }
0x354: {  	[tilespmem:s13+$0x70] =	vst v5  }
0x355: {  	s10 =	sadd.s32 $0x110, s10;
	v5 =	vld.idx.msk [tilespmem:v6+s7+$0x0], $0xffff  }
0x356: {  	v6 =	vld [tilespmem:s10+$0xFFFFFF78];
	_ =	sdelay $0x4  }
0x357: {  	v6 =	vmul.f32 v6, v5  }
0x358: {  	s13 =	sadd.s32 $0x110, s13  }
0x359: {  	[tilespmem:s13+$0xFFFFFF78] =	vst v6  }
0x35a: {  	v6 =	vld [tilespmem:s10+$0xFFFFFF88];
	_ =	sdelay $0x4  }
0x35b: {  	v6 =	vmul.f32 v6, v5;
	_ =	sdelay $0x1  }
0x35c: {  	[tilespmem:s13+$0xFFFFFF88] =	vst v6  }
0x35d: {  	v6 =	vld [tilespmem:s10+$0xFFFFFF98];
	_ =	sdelay $0x4  }
0x35e: {  	v6 =	vmul.f32 v6, v5;
	_ =	sdelay $0x1  }
0x35f: {  	[tilespmem:s13+$0xFFFFFF98] =	vst v6  }
0x360: {  	v6 =	vld [tilespmem:s10+$0xFFFFFFA8];
	_ =	sdelay $0x4  }
0x361: {  	v6 =	vmul.f32 v6, v5;
	_ =	sdelay $0x1  }
0x362: {  	[tilespmem:s13+$0xFFFFFFA8] =	vst v6  }
0x363: {  	v6 =	vld [tilespmem:s10+$0xFFFFFFB8];
	_ =	sdelay $0x4  }
0x364: {  	v6 =	vmul.f32 v6, v5;
	_ =	sdelay $0x1  }
0x365: {  	[tilespmem:s13+$0xFFFFFFB8] =	vst v6  }
0x366: {  	v6 =	vld [tilespmem:s10+$0xFFFFFFC8];
	_ =	sdelay $0x4  }
0x367: {  	v6 =	vmul.f32 v6, v5;
	_ =	sdelay $0x1  }
0x368: {  	[tilespmem:s13+$0xFFFFFFC8] =	vst v6  }
0x369: {  	v6 =	vld [tilespmem:s10+$0xFFFFFFD8];
	_ =	sdelay $0x4  }
0x36a: {  	v6 =	vmul.f32 v6, v5;
	_ =	sdelay $0x1  }
0x36b: {  	[tilespmem:s13+$0xFFFFFFD8] =	vst v6  }
0x36c: {  	v6 =	vld [tilespmem:s10+$0xFFFFFFE8];
	_ =	sdelay $0x2  }
0x36d: {  	v7 =	vmov s17;
	s17 =	smov.u32 s19;
	_ =	sdelay $0x1  }
0x36e: {  	v5 =	vmul.f32 v6, v5;
	_ =	sdelay $0x1  }
0x36f: {  	[tilespmem:s13+$0xFFFFFFE8] =	vst v5  }
0x370: {  	v5 =	vld.idx.msk [tilespmem:v7+s7+$0x0], $0xffff  }
0x371: {  	v6 =	vld [tilespmem:s10+$0x0];
	_ =	sdelay $0x4  }
0x372: {  	v6 =	vmul.f32 v6, v5;
	_ =	sdelay $0x1  }
0x373: {  	[tilespmem:s13+$0x0] =	vst v6  }
0x374: {  	v6 =	vld [tilespmem:s10+$0x10];
	_ =	sdelay $0x4  }
0x375: {  	v6 =	vmul.f32 v6, v5;
	_ =	sdelay $0x1  }
0x376: {  	[tilespmem:s13+$0x10] =	vst v6  }
0x377: {  	v6 =	vld [tilespmem:s10+$0x20];
	_ =	sdelay $0x4  }
0x378: {  	v6 =	vmul.f32 v6, v5;
	_ =	sdelay $0x1  }
0x379: {  	[tilespmem:s13+$0x20] =	vst v6  }
0x37a: {  	v6 =	vld [tilespmem:s10+$0x30];
	_ =	sdelay $0x4  }
0x37b: {  	v6 =	vmul.f32 v6, v5;
	_ =	sdelay $0x1  }
0x37c: {  	[tilespmem:s13+$0x30] =	vst v6  }
0x37d: {  	v6 =	vld [tilespmem:s10+$0x40];
	_ =	sdelay $0x4  }
0x37e: {  	v6 =	vmul.f32 v6, v5;
	_ =	sdelay $0x1  }
0x37f: {  	[tilespmem:s13+$0x40] =	vst v6  }
0x380: {  	v6 =	vld [tilespmem:s10+$0x50];
	_ =	sdelay $0x4  }
0x381: {  	v6 =	vmul.f32 v6, v5;
	_ =	sdelay $0x1  }
0x382: {  	[tilespmem:s13+$0x50] =	vst v6  }
0x383: {  	v6 =	vld [tilespmem:s10+$0x60];
	_ =	sdelay $0x2  }
.Ltmp8:
0x384: {  	(pc) =	sbr.rel @p0 .LBB2_13-.Ltmp8, $3  }
0x385: {  	_ = 	snop  }
0x386: {  	v6 =	vmul.f32 v6, v5;
	_ =	sdelay $0x1  }
0x387: {  	s19 =	sadd.s32 $0x2, s19;
	s24 =	sadd.s32 $0xFFFFFFFF, s17;
	[tilespmem:s13+$0x60] =	vst v6  }
0x388: {  	v6 =	vmov s24;
	v7 =	vld [tilespmem:s10+$0x70]  }
0x389: {  	v6 =	vand.u32 $0xFFFFFFFE, v6  }
0x38a: {  	v6 =	vbroadcast v6, $0x0;
	_ =	sdelay $0x2  }
0x38b: {  	v5 =	vmul.f32 v7, v5;
	_ =	sdelay $0x1  }
0x38c: {  	[tilespmem:s13+$0x70] =	vst v5  }
0x38d: {  	s19 =	sadd.s32 $0x110, s10;
	v5 =	vld.idx.msk [tilespmem:v6+s7+$0x0], $0xffff  }
0x38e: {  	v6 =	vld [tilespmem:s19+$0xFFFFFF78];
	_ =	sdelay $0x4  }
0x38f: {  	v6 =	vmul.f32 v6, v5  }
0x390: {  	s24 =	sadd.s32 $0x110, s13  }
0x391: {  	[tilespmem:s24+$0xFFFFFF78] =	vst v6  }
0x392: {  	v6 =	vld [tilespmem:s19+$0xFFFFFF88];
	_ =	sdelay $0x4  }
0x393: {  	v6 =	vmul.f32 v6, v5;
	_ =	sdelay $0x1  }
0x394: {  	[tilespmem:s24+$0xFFFFFF88] =	vst v6  }
0x395: {  	v6 =	vld [tilespmem:s19+$0xFFFFFF98];
	_ =	sdelay $0x4  }
0x396: {  	v6 =	vmul.f32 v6, v5;
	_ =	sdelay $0x1  }
0x397: {  	[tilespmem:s24+$0xFFFFFF98] =	vst v6  }
0x398: {  	v6 =	vld [tilespmem:s19+$0xFFFFFFA8];
	_ =	sdelay $0x4  }
0x399: {  	v6 =	vmul.f32 v6, v5;
	_ =	sdelay $0x1  }
0x39a: {  	[tilespmem:s24+$0xFFFFFFA8] =	vst v6  }
0x39b: {  	v6 =	vld [tilespmem:s19+$0xFFFFFFB8];
	_ =	sdelay $0x4  }
0x39c: {  	v6 =	vmul.f32 v6, v5;
	_ =	sdelay $0x1  }
0x39d: {  	[tilespmem:s24+$0xFFFFFFB8] =	vst v6  }
0x39e: {  	v6 =	vld [tilespmem:s19+$0xFFFFFFC8];
	_ =	sdelay $0x4  }
0x39f: {  	v6 =	vmul.f32 v6, v5;
	_ =	sdelay $0x1  }
0x3a0: {  	[tilespmem:s24+$0xFFFFFFC8] =	vst v6  }
0x3a1: {  	v6 =	vld [tilespmem:s19+$0xFFFFFFD8];
	_ =	sdelay $0x4  }
0x3a2: {  	v6 =	vmul.f32 v6, v5;
	_ =	sdelay $0x1  }
0x3a3: {  	[tilespmem:s24+$0xFFFFFFD8] =	vst v6  }
0x3a4: {  	v6 =	vld [tilespmem:s19+$0xFFFFFFE8];
	_ =	sdelay $0x2  }
0x3a5: {  	v7 =	vmov s17;
	_ =	sdelay $0x1  }
0x3a6: {  	v5 =	vmul.f32 v6, v5;
	_ =	sdelay $0x1  }
0x3a7: {  	[tilespmem:s24+$0xFFFFFFE8] =	vst v5  }
0x3a8: {  	v5 =	vld.idx.msk [tilespmem:v7+s7+$0x0], $0xffff  }
0x3a9: {  	v6 =	vld [tilespmem:s19+$0x0];
	_ =	sdelay $0x4  }
0x3aa: {  	v6 =	vmul.f32 v6, v5;
	_ =	sdelay $0x1  }
0x3ab: {  	[tilespmem:s24+$0x0] =	vst v6  }
0x3ac: {  	v6 =	vld [tilespmem:s19+$0x10];
	_ =	sdelay $0x4  }
0x3ad: {  	v6 =	vmul.f32 v6, v5;
	_ =	sdelay $0x1  }
0x3ae: {  	[tilespmem:s24+$0x10] =	vst v6  }
0x3af: {  	v6 =	vld [tilespmem:s19+$0x20];
	_ =	sdelay $0x4  }
0x3b0: {  	v6 =	vmul.f32 v6, v5;
	_ =	sdelay $0x1  }
0x3b1: {  	[tilespmem:s24+$0x20] =	vst v6  }
0x3b2: {  	v6 =	vld [tilespmem:s19+$0x30];
	_ =	sdelay $0x4  }
0x3b3: {  	v6 =	vmul.f32 v6, v5;
	_ =	sdelay $0x1  }
0x3b4: {  	[tilespmem:s24+$0x30] =	vst v6  }
0x3b5: {  	v6 =	vld [tilespmem:s19+$0x40];
	_ =	sdelay $0x4  }
0x3b6: {  	v6 =	vmul.f32 v6, v5;
	_ =	sdelay $0x1  }
0x3b7: {  	[tilespmem:s24+$0x40] =	vst v6  }
0x3b8: {  	v6 =	vld [tilespmem:s19+$0x50];
	_ =	sdelay $0x4  }
0x3b9: {  	v6 =	vmul.f32 v6, v5;
	_ =	sdelay $0x1  }
0x3ba: {  	[tilespmem:s24+$0x50] =	vst v6  }
0x3bb: {  	v6 =	vld [tilespmem:s19+$0x60];
	_ =	sdelay $0x4  }
0x3bc: {  	v6 =	vmul.f32 v6, v5;
	_ =	sdelay $0x1  }
0x3bd: {  	[tilespmem:s24+$0x60] =	vst v6  }
0x3be: {  	v6 =	vld [tilespmem:s19+$0x70];
	_ =	sdelay $0x4  }
0x3bf: {  	v5 =	vmul.f32 v6, v5;
	_ =	sdelay $0x1  }
0x3c0: {  	[tilespmem:s24+$0x70] =	vst v5  }
0x3c1: {  	v5 =	vld [tilespmem:$0x78]  }
0x3c2: {  	v6 =	vld [tilespmem:$0x88]  }
0x3c3: {  	v7 =	vld [tilespmem:$0x90]  }
0x3c4: {  	p0 =	seq.s32 s18, $0x7C  }
.Ltmp9:
0x3c5: {  	_ = 	snop;
	(pc) =	sbr.rel @p0 .LBB2_16-.Ltmp9, $4  }
0x3c6: {  	[tilespmem:$0xC8] =	vst v5  }
0x3c7: {  	[tilespmem:$0xD8] =	vst v6  }
0x3c8: {  	[tilespmem:v4+s12+$0x0] =	vst.idx.msk vm1, v7  }
0x3c9: {  	[spmem:s2] =	stream.indirect.scatter.add.f32 [tilespmem:s11], [sflag:$0x4], $0x88, s12, s22, $0xb8;
	[tilespmem:$0x1F248] =	vst v63  }
0x3ca: {  	s10 =	smul.u32 $0x50, s18;
	_ =	sdelay $0x1  }
0x3cb: {  	s10 =	sadd.s32 s10, s16  }
.Ltmp10:
0x3cc: {  	s10 =	sshrl.u32 s10, $0x3;
	(pc) =	sbr.rel .LBB2_2-.Ltmp10, $4  }
0x3cd: {  	s13 =	sadd.s32 s5, s10  }
0x3ce: {  	[tilespmem:s22], [sflag:$0x6] =	stream.linear.gather [hbm4b:s13+s4], $0x28, $0x38;
	[tilespmem:$0x1F248] =	vst v63  }
0x3cf: {  	s18 =	sadd.s32 $0x1, s18;
	s10 =	sadd.s32 s6, s10  }
0x3d0: {  	[tilespmem:s23], [sflag:$0x6] =	stream.linear.gather [hbm4b:s10+s4], $0x28, $0x38;
	[tilespmem:$0x1F248] =	vst v63  }
.LBB2_17:
0x3d1: {  	_ =	sfence.sel $0x180000  }
0x3d2: {  	[bflag:$0x0] =	sbarrier.arrive $0xFFFF  }
0x3d3: {  	_ =	strace $0x9000004A  }
0x3d4: {  	s0 =	stileid.u32;
	[bflag:$0x2] =	sbarrier.arrive $0xFFFF  }
0x3d5: {  	p0 =	sne.s32 s0, $0x0;
	s0 =	rddreg [dreg:$0x3]  }
0x3d6: {  	s0 =	sadd.s32 @!p0 $0x100000, s0  }
0x3d7: {  	[sflag:s0] =	ssyncadd.tile.s32 @!p0 $0x1;
	_ =	shalt  }
.Lfunc_end2:
_tile_overlayer_lowered:
.L_overlay_start_2:
0x3d8: {  	(tag) =	ssettag $0x2  }
0x3d9: {  	s0 =	rddreg [dreg:$0x0];
	s2 =	stileid.u32  }
0x3da: {  	s1 =	rddreg [dreg:$0x1];
	p0 =	sne.s32 s2, $0x0  }
0x3db: {  	s3 =	rddreg [dreg:$0x2];
	[bflag:$0x3] =	sbarrier.arrive $0xFFFF;
	s2 =	simm.s32 @!p0 $0x1C07  }
0x3dc: {  	[timem:s3], [sflag:s2] =	dma.local @!p0 [hbm:s0], s1  }
0x3dd: {  	s0 =	simm.s32 @!p0 $0x7  }
0x3de: {  	_ =	swait.ge @!p0 [sflag:s0], s1  }
0x3df: {  	s1 =	ssub.s32 @!p0 $0x0, s1;
	[sflag:s0] =	ssyncset.done @!p0 $0x0  }
0x3e0: {  	[sflag:s0] =	ssyncadd.s32 @!p0 s1  }
0x3e1: {  	[bflag:$0x3] =	sbarrier.arrive $0xFFFF  }
0x3e2: {  	_ =	shalt  }

// kernel: kernel.7.cloned.1.call-start
scs
__scs_entry_jumppad:
0x0: {  	(pc) =	sbr.rel $0x88, $3  }
0x1: {  	(tag) =	ssettag $0x0;
	lr =	simm.s32 $0x1  }
0x2: {  	[smem:$0x3F93] =	sst lr;
	_ =	strace $0xD0000000  }
0x3: {  	_ = 	snop  }
0x4: {  	_ = 	snop  }
0x5: {  	_ = 	snop  }
0x6: {  	_ = 	snop  }
0x7: {  	_ = 	snop  }
__scs_overlays_trampoline_lowered:
0x8: {  	[smem:$0x3FA2] =	sst s0  }
0x9: {  	[smem:$0x3FA3] =	sst s1  }
0xa: {  	[smem:$0x3FA4] =	sst s2  }
0xb: {  	[smem:$0x3FA5] =	sst s3  }
0xc: {  	[smem:$0x3FA6] =	sst s4  }
0xd: {  	[smem:$0x3FA7] =	sst s5  }
0xe: {  	[smem:$0x3FA8] =	sst s6  }
0xf: {  	[smem:$0x3FA9] =	sst s7  }
0x10: {  	[smem:$0x3FAA] =	sst s8  }
0x11: {  	[smem:$0x3FAB] =	sst s9;
	s0 =	simm.s32 @!p0 $0x0  }
0x12: {  	s1 =	sld [smem:$0x3F91];
	s0 =	simm.s32 @p0 $0x1  }
0x13: {  	[smem:$0x3FAC] =	sst s0;
	s0 =	simm.s32 @!p1 $0x0  }
0x14: {  	s2 =	sld [smem:$0x3F90];
	s0 =	simm.s32 @p1 $0x1  }
0x15: {  	[smem:$0x3FAD] =	sst s0;
	s0 =	simm.s32 @!p2 $0x0  }
0x16: {  	s3 =	sld [smem:$0x3FDB];
	s0 =	simm.s32 @p2 $0x1  }
0x17: {  	s4 =	simm.s32 $0x1BF5;
	[smem:$0x3FAF] =	sst s0  }
0x18: {  	s0 =	sld [smem:$0x3F92];
	_ =	swait.ge [sflag:s4], $0x0  }
0x19: {  	s7 =	sld [smem:$0x3F93]  }
0x1a: {  	s8 =	sadd.s32 $0xFFFFE003, lr  }
0x1b: {  	s9 =	sadd.s32 $0xFFFFFEF7, lr;
	s5 =	simm.s32 $0xFFFFFFFF;
	p2 =	slt.u32 s8, $0xFFFFF086  }
0x1c: {  	p1 =	slt.u32 s9, $0xF7A;
	s5 =	simm.s32 @!p2 $0x0  }
0x1d: {  	s5 =	simm.s32 @p1 $0x1;
	p0 =	seq.s32 s7, s2  }
0x1e: {  	s7 =	smul.u32 @!p0 $0xF7A, s2;
	p2 =	seq.s32 @!p0 s5, $0x0  }
0x1f: {  	s9 =	smul.u32 $0xF7A, s1;
	s8 =	simm.s32 @!p0 $0x1BF5;
	p2 =	por !p2, p0  }
0x20: {  	[sflag:s8] =	ssyncset.s32 @!p0 $0xFFFFF086;
	s6 =	sadd.s32 @!p0 s3, s7;
	s7 =	simm.s32 @!p0 $0x108  }
0x21: {  	s3 =	sadd.s32 s3, s9;
	s6 =	sadd.s32 @!p0 $0x88, s6;
	s7 =	simm.s32 @p2 $0x1082  }
0x22: {  	[simem:s7], [sflag:s8] =	dma.local @!p0 [hbm:s6], $0xF7A  }
0x23: {  	s9 =	sor.u32 $0xD0000000, s2;
	s6 =	simm.s32 $0x108;
	_ =	swait.ge @!p0 [sflag:s8], $0x0  }
0x24: {  	s3 =	sadd.s32 $0x88, s3;
	s6 =	simm.s32 @!p1 $0x1082;
	[sflag:s4] =	ssyncset.s32 $0xFFFFF086  }
0x25: {  	[simem:s6], [sflag:s4] =	dma.local [hbm:s3], $0xF7A  }
0x26: {  	[smem:$0x3F93] =	sst s1;
	(tag) =	ssettag s2;
	_ =	strace s9  }
0x27: {  	s1 =	sld [smem:$0x3FA3]  }
0x28: {  	s2 =	sld [smem:$0x3FA4]  }
0x29: {  	s4 =	sld [smem:$0x3FA6]  }
0x2a: {  	p0 =	seq.s32 s5, $0x0;
	s5 =	sld [smem:$0x3FA7]  }
0x2b: {  	s6 =	sld [smem:$0x3FA8]  }
0x2c: {  	s7 =	sld [smem:$0x3FA9]  }
0x2d: {  	s3 =	simm.s32 $0x108;
	s8 =	sld [smem:$0x3FAA]  }
0x2e: {  	s3 =	simm.s32 @!p0 $0x1082;
	s9 =	sld [smem:$0x3FAB]  }
0x2f: {  	lr =	sadd.s32 s0, s3;
	s0 =	sld [smem:$0x3FA2]  }
0x30: {  	s3 =	sld [smem:$0x3FA5]  }
0x31: {  	[smem:$0x3FAE] =	sst s10  }
0x32: {  	s10 =	sld [smem:$0x3FAC];
	_ =	sdelay $0x3  }
0x33: {  	p0 =	seq.s32 s10, $0x1;
	s10 =	sld [smem:$0x3FAE];
	_ =	sdelay $0x3  }
0x34: {  	[smem:$0x3FAE] =	sst s10  }
0x35: {  	s10 =	sld [smem:$0x3FAD];
	_ =	sdelay $0x3  }
0x36: {  	p1 =	seq.s32 s10, $0x1;
	s10 =	sld [smem:$0x3FAE];
	_ =	sdelay $0x3  }
0x37: {  	[smem:$0x3FAE] =	sst s10  }
0x38: {  	s10 =	sld [smem:$0x3FAF]  }
0x39: {  	_ = 	snop;
	(pc) =	sbr.ind lr, $3  }
0x3a: {  	_ = 	snop  }
0x3b: {  	_ = 	snop  }
0x3c: {  	p2 =	seq.s32 s10, $0x1;
	s10 =	sld [smem:$0x3FAE]  }
0x3d: {  	_ =	shalt  }
0x3e: {  	_ =	shalt  }
0x3f: {  	_ =	shalt  }
0x40: {  	_ =	shalt  }
0x41: {  	_ =	shalt  }
0x42: {  	_ =	shalt  }
0x43: {  	_ =	shalt  }
0x44: {  	_ =	shalt  }
0x45: {  	_ =	shalt  }
0x46: {  	_ =	shalt  }
0x47: {  	_ =	shalt  }
0x48: {  	_ =	shalt  }
0x49: {  	_ =	shalt  }
0x4a: {  	_ =	shalt  }
0x4b: {  	_ =	shalt  }
0x4c: {  	_ =	shalt  }
0x4d: {  	_ =	shalt  }
0x4e: {  	_ =	shalt  }
0x4f: {  	_ =	shalt  }
0x50: {  	_ =	shalt  }
0x51: {  	_ =	shalt  }
0x52: {  	_ =	shalt  }
0x53: {  	_ =	shalt  }
0x54: {  	_ =	shalt  }
0x55: {  	_ =	shalt  }
0x56: {  	_ =	shalt  }
0x57: {  	_ =	shalt  }
0x58: {  	_ =	shalt  }
0x59: {  	_ =	shalt  }
0x5a: {  	_ =	shalt  }
0x5b: {  	_ =	shalt  }
0x5c: {  	_ =	shalt  }
0x5d: {  	_ =	shalt  }
0x5e: {  	_ =	shalt  }
0x5f: {  	_ =	shalt  }
0x60: {  	_ =	shalt  }
0x61: {  	_ =	shalt  }
0x62: {  	_ =	shalt  }
0x63: {  	_ =	shalt  }
0x64: {  	_ =	shalt  }
0x65: {  	_ =	shalt  }
0x66: {  	_ =	shalt  }
0x67: {  	_ =	shalt  }
0x68: {  	_ =	shalt  }
0x69: {  	_ =	shalt  }
0x6a: {  	_ =	shalt  }
0x6b: {  	_ =	shalt  }
0x6c: {  	_ =	shalt  }
0x6d: {  	_ =	shalt  }
0x6e: {  	_ =	shalt  }
0x6f: {  	_ =	shalt  }
0x70: {  	_ =	shalt  }
0x71: {  	_ =	shalt  }
0x72: {  	_ =	shalt  }
0x73: {  	_ =	shalt  }
0x74: {  	_ =	shalt  }
0x75: {  	_ =	shalt  }
0x76: {  	_ =	shalt  }
0x77: {  	_ =	shalt  }
0x78: {  	_ =	shalt  }
0x79: {  	_ =	shalt  }
0x7a: {  	_ =	shalt  }
0x7b: {  	_ =	shalt  }
0x7c: {  	_ =	shalt  }
0x7d: {  	_ =	shalt  }
0x7e: {  	_ =	shalt  }
0x7f: {  	_ =	shalt  }
0x80: {  	_ =	shalt  }
0x81: {  	_ =	shalt  }
0x82: {  	_ =	shalt  }
0x83: {  	_ =	shalt  }
0x84: {  	_ =	shalt  }
0x85: {  	_ =	shalt  }
0x86: {  	_ =	shalt  }
0x87: {  	_ =	shalt  }
.Lfunc_end0:
.L_simem_size_0:
called_computation_lowered:
.L_overlay_start_0:
0x88: {  	s2 =	sld [smem:$0x3FD9]  }
0x89: {  	s3 =	sld [smem:$0x3FFE];
	_ =	sdelay $0x1  }
0x8a: {  	s1 =	srdreg.scid  }
0x8b: {  	s0 =	sand.u32 $0x1, s1  }
0x8c: {  	s17 =	sshll.u32 s0, $0xA;
	s2 =	sadd.s32 s3, s2  }
0x8d: {  	s2 =	sadd.s32 s2, s17  }
0x8e: {  	[smem:$0x3FBA] =	sst s2  }
0x8f: {  	_ = 	snop  }
0x90: {  	s2 =	sld [smem:$0x3FD0];
	(tm) =	ssettm $0x1  }
0x91: {  	s18 =	sld [smem:$0x3FFB];
	_ =	sdelay $0x3  }
0x92: {  	_ =	strace s18  }
0x93: {  	s3 =	sld [smem:$0x3FFC];
	_ =	sdelay $0x3  }
0x94: {  	_ =	strace s3  }
0x95: {  	s3 =	sld [smem:$0x3FFD];
	_ =	sdelay $0x3  }
0x96: {  	_ =	strace s3  }
0x97: {  	_ =	strace $0x8FFFFFFF  }
0x98: {  	s19 =	sld [smem:$0x3FDB];
	_ =	sdelay $0x1  }
0x99: {  	s4 =	simm.s32 $_scs_section_size  }
0x9a: {  	s5 =	simm.s32 $_size__tile_overlayer_lowered;
	s6 =	simm.s32 $_tile_overlayer_lowered  }
0x9b: {  	s22 =	simm.s32 $0x1BFF;
	s21 =	sshll.u32 s6, $0x1;
	s3 =	sadd.s32 s4, s19  }
0x9c: {  	s7 =	simm.s32 $0x0;
	s20 =	sshll.u32 s5, $0x1;
	s5 =	sadd.s32 s21, s3  }
0x9d: {  	[timem:s7], [sflag:s22] =	dma.local [hbm:s5], s20  }
0x9e: {  	_ =	swait.ge [sflag:s22], s20  }
0x9f: {  	s4 =	ssub.s32 $0x0, s20;
	[sflag:s22] =	ssyncset.done $0x0  }
0xa0: {  	[sflag:s22] =	ssyncadd.s32 s4;
	_ =	sdelay $0x1  }
0xa1: {  	s23 =	simm.s32 $0x1B8B  }
0xa2: {  	_ =	swait.ge [sflag:s23], $0x1  }
0xa3: {  	[sflag:s23] =	ssyncset.done $0x0  }
0xa4: {  	s25 =	simm.s32 $0x1B8E;
	s24 =	sld [smem:$0x3FFE];
	[sflag:s23] =	ssyncadd.s32 $0xFFFFFFFF  }
0xa5: {  	s26 =	simm.s32 $execute0_lowered;
	[smem:$0x3FD2] =	sst s25  }
0xa6: {  	s5 =	sshll.u32 s26, $0x1;
	_ =	strace $0x80000046;
	[dreg:$0x1] =	wrdreg $0xFFFFFFFF  }
0xa7: {  	s28 =	simm.s32 $_size_execute0_lowered;
	s3 =	sadd.s32 s3, s5;
	[dreg:$0x0] =	wrdreg $0x0  }
0xa8: {  	s5 =	sshll.u32 s28, $0x1;
	[dreg:$0x2] =	wrdreg s3  }
0xa9: {  	[dreg:$0x3] =	wrdreg s5  }
0xaa: {  	[dreg:$0x4] =	wrdreg $0xC0  }
0xab: {  	_ =	task [dreg:s7], $0x5FFFF  }
0xac: {  	[dreg:$0x1] =	wrdreg $0xFFFFFFFF  }
0xad: {  	[dreg:$0x0] =	wrdreg $0x60  }
0xae: {  	[dreg:$0x2] =	wrdreg s24  }
0xaf: {  	[dreg:$0x3] =	wrdreg s2  }
0xb0: {  	[dreg:$0x4] =	wrdreg $0xA6400  }
0xb1: {  	[dreg:$0x5] =	wrdreg $0x9  }
0xb2: {  	_ =	task.clear_ibuf [dreg:s7], $0x6FFFF;
	_ =	strace $0x90000046  }
0xb3: {  	s29 =	simm.s32 $0x9;
	_ =	strace $0x80000048  }
0xb4: {  	_ =	swait.ge [sflag:s29], $0x1  }
0xb5: {  	[sflag:s29] =	ssyncadd.s32 $0xFFFFFFFF  }
0xb6: {  	_ =	strace $0x90000048  }
0xb7: {  	_ =	sfence  }
0xb8: {  	s30 =	sld [smem:$0x0];
	_ =	sdelay $0x2  }
0xb9: {  	s31 =	sshll.u32 s1, $0xD;
	s1 =	sshrl.u32 s1, $0x2  }
0xba: {  	s3 =	sand.u32 $0x4000, s31;
	s1 =	sadd.s32 s1, s30  }
0xbb: {  	s0 =	sor.u32 s3, s0;
	s1 =	sshll.u32 s1, $0x11  }
0xbc: {  	s0 =	sor.u32 s1, s0  }
0xbd: {  	s0 =	sadd.s32 $0x8F2B, s0  }
0xbe: {  	[sflag:s0] =	ssyncadd.remote.s32 $0x1  }
0xbf: {  	_ =	sfence.sel $0xFFFF  }
0xc0: {  	[dreg:$0x0] =	wrdreg $0xFFFFFFFF;
	(pc) =	sbr.abs _section_cstart, $3  }
0xc1: {  	[dreg:$0x1] =	wrdreg $0xFFFFFFFF  }
0xc2: {  	_ =	task.clear_ibuf [dreg:s7], $0x2FFFF;
	_ =	strace $0x9FFFFFFF  }
0xc3: {  	(tm) =	ssettm $0x7FFFFFFF  }
tec
execute0_lowered:
.L_overlay_start_1:
0x0: {  	(tag) =	ssettag $0x1  }
0x1: {  	s0 =	rddreg [dreg:$0x0]  }
0x2: {  	s1 =	rddreg [dreg:$0x1]  }
0x3: {  	s2 =	rddreg [dreg:$0x2];
	s4 =	simm.s32 $0x0  }
0x4: {  	s3 =	srdreg.scid;
	s13 =	stileid.u32;
	s28 =	simm.s32 $0x1  }
0x5: {  	s29 =	simm.s32 $0xA5F0;
	s30 =	simm.s32 $0x7B70;
	s31 =	simm.s32 $0xA0  }
0x6: {  	s15 =	simm.s32 $0x5;
	s18 =	simm.s32 $0x0;
	[smem:$0x7FF] =	sst s4  }
0x7: {  	s5 =	sadd.s32 $0xC400, s0;
	s3 =	sand.u32 $0x1, s3;
	s7 =	smul.u32 $0x14C08, s13  }
0x8: {  	s6 =	sadd.s32 $0x2600, s0;
	s8 =	sadd.s32 $0x16200, s0;
	s9 =	sadd.s32 $0x8B600, s0  }
0x9: {  	s20 =	sshll.u32 s13, $0x6;
	_ =	strace $0x80000047;
	[dreg:$0x4] =	wrdreg s8  }
0xa: {  	s10 =	smul.u32 $0x14C080, s3;
	s8 =	sadd.s32 $0x64400, s0;
	s11 =	sshll.u32 s3, $0x4  }
0xb: {  	s3 =	ssub.s32 $0x2, s3;
	s17 =	sor.u32 $0x1C07, s20;
	s20 =	simm.s32 $0x7  }
0xc: {  	s11 =	sor.u32 s13, s11;
	s12 =	sshrl.u32 s3, $0x1;
	[dreg:$0x5] =	wrdreg s17  }
0xd: {  	s10 =	sadd.s32 s7, s10;
	s11 =	smul.u32 $0x2710, s11;
	s3 =	ssub.s32 s3, s12  }
0xe: {  	v0 =	vimm.s32 $0x23222120;
	s7 =	sadd.s32 s7, s2;
	s10 =	sshrl.u32 s10, $0x3;
	s26 =	smax.u32 s3, $0x1  }
0xf: {  	v4 =	vlaneseq.u32;
	v0 =	vunpack.c.0.s8.s32 v0;
	s13 =	sshrl.u32 s7, $0x3;
	s3 =	simm.s32 $0x4;
	s7 =	simm.s32 $0xA618  }
0x10: {  	vm0 =	vcmask $0xF00;
	v1 =	vimm.s32 $0x27262524;
	v3 =	vimm.s32 $0x1538;
	s0 =	sadd.s32 s10, s0;
	s21 =	sshrl.u32 s11, $0x3;
	s22 =	sadd.s32 $0x28, s11  }
0x11: {  	vm1 =	vcmask $0x1F10;
	v0 =	vnsel vm0, $0x27, v0;
	vm0 =	vcmask $0x300;
	s14 =	sadd.s32 $0x50, s11;
	s16 =	sadd.s32 $0x78, s11;
	[dreg:$0xb] =	wrdreg s26  }
0x12: {  	v1 =	vunpack.c.0.s8.s32 v1;
	v3 =	vsel vm0, $0x1180, v3;
	vm0 =	vcmask $0x704;
	s26 =	simm.s32 $0x50F0;
	s11 =	simm.s32 $0x90B0;
	[dreg:$0xc] =	wrdreg s13  }
0x13: {  	v2 =	vmul.u32 $0x88, v4;
	v3 =	vsel vm0, $0x1208, v3;
	vm0 =	vcmask $0xB08;
	s23 =	sadd.s32 s5, s21;
	s24 =	sshrl.u32 s22, $0x3;
	s12 =	sadd.s32 s6, s21  }
.Ltmp0:
0x14: {  	v0 =	vsel vm1, v1, v0;
	vm1 =	vcmask $0xF0C;
	v1 =	vsel vm0, $0x1290, v3;
	s0 =	sadd.s32 $0xB5000, s0;
	[dreg:$0x6] =	wrdreg s23;
	(pc) =	sbr.rel .LBB2_1-.Ltmp0, $4  }
0x15: {  	v4 =	vadd.s32 $0x18, v4;
	s21 =	simm.s32 $0x50;
	s22 =	simm.s32 $0x28;
	v3 =	vsel vm1, $0x1318, v1;
	vm1 =	vcmask $0x1310;
	[dreg:$0x7] =	wrdreg s12  }
0x16: {  	vm0 =	vcmask $0x3F3C;
	s25 =	sadd.s32 s5, s24;
	s10 =	sadd.s32 s6, s24;
	[dreg:$0xa] =	wrdreg s0;
	v3 =	vsel vm1, $0x13A0, v3;
	vm1 =	vcmask $0x1714  }
0x17: {  	v1 =	vadd.s32 $0x80, v2;
	s23 =	simm.s32 $0x78;
	s0 =	simm.s32 $0x2;
	[dreg:$0x8] =	wrdreg s25;
	v3 =	vsel vm1, $0x1428, v3;
	vm1 =	vcmask $0x1B18  }
0x18: {  	v2 =	vadd.s32 $0x900, v2;
	s12 =	simm.s32 $0xC8;
	[dreg:$0x9] =	wrdreg s10;
	s25 =	simm.s32 $0x28F0;
	v3 =	vsel vm1, $0x14B0, v3;
	vm1 =	vcmask $0x3F20  }
.LBB2_16:
0x19: {  	s10 =	simm.s32 $0x3  }
0x1a: {  	_ =	swait.ge [sflag:s10], $0x1540  }
0x1b: {  	[sflag:s10] =	ssyncset.done $0x0  }
0x1c: {  	[sflag:s10] =	ssyncadd.s32 $0xFFFFEAC0  }
0x1d: {  	_ =	swait.ge [sflag:s3], $0x1540  }
0x1e: {  	[sflag:s3] =	ssyncset.done $0x0  }
0x1f: {  	[sflag:s3] =	ssyncadd.s32 $0xFFFFEAC0  }
0x20: {  	[bflag:$0x0] =	sbarrier.arrive $0xFFFF  }
0x21: {  	s17 =	rddreg [dreg:$0x5]  }
0x22: {  	s19 =	rddreg [dreg:$0xa]  }
0x23: {  	s13 =	rddreg [dreg:$0xc]  }
0x24: {  	[hbm:s19], [sflag:s17] =	dma.local [spmem:s13], $0x2981  }
0x25: {  	_ =	swait.ge [sflag:s20], $0x2981  }
0x26: {  	s18 =	rddreg [dreg:$0xd]  }
0x27: {  	s24 =	rddreg [dreg:$0xb];
	s18 =	sadd.s32 $0x1, s18  }
0x28: {  	p0 =	sne.s32 s18, s24  }
.Ltmp1:
0x29: {  	_ = 	snop;
	(pc) =	sbr.rel @!p0 .LBB2_17-.Ltmp1, $3  }
0x2a: {  	_ =	sdelay $0x1  }
0x2b: {  	[sflag:s20] =	ssyncset.done $0x0  }
0x2c: {  	[sflag:s20] =	ssyncadd.s32 $0xFFFFD67F  }
.LBB2_1:
0x2d: {  	[dreg:$0xd] =	wrdreg s18  }
0x2e: {  	s10 =	rddreg [dreg:$0x4]  }
0x2f: {  	[spmem:s13], [sflag:s17] =	dma.local [hbm:s10], $0x2981  }
0x30: {  	_ =	swait.ge [sflag:s20], $0x2981  }
0x31: {  	[sflag:s20] =	ssyncset.done $0x0  }
0x32: {  	s13 =	rddreg [dreg:$0x6];
	[sflag:s20] =	ssyncadd.s32 $0xFFFFD67F  }
0x33: {  	[tilespmem:s4], [sflag:$0x7] =	stream.linear.gather [hbm4b:s13+s4], $0x28, $0x38;
	[tilespmem:$0x1F248] =	vst v63  }
0x34: {  	_ =	swait.ge [sflag:s20], $0x28  }
0x35: {  	[sflag:s20] =	ssyncset.done $0x0  }
0x36: {  	s17 =	rddreg [dreg:$0x7];
	[sflag:s20] =	ssyncadd.s32 $0xFFFFFFD8  }
0x37: {  	[tilespmem:s21], [sflag:$0x7] =	stream.linear.gather [hbm4b:s17+s4], $0x28, $0x38;
	[tilespmem:$0x1F248] =	vst v63  }
0x38: {  	_ =	swait.ge [sflag:s20], $0x28  }
0x39: {  	[sflag:s20] =	ssyncset.done $0x0  }
0x3a: {  	s18 =	rddreg [dreg:$0x8];
	[sflag:s20] =	ssyncadd.s32 $0xFFFFFFD8  }
0x3b: {  	[tilespmem:s22], [sflag:$0x7] =	stream.linear.gather [hbm4b:s18+s4], $0x28, $0x38;
	[tilespmem:$0x1F248] =	vst v63  }
0x3c: {  	_ =	swait.ge [sflag:s20], $0x28  }
0x3d: {  	[sflag:s20] =	ssyncset.done $0x0  }
0x3e: {  	s19 =	rddreg [dreg:$0x9];
	[sflag:s20] =	ssyncadd.s32 $0xFFFFFFD8  }
0x3f: {  	[tilespmem:s23], [sflag:$0x7] =	stream.linear.gather [hbm4b:s19+s4], $0x28, $0x38;
	[tilespmem:$0x1F248] =	vst v63  }
0x40: {  	_ =	swait.ge [sflag:s20], $0x28  }
0x41: {  	[sflag:s20] =	ssyncset.done $0x0  }
0x42: {  	[sflag:s20] =	ssyncadd.s32 $0xFFFFFFD8  }
0x43: {  	s24 =	simm.s32 $0xF0;
	[bflag:$0x0] =	sbarrier.arrive $0xFFFF  }
0x44: {  	[tilespmem:s24], [sflag:$0x1] =	stream.indirect.gather [hbm4b:s1+s22], $0x80, s21, s22, $0xb8;
	[tilespmem:$0x1F248] =	vst v63  }
0x45: {  	_ = 	snop  }
0x46: {  	[tilespmem:s25], [sflag:$0x1] =	stream.indirect.gather [hbm4b:s8+s22], $0x80, s4, s22, $0xb8;
	[tilespmem:$0x1F248] =	vst v63  }
0x47: {  	s18 =	simm.s32 $0x0  }
0x48: {  	[tilespmem:s26], [sflag:$0x1] =	stream.indirect.gather [hbm4b:s9+s22], $0x88, s4, s22, $0xb8;
	[tilespmem:$0x1F248] =	vst v63  }
.LBB2_2:
0x49: {  	_ =	swait.ge [sflag:s28], $0x1400  }
0x4a: {  	[sflag:s28] =	ssyncset.done $0x0  }
0x4b: {  	[sflag:s28] =	ssyncadd.s32 $0xFFFFEC00  }
0x4c: {  	_ =	swait.ge [sflag:s28], $0x1400  }
0x4d: {  	[sflag:s28] =	ssyncset.done $0x0  }
0x4e: {  	[sflag:s28] =	ssyncadd.s32 $0xFFFFEC00  }
0x4f: {  	p0 =	seq.s32 s18, $0x0;
	_ =	swait.ge [sflag:s28], $0x1540  }
0x50: {  	s10 =	simm.s32 @p0 $0x28;
	[sflag:s28] =	ssyncset.done $0x0  }
0x51: {  	s13 =	simm.s32 @p0 $0x78;
	s17 =	simm.s32 @p0 $0x14F0;
	[sflag:s28] =	ssyncadd.s32 $0xFFFFEAC0  }
0x52: {  	[tilespmem:s17], [sflag:$0x2] =	stream.indirect.gather @p0 [hbm4b:s1+s10], $0x80, s13, s10, $0xb8;
	[tilespmem:$0x1F248] =	vst v63  }
0x53: {  	s13 =	simm.s32 @p0 $0x3CF0  }
0x54: {  	[tilespmem:s13], [sflag:$0x2] =	stream.indirect.gather @p0 [hbm4b:s8+s10], $0x80, s10, s10, $0xb8;
	[tilespmem:$0x1F248] =	vst v63  }
0x55: {  	s13 =	simm.s32 @p0 $0x6630  }
0x56: {  	[tilespmem:s13], [sflag:$0x2] =	stream.indirect.gather @p0 [hbm4b:s9+s10], $0x88, s10, s10, $0xb8;
	[tilespmem:$0x1F248] =	vst v63  }
0x57: {  	s10 =	simm.s32 @!p0 $0x6  }
0x58: {  	_ =	swait.ge @!p0 [sflag:s10], $0x28  }
0x59: {  	[sflag:s10] =	ssyncset.done @!p0 $0x0  }
0x5a: {  	[sflag:s10] =	ssyncadd.s32 @!p0 $0xFFFFFFD8  }
0x5b: {  	_ =	swait.ge @!p0 [sflag:s10], $0x28  }
0x5c: {  	s17 =	simm.s32 @!p0 $0x14F0;
	[sflag:s10] =	ssyncset.done @!p0 $0x0  }
0x5d: {  	s13 =	simm.s32 @!p0 $0x78;
	[sflag:s10] =	ssyncadd.s32 @!p0 $0xFFFFFFD8;
	s10 =	simm.s32 @!p0 $0x28  }
0x5e: {  	[tilespmem:s17], [sflag:$0x2] =	stream.indirect.gather @!p0 [hbm4b:s1+s10], $0x80, s13, s10, $0xb8;
	[tilespmem:$0x1F248] =	vst v63  }
0x5f: {  	s13 =	simm.s32 @!p0 $0x3CF0  }
0x60: {  	[tilespmem:s13], [sflag:$0x2] =	stream.indirect.gather @!p0 [hbm4b:s8+s10], $0x80, s10, s10, $0xb8;
	[tilespmem:$0x1F248] =	vst v63  }
0x61: {  	s13 =	simm.s32 @!p0 $0x6630  }
0x62: {  	[tilespmem:s13], [sflag:$0x2] =	stream.indirect.gather @!p0 [hbm4b:s9+s10], $0x88, s10, s10, $0xb8;
	[tilespmem:$0x1F248] =	vst v63  }
0x63: {  	s10 =	simm.s32 @!p0 $0x3  }
0x64: {  	_ =	swait.ge @!p0 [sflag:s10], $0x1540  }
0x65: {  	[sflag:s10] =	ssyncset.done @!p0 $0x0  }
0x66: {  	s13 =	simm.s32 $0x29F0;
	[sflag:s10] =	ssyncadd.s32 @!p0 $0xFFFFEAC0  }
0x67: {  	s10 =	simm.s32 $0x1F0;
	v5 =	vld [tilespmem:s13+$0xFFFFFF00]  }
0x68: {  	v6 =	vld [tilespmem:s10+$0xFFFFFF00]  }
0x69: {  	v7 =	vld [tilespmem:s13+$0xFFFFFF10]  }
0x6a: {  	v8 =	vld [tilespmem:s10+$0xFFFFFF10]  }
0x6b: {  	v9 =	vld [tilespmem:s13+$0xFFFFFF20]  }
0x6c: {  	v10 =	vld [tilespmem:s10+$0xFFFFFF20]  }
0x6d: {  	v11 =	vld [tilespmem:s10+$0xFFFFFF30];
	v5 =	vmul.f32 v5, v6  }
0x6e: {  	v6 =	vld [tilespmem:s13+$0xFFFFFF30]  }
0x6f: {  	v25 =	vld [tilespmem:s13+$0xFFFFFF40];
	v7 =	vmul.f32 v7, v8;
	v5 =	vadd.f32 $0.0e+00, v5  }
0x70: {  	v12 =	vld [tilespmem:s10+$0xFFFFFF40]  }
0x71: {  	v26 =	vld [tilespmem:s13+$0xFFFFFF50];
	v5 =	vadd.f32 v7, v5;
	v7 =	vmul.f32 v9, v10  }
0x72: {  	v27 =	vld [tilespmem:s10+$0xFFFFFF50]  }
0x73: {  	v28 =	vld [tilespmem:s10+$0xFFFFFF60];
	v6 =	vmul.f32 v6, v11;
	v5 =	vadd.f32 v7, v5  }
0x74: {  	v7 =	vld [tilespmem:s13+$0xFFFFFF60]  }
0x75: {  	v29 =	vld [tilespmem:s13+$0xFFFFFF70];
	v5 =	vadd.f32 v6, v5;
	v6 =	vmul.f32 v25, v12  }
0x76: {  	v30 =	vld [tilespmem:s10+$0xFFFFFF70]  }
0x77: {  	v5 =	vadd.f32 v6, v5;
	v6 =	vmul.f32 v26, v27;
	_ =	sdelay $0x1  }
0x78: {  	v5 =	vadd.f32 v6, v5;
	v6 =	vmul.f32 v7, v28;
	_ =	sdelay $0x1  }
0x79: {  	v5 =	vadd.f32 v6, v5;
	v6 =	vmul.f32 v29, v30;
	_ =	sdelay $0x1  }
0x7a: {  	v5 =	vadd.f32 v6, v5;
	_ =	sdelay $0x1  }
0x7b: {  	(xrf2) =	vadd.scan.msk.f32 $0xffff, v5;
	_ =	sdelay $0x1  }
0x7c: {  	s19 =	simm.s32 $0x0  }
0x7d: {  	v5 =	vmov s19  }
0x7e: {  	v5 =	vand.u32 $0xFFFFFFFC, v5  }
0x7f: {  	v5 =	vbroadcast v5, $0x0;
	_ =	sdelay $0x4  }
0x80: {  	v6, _, _ =	vpop (xrf2)  }
0x81: {  	[tilespmem:v5+s29+$0x0] =	vst.idx.msk vm0, v6  }
0x82: {  	v5 =	vld [tilespmem:s10+$0xFFFFFF80]  }
0x83: {  	v6 =	vld [tilespmem:s13+$0xFFFFFF80]  }
0x84: {  	v7 =	vld [tilespmem:s13+$0xFFFFFF90]  }
0x85: {  	v31 =	vld [tilespmem:s10+$0xFFFFFF90]  }
0x86: {  	v32 =	vld [tilespmem:s13+$0xFFFFFFA0]  }
0x87: {  	v33 =	vld [tilespmem:s10+$0xFFFFFFA0]  }
0x88: {  	v34 =	vld [tilespmem:s10+$0xFFFFFFB0];
	v5 =	vmul.f32 v6, v5  }
0x89: {  	v6 =	vld [tilespmem:s13+$0xFFFFFFB0]  }
0x8a: {  	v35 =	vld [tilespmem:s13+$0xFFFFFFC0];
	v7 =	vmul.f32 v7, v31;
	v5 =	vadd.f32 $0.0e+00, v5  }
0x8b: {  	v36 =	vld [tilespmem:s10+$0xFFFFFFC0]  }
0x8c: {  	v37 =	vld [tilespmem:s13+$0xFFFFFFD0];
	v5 =	vadd.f32 v7, v5;
	v7 =	vmul.f32 v32, v33  }
0x8d: {  	v38 =	vld [tilespmem:s10+$0xFFFFFFD0]  }
0x8e: {  	v39 =	vld [tilespmem:s10+$0xFFFFFFE0];
	v6 =	vmul.f32 v6, v34;
	v5 =	vadd.f32 v7, v5  }
0x8f: {  	v7 =	vld [tilespmem:s13+$0xFFFFFFE0]  }
0x90: {  	v40 =	vld [tilespmem:s13+$0xFFFFFFF0];
	v5 =	vadd.f32 v6, v5;
	v6 =	vmul.f32 v35, v36  }
0x91: {  	v41 =	vld [tilespmem:s10+$0xFFFFFFF0]  }
0x92: {  	v5 =	vadd.f32 v6, v5;
	v6 =	vmul.f32 v37, v38;
	_ =	sdelay $0x1  }
0x93: {  	v5 =	vadd.f32 v6, v5;
	v6 =	vmul.f32 v7, v39;
	_ =	sdelay $0x1  }
0x94: {  	v5 =	vadd.f32 v6, v5;
	v6 =	vmul.f32 v40, v41;
	_ =	sdelay $0x1  }
0x95: {  	v5 =	vadd.f32 v6, v5;
	_ =	sdelay $0x1  }
0x96: {  	(xrf2) =	vadd.scan.msk.f32 $0xffff, v5;
	_ =	sdelay $0x1  }
0x97: {  	s24 =	simm.s32 $0x1  }
0x98: {  	v5 =	vmov s24  }
0x99: {  	v5 =	vand.u32 $0xFFFFFFFD, v5  }
0x9a: {  	v5 =	vbroadcast v5, $0x0;
	_ =	sdelay $0x4  }
0x9b: {  	v6, _, _ =	vpop (xrf2)  }
0x9c: {  	[tilespmem:v5+s29+$0x0] =	vst.idx.msk vm0, v6  }
0x9d: {  	v5 =	vld [tilespmem:s10+$0x0]  }
0x9e: {  	v6 =	vld [tilespmem:s13+$0x0]  }
0x9f: {  	v7 =	vld [tilespmem:s13+$0x10]  }
0xa0: {  	v42 =	vld [tilespmem:s10+$0x10]  }
0xa1: {  	v43 =	vld [tilespmem:s13+$0x20]  }
0xa2: {  	v44 =	vld [tilespmem:s10+$0x20]  }
0xa3: {  	v45 =	vld [tilespmem:s10+$0x30];
	v5 =	vmul.f32 v6, v5  }
0xa4: {  	v6 =	vld [tilespmem:s13+$0x30]  }
0xa5: {  	v46 =	vld [tilespmem:s13+$0x40];
	v7 =	vmul.f32 v7, v42;
	v5 =	vadd.f32 $0.0e+00, v5  }
0xa6: {  	v47 =	vld [tilespmem:s10+$0x40]  }
0xa7: {  	v48 =	vld [tilespmem:s13+$0x50];
	v5 =	vadd.f32 v7, v5;
	v7 =	vmul.f32 v43, v44  }
0xa8: {  	v49 =	vld [tilespmem:s10+$0x50]  }
0xa9: {  	v50 =	vld [tilespmem:s10+$0x60];
	v6 =	vmul.f32 v6, v45;
	v5 =	vadd.f32 v7, v5  }
0xaa: {  	v7 =	vld [tilespmem:s13+$0x60]  }
0xab: {  	v51 =	vld [tilespmem:s13+$0x70];
	v5 =	vadd.f32 v6, v5;
	v6 =	vmul.f32 v46, v47  }
0xac: {  	v52 =	vld [tilespmem:s10+$0x70]  }
0xad: {  	v5 =	vadd.f32 v6, v5;
	v6 =	vmul.f32 v48, v49;
	_ =	sdelay $0x1  }
0xae: {  	v5 =	vadd.f32 v6, v5;
	v6 =	vmul.f32 v7, v50;
	_ =	sdelay $0x1  }
0xaf: {  	v5 =	vadd.f32 v6, v5;
	v6 =	vmul.f32 v51, v52;
	_ =	sdelay $0x1  }
0xb0: {  	v5 =	vadd.f32 v6, v5;
	_ =	sdelay $0x1  }
0xb1: {  	(xrf2) =	vadd.scan.msk.f32 $0xffff, v5;
	_ =	sdelay $0x1  }
0xb2: {  	s19 =	simm.s32 $0x2  }
0xb3: {  	v5 =	vmov s19  }
0xb4: {  	v5 =	vand.u32 $0xFFFFFFFE, v5  }
0xb5: {  	v5 =	vbroadcast v5, $0x0;
	_ =	sdelay $0x4  }
0xb6: {  	v6, _, _ =	vpop (xrf2)  }
0xb7: {  	[tilespmem:v5+s29+$0x0] =	vst.idx.msk vm0, v6  }
0xb8: {  	v5 =	vld [tilespmem:s10+$0x80]  }
0xb9: {  	v6 =	vld [tilespmem:s13+$0x80]  }
0xba: {  	v7 =	vld [tilespmem:s10+$0x90]  }
0xbb: {  	v53 =	vld [tilespmem:s13+$0x90]  }
0xbc: {  	v54 =	vld [tilespmem:s10+$0xA0]  }
0xbd: {  	v55 =	vld [tilespmem:s13+$0xA0]  }
0xbe: {  	v56 =	vld [tilespmem:s13+$0xB0];
	v5 =	vmul.f32 v6, v5  }
0xbf: {  	v6 =	vld [tilespmem:s10+$0xB0]  }
0xc0: {  	v57 =	vld [tilespmem:s10+$0xC0];
	v7 =	vmul.f32 v53, v7;
	v5 =	vadd.f32 $0.0e+00, v5  }
0xc1: {  	v58 =	vld [tilespmem:s13+$0xC0]  }
0xc2: {  	v59 =	vld [tilespmem:s10+$0xD0];
	v5 =	vadd.f32 v7, v5;
	v7 =	vmul.f32 v55, v54  }
0xc3: {  	v60 =	vld [tilespmem:s13+$0xD0]  }
0xc4: {  	v61 =	vld [tilespmem:s13+$0xE0];
	v6 =	vmul.f32 v56, v6;
	v5 =	vadd.f32 v7, v5  }
0xc5: {  	v7 =	vld [tilespmem:s10+$0xE0]  }
0xc6: {  	v62 =	vld [tilespmem:s10+$0xF0];
	v5 =	vadd.f32 v6, v5;
	v6 =	vmul.f32 v58, v57  }
0xc7: {  	v63 =	vld [tilespmem:s13+$0xF0]  }
0xc8: {  	v5 =	vadd.f32 v6, v5;
	v6 =	vmul.f32 v60, v59;
	_ =	sdelay $0x1  }
0xc9: {  	v5 =	vadd.f32 v6, v5;
	v6 =	vmul.f32 v61, v7;
	_ =	sdelay $0x1  }
0xca: {  	v5 =	vadd.f32 v6, v5;
	v6 =	vmul.f32 v63, v62;
	_ =	sdelay $0x1  }
0xcb: {  	v5 =	vadd.f32 v6, v5;
	_ =	sdelay $0x1  }
0xcc: {  	(xrf2) =	vadd.scan.msk.f32 $0xffff, v5;
	_ =	sdelay $0x4  }
0xcd: {  	s24 =	simm.s32 $0x3  }
0xce: {  	s19 =	simm.s32 $0x7;
	v5 =	vmov s24  }
.LBB2_3:
0xcf: {  	p1 =	sne.s32 s19, $0x27;
	s10 =	sadd.s32 $0x200, s10;
	s13 =	sadd.s32 $0x200, s13  }
0xd0: {  	s17 =	smov.u32 s19;
	s19 =	sadd.s32 $0x4, s19;
	_ =	sdelay $0x1  }
0xd1: {  	v6, _, _ =	vpop (xrf2)  }
0xd2: {  	[tilespmem:v5+s29+$0x0] =	vst.idx.msk vm0, v6  }
0xd3: {  	v5 =	vld [tilespmem:s13+$0xFFFFFF00]  }
0xd4: {  	v6 =	vld [tilespmem:s10+$0xFFFFFF00]  }
0xd5: {  	v7 =	vld [tilespmem:s13+$0xFFFFFF10]  }
0xd6: {  	v8 =	vld [tilespmem:s10+$0xFFFFFF10]  }
0xd7: {  	v9 =	vld [tilespmem:s13+$0xFFFFFF20]  }
0xd8: {  	v10 =	vld [tilespmem:s10+$0xFFFFFF20]  }
0xd9: {  	v5 =	vmul.f32 v5, v6;
	v6 =	vld [tilespmem:s13+$0xFFFFFF30]  }
0xda: {  	v11 =	vld [tilespmem:s10+$0xFFFFFF30]  }
0xdb: {  	v5 =	vadd.f32 $0.0e+00, v5;
	v7 =	vmul.f32 v7, v8;
	v8 =	vld [tilespmem:s13+$0xFFFFFF40]  }
0xdc: {  	v12 =	vld [tilespmem:s10+$0xFFFFFF40]  }
0xdd: {  	v5 =	vadd.f32 v7, v5;
	v7 =	vmul.f32 v9, v10;
	v9 =	vld [tilespmem:s13+$0xFFFFFF50]  }
0xde: {  	v10 =	vld [tilespmem:s10+$0xFFFFFF50]  }
0xdf: {  	v5 =	vadd.f32 v7, v5;
	v6 =	vmul.f32 v6, v11;
	v7 =	vld [tilespmem:s13+$0xFFFFFF60]  }
0xe0: {  	v11 =	vld [tilespmem:s10+$0xFFFFFF60]  }
0xe1: {  	v5 =	vadd.f32 v6, v5;
	v6 =	vmul.f32 v8, v12;
	v8 =	vld [tilespmem:s13+$0xFFFFFF70]  }
0xe2: {  	v12 =	vld [tilespmem:s10+$0xFFFFFF70]  }
0xe3: {  	v5 =	vadd.f32 v6, v5;
	v6 =	vmul.f32 v9, v10;
	_ =	sdelay $0x1  }
0xe4: {  	v5 =	vadd.f32 v6, v5;
	v6 =	vmul.f32 v7, v11;
	_ =	sdelay $0x1  }
0xe5: {  	v5 =	vadd.f32 v6, v5;
	v6 =	vmul.f32 v8, v12;
	_ =	sdelay $0x1  }
0xe6: {  	v5 =	vadd.f32 v6, v5;
	_ =	sdelay $0x1  }
0xe7: {  	(xrf2) =	vadd.scan.msk.f32 $0xffff, v5;
	_ =	sdelay $0x1  }
0xe8: {  	s24 =	sadd.s32 $0xFFFFFFFD, s17  }
0xe9: {  	v5 =	vmov s24  }
0xea: {  	v5 =	vand.u32 $0xFFFFFFFC, v5  }
0xeb: {  	v5 =	vbroadcast v5, $0x0;
	_ =	sdelay $0x4  }
0xec: {  	v6, _, _ =	vpop (xrf2)  }
0xed: {  	[tilespmem:v5+s29+$0x0] =	vst.idx.msk vm0, v6  }
0xee: {  	v5 =	vld [tilespmem:s13+$0xFFFFFF90]  }
0xef: {  	v6 =	vld [tilespmem:s10+$0xFFFFFF80]  }
0xf0: {  	v7 =	vld [tilespmem:s13+$0xFFFFFF80];
	_ =	sdelay $0x1  }
0xf1: {  	v8 =	vld [tilespmem:s10+$0xFFFFFF90]  }
0xf2: {  	v9 =	vld [tilespmem:s13+$0xFFFFFFA0]  }
0xf3: {  	v10 =	vld [tilespmem:s10+$0xFFFFFFA0]  }
0xf4: {  	v6 =	vmul.f32 v7, v6;
	v7 =	vld [tilespmem:s13+$0xFFFFFFB0]  }
0xf5: {  	v11 =	vld [tilespmem:s10+$0xFFFFFFB0]  }
0xf6: {  	v6 =	vadd.f32 $0.0e+00, v6;
	v5 =	vmul.f32 v5, v8;
	v8 =	vld [tilespmem:s13+$0xFFFFFFC0]  }
0xf7: {  	v12 =	vld [tilespmem:s10+$0xFFFFFFC0]  }
0xf8: {  	v5 =	vadd.f32 v5, v6;
	v6 =	vmul.f32 v9, v10;
	v9 =	vld [tilespmem:s13+$0xFFFFFFD0]  }
0xf9: {  	v10 =	vld [tilespmem:s10+$0xFFFFFFD0]  }
0xfa: {  	v5 =	vadd.f32 v6, v5;
	v6 =	vmul.f32 v7, v11;
	v7 =	vld [tilespmem:s13+$0xFFFFFFE0]  }
0xfb: {  	v11 =	vld [tilespmem:s10+$0xFFFFFFE0]  }
0xfc: {  	v5 =	vadd.f32 v6, v5;
	v6 =	vmul.f32 v8, v12;
	v8 =	vld [tilespmem:s13+$0xFFFFFFF0]  }
0xfd: {  	v12 =	vld [tilespmem:s10+$0xFFFFFFF0]  }
0xfe: {  	v5 =	vadd.f32 v6, v5;
	v6 =	vmul.f32 v9, v10;
	_ =	sdelay $0x1  }
0xff: {  	v5 =	vadd.f32 v6, v5;
	v6 =	vmul.f32 v7, v11;
	_ =	sdelay $0x1  }
0x100: {  	v5 =	vadd.f32 v6, v5;
	v6 =	vmul.f32 v8, v12;
	_ =	sdelay $0x1  }
0x101: {  	v5 =	vadd.f32 v6, v5;
	_ =	sdelay $0x1  }
0x102: {  	(xrf2) =	vadd.scan.msk.f32 $0xffff, v5;
	_ =	sdelay $0x1  }
0x103: {  	s24 =	sadd.s32 $0xFFFFFFFE, s17  }
0x104: {  	v5 =	vmov s24  }
0x105: {  	v5 =	vand.u32 $0xFFFFFFFD, v5  }
0x106: {  	v5 =	vbroadcast v5, $0x0;
	_ =	sdelay $0x4  }
0x107: {  	v6, _, _ =	vpop (xrf2)  }
0x108: {  	[tilespmem:v5+s29+$0x0] =	vst.idx.msk vm0, v6  }
0x109: {  	v5 =	vld [tilespmem:s10+$0x0]  }
0x10a: {  	v6 =	vld [tilespmem:s13+$0x0]  }
0x10b: {  	v7 =	vld [tilespmem:s13+$0x10]  }
0x10c: {  	v8 =	vld [tilespmem:s10+$0x10]  }
0x10d: {  	v9 =	vld [tilespmem:s13+$0x20]  }
0x10e: {  	v10 =	vld [tilespmem:s10+$0x20]  }
0x10f: {  	v5 =	vmul.f32 v6, v5;
	v6 =	vld [tilespmem:s13+$0x30]  }
0x110: {  	v11 =	vld [tilespmem:s10+$0x30]  }
0x111: {  	v5 =	vadd.f32 $0.0e+00, v5;
	v7 =	vmul.f32 v7, v8;
	v8 =	vld [tilespmem:s13+$0x40]  }
0x112: {  	v12 =	vld [tilespmem:s10+$0x40]  }
0x113: {  	v5 =	vadd.f32 v7, v5;
	v7 =	vmul.f32 v9, v10;
	v9 =	vld [tilespmem:s13+$0x50]  }
0x114: {  	v10 =	vld [tilespmem:s10+$0x50]  }
0x115: {  	v5 =	vadd.f32 v7, v5;
	v6 =	vmul.f32 v6, v11;
	v7 =	vld [tilespmem:s13+$0x60]  }
0x116: {  	v11 =	vld [tilespmem:s10+$0x60]  }
0x117: {  	v5 =	vadd.f32 v6, v5;
	v6 =	vmul.f32 v8, v12;
	v8 =	vld [tilespmem:s13+$0x70]  }
0x118: {  	v12 =	vld [tilespmem:s10+$0x70]  }
0x119: {  	v5 =	vadd.f32 v6, v5;
	v6 =	vmul.f32 v9, v10;
	_ =	sdelay $0x1  }
0x11a: {  	v5 =	vadd.f32 v6, v5;
	v6 =	vmul.f32 v7, v11;
	_ =	sdelay $0x1  }
0x11b: {  	v5 =	vadd.f32 v6, v5;
	v6 =	vmul.f32 v8, v12;
	_ =	sdelay $0x1  }
0x11c: {  	v5 =	vadd.f32 v6, v5;
	_ =	sdelay $0x1  }
0x11d: {  	(xrf2) =	vadd.scan.msk.f32 $0xffff, v5;
	_ =	sdelay $0x1  }
0x11e: {  	s24 =	sadd.s32 $0xFFFFFFFF, s17  }
0x11f: {  	v5 =	vmov s24  }
0x120: {  	v5 =	vand.u32 $0xFFFFFFFE, v5  }
0x121: {  	v5 =	vbroadcast v5, $0x0;
	_ =	sdelay $0x4  }
0x122: {  	v6, _, _ =	vpop (xrf2)  }
0x123: {  	[tilespmem:v5+s29+$0x0] =	vst.idx.msk vm0, v6  }
0x124: {  	v5 =	vld [tilespmem:s10+$0x80]  }
0x125: {  	v6 =	vld [tilespmem:s13+$0x80]  }
0x126: {  	v7 =	vld [tilespmem:s10+$0x90]  }
0x127: {  	v8 =	vld [tilespmem:s13+$0x90]  }
0x128: {  	v9 =	vld [tilespmem:s10+$0xA0]  }
0x129: {  	v10 =	vld [tilespmem:s13+$0xA0]  }
0x12a: {  	v5 =	vmul.f32 v6, v5;
	v6 =	vld [tilespmem:s10+$0xB0]  }
0x12b: {  	v11 =	vld [tilespmem:s13+$0xB0]  }
0x12c: {  	v5 =	vadd.f32 $0.0e+00, v5;
	v7 =	vmul.f32 v8, v7;
	v8 =	vld [tilespmem:s10+$0xC0]  }
0x12d: {  	v12 =	vld [tilespmem:s13+$0xC0]  }
0x12e: {  	v5 =	vadd.f32 v7, v5;
	v7 =	vmul.f32 v10, v9;
	v9 =	vld [tilespmem:s10+$0xD0]  }
0x12f: {  	v10 =	vld [tilespmem:s13+$0xD0]  }
0x130: {  	v5 =	vadd.f32 v7, v5;
	v6 =	vmul.f32 v11, v6;
	v7 =	vld [tilespmem:s10+$0xE0]  }
0x131: {  	v11 =	vld [tilespmem:s13+$0xE0]  }
0x132: {  	v5 =	vadd.f32 v6, v5;
	v6 =	vmul.f32 v12, v8;
	v8 =	vld [tilespmem:s10+$0xF0]  }
0x133: {  	v12 =	vld [tilespmem:s13+$0xF0]  }
0x134: {  	v5 =	vadd.f32 v6, v5;
	v6 =	vmul.f32 v10, v9;
	_ =	sdelay $0x1  }
0x135: {  	v5 =	vadd.f32 v6, v5;
	v6 =	vmul.f32 v11, v7;
	_ =	sdelay $0x1  }
0x136: {  	v5 =	vadd.f32 v6, v5;
	v6 =	vmul.f32 v12, v8;
	_ =	sdelay $0x1  }
0x137: {  	v5 =	vadd.f32 v6, v5;
	_ =	sdelay $0x1  }
0x138: {  	(xrf2) =	vadd.scan.msk.f32 $0xffff, v5;
	_ =	sdelay $0x1  }
.Ltmp2:
0x139: {  	(pc) =	sbr.rel @p1 .LBB2_3-.Ltmp2, $2  }
0x13a: {  	_ =	sdelay $0x2  }
0x13b: {  	v5 =	vmov s17  }
0x13c: {  	_ =	sdelay $0x3  }
0x13d: {  	v6, _, _ =	vpop (xrf2)  }
0x13e: {  	[tilespmem:v5+s29+$0x0] =	vst.idx.msk vm0, v6  }
0x13f: {  	v5 =	vld [tilespmem:$0xA5F0];
	_ =	sdelay $0x4  }
0x140: {  	v5 =	vmul.f32 $8.838834610e-02, v5;
	_ =	sdelay $0x1  }
0x141: {  	v5 =	vmul.f32 $1.442695020e+00, v5;
	_ =	sdelay $0x1  }
0x142: {  	(erf) = vpow2.f32 v5;
	_ =	sdelay $0x8  }
0x143: {  	v5 =	vpop (erf)  }
0x144: {  	[tilespmem:$0xA5F0] =	vst v5  }
0x145: {  	[tilespmem:v1+s30+$0x0] =	vst.idx.msk $0xffff, v5  }
0x146: {  	v5 =	vld [tilespmem:$0xA600];
	_ =	sdelay $0x4  }
0x147: {  	v5 =	vmul.f32 $8.838834610e-02, v5;
	_ =	sdelay $0x1  }
0x148: {  	v5 =	vmul.f32 $1.442695020e+00, v5;
	_ =	sdelay $0x1  }
0x149: {  	(erf) = vpow2.f32 v5;
	_ =	sdelay $0x8  }
0x14a: {  	v5 =	vpop (erf)  }
0x14b: {  	[tilespmem:$0xA600] =	vst v5  }
0x14c: {  	[tilespmem:v2+s30+$0x0] =	vst.idx.msk $0xffff, v5  }
0x14d: {  	v5 =	vld.idx.msk [tilespmem:v0+s29+$0x0], $0xffff;
	_ =	sdelay $0x4  }
0x14e: {  	v5 =	vmul.f32 $8.838834610e-02, v5;
	_ =	sdelay $0x1  }
0x14f: {  	v5 =	vmul.f32 $1.442695020e+00, v5;
	_ =	sdelay $0x1  }
0x150: {  	(erf) = vpow2.f32 v5;
	_ =	sdelay $0x2  }
0x151: {  	s10 =	simm.s32 $0x0  }
0x152: {  	v5 =	vmov s10  }
0x153: {  	v5 =	vand.u32 $0xFFFFFFFE, v5  }
0x154: {  	v5 =	vbroadcast v5, $0x0;
	_ =	sdelay $0x2  }
0x155: {  	v6 =	vpop (erf)  }
0x156: {  	[tilespmem:v0+s29+$0x0] =	vst.idx.msk $0xff, v6  }
0x157: {  	[tilespmem:v3+s30+$0x0] =	vst.idx.msk $0xff, v6  }
0x158: {  	s10 =	simm.s32 $0x5178;
	v5 =	vld.idx.msk [tilespmem:v5+s29+$0x0], $0xffff  }
0x159: {  	v6 =	vld [tilespmem:s10+$0xFFFFFF78];
	_ =	sdelay $0x4  }
0x15a: {  	v6 =	vmul.f32 v6, v5  }
0x15b: {  	s13 =	simm.s32 $0x7BF8  }
0x15c: {  	[tilespmem:s13+$0xFFFFFF78] =	vst v6  }
0x15d: {  	v6 =	vld [tilespmem:s10+$0xFFFFFF88];
	_ =	sdelay $0x4  }
0x15e: {  	v6 =	vmul.f32 v6, v5;
	_ =	sdelay $0x1  }
0x15f: {  	[tilespmem:s13+$0xFFFFFF88] =	vst v6  }
0x160: {  	v6 =	vld [tilespmem:s10+$0xFFFFFF98];
	_ =	sdelay $0x4  }
0x161: {  	v6 =	vmul.f32 v6, v5;
	_ =	sdelay $0x1  }
0x162: {  	[tilespmem:s13+$0xFFFFFF98] =	vst v6  }
0x163: {  	v6 =	vld [tilespmem:s10+$0xFFFFFFA8];
	_ =	sdelay $0x4  }
0x164: {  	v6 =	vmul.f32 v6, v5;
	_ =	sdelay $0x1  }
0x165: {  	[tilespmem:s13+$0xFFFFFFA8] =	vst v6  }
0x166: {  	v6 =	vld [tilespmem:s10+$0xFFFFFFB8];
	_ =	sdelay $0x4  }
0x167: {  	v6 =	vmul.f32 v6, v5;
	_ =	sdelay $0x1  }
0x168: {  	[tilespmem:s13+$0xFFFFFFB8] =	vst v6  }
0x169: {  	v6 =	vld [tilespmem:s10+$0xFFFFFFC8];
	_ =	sdelay $0x4  }
0x16a: {  	v6 =	vmul.f32 v6, v5;
	_ =	sdelay $0x1  }
0x16b: {  	[tilespmem:s13+$0xFFFFFFC8] =	vst v6  }
0x16c: {  	v6 =	vld [tilespmem:s10+$0xFFFFFFD8];
	_ =	sdelay $0x4  }
0x16d: {  	v6 =	vmul.f32 v6, v5;
	_ =	sdelay $0x1  }
0x16e: {  	[tilespmem:s13+$0xFFFFFFD8] =	vst v6  }
0x16f: {  	v6 =	vld [tilespmem:s10+$0xFFFFFFE8];
	_ =	sdelay $0x1  }
0x170: {  	s17 =	simm.s32 $0x1  }
0x171: {  	v7 =	vmov s17;
	_ =	sdelay $0x1  }
0x172: {  	v5 =	vmul.f32 v6, v5;
	_ =	sdelay $0x1  }
0x173: {  	[tilespmem:s13+$0xFFFFFFE8] =	vst v5  }
0x174: {  	v5 =	vld.idx.msk [tilespmem:v7+s29+$0x0], $0xffff  }
0x175: {  	v6 =	vld [tilespmem:s10+$0x0];
	_ =	sdelay $0x4  }
0x176: {  	v6 =	vmul.f32 v6, v5;
	_ =	sdelay $0x1  }
0x177: {  	[tilespmem:s13+$0x0] =	vst v6  }
0x178: {  	v6 =	vld [tilespmem:s10+$0x10];
	_ =	sdelay $0x4  }
0x179: {  	v6 =	vmul.f32 v6, v5;
	_ =	sdelay $0x1  }
0x17a: {  	[tilespmem:s13+$0x10] =	vst v6  }
0x17b: {  	v6 =	vld [tilespmem:s10+$0x20];
	_ =	sdelay $0x4  }
0x17c: {  	v6 =	vmul.f32 v6, v5;
	_ =	sdelay $0x1  }
0x17d: {  	[tilespmem:s13+$0x20] =	vst v6  }
0x17e: {  	v6 =	vld [tilespmem:s10+$0x30];
	_ =	sdelay $0x4  }
0x17f: {  	v6 =	vmul.f32 v6, v5;
	_ =	sdelay $0x1  }
0x180: {  	[tilespmem:s13+$0x30] =	vst v6  }
0x181: {  	v6 =	vld [tilespmem:s10+$0x40];
	_ =	sdelay $0x4  }
0x182: {  	v6 =	vmul.f32 v6, v5;
	_ =	sdelay $0x1  }
0x183: {  	[tilespmem:s13+$0x40] =	vst v6  }
0x184: {  	v6 =	vld [tilespmem:s10+$0x50];
	_ =	sdelay $0x4  }
0x185: {  	v6 =	vmul.f32 v6, v5;
	_ =	sdelay $0x1  }
0x186: {  	[tilespmem:s13+$0x50] =	vst v6  }
0x187: {  	v6 =	vld [tilespmem:s10+$0x60];
	_ =	sdelay $0x4  }
0x188: {  	v6 =	vmul.f32 v6, v5;
	_ =	sdelay $0x1  }
0x189: {  	s24 =	simm.s32 $0x2;
	s19 =	simm.s32 $0x5;
	s17 =	simm.s32 $0x3;
	[tilespmem:s13+$0x60] =	vst v6  }
.LBB2_5:
0x18a: {  	p1 =	sne.s32 s19, $0x27;
	v6 =	vmov s24;
	v7 =	vld [tilespmem:s10+$0x70]  }
0x18b: {  	v6 =	vand.u32 $0xFFFFFFFE, v6  }
0x18c: {  	v6 =	vbroadcast v6, $0x0;
	_ =	sdelay $0x2  }
0x18d: {  	v5 =	vmul.f32 v7, v5;
	_ =	sdelay $0x1  }
0x18e: {  	[tilespmem:s13+$0x70] =	vst v5  }
0x18f: {  	s10 =	sadd.s32 $0x110, s10;
	v5 =	vld.idx.msk [tilespmem:v6+s29+$0x0], $0xffff  }
0x190: {  	v6 =	vld [tilespmem:s10+$0xFFFFFF78];
	_ =	sdelay $0x4  }
0x191: {  	v6 =	vmul.f32 v6, v5  }
0x192: {  	s13 =	sadd.s32 $0x110, s13  }
0x193: {  	[tilespmem:s13+$0xFFFFFF78] =	vst v6  }
0x194: {  	v6 =	vld [tilespmem:s10+$0xFFFFFF88];
	_ =	sdelay $0x4  }
0x195: {  	v6 =	vmul.f32 v6, v5;
	_ =	sdelay $0x1  }
0x196: {  	[tilespmem:s13+$0xFFFFFF88] =	vst v6  }
0x197: {  	v6 =	vld [tilespmem:s10+$0xFFFFFF98];
	_ =	sdelay $0x4  }
0x198: {  	v6 =	vmul.f32 v6, v5;
	_ =	sdelay $0x1  }
0x199: {  	[tilespmem:s13+$0xFFFFFF98] =	vst v6  }
0x19a: {  	v6 =	vld [tilespmem:s10+$0xFFFFFFA8];
	_ =	sdelay $0x4  }
0x19b: {  	v6 =	vmul.f32 v6, v5;
	_ =	sdelay $0x1  }
0x19c: {  	[tilespmem:s13+$0xFFFFFFA8] =	vst v6  }
0x19d: {  	v6 =	vld [tilespmem:s10+$0xFFFFFFB8];
	_ =	sdelay $0x4  }
0x19e: {  	v6 =	vmul.f32 v6, v5;
	_ =	sdelay $0x1  }
0x19f: {  	[tilespmem:s13+$0xFFFFFFB8] =	vst v6  }
0x1a0: {  	v6 =	vld [tilespmem:s10+$0xFFFFFFC8];
	_ =	sdelay $0x4  }
0x1a1: {  	v6 =	vmul.f32 v6, v5;
	_ =	sdelay $0x1  }
0x1a2: {  	[tilespmem:s13+$0xFFFFFFC8] =	vst v6  }
0x1a3: {  	v6 =	vld [tilespmem:s10+$0xFFFFFFD8];
	_ =	sdelay $0x4  }
0x1a4: {  	v6 =	vmul.f32 v6, v5;
	_ =	sdelay $0x1  }
0x1a5: {  	[tilespmem:s13+$0xFFFFFFD8] =	vst v6  }
0x1a6: {  	v6 =	vld [tilespmem:s10+$0xFFFFFFE8];
	_ =	sdelay $0x2  }
0x1a7: {  	v7 =	vmov s17;
	s17 =	smov.u32 s19;
	_ =	sdelay $0x1  }
0x1a8: {  	v5 =	vmul.f32 v6, v5;
	_ =	sdelay $0x1  }
0x1a9: {  	[tilespmem:s13+$0xFFFFFFE8] =	vst v5  }
0x1aa: {  	v5 =	vld.idx.msk [tilespmem:v7+s29+$0x0], $0xffff  }
0x1ab: {  	v6 =	vld [tilespmem:s10+$0x0];
	_ =	sdelay $0x4  }
0x1ac: {  	v6 =	vmul.f32 v6, v5;
	_ =	sdelay $0x1  }
0x1ad: {  	[tilespmem:s13+$0x0] =	vst v6  }
0x1ae: {  	v6 =	vld [tilespmem:s10+$0x10];
	_ =	sdelay $0x4  }
0x1af: {  	v6 =	vmul.f32 v6, v5;
	_ =	sdelay $0x1  }
0x1b0: {  	[tilespmem:s13+$0x10] =	vst v6  }
0x1b1: {  	v6 =	vld [tilespmem:s10+$0x20];
	_ =	sdelay $0x4  }
0x1b2: {  	v6 =	vmul.f32 v6, v5;
	_ =	sdelay $0x1  }
0x1b3: {  	[tilespmem:s13+$0x20] =	vst v6  }
0x1b4: {  	v6 =	vld [tilespmem:s10+$0x30];
	_ =	sdelay $0x4  }
0x1b5: {  	v6 =	vmul.f32 v6, v5;
	_ =	sdelay $0x1  }
0x1b6: {  	[tilespmem:s13+$0x30] =	vst v6  }
0x1b7: {  	v6 =	vld [tilespmem:s10+$0x40];
	_ =	sdelay $0x4  }
0x1b8: {  	v6 =	vmul.f32 v6, v5;
	_ =	sdelay $0x1  }
0x1b9: {  	[tilespmem:s13+$0x40] =	vst v6  }
0x1ba: {  	v6 =	vld [tilespmem:s10+$0x50];
	_ =	sdelay $0x4  }
0x1bb: {  	v6 =	vmul.f32 v6, v5;
	_ =	sdelay $0x1  }
0x1bc: {  	[tilespmem:s13+$0x50] =	vst v6  }
0x1bd: {  	v6 =	vld [tilespmem:s10+$0x60];
	_ =	sdelay $0x2  }
.Ltmp3:
0x1be: {  	(pc) =	sbr.rel @p1 .LBB2_5-.Ltmp3, $3  }
0x1bf: {  	_ = 	snop  }
0x1c0: {  	v6 =	vmul.f32 v6, v5;
	_ =	sdelay $0x1  }
0x1c1: {  	s19 =	sadd.s32 $0x2, s19;
	s24 =	sadd.s32 $0xFFFFFFFF, s17;
	[tilespmem:s13+$0x60] =	vst v6  }
0x1c2: {  	v6 =	vmov s24;
	v7 =	vld [tilespmem:s10+$0x70]  }
0x1c3: {  	v6 =	vand.u32 $0xFFFFFFFE, v6  }
0x1c4: {  	v6 =	vbroadcast v6, $0x0;
	_ =	sdelay $0x2  }
0x1c5: {  	v5 =	vmul.f32 v7, v5;
	_ =	sdelay $0x1  }
0x1c6: {  	[tilespmem:s13+$0x70] =	vst v5  }
0x1c7: {  	s19 =	sadd.s32 $0x110, s10;
	v5 =	vld.idx.msk [tilespmem:v6+s29+$0x0], $0xffff  }
0x1c8: {  	v6 =	vld [tilespmem:s19+$0xFFFFFF78];
	_ =	sdelay $0x4  }
0x1c9: {  	v6 =	vmul.f32 v6, v5  }
0x1ca: {  	s24 =	sadd.s32 $0x110, s13  }
0x1cb: {  	[tilespmem:s24+$0xFFFFFF78] =	vst v6  }
0x1cc: {  	v6 =	vld [tilespmem:s19+$0xFFFFFF88];
	_ =	sdelay $0x4  }
0x1cd: {  	v6 =	vmul.f32 v6, v5;
	_ =	sdelay $0x1  }
0x1ce: {  	[tilespmem:s24+$0xFFFFFF88] =	vst v6  }
0x1cf: {  	v6 =	vld [tilespmem:s19+$0xFFFFFF98];
	_ =	sdelay $0x4  }
0x1d0: {  	v6 =	vmul.f32 v6, v5;
	_ =	sdelay $0x1  }
0x1d1: {  	[tilespmem:s24+$0xFFFFFF98] =	vst v6  }
0x1d2: {  	v6 =	vld [tilespmem:s19+$0xFFFFFFA8];
	_ =	sdelay $0x4  }
0x1d3: {  	v6 =	vmul.f32 v6, v5;
	_ =	sdelay $0x1  }
0x1d4: {  	[tilespmem:s24+$0xFFFFFFA8] =	vst v6  }
0x1d5: {  	v6 =	vld [tilespmem:s19+$0xFFFFFFB8];
	_ =	sdelay $0x4  }
0x1d6: {  	v6 =	vmul.f32 v6, v5;
	_ =	sdelay $0x1  }
0x1d7: {  	[tilespmem:s24+$0xFFFFFFB8] =	vst v6  }
0x1d8: {  	v6 =	vld [tilespmem:s19+$0xFFFFFFC8];
	_ =	sdelay $0x4  }
0x1d9: {  	v6 =	vmul.f32 v6, v5;
	_ =	sdelay $0x1  }
0x1da: {  	[tilespmem:s24+$0xFFFFFFC8] =	vst v6  }
0x1db: {  	v6 =	vld [tilespmem:s19+$0xFFFFFFD8];
	_ =	sdelay $0x4  }
0x1dc: {  	v6 =	vmul.f32 v6, v5;
	_ =	sdelay $0x1  }
0x1dd: {  	[tilespmem:s24+$0xFFFFFFD8] =	vst v6  }
0x1de: {  	v6 =	vld [tilespmem:s19+$0xFFFFFFE8];
	_ =	sdelay $0x2  }
0x1df: {  	v7 =	vmov s17;
	_ =	sdelay $0x1  }
0x1e0: {  	v5 =	vmul.f32 v6, v5;
	_ =	sdelay $0x1  }
0x1e1: {  	[tilespmem:s24+$0xFFFFFFE8] =	vst v5  }
0x1e2: {  	v5 =	vld.idx.msk [tilespmem:v7+s29+$0x0], $0xffff  }
0x1e3: {  	v6 =	vld [tilespmem:s19+$0x0];
	_ =	sdelay $0x4  }
0x1e4: {  	v6 =	vmul.f32 v6, v5;
	_ =	sdelay $0x1  }
0x1e5: {  	[tilespmem:s24+$0x0] =	vst v6  }
0x1e6: {  	v6 =	vld [tilespmem:s19+$0x10];
	_ =	sdelay $0x4  }
0x1e7: {  	v6 =	vmul.f32 v6, v5;
	_ =	sdelay $0x1  }
0x1e8: {  	[tilespmem:s24+$0x10] =	vst v6  }
0x1e9: {  	v6 =	vld [tilespmem:s19+$0x20];
	_ =	sdelay $0x4  }
0x1ea: {  	v6 =	vmul.f32 v6, v5;
	_ =	sdelay $0x1  }
0x1eb: {  	[tilespmem:s24+$0x20] =	vst v6  }
0x1ec: {  	v6 =	vld [tilespmem:s19+$0x30];
	_ =	sdelay $0x4  }
0x1ed: {  	v6 =	vmul.f32 v6, v5;
	_ =	sdelay $0x1  }
0x1ee: {  	[tilespmem:s24+$0x30] =	vst v6  }
0x1ef: {  	v6 =	vld [tilespmem:s19+$0x40];
	_ =	sdelay $0x4  }
0x1f0: {  	v6 =	vmul.f32 v6, v5;
	_ =	sdelay $0x1  }
0x1f1: {  	[tilespmem:s24+$0x40] =	vst v6  }
0x1f2: {  	v6 =	vld [tilespmem:s19+$0x50];
	_ =	sdelay $0x4  }
0x1f3: {  	v6 =	vmul.f32 v6, v5;
	_ =	sdelay $0x1  }
0x1f4: {  	[tilespmem:s24+$0x50] =	vst v6  }
0x1f5: {  	v6 =	vld [tilespmem:s19+$0x60];
	_ =	sdelay $0x4  }
0x1f6: {  	v6 =	vmul.f32 v6, v5;
	_ =	sdelay $0x1  }
0x1f7: {  	[tilespmem:s24+$0x60] =	vst v6  }
0x1f8: {  	v6 =	vld [tilespmem:s19+$0x70];
	_ =	sdelay $0x4  }
0x1f9: {  	v5 =	vmul.f32 v6, v5;
	_ =	sdelay $0x1  }
0x1fa: {  	[tilespmem:s24+$0x70] =	vst v5  }
0x1fb: {  	v5 =	vld [tilespmem:$0x50]  }
0x1fc: {  	v6 =	vld [tilespmem:$0x60]  }
0x1fd: {  	v7 =	vld [tilespmem:$0x68]  }
0x1fe: {  	p1 =	sne.s32 s18, $0x7C  }
.Ltmp4:
0x1ff: {  	_ = 	snop;
	(pc) =	sbr.rel @p1 .LBB2_8-.Ltmp4, $4  }
0x200: {  	[tilespmem:$0xA0] =	vst v5  }
0x201: {  	[tilespmem:$0xB0] =	vst v6  }
0x202: {  	[tilespmem:v4+s31+$0x0] =	vst.idx.msk vm1, v7  }
0x203: {  	[spmem:s2] =	stream.indirect.scatter.add.f32 [tilespmem:s30], [sflag:$0x3], $0x88, s31, s22, $0xb8;
	[tilespmem:$0x1F248] =	vst v63  }
0x204: {  	_ =	swait.ge [sflag:s0], $0x1400  }
0x205: {  	[sflag:s0] =	ssyncset.done $0x0  }
0x206: {  	[sflag:s0] =	ssyncadd.s32 $0xFFFFEC00  }
0x207: {  	_ =	swait.ge [sflag:s0], $0x1400  }
.Ltmp5:
0x208: {  	[sflag:s0] =	ssyncset.done $0x0;
	(pc) =	sbr.rel .LBB2_9-.Ltmp5, $4  }
0x209: {  	[sflag:s0] =	ssyncadd.s32 $0xFFFFEC00  }
0x20a: {  	_ =	swait.ge [sflag:s0], $0x1540  }
0x20b: {  	[sflag:s0] =	ssyncset.done $0x0  }
0x20c: {  	[sflag:s0] =	ssyncadd.s32 $0xFFFFEAC0  }
.LBB2_8:
0x20d: {  	s10 =	smul.u32 $0x50, s18;
	_ =	sdelay $0x1  }
0x20e: {  	s10 =	sadd.s32 s10, s14  }
0x20f: {  	s10 =	sshrl.u32 s10, $0x3  }
0x210: {  	s13 =	sadd.s32 s5, s10  }
0x211: {  	[tilespmem:s4], [sflag:$0x5] =	stream.linear.gather [hbm4b:s13+s4], $0x28, $0x38;
	[tilespmem:$0x1F248] =	vst v63  }
0x212: {  	s10 =	sadd.s32 s6, s10  }
0x213: {  	[tilespmem:s21], [sflag:$0x5] =	stream.linear.gather [hbm4b:s10+s4], $0x28, $0x38;
	[tilespmem:$0x1F248] =	vst v63  }
0x214: {  	_ =	swait.ge [sflag:s0], $0x1400  }
0x215: {  	[sflag:s0] =	ssyncset.done $0x0  }
0x216: {  	[sflag:s0] =	ssyncadd.s32 $0xFFFFEC00  }
0x217: {  	_ =	swait.ge [sflag:s0], $0x1400  }
0x218: {  	[sflag:s0] =	ssyncset.done $0x0  }
0x219: {  	[sflag:s0] =	ssyncadd.s32 $0xFFFFEC00  }
0x21a: {  	_ =	swait.ge [sflag:s0], $0x1540  }
0x21b: {  	[sflag:s0] =	ssyncset.done $0x0  }
0x21c: {  	[sflag:s0] =	ssyncadd.s32 $0xFFFFEAC0  }
0x21d: {  	_ =	swait.ge [sflag:s15], $0x28  }
0x21e: {  	[sflag:s15] =	ssyncset.done $0x0  }
0x21f: {  	[sflag:s15] =	ssyncadd.s32 $0xFFFFFFD8  }
0x220: {  	_ =	swait.ge [sflag:s15], $0x28  }
0x221: {  	[sflag:s15] =	ssyncset.done $0x0  }
0x222: {  	s24 =	simm.s32 $0xF0;
	[sflag:s15] =	ssyncadd.s32 $0xFFFFFFD8  }
0x223: {  	[tilespmem:s24], [sflag:$0x1] =	stream.indirect.gather [hbm4b:s1+s22], $0x80, s21, s22, $0xb8;
	[tilespmem:$0x1F248] =	vst v63  }
.Ltmp6:
0x224: {  	_ = 	snop;
	(pc) =	sbr.rel @p0 .LBB2_10-.Ltmp6, $4  }
0x225: {  	_ = 	snop  }
0x226: {  	[tilespmem:s25], [sflag:$0x1] =	stream.indirect.gather [hbm4b:s8+s22], $0x80, s4, s22, $0xb8;
	[tilespmem:$0x1F248] =	vst v63  }
0x227: {  	_ = 	snop  }
0x228: {  	[tilespmem:s26], [sflag:$0x1] =	stream.indirect.gather [hbm4b:s9+s22], $0x88, s4, s22, $0xb8;
	[tilespmem:$0x1F248] =	vst v63  }
.LBB2_9:
0x229: {  	_ =	swait.ge [sflag:s3], $0x1540  }
0x22a: {  	[sflag:s3] =	ssyncset.done $0x0  }
0x22b: {  	[sflag:s3] =	ssyncadd.s32 $0xFFFFEAC0  }
.LBB2_10:
0x22c: {  	s13 =	simm.s32 $0x3DF0  }
0x22d: {  	s10 =	simm.s32 $0x15F0;
	v5 =	vld [tilespmem:s13+$0xFFFFFF00]  }
0x22e: {  	v6 =	vld [tilespmem:s10+$0xFFFFFF00]  }
0x22f: {  	v7 =	vld [tilespmem:s13+$0xFFFFFF10]  }
0x230: {  	v8 =	vld [tilespmem:s10+$0xFFFFFF10]  }
0x231: {  	v9 =	vld [tilespmem:s13+$0xFFFFFF20]  }
0x232: {  	v10 =	vld [tilespmem:s10+$0xFFFFFF20]  }
0x233: {  	v11 =	vld [tilespmem:s10+$0xFFFFFF30];
	v5 =	vmul.f32 v5, v6  }
0x234: {  	v6 =	vld [tilespmem:s13+$0xFFFFFF30]  }
0x235: {  	v25 =	vld [tilespmem:s13+$0xFFFFFF40];
	v7 =	vmul.f32 v7, v8;
	v5 =	vadd.f32 $0.0e+00, v5  }
0x236: {  	v12 =	vld [tilespmem:s10+$0xFFFFFF40]  }
0x237: {  	v26 =	vld [tilespmem:s13+$0xFFFFFF50];
	v5 =	vadd.f32 v7, v5;
	v7 =	vmul.f32 v9, v10  }
0x238: {  	v27 =	vld [tilespmem:s10+$0xFFFFFF50]  }
0x239: {  	v28 =	vld [tilespmem:s10+$0xFFFFFF60];
	v6 =	vmul.f32 v6, v11;
	v5 =	vadd.f32 v7, v5  }
0x23a: {  	v7 =	vld [tilespmem:s13+$0xFFFFFF60]  }
0x23b: {  	v29 =	vld [tilespmem:s13+$0xFFFFFF70];
	v5 =	vadd.f32 v6, v5;
	v6 =	vmul.f32 v25, v12  }
0x23c: {  	v30 =	vld [tilespmem:s10+$0xFFFFFF70]  }
0x23d: {  	v5 =	vadd.f32 v6, v5;
	v6 =	vmul.f32 v26, v27;
	_ =	sdelay $0x1  }
0x23e: {  	v5 =	vadd.f32 v6, v5;
	v6 =	vmul.f32 v7, v28;
	_ =	sdelay $0x1  }
0x23f: {  	v5 =	vadd.f32 v6, v5;
	v6 =	vmul.f32 v29, v30;
	_ =	sdelay $0x1  }
0x240: {  	v5 =	vadd.f32 v6, v5;
	_ =	sdelay $0x1  }
0x241: {  	(xrf2) =	vadd.scan.msk.f32 $0xffff, v5;
	_ =	sdelay $0x1  }
0x242: {  	s17 =	simm.s32 $0x0  }
0x243: {  	v5 =	vmov s17  }
0x244: {  	v5 =	vand.u32 $0xFFFFFFFC, v5  }
0x245: {  	v5 =	vbroadcast v5, $0x0;
	_ =	sdelay $0x4  }
0x246: {  	v6, _, _ =	vpop (xrf2)  }
0x247: {  	[tilespmem:v5+s7+$0x0] =	vst.idx.msk vm0, v6  }
0x248: {  	v5 =	vld [tilespmem:s10+$0xFFFFFF80]  }
0x249: {  	v6 =	vld [tilespmem:s13+$0xFFFFFF80]  }
0x24a: {  	v7 =	vld [tilespmem:s13+$0xFFFFFF90]  }
0x24b: {  	v31 =	vld [tilespmem:s10+$0xFFFFFF90]  }
0x24c: {  	v32 =	vld [tilespmem:s13+$0xFFFFFFA0]  }
0x24d: {  	v33 =	vld [tilespmem:s10+$0xFFFFFFA0]  }
0x24e: {  	v34 =	vld [tilespmem:s10+$0xFFFFFFB0];
	v5 =	vmul.f32 v6, v5  }
0x24f: {  	v6 =	vld [tilespmem:s13+$0xFFFFFFB0]  }
0x250: {  	v35 =	vld [tilespmem:s13+$0xFFFFFFC0];
	v7 =	vmul.f32 v7, v31;
	v5 =	vadd.f32 $0.0e+00, v5  }
0x251: {  	v36 =	vld [tilespmem:s10+$0xFFFFFFC0]  }
0x252: {  	v37 =	vld [tilespmem:s13+$0xFFFFFFD0];
	v5 =	vadd.f32 v7, v5;
	v7 =	vmul.f32 v32, v33  }
0x253: {  	v38 =	vld [tilespmem:s10+$0xFFFFFFD0]  }
0x254: {  	v39 =	vld [tilespmem:s10+$0xFFFFFFE0];
	v6 =	vmul.f32 v6, v34;
	v5 =	vadd.f32 v7, v5  }
0x255: {  	v7 =	vld [tilespmem:s13+$0xFFFFFFE0]  }
0x256: {  	v40 =	vld [tilespmem:s13+$0xFFFFFFF0];
	v5 =	vadd.f32 v6, v5;
	v6 =	vmul.f32 v35, v36  }
0x257: {  	v41 =	vld [tilespmem:s10+$0xFFFFFFF0]  }
0x258: {  	v5 =	vadd.f32 v6, v5;
	v6 =	vmul.f32 v37, v38;
	_ =	sdelay $0x1  }
0x259: {  	v5 =	vadd.f32 v6, v5;
	v6 =	vmul.f32 v7, v39;
	_ =	sdelay $0x1  }
0x25a: {  	v5 =	vadd.f32 v6, v5;
	v6 =	vmul.f32 v40, v41;
	_ =	sdelay $0x1  }
0x25b: {  	v5 =	vadd.f32 v6, v5;
	_ =	sdelay $0x1  }
0x25c: {  	(xrf2) =	vadd.scan.msk.f32 $0xffff, v5;
	_ =	sdelay $0x1  }
0x25d: {  	s24 =	simm.s32 $0x1  }
0x25e: {  	v5 =	vmov s24  }
0x25f: {  	v5 =	vand.u32 $0xFFFFFFFD, v5  }
0x260: {  	v5 =	vbroadcast v5, $0x0;
	_ =	sdelay $0x4  }
0x261: {  	v6, _, _ =	vpop (xrf2)  }
0x262: {  	[tilespmem:v5+s7+$0x0] =	vst.idx.msk vm0, v6  }
0x263: {  	v5 =	vld [tilespmem:s10+$0x0]  }
0x264: {  	v6 =	vld [tilespmem:s13+$0x0]  }
0x265: {  	v7 =	vld [tilespmem:s13+$0x10]  }
0x266: {  	v42 =	vld [tilespmem:s10+$0x10]  }
0x267: {  	v43 =	vld [tilespmem:s13+$0x20]  }
0x268: {  	v44 =	vld [tilespmem:s10+$0x20]  }
0x269: {  	v45 =	vld [tilespmem:s10+$0x30];
	v5 =	vmul.f32 v6, v5  }
0x26a: {  	v6 =	vld [tilespmem:s13+$0x30]  }
0x26b: {  	v46 =	vld [tilespmem:s13+$0x40];
	v7 =	vmul.f32 v7, v42;
	v5 =	vadd.f32 $0.0e+00, v5  }
0x26c: {  	v47 =	vld [tilespmem:s10+$0x40]  }
0x26d: {  	v48 =	vld [tilespmem:s13+$0x50];
	v5 =	vadd.f32 v7, v5;
	v7 =	vmul.f32 v43, v44  }
0x26e: {  	v49 =	vld [tilespmem:s10+$0x50]  }
0x26f: {  	v50 =	vld [tilespmem:s10+$0x60];
	v6 =	vmul.f32 v6, v45;
	v5 =	vadd.f32 v7, v5  }
0x270: {  	v7 =	vld [tilespmem:s13+$0x60]  }
0x271: {  	v51 =	vld [tilespmem:s13+$0x70];
	v5 =	vadd.f32 v6, v5;
	v6 =	vmul.f32 v46, v47  }
0x272: {  	v52 =	vld [tilespmem:s10+$0x70]  }
0x273: {  	v5 =	vadd.f32 v6, v5;
	v6 =	vmul.f32 v48, v49;
	_ =	sdelay $0x1  }
0x274: {  	v5 =	vadd.f32 v6, v5;
	v6 =	vmul.f32 v7, v50;
	_ =	sdelay $0x1  }
0x275: {  	v5 =	vadd.f32 v6, v5;
	v6 =	vmul.f32 v51, v52;
	_ =	sdelay $0x1  }
0x276: {  	v5 =	vadd.f32 v6, v5;
	_ =	sdelay $0x1  }
0x277: {  	(xrf2) =	vadd.scan.msk.f32 $0xffff, v5;
	_ =	sdelay $0x1  }
0x278: {  	s19 =	simm.s32 $0x2  }
0x279: {  	v5 =	vmov s19  }
0x27a: {  	v5 =	vand.u32 $0xFFFFFFFE, v5  }
0x27b: {  	v5 =	vbroadcast v5, $0x0;
	_ =	sdelay $0x4  }
0x27c: {  	v6, _, _ =	vpop (xrf2)  }
0x27d: {  	[tilespmem:v5+s7+$0x0] =	vst.idx.msk vm0, v6  }
0x27e: {  	v5 =	vld [tilespmem:s10+$0x80]  }
0x27f: {  	v6 =	vld [tilespmem:s13+$0x80]  }
0x280: {  	v7 =	vld [tilespmem:s10+$0x90]  }
0x281: {  	v53 =	vld [tilespmem:s13+$0x90]  }
0x282: {  	v54 =	vld [tilespmem:s10+$0xA0]  }
0x283: {  	v55 =	vld [tilespmem:s13+$0xA0]  }
0x284: {  	v56 =	vld [tilespmem:s13+$0xB0];
	v5 =	vmul.f32 v6, v5  }
0x285: {  	v6 =	vld [tilespmem:s10+$0xB0]  }
0x286: {  	v57 =	vld [tilespmem:s10+$0xC0];
	v7 =	vmul.f32 v53, v7;
	v5 =	vadd.f32 $0.0e+00, v5  }
0x287: {  	v58 =	vld [tilespmem:s13+$0xC0]  }
0x288: {  	v59 =	vld [tilespmem:s10+$0xD0];
	v5 =	vadd.f32 v7, v5;
	v7 =	vmul.f32 v55, v54  }
0x289: {  	v60 =	vld [tilespmem:s13+$0xD0]  }
0x28a: {  	v61 =	vld [tilespmem:s13+$0xE0];
	v6 =	vmul.f32 v56, v6;
	v5 =	vadd.f32 v7, v5  }
0x28b: {  	v7 =	vld [tilespmem:s10+$0xE0]  }
0x28c: {  	v62 =	vld [tilespmem:s10+$0xF0];
	v5 =	vadd.f32 v6, v5;
	v6 =	vmul.f32 v58, v57  }
0x28d: {  	v63 =	vld [tilespmem:s13+$0xF0]  }
0x28e: {  	v5 =	vadd.f32 v6, v5;
	v6 =	vmul.f32 v60, v59;
	_ =	sdelay $0x1  }
0x28f: {  	v5 =	vadd.f32 v6, v5;
	v6 =	vmul.f32 v61, v7;
	_ =	sdelay $0x1  }
0x290: {  	v5 =	vadd.f32 v6, v5;
	v6 =	vmul.f32 v63, v62;
	_ =	sdelay $0x1  }
0x291: {  	v5 =	vadd.f32 v6, v5;
	_ =	sdelay $0x1  }
0x292: {  	(xrf2) =	vadd.scan.msk.f32 $0xffff, v5;
	_ =	sdelay $0x4  }
0x293: {  	s24 =	simm.s32 $0x3  }
0x294: {  	s19 =	simm.s32 $0x7;
	v5 =	vmov s24  }
.LBB2_11:
0x295: {  	p0 =	sne.s32 s19, $0x27;
	s10 =	sadd.s32 $0x200, s10;
	s13 =	sadd.s32 $0x200, s13  }
0x296: {  	s17 =	smov.u32 s19;
	s19 =	sadd.s32 $0x4, s19;
	_ =	sdelay $0x1  }
0x297: {  	v6, _, _ =	vpop (xrf2)  }
0x298: {  	[tilespmem:v5+s7+$0x0] =	vst.idx.msk vm0, v6  }
0x299: {  	v5 =	vld [tilespmem:s13+$0xFFFFFF00]  }
0x29a: {  	v6 =	vld [tilespmem:s10+$0xFFFFFF00]  }
0x29b: {  	v7 =	vld [tilespmem:s13+$0xFFFFFF10]  }
0x29c: {  	v8 =	vld [tilespmem:s10+$0xFFFFFF10]  }
0x29d: {  	v9 =	vld [tilespmem:s13+$0xFFFFFF20]  }
0x29e: {  	v10 =	vld [tilespmem:s10+$0xFFFFFF20]  }
0x29f: {  	v5 =	vmul.f32 v5, v6;
	v6 =	vld [tilespmem:s13+$0xFFFFFF30]  }
0x2a0: {  	v11 =	vld [tilespmem:s10+$0xFFFFFF30]  }
0x2a1: {  	v5 =	vadd.f32 $0.0e+00, v5;
	v7 =	vmul.f32 v7, v8;
	v8 =	vld [tilespmem:s13+$0xFFFFFF40]  }
0x2a2: {  	v12 =	vld [tilespmem:s10+$0xFFFFFF40]  }
0x2a3: {  	v5 =	vadd.f32 v7, v5;
	v7 =	vmul.f32 v9, v10;
	v9 =	vld [tilespmem:s13+$0xFFFFFF50]  }
0x2a4: {  	v10 =	vld [tilespmem:s10+$0xFFFFFF50]  }
0x2a5: {  	v5 =	vadd.f32 v7, v5;
	v6 =	vmul.f32 v6, v11;
	v7 =	vld [tilespmem:s13+$0xFFFFFF60]  }
0x2a6: {  	v11 =	vld [tilespmem:s10+$0xFFFFFF60]  }
0x2a7: {  	v5 =	vadd.f32 v6, v5;
	v6 =	vmul.f32 v8, v12;
	v8 =	vld [tilespmem:s13+$0xFFFFFF70]  }
0x2a8: {  	v12 =	vld [tilespmem:s10+$0xFFFFFF70]  }
0x2a9: {  	v5 =	vadd.f32 v6, v5;
	v6 =	vmul.f32 v9, v10;
	_ =	sdelay $0x1  }
0x2aa: {  	v5 =	vadd.f32 v6, v5;
	v6 =	vmul.f32 v7, v11;
	_ =	sdelay $0x1  }
0x2ab: {  	v5 =	vadd.f32 v6, v5;
	v6 =	vmul.f32 v8, v12;
	_ =	sdelay $0x1  }
0x2ac: {  	v5 =	vadd.f32 v6, v5;
	_ =	sdelay $0x1  }
0x2ad: {  	(xrf2) =	vadd.scan.msk.f32 $0xffff, v5;
	_ =	sdelay $0x1  }
0x2ae: {  	s24 =	sadd.s32 $0xFFFFFFFD, s17  }
0x2af: {  	v5 =	vmov s24  }
0x2b0: {  	v5 =	vand.u32 $0xFFFFFFFC, v5  }
0x2b1: {  	v5 =	vbroadcast v5, $0x0;
	_ =	sdelay $0x4  }
0x2b2: {  	v6, _, _ =	vpop (xrf2)  }
0x2b3: {  	[tilespmem:v5+s7+$0x0] =	vst.idx.msk vm0, v6  }
0x2b4: {  	v5 =	vld [tilespmem:s13+$0xFFFFFF90]  }
0x2b5: {  	v6 =	vld [tilespmem:s10+$0xFFFFFF80]  }
0x2b6: {  	v7 =	vld [tilespmem:s13+$0xFFFFFF80];
	_ =	sdelay $0x1  }
0x2b7: {  	v8 =	vld [tilespmem:s10+$0xFFFFFF90]  }
0x2b8: {  	v9 =	vld [tilespmem:s13+$0xFFFFFFA0]  }
0x2b9: {  	v10 =	vld [tilespmem:s10+$0xFFFFFFA0]  }
0x2ba: {  	v6 =	vmul.f32 v7, v6;
	v7 =	vld [tilespmem:s13+$0xFFFFFFB0]  }
0x2bb: {  	v11 =	vld [tilespmem:s10+$0xFFFFFFB0]  }
0x2bc: {  	v6 =	vadd.f32 $0.0e+00, v6;
	v5 =	vmul.f32 v5, v8;
	v8 =	vld [tilespmem:s13+$0xFFFFFFC0]  }
0x2bd: {  	v12 =	vld [tilespmem:s10+$0xFFFFFFC0]  }
0x2be: {  	v5 =	vadd.f32 v5, v6;
	v6 =	vmul.f32 v9, v10;
	v9 =	vld [tilespmem:s13+$0xFFFFFFD0]  }
0x2bf: {  	v10 =	vld [tilespmem:s10+$0xFFFFFFD0]  }
0x2c0: {  	v5 =	vadd.f32 v6, v5;
	v6 =	vmul.f32 v7, v11;
	v7 =	vld [tilespmem:s13+$0xFFFFFFE0]  }
0x2c1: {  	v11 =	vld [tilespmem:s10+$0xFFFFFFE0]  }
0x2c2: {  	v5 =	vadd.f32 v6, v5;
	v6 =	vmul.f32 v8, v12;
	v8 =	vld [tilespmem:s13+$0xFFFFFFF0]  }
0x2c3: {  	v12 =	vld [tilespmem:s10+$0xFFFFFFF0]  }
0x2c4: {  	v5 =	vadd.f32 v6, v5;
	v6 =	vmul.f32 v9, v10;
	_ =	sdelay $0x1  }
0x2c5: {  	v5 =	vadd.f32 v6, v5;
	v6 =	vmul.f32 v7, v11;
	_ =	sdelay $0x1  }
0x2c6: {  	v5 =	vadd.f32 v6, v5;
	v6 =	vmul.f32 v8, v12;
	_ =	sdelay $0x1  }
0x2c7: {  	v5 =	vadd.f32 v6, v5;
	_ =	sdelay $0x1  }
0x2c8: {  	(xrf2) =	vadd.scan.msk.f32 $0xffff, v5;
	_ =	sdelay $0x1  }
0x2c9: {  	s24 =	sadd.s32 $0xFFFFFFFE, s17  }
0x2ca: {  	v5 =	vmov s24  }
0x2cb: {  	v5 =	vand.u32 $0xFFFFFFFD, v5  }
0x2cc: {  	v5 =	vbroadcast v5, $0x0;
	_ =	sdelay $0x4  }
0x2cd: {  	v6, _, _ =	vpop (xrf2)  }
0x2ce: {  	[tilespmem:v5+s7+$0x0] =	vst.idx.msk vm0, v6  }
0x2cf: {  	v5 =	vld [tilespmem:s10+$0x0]  }
0x2d0: {  	v6 =	vld [tilespmem:s13+$0x0]  }
0x2d1: {  	v7 =	vld [tilespmem:s13+$0x10]  }
0x2d2: {  	v8 =	vld [tilespmem:s10+$0x10]  }
0x2d3: {  	v9 =	vld [tilespmem:s13+$0x20]  }
0x2d4: {  	v10 =	vld [tilespmem:s10+$0x20]  }
0x2d5: {  	v5 =	vmul.f32 v6, v5;
	v6 =	vld [tilespmem:s13+$0x30]  }
0x2d6: {  	v11 =	vld [tilespmem:s10+$0x30]  }
0x2d7: {  	v5 =	vadd.f32 $0.0e+00, v5;
	v7 =	vmul.f32 v7, v8;
	v8 =	vld [tilespmem:s13+$0x40]  }
0x2d8: {  	v12 =	vld [tilespmem:s10+$0x40]  }
0x2d9: {  	v5 =	vadd.f32 v7, v5;
	v7 =	vmul.f32 v9, v10;
	v9 =	vld [tilespmem:s13+$0x50]  }
0x2da: {  	v10 =	vld [tilespmem:s10+$0x50]  }
0x2db: {  	v5 =	vadd.f32 v7, v5;
	v6 =	vmul.f32 v6, v11;
	v7 =	vld [tilespmem:s13+$0x60]  }
0x2dc: {  	v11 =	vld [tilespmem:s10+$0x60]  }
0x2dd: {  	v5 =	vadd.f32 v6, v5;
	v6 =	vmul.f32 v8, v12;
	v8 =	vld [tilespmem:s13+$0x70]  }
0x2de: {  	v12 =	vld [tilespmem:s10+$0x70]  }
0x2df: {  	v5 =	vadd.f32 v6, v5;
	v6 =	vmul.f32 v9, v10;
	_ =	sdelay $0x1  }
0x2e0: {  	v5 =	vadd.f32 v6, v5;
	v6 =	vmul.f32 v7, v11;
	_ =	sdelay $0x1  }
0x2e1: {  	v5 =	vadd.f32 v6, v5;
	v6 =	vmul.f32 v8, v12;
	_ =	sdelay $0x1  }
0x2e2: {  	v5 =	vadd.f32 v6, v5;
	_ =	sdelay $0x1  }
0x2e3: {  	(xrf2) =	vadd.scan.msk.f32 $0xffff, v5;
	_ =	sdelay $0x1  }
0x2e4: {  	s24 =	sadd.s32 $0xFFFFFFFF, s17  }
0x2e5: {  	v5 =	vmov s24  }
0x2e6: {  	v5 =	vand.u32 $0xFFFFFFFE, v5  }
0x2e7: {  	v5 =	vbroadcast v5, $0x0;
	_ =	sdelay $0x4  }
0x2e8: {  	v6, _, _ =	vpop (xrf2)  }
0x2e9: {  	[tilespmem:v5+s7+$0x0] =	vst.idx.msk vm0, v6  }
0x2ea: {  	v5 =	vld [tilespmem:s10+$0x80]  }
0x2eb: {  	v6 =	vld [tilespmem:s13+$0x80]  }
0x2ec: {  	v7 =	vld [tilespmem:s10+$0x90]  }
0x2ed: {  	v8 =	vld [tilespmem:s13+$0x90]  }
0x2ee: {  	v9 =	vld [tilespmem:s10+$0xA0]  }
0x2ef: {  	v10 =	vld [tilespmem:s13+$0xA0]  }
0x2f0: {  	v5 =	vmul.f32 v6, v5;
	v6 =	vld [tilespmem:s10+$0xB0]  }
0x2f1: {  	v11 =	vld [tilespmem:s13+$0xB0]  }
0x2f2: {  	v5 =	vadd.f32 $0.0e+00, v5;
	v7 =	vmul.f32 v8, v7;
	v8 =	vld [tilespmem:s10+$0xC0]  }
0x2f3: {  	v12 =	vld [tilespmem:s13+$0xC0]  }
0x2f4: {  	v5 =	vadd.f32 v7, v5;
	v7 =	vmul.f32 v10, v9;
	v9 =	vld [tilespmem:s10+$0xD0]  }
0x2f5: {  	v10 =	vld [tilespmem:s13+$0xD0]  }
0x2f6: {  	v5 =	vadd.f32 v7, v5;
	v6 =	vmul.f32 v11, v6;
	v7 =	vld [tilespmem:s10+$0xE0]  }
0x2f7: {  	v11 =	vld [tilespmem:s13+$0xE0]  }
0x2f8: {  	v5 =	vadd.f32 v6, v5;
	v6 =	vmul.f32 v12, v8;
	v8 =	vld [tilespmem:s10+$0xF0]  }
0x2f9: {  	v12 =	vld [tilespmem:s13+$0xF0]  }
0x2fa: {  	v5 =	vadd.f32 v6, v5;
	v6 =	vmul.f32 v10, v9;
	_ =	sdelay $0x1  }
0x2fb: {  	v5 =	vadd.f32 v6, v5;
	v6 =	vmul.f32 v11, v7;
	_ =	sdelay $0x1  }
0x2fc: {  	v5 =	vadd.f32 v6, v5;
	v6 =	vmul.f32 v12, v8;
	_ =	sdelay $0x1  }
0x2fd: {  	v5 =	vadd.f32 v6, v5;
	_ =	sdelay $0x1  }
0x2fe: {  	(xrf2) =	vadd.scan.msk.f32 $0xffff, v5;
	_ =	sdelay $0x1  }
.Ltmp7:
0x2ff: {  	(pc) =	sbr.rel @p0 .LBB2_11-.Ltmp7, $2  }
0x300: {  	_ =	sdelay $0x2  }
0x301: {  	v5 =	vmov s17  }
0x302: {  	_ =	sdelay $0x3  }
0x303: {  	v6, _, _ =	vpop (xrf2)  }
0x304: {  	[tilespmem:v5+s7+$0x0] =	vst.idx.msk vm0, v6  }
0x305: {  	v5 =	vld [tilespmem:$0xA618];
	_ =	sdelay $0x4  }
0x306: {  	v5 =	vmul.f32 $8.838834610e-02, v5;
	_ =	sdelay $0x1  }
0x307: {  	v5 =	vmul.f32 $1.442695020e+00, v5;
	_ =	sdelay $0x1  }
0x308: {  	(erf) = vpow2.f32 v5;
	_ =	sdelay $0x8  }
0x309: {  	v5 =	vpop (erf)  }
0x30a: {  	[tilespmem:$0xA618] =	vst v5  }
0x30b: {  	[tilespmem:v1+s11+$0x0] =	vst.idx.msk $0xffff, v5  }
0x30c: {  	v5 =	vld [tilespmem:$0xA628];
	_ =	sdelay $0x4  }
0x30d: {  	v5 =	vmul.f32 $8.838834610e-02, v5;
	_ =	sdelay $0x1  }
0x30e: {  	v5 =	vmul.f32 $1.442695020e+00, v5;
	_ =	sdelay $0x1  }
0x30f: {  	(erf) = vpow2.f32 v5;
	_ =	sdelay $0x8  }
0x310: {  	v5 =	vpop (erf)  }
0x311: {  	[tilespmem:$0xA628] =	vst v5  }
0x312: {  	[tilespmem:v2+s11+$0x0] =	vst.idx.msk $0xffff, v5  }
0x313: {  	v5 =	vld.idx.msk [tilespmem:v0+s7+$0x0], $0xffff;
	_ =	sdelay $0x4  }
0x314: {  	v5 =	vmul.f32 $8.838834610e-02, v5;
	_ =	sdelay $0x1  }
0x315: {  	v5 =	vmul.f32 $1.442695020e+00, v5;
	_ =	sdelay $0x1  }
0x316: {  	(erf) = vpow2.f32 v5;
	_ =	sdelay $0x2  }
0x317: {  	s10 =	simm.s32 $0x0  }
0x318: {  	v5 =	vmov s10  }
0x319: {  	v5 =	vand.u32 $0xFFFFFFFE, v5  }
0x31a: {  	v5 =	vbroadcast v5, $0x0;
	_ =	sdelay $0x2  }
0x31b: {  	v6 =	vpop (erf)  }
0x31c: {  	[tilespmem:v0+s7+$0x0] =	vst.idx.msk $0xff, v6  }
0x31d: {  	[tilespmem:v3+s11+$0x0] =	vst.idx.msk $0xff, v6  }
0x31e: {  	s10 =	simm.s32 $0x66B8;
	v5 =	vld.idx.msk [tilespmem:v5+s7+$0x0], $0xffff  }
0x31f: {  	v6 =	vld [tilespmem:s10+$0xFFFFFF78];
	_ =	sdelay $0x4  }
0x320: {  	v6 =	vmul.f32 v6, v5  }
0x321: {  	s13 =	simm.s32 $0x9138  }
0x322: {  	[tilespmem:s13+$0xFFFFFF78] =	vst v6  }
0x323: {  	v6 =	vld [tilespmem:s10+$0xFFFFFF88];
	_ =	sdelay $0x4  }
0x324: {  	v6 =	vmul.f32 v6, v5;
	_ =	sdelay $0x1  }
0x325: {  	[tilespmem:s13+$0xFFFFFF88] =	vst v6  }
0x326: {  	v6 =	vld [tilespmem:s10+$0xFFFFFF98];
	_ =	sdelay $0x4  }
0x327: {  	v6 =	vmul.f32 v6, v5;
	_ =	sdelay $0x1  }
0x328: {  	[tilespmem:s13+$0xFFFFFF98] =	vst v6  }
0x329: {  	v6 =	vld [tilespmem:s10+$0xFFFFFFA8];
	_ =	sdelay $0x4  }
0x32a: {  	v6 =	vmul.f32 v6, v5;
	_ =	sdelay $0x1  }
0x32b: {  	[tilespmem:s13+$0xFFFFFFA8] =	vst v6  }
0x32c: {  	v6 =	vld [tilespmem:s10+$0xFFFFFFB8];
	_ =	sdelay $0x4  }
0x32d: {  	v6 =	vmul.f32 v6, v5;
	_ =	sdelay $0x1  }
0x32e: {  	[tilespmem:s13+$0xFFFFFFB8] =	vst v6  }
0x32f: {  	v6 =	vld [tilespmem:s10+$0xFFFFFFC8];
	_ =	sdelay $0x4  }
0x330: {  	v6 =	vmul.f32 v6, v5;
	_ =	sdelay $0x1  }
0x331: {  	[tilespmem:s13+$0xFFFFFFC8] =	vst v6  }
0x332: {  	v6 =	vld [tilespmem:s10+$0xFFFFFFD8];
	_ =	sdelay $0x4  }
0x333: {  	v6 =	vmul.f32 v6, v5;
	_ =	sdelay $0x1  }
0x334: {  	[tilespmem:s13+$0xFFFFFFD8] =	vst v6  }
0x335: {  	v6 =	vld [tilespmem:s10+$0xFFFFFFE8];
	_ =	sdelay $0x1  }
0x336: {  	s17 =	simm.s32 $0x1  }
0x337: {  	v7 =	vmov s17;
	_ =	sdelay $0x1  }
0x338: {  	v5 =	vmul.f32 v6, v5;
	_ =	sdelay $0x1  }
0x339: {  	[tilespmem:s13+$0xFFFFFFE8] =	vst v5  }
0x33a: {  	v5 =	vld.idx.msk [tilespmem:v7+s7+$0x0], $0xffff  }
0x33b: {  	v6 =	vld [tilespmem:s10+$0x0];
	_ =	sdelay $0x4  }
0x33c: {  	v6 =	vmul.f32 v6, v5;
	_ =	sdelay $0x1  }
0x33d: {  	[tilespmem:s13+$0x0] =	vst v6  }
0x33e: {  	v6 =	vld [tilespmem:s10+$0x10];
	_ =	sdelay $0x4  }
0x33f: {  	v6 =	vmul.f32 v6, v5;
	_ =	sdelay $0x1  }
0x340: {  	[tilespmem:s13+$0x10] =	vst v6  }
0x341: {  	v6 =	vld [tilespmem:s10+$0x20];
	_ =	sdelay $0x4  }
0x342: {  	v6 =	vmul.f32 v6, v5;
	_ =	sdelay $0x1  }
0x343: {  	[tilespmem:s13+$0x20] =	vst v6  }
0x344: {  	v6 =	vld [tilespmem:s10+$0x30];
	_ =	sdelay $0x4  }
0x345: {  	v6 =	vmul.f32 v6, v5;
	_ =	sdelay $0x1  }
0x346: {  	[tilespmem:s13+$0x30] =	vst v6  }
0x347: {  	v6 =	vld [tilespmem:s10+$0x40];
	_ =	sdelay $0x4  }
0x348: {  	v6 =	vmul.f32 v6, v5;
	_ =	sdelay $0x1  }
0x349: {  	[tilespmem:s13+$0x40] =	vst v6  }
0x34a: {  	v6 =	vld [tilespmem:s10+$0x50];
	_ =	sdelay $0x4  }
0x34b: {  	v6 =	vmul.f32 v6, v5;
	_ =	sdelay $0x1  }
0x34c: {  	[tilespmem:s13+$0x50] =	vst v6  }
0x34d: {  	v6 =	vld [tilespmem:s10+$0x60];
	_ =	sdelay $0x4  }
0x34e: {  	v6 =	vmul.f32 v6, v5;
	_ =	sdelay $0x1  }
0x34f: {  	s24 =	simm.s32 $0x2;
	s19 =	simm.s32 $0x5;
	s17 =	simm.s32 $0x3;
	[tilespmem:s13+$0x60] =	vst v6  }
.LBB2_13:
0x350: {  	p0 =	sne.s32 s19, $0x27;
	v6 =	vmov s24;
	v7 =	vld [tilespmem:s10+$0x70]  }
0x351: {  	v6 =	vand.u32 $0xFFFFFFFE, v6  }
0x352: {  	v6 =	vbroadcast v6, $0x0;
	_ =	sdelay $0x2  }
0x353: {  	v5 =	vmul.f32 v7, v5;
	_ =	sdelay $0x1  }
0x354: {  	[tilespmem:s13+$0x70] =	vst v5  }
0x355: {  	s10 =	sadd.s32 $0x110, s10;
	v5 =	vld.idx.msk [tilespmem:v6+s7+$0x0], $0xffff  }
0x356: {  	v6 =	vld [tilespmem:s10+$0xFFFFFF78];
	_ =	sdelay $0x4  }
0x357: {  	v6 =	vmul.f32 v6, v5  }
0x358: {  	s13 =	sadd.s32 $0x110, s13  }
0x359: {  	[tilespmem:s13+$0xFFFFFF78] =	vst v6  }
0x35a: {  	v6 =	vld [tilespmem:s10+$0xFFFFFF88];
	_ =	sdelay $0x4  }
0x35b: {  	v6 =	vmul.f32 v6, v5;
	_ =	sdelay $0x1  }
0x35c: {  	[tilespmem:s13+$0xFFFFFF88] =	vst v6  }
0x35d: {  	v6 =	vld [tilespmem:s10+$0xFFFFFF98];
	_ =	sdelay $0x4  }
0x35e: {  	v6 =	vmul.f32 v6, v5;
	_ =	sdelay $0x1  }
0x35f: {  	[tilespmem:s13+$0xFFFFFF98] =	vst v6  }
0x360: {  	v6 =	vld [tilespmem:s10+$0xFFFFFFA8];
	_ =	sdelay $0x4  }
0x361: {  	v6 =	vmul.f32 v6, v5;
	_ =	sdelay $0x1  }
0x362: {  	[tilespmem:s13+$0xFFFFFFA8] =	vst v6  }
0x363: {  	v6 =	vld [tilespmem:s10+$0xFFFFFFB8];
	_ =	sdelay $0x4  }
0x364: {  	v6 =	vmul.f32 v6, v5;
	_ =	sdelay $0x1  }
0x365: {  	[tilespmem:s13+$0xFFFFFFB8] =	vst v6  }
0x366: {  	v6 =	vld [tilespmem:s10+$0xFFFFFFC8];
	_ =	sdelay $0x4  }
0x367: {  	v6 =	vmul.f32 v6, v5;
	_ =	sdelay $0x1  }
0x368: {  	[tilespmem:s13+$0xFFFFFFC8] =	vst v6  }
0x369: {  	v6 =	vld [tilespmem:s10+$0xFFFFFFD8];
	_ =	sdelay $0x4  }
0x36a: {  	v6 =	vmul.f32 v6, v5;
	_ =	sdelay $0x1  }
0x36b: {  	[tilespmem:s13+$0xFFFFFFD8] =	vst v6  }
0x36c: {  	v6 =	vld [tilespmem:s10+$0xFFFFFFE8];
	_ =	sdelay $0x2  }
0x36d: {  	v7 =	vmov s17;
	s17 =	smov.u32 s19;
	_ =	sdelay $0x1  }
0x36e: {  	v5 =	vmul.f32 v6, v5;
	_ =	sdelay $0x1  }
0x36f: {  	[tilespmem:s13+$0xFFFFFFE8] =	vst v5  }
0x370: {  	v5 =	vld.idx.msk [tilespmem:v7+s7+$0x0], $0xffff  }
0x371: {  	v6 =	vld [tilespmem:s10+$0x0];
	_ =	sdelay $0x4  }
0x372: {  	v6 =	vmul.f32 v6, v5;
	_ =	sdelay $0x1  }
0x373: {  	[tilespmem:s13+$0x0] =	vst v6  }
0x374: {  	v6 =	vld [tilespmem:s10+$0x10];
	_ =	sdelay $0x4  }
0x375: {  	v6 =	vmul.f32 v6, v5;
	_ =	sdelay $0x1  }
0x376: {  	[tilespmem:s13+$0x10] =	vst v6  }
0x377: {  	v6 =	vld [tilespmem:s10+$0x20];
	_ =	sdelay $0x4  }
0x378: {  	v6 =	vmul.f32 v6, v5;
	_ =	sdelay $0x1  }
0x379: {  	[tilespmem:s13+$0x20] =	vst v6  }
0x37a: {  	v6 =	vld [tilespmem:s10+$0x30];
	_ =	sdelay $0x4  }
0x37b: {  	v6 =	vmul.f32 v6, v5;
	_ =	sdelay $0x1  }
0x37c: {  	[tilespmem:s13+$0x30] =	vst v6  }
0x37d: {  	v6 =	vld [tilespmem:s10+$0x40];
	_ =	sdelay $0x4  }
0x37e: {  	v6 =	vmul.f32 v6, v5;
	_ =	sdelay $0x1  }
0x37f: {  	[tilespmem:s13+$0x40] =	vst v6  }
0x380: {  	v6 =	vld [tilespmem:s10+$0x50];
	_ =	sdelay $0x4  }
0x381: {  	v6 =	vmul.f32 v6, v5;
	_ =	sdelay $0x1  }
0x382: {  	[tilespmem:s13+$0x50] =	vst v6  }
0x383: {  	v6 =	vld [tilespmem:s10+$0x60];
	_ =	sdelay $0x2  }
.Ltmp8:
0x384: {  	(pc) =	sbr.rel @p0 .LBB2_13-.Ltmp8, $3  }
0x385: {  	_ = 	snop  }
0x386: {  	v6 =	vmul.f32 v6, v5;
	_ =	sdelay $0x1  }
0x387: {  	s19 =	sadd.s32 $0x2, s19;
	s24 =	sadd.s32 $0xFFFFFFFF, s17;
	[tilespmem:s13+$0x60] =	vst v6  }
0x388: {  	v6 =	vmov s24;
	v7 =	vld [tilespmem:s10+$0x70]  }
0x389: {  	v6 =	vand.u32 $0xFFFFFFFE, v6  }
0x38a: {  	v6 =	vbroadcast v6, $0x0;
	_ =	sdelay $0x2  }
0x38b: {  	v5 =	vmul.f32 v7, v5;
	_ =	sdelay $0x1  }
0x38c: {  	[tilespmem:s13+$0x70] =	vst v5  }
0x38d: {  	s19 =	sadd.s32 $0x110, s10;
	v5 =	vld.idx.msk [tilespmem:v6+s7+$0x0], $0xffff  }
0x38e: {  	v6 =	vld [tilespmem:s19+$0xFFFFFF78];
	_ =	sdelay $0x4  }
0x38f: {  	v6 =	vmul.f32 v6, v5  }
0x390: {  	s24 =	sadd.s32 $0x110, s13  }
0x391: {  	[tilespmem:s24+$0xFFFFFF78] =	vst v6  }
0x392: {  	v6 =	vld [tilespmem:s19+$0xFFFFFF88];
	_ =	sdelay $0x4  }
0x393: {  	v6 =	vmul.f32 v6, v5;
	_ =	sdelay $0x1  }
0x394: {  	[tilespmem:s24+$0xFFFFFF88] =	vst v6  }
0x395: {  	v6 =	vld [tilespmem:s19+$0xFFFFFF98];
	_ =	sdelay $0x4  }
0x396: {  	v6 =	vmul.f32 v6, v5;
	_ =	sdelay $0x1  }
0x397: {  	[tilespmem:s24+$0xFFFFFF98] =	vst v6  }
0x398: {  	v6 =	vld [tilespmem:s19+$0xFFFFFFA8];
	_ =	sdelay $0x4  }
0x399: {  	v6 =	vmul.f32 v6, v5;
	_ =	sdelay $0x1  }
0x39a: {  	[tilespmem:s24+$0xFFFFFFA8] =	vst v6  }
0x39b: {  	v6 =	vld [tilespmem:s19+$0xFFFFFFB8];
	_ =	sdelay $0x4  }
0x39c: {  	v6 =	vmul.f32 v6, v5;
	_ =	sdelay $0x1  }
0x39d: {  	[tilespmem:s24+$0xFFFFFFB8] =	vst v6  }
0x39e: {  	v6 =	vld [tilespmem:s19+$0xFFFFFFC8];
	_ =	sdelay $0x4  }
0x39f: {  	v6 =	vmul.f32 v6, v5;
	_ =	sdelay $0x1  }
0x3a0: {  	[tilespmem:s24+$0xFFFFFFC8] =	vst v6  }
0x3a1: {  	v6 =	vld [tilespmem:s19+$0xFFFFFFD8];
	_ =	sdelay $0x4  }
0x3a2: {  	v6 =	vmul.f32 v6, v5;
	_ =	sdelay $0x1  }
0x3a3: {  	[tilespmem:s24+$0xFFFFFFD8] =	vst v6  }
0x3a4: {  	v6 =	vld [tilespmem:s19+$0xFFFFFFE8];
	_ =	sdelay $0x2  }
0x3a5: {  	v7 =	vmov s17;
	_ =	sdelay $0x1  }
0x3a6: {  	v5 =	vmul.f32 v6, v5;
	_ =	sdelay $0x1  }
0x3a7: {  	[tilespmem:s24+$0xFFFFFFE8] =	vst v5  }
0x3a8: {  	v5 =	vld.idx.msk [tilespmem:v7+s7+$0x0], $0xffff  }
0x3a9: {  	v6 =	vld [tilespmem:s19+$0x0];
	_ =	sdelay $0x4  }
0x3aa: {  	v6 =	vmul.f32 v6, v5;
	_ =	sdelay $0x1  }
0x3ab: {  	[tilespmem:s24+$0x0] =	vst v6  }
0x3ac: {  	v6 =	vld [tilespmem:s19+$0x10];
	_ =	sdelay $0x4  }
0x3ad: {  	v6 =	vmul.f32 v6, v5;
	_ =	sdelay $0x1  }
0x3ae: {  	[tilespmem:s24+$0x10] =	vst v6  }
0x3af: {  	v6 =	vld [tilespmem:s19+$0x20];
	_ =	sdelay $0x4  }
0x3b0: {  	v6 =	vmul.f32 v6, v5;
	_ =	sdelay $0x1  }
0x3b1: {  	[tilespmem:s24+$0x20] =	vst v6  }
0x3b2: {  	v6 =	vld [tilespmem:s19+$0x30];
	_ =	sdelay $0x4  }
0x3b3: {  	v6 =	vmul.f32 v6, v5;
	_ =	sdelay $0x1  }
0x3b4: {  	[tilespmem:s24+$0x30] =	vst v6  }
0x3b5: {  	v6 =	vld [tilespmem:s19+$0x40];
	_ =	sdelay $0x4  }
0x3b6: {  	v6 =	vmul.f32 v6, v5;
	_ =	sdelay $0x1  }
0x3b7: {  	[tilespmem:s24+$0x40] =	vst v6  }
0x3b8: {  	v6 =	vld [tilespmem:s19+$0x50];
	_ =	sdelay $0x4  }
0x3b9: {  	v6 =	vmul.f32 v6, v5;
	_ =	sdelay $0x1  }
0x3ba: {  	[tilespmem:s24+$0x50] =	vst v6  }
0x3bb: {  	v6 =	vld [tilespmem:s19+$0x60];
	_ =	sdelay $0x4  }
0x3bc: {  	v6 =	vmul.f32 v6, v5;
	_ =	sdelay $0x1  }
0x3bd: {  	[tilespmem:s24+$0x60] =	vst v6  }
0x3be: {  	v6 =	vld [tilespmem:s19+$0x70];
	_ =	sdelay $0x4  }
0x3bf: {  	v5 =	vmul.f32 v6, v5;
	_ =	sdelay $0x1  }
0x3c0: {  	[tilespmem:s24+$0x70] =	vst v5  }
0x3c1: {  	v5 =	vld [tilespmem:$0x78]  }
0x3c2: {  	v6 =	vld [tilespmem:$0x88]  }
0x3c3: {  	v7 =	vld [tilespmem:$0x90]  }
0x3c4: {  	p0 =	seq.s32 s18, $0x7C  }
.Ltmp9:
0x3c5: {  	_ = 	snop;
	(pc) =	sbr.rel @p0 .LBB2_16-.Ltmp9, $4  }
0x3c6: {  	[tilespmem:$0xC8] =	vst v5  }
0x3c7: {  	[tilespmem:$0xD8] =	vst v6  }
0x3c8: {  	[tilespmem:v4+s12+$0x0] =	vst.idx.msk vm1, v7  }
0x3c9: {  	[spmem:s2] =	stream.indirect.scatter.add.f32 [tilespmem:s11], [sflag:$0x4], $0x88, s12, s22, $0xb8;
	[tilespmem:$0x1F248] =	vst v63  }
0x3ca: {  	s10 =	smul.u32 $0x50, s18;
	_ =	sdelay $0x1  }
0x3cb: {  	s10 =	sadd.s32 s10, s16  }
.Ltmp10:
0x3cc: {  	s10 =	sshrl.u32 s10, $0x3;
	(pc) =	sbr.rel .LBB2_2-.Ltmp10, $4  }
0x3cd: {  	s13 =	sadd.s32 s5, s10  }
0x3ce: {  	[tilespmem:s22], [sflag:$0x6] =	stream.linear.gather [hbm4b:s13+s4], $0x28, $0x38;
	[tilespmem:$0x1F248] =	vst v63  }
0x3cf: {  	s18 =	sadd.s32 $0x1, s18;
	s10 =	sadd.s32 s6, s10  }
0x3d0: {  	[tilespmem:s23], [sflag:$0x6] =	stream.linear.gather [hbm4b:s10+s4], $0x28, $0x38;
	[tilespmem:$0x1F248] =	vst v63  }
.LBB2_17:
0x3d1: {  	_ =	sfence.sel $0x180000  }
0x3d2: {  	[bflag:$0x0] =	sbarrier.arrive $0xFFFF  }
0x3d3: {  	_ =	strace $0x90000047  }
0x3d4: {  	s0 =	stileid.u32;
	[bflag:$0x2] =	sbarrier.arrive $0xFFFF  }
0x3d5: {  	p0 =	sne.s32 s0, $0x0;
	s0 =	rddreg [dreg:$0x3]  }
0x3d6: {  	s0 =	sadd.s32 @!p0 $0x100000, s0  }
0x3d7: {  	[sflag:s0] =	ssyncadd.tile.s32 @!p0 $0x1;
	_ =	shalt  }
.Lfunc_end2:
_tile_overlayer_lowered:
.L_overlay_start_2:
0x3d8: {  	(tag) =	ssettag $0x2  }
0x3d9: {  	s0 =	rddreg [dreg:$0x0];
	s2 =	stileid.u32  }
0x3da: {  	s1 =	rddreg [dreg:$0x1];
	p0 =	sne.s32 s2, $0x0  }
0x3db: {  	s3 =	rddreg [dreg:$0x2];
	[bflag:$0x3] =	sbarrier.arrive $0xFFFF;
	s2 =	simm.s32 @!p0 $0x1C07  }
0x3dc: {  	[timem:s3], [sflag:s2] =	dma.local @!p0 [hbm:s0], s1  }
0x3dd: {  	s0 =	simm.s32 @!p0 $0x7  }
0x3de: {  	_ =	swait.ge @!p0 [sflag:s0], s1  }
0x3df: {  	s1 =	ssub.s32 @!p0 $0x0, s1;
	[sflag:s0] =	ssyncset.done @!p0 $0x0  }
0x3e0: {  	[sflag:s0] =	ssyncadd.s32 @!p0 s1  }
0x3e1: {  	[bflag:$0x3] =	sbarrier.arrive $0xFFFF  }
0x3e2: {  	_ =	shalt  }

</sc_bundles>
